<compile_context>
chip_gen: v7x
topology: tpu7x:2x2x1
jax: 0.10.2.dev20260603
libtpu: 0.0.44.dev20260713+nightly
codegen_flags: <defaults>
</compile_context>

<pallas_src>
import functools

import jax
import jax.numpy as jnp
from jax import lax
from jax.experimental import pallas as pl
from jax.experimental.pallas import tpu as pltpu
from jax.experimental.pallas import tpu_sc as plsc

NC = 2
NS = 16
C = 80
ZROWS = 125


def _support_matmul(x, W2, b2, n, d, hh):
    bn = 400
    nb = n // bn

    def body(x_ref, w_ref, b_ref, o_ref):
        o_ref[0] = (
            jnp.dot(x_ref[...], w_ref[0], preferred_element_type=jnp.float32)
            + b_ref[0]
        )

    return pl.pallas_call(
        body,
        grid=(NC, nb),
        in_specs=[
            pl.BlockSpec((bn, d), lambda c, r: (r, 0)),
            pl.BlockSpec((1, d, hh), lambda c, r: (c, 0, 0)),
            pl.BlockSpec((1, 1, hh), lambda c, r: (c, 0, 0)),
        ],
        out_specs=pl.BlockSpec((1, bn, hh), lambda c, r: (c, r, 0)),
        out_shape=jax.ShapeDtypeStruct((NC, n, hh), jnp.float32),
    )(x, W2, b2)


def _make_sc_kernel(n, hh, chunks):
    mesh = plsc.VectorSubcoreMesh(core_axis_name="c", subcore_axis_name="s")
    rpt = n // NS
    per_tile = chunks * C

    @functools.partial(
        pl.kernel,
        out_type=jax.ShapeDtypeStruct((n, NC * hh), jnp.float32),
        mesh=mesh,
        compiler_params=pltpu.CompilerParams(use_tc_tiling_on_sc=False),
        scratch_types=[
            pltpu.VMEM((per_tile,), jnp.int32),
            pltpu.VMEM((chunks, C), jnp.int32),
            pltpu.VMEM((per_tile,), jnp.float32),
            pltpu.VMEM((2, C, hh), jnp.float32),
            pltpu.VMEM((2, C, hh), jnp.float32),
            pltpu.VMEM((ZROWS, hh), jnp.float32),
            pltpu.VMEM_SHARED((n, hh), jnp.float32),
            pltpu.SemaphoreType.DMA,
            pltpu.SemaphoreType.DMA,
            pltpu.SemaphoreType.DMA,
            pltpu.SemaphoreType.DMA,
        ],
    )
    def sc_kernel(sup_hbm, src_hbm, dst_hbm, w_hbm, out_hbm,
                  src_v, dst_v, w_v, rows_v, scat_v, zero_v, acc_sh,
                  gsem0, gsem1, ssem0, ssem1):
        cid = lax.axis_index("c")
        sid = lax.axis_index("s")
        gsems = (gsem0, gsem1)
        ssems = (ssem0, ssem1)

        ebase = sid * per_tile
        pltpu.sync_copy(src_hbm.at[pl.ds(ebase, per_tile)], src_v)
        pltpu.sync_copy(dst_hbm.at[sid], dst_v)
        pltpu.sync_copy(w_hbm.at[pl.ds(ebase, per_tile)], w_v)

        def zfill(i, carry):
            for j in range(hh // 16):
                zero_v[i, pl.ds(16 * j, 16)] = jnp.zeros((16,), jnp.float32)
            return carry
        lax.fori_loop(0, ZROWS, zfill, 0)
        base = sid * rpt
        for j in range(rpt // ZROWS):
            pltpu.sync_copy(zero_v, acc_sh.at[pl.ds(base + j * ZROWS, ZROWS)])
        plsc.subcore_barrier()

        sup_half = sup_hbm.at[cid]

        def gstart(k, b):
            pltpu.async_copy(
                sup_half.at[src_v.at[pl.ds(k * C, C)]], rows_v.at[b], gsems[b]
            )

        def gwait(k, b):
            pltpu.make_async_copy(
                sup_half.at[src_v.at[pl.ds(k * C, C)]], rows_v.at[b], gsems[b]
            ).wait()

        def sstart(k, b):
            pltpu.async_copy(
                scat_v.at[b], acc_sh.at[dst_v.at[k]], ssems[b], add=True
            )

        def swait(k, b):
            pltpu.make_async_copy(
                scat_v.at[b], acc_sh.at[dst_v.at[k]], ssems[b]
            ).wait()

        def scale(k, b):
            @plsc.parallel_loop(0, C // 16, unroll=2)
            def group(g):
                wg = w_v[pl.ds(k * C + 16 * g, 16)]
                for l in range(16):
                    wi = jnp.full((16,), wg[l], jnp.float32)
                    i = 16 * g + l
                    for j in range(hh // 16):
                        sl = pl.ds(16 * j, 16)
                        scat_v[b, i, sl] = rows_v[b, i, sl] * wi

        gstart(0, 0)
        gstart(1, 1)

        def step(t, carry):
            k0 = 2 * t
            for b in range(2):
                k = k0 + b
                gwait(k, b)

                @pl.when(k0 > 0)
                def _():
                    swait(k - 2, b)

                scale(k, b)

                @pl.when(k0 < chunks - 2)
                def _():
                    gstart(k + 2, b)

                sstart(k, b)
            return carry

        lax.fori_loop(0, chunks // 2, step, 0)
        swait(chunks - 2, 0)
        swait(chunks - 1, 1)

        plsc.subcore_barrier()
        pltpu.sync_copy(
            acc_sh.at[pl.ds(base, rpt)],
            out_hbm.at[pl.ds(base, rpt), pl.ds(cid * hh, hh)],
        )

    return sc_kernel


def kernel(x, edge_index, edge_weight, W, b):
    n, d = x.shape
    h = W.shape[1]
    e = edge_weight.shape[0]
    hh = h // NC
    per_tile = e // NS
    chunks = per_tile // C

    W2 = W.reshape(d, NC, hh).transpose(1, 0, 2)
    b2 = b.reshape(1, NC, 1, hh).transpose(1, 0, 2, 3).reshape(NC, 1, hh)
    src = edge_index[0].astype(jnp.int32)
    dst = edge_index[1].astype(jnp.int32).reshape(NS, chunks, C)
    w = edge_weight.astype(jnp.float32)

    sup = _support_matmul(x, W2, b2, n, d, hh)
    return _make_sc_kernel(n, hh, chunks)(sup, src, dst, w)

# --- scband reference (transcript-rebuilt; emitter-appended) ---
"""Pipeline reference for scband-graph-convolution-27092653703842 (READ-ONLY COPY).

The authoritative reference and input builder live on the scoring server;
editing this copy changes nothing except your own understanding.
"""

import jax, jax.numpy as jnp
import numpy as np

N = 10000
E = 320000
D = 128
H = 128


def setup_inputs(seed: int = 0) -> dict:
    key = jax.random.key(seed)
    k0, k1, k2, k3 = jax.random.split(key, 4)
    x = jax.random.normal(k0, (N, D), dtype=jnp.float32)
    edge_index = jax.random.randint(k1, (2, E), 0, N, dtype=jnp.int64)
    edge_weight = jax.random.uniform(k2, (E,), dtype=jnp.float32)
    # Linear layer params (xavier-normal weight, zero-init bias like nn.Linear default-ish)
    std = float(np.sqrt(2.0 / (D + H)))
    W = jax.random.normal(k3, (D, H), dtype=jnp.float32) * std
    b = jnp.zeros((H,), dtype=jnp.float32)
    return {"x": x, "edge_index": edge_index, "edge_weight": edge_weight, "W": W, "b": b}


def reference(x, edge_index, edge_weight, W, b):
    # support = self.linear(input)
    support = x @ W + b
    # output = torch.spmm(adj, support) with adj given in COO form:
    # adj[dst, src] = edge_weight  =>  out[dst] = sum_e w_e * support[src_e]
    src = edge_index[0]
    dst = edge_index[1]
    msgs = jnp.take(support, src, axis=0) * edge_weight[:, None]
    out = jax.ops.segment_sum(msgs, dst, num_segments=N)
    return out

if __name__ == "__main__":
    import jax
    _d = setup_inputs()
    print(jax.jit(kernel)(*tuple(_d.values())))

</pallas_src>

<mosaic_0001>
#map = affine_map<(d0, d1) -> (0, 0, 0)>
#map1 = affine_map<(d0, d1) -> (0)>
#map2 = affine_map<(d0, d1) -> (0, 0)>
module attributes {stable_mosaic.version = 14 : i64} {
  func.func @sc_kernel(%arg0: i32, %arg1: i32, %arg2: memref<2x10000x64xf32, #tpu.memory_space<hbm>>, %arg3: memref<320000xi32, #tpu.memory_space<hbm>>, %arg4: memref<16x250x80xi32, #tpu.memory_space<hbm>>, %arg5: memref<320000xf32, #tpu.memory_space<hbm>>, %arg6: memref<10000x128xf32, #tpu.memory_space<hbm>>, %arg7: memref<20000xi32, #tpu.memory_space<vmem>>, %arg8: memref<250x80xi32, #tpu.memory_space<vmem>>, %arg9: memref<20000xf32, #tpu.memory_space<vmem>>, %arg10: memref<2x80x64xf32, #tpu.memory_space<vmem>>, %arg11: memref<2x80x64xf32, #tpu.memory_space<vmem>>, %arg12: memref<125x64xf32, #tpu.memory_space<vmem>>, %arg13: memref<10000x64xf32, #tpu.memory_space<vmem_shared>>, %arg14: memref<!tpu.dma_semaphore, #tpu.memory_space<semaphore_mem>>, %arg15: memref<!tpu.dma_semaphore, #tpu.memory_space<semaphore_mem>>, %arg16: memref<!tpu.dma_semaphore, #tpu.memory_space<semaphore_mem>>, %arg17: memref<!tpu.dma_semaphore, #tpu.memory_space<semaphore_mem>>) attributes {dimension_semantics = [#tpu.dimension_semantics<core_parallel>, #tpu.dimension_semantics<subcore_parallel>], iteration_bounds = array<i64: 2, 16>, scalar_prefetch = 0 : i64, scratch_operands = 11 : i64, tpu.core_type = #tpu.core_type<sc_vector_subcore>, window_params = [{transform_indices = #map}, {transform_indices = #map1}, {transform_indices = #map}, {transform_indices = #map1}, {transform_indices = #map2}]} {
    %mul3A = arith.constant 20000 : i32
    %mul3A_0 = arith.muli %arg1, %mul3A : i32
    "tpu.region"() ({
      %run_scoped3A = tpu.sem_alloc : memref<!tpu.dma_semaphore, #tpu.memory_space<semaphore_mem>>
      %dma_start3A_76 = tpu.memref_slice %arg3[%mul3A_0] : memref<320000xi32, #tpu.memory_space<hbm>> -> memref<20000xi32, #tpu.memory_space<hbm>>
      %dma_start3A_77 = tpu.memref_slice %arg3[%mul3A_0] : memref<320000xi32, #tpu.memory_space<hbm>> -> memref<20000xi32, #tpu.memory_space<hbm>>
      tpu.enqueue_dma source(%dma_start3A_77 : memref<20000xi32, #tpu.memory_space<hbm>>) target(%arg7 : memref<20000xi32, #tpu.memory_space<vmem>>) target_semaphore(%run_scoped3A : memref<!tpu.dma_semaphore, #tpu.memory_space<semaphore_mem>>)
      %dma_wait3A_78 = tpu.memref_slice %arg3[%mul3A_0] : memref<320000xi32, #tpu.memory_space<hbm>> -> memref<20000xi32, #tpu.memory_space<hbm>>
      %dma_wait3A_79 = tpu.memref_slice %arg3[%mul3A_0] : memref<320000xi32, #tpu.memory_space<hbm>> -> memref<20000xi32, #tpu.memory_space<hbm>>
      tpu.wait_dma2 semaphore(%run_scoped3A : memref<!tpu.dma_semaphore, #tpu.memory_space<semaphore_mem>>) src(%dma_wait3A_79 : memref<20000xi32, #tpu.memory_space<hbm>>) dst(%arg7 : memref<20000xi32, #tpu.memory_space<vmem>>)
      tpu.yield
    }) : () -> ()
    "tpu.region"() ({
      %run_scoped3A = tpu.sem_alloc : memref<!tpu.dma_semaphore, #tpu.memory_space<semaphore_mem>>
      %dma_start3A_76 = arith.constant 0 : i32
      %dma_start3A_77 = arith.constant 0 : i32
      %dma_start3A_78 = tpu.memref_slice %arg4[%arg1, %dma_start3A_76, %dma_start3A_77] : memref<16x250x80xi32, #tpu.memory_space<hbm>> -> memref<1x250x80xi32, #tpu.memory_space<hbm>>
      %dma_start3A_79 = tpu.memref_squeeze %dma_start3A_78 : memref<1x250x80xi32, #tpu.memory_space<hbm>> -> memref<250x80xi32, #tpu.memory_space<hbm>>
      %dma_start3A_80 = arith.constant 0 : i32
      %dma_start3A_81 = arith.constant 0 : i32
      %dma_start3A_82 = tpu.memref_slice %arg4[%arg1, %dma_start3A_80, %dma_start3A_81] : memref<16x250x80xi32, #tpu.memory_space<hbm>> -> memref<1x250x80xi32, #tpu.memory_space<hbm>>
      %dma_start3A_83 = tpu.memref_squeeze %dma_start3A_82 : memref<1x250x80xi32, #tpu.memory_space<hbm>> -> memref<250x80xi32, #tpu.memory_space<hbm>>
      tpu.enqueue_dma source(%dma_start3A_83 : memref<250x80xi32, #tpu.memory_space<hbm>>) target(%arg8 : memref<250x80xi32, #tpu.memory_space<vmem>>) target_semaphore(%run_scoped3A : memref<!tpu.dma_semaphore, #tpu.memory_space<semaphore_mem>>)
      %dma_wait3A_84 = arith.constant 0 : i32
      %dma_wait3A_85 = arith.constant 0 : i32
      %dma_wait3A_86 = tpu.memref_slice %arg4[%arg1, %dma_wait3A_84, %dma_wait3A_85] : memref<16x250x80xi32, #tpu.memory_space<hbm>> -> memref<1x250x80xi32, #tpu.memory_space<hbm>>
      %dma_wait3A_87 = tpu.memref_squeeze %dma_wait3A_86 : memref<1x250x80xi32, #tpu.memory_space<hbm>> -> memref<250x80xi32, #tpu.memory_space<hbm>>
      %dma_wait3A_88 = arith.constant 0 : i32
      %dma_wait3A_89 = arith.constant 0 : i32
      %dma_wait3A_90 = tpu.memref_slice %arg4[%arg1, %dma_wait3A_88, %dma_wait3A_89] : memref<16x250x80xi32, #tpu.memory_space<hbm>> -> memref<1x250x80xi32, #tpu.memory_space<hbm>>
      %dma_wait3A_91 = tpu.memref_squeeze %dma_wait3A_90 : memref<1x250x80xi32, #tpu.memory_space<hbm>> -> memref<250x80xi32, #tpu.memory_space<hbm>>
      tpu.wait_dma2 semaphore(%run_scoped3A : memref<!tpu.dma_semaphore, #tpu.memory_space<semaphore_mem>>) src(%dma_wait3A_91 : memref<250x80xi32, #tpu.memory_space<hbm>>) dst(%arg8 : memref<250x80xi32, #tpu.memory_space<vmem>>)
      tpu.yield
    }) : () -> ()
    "tpu.region"() ({
      %run_scoped3A = tpu.sem_alloc : memref<!tpu.dma_semaphore, #tpu.memory_space<semaphore_mem>>
      %dma_start3A_76 = tpu.memref_slice %arg5[%mul3A_0] : memref<320000xf32, #tpu.memory_space<hbm>> -> memref<20000xf32, #tpu.memory_space<hbm>>
      %dma_start3A_77 = tpu.memref_slice %arg5[%mul3A_0] : memref<320000xf32, #tpu.memory_space<hbm>> -> memref<20000xf32, #tpu.memory_space<hbm>>
      tpu.enqueue_dma source(%dma_start3A_77 : memref<20000xf32, #tpu.memory_space<hbm>>) target(%arg9 : memref<20000xf32, #tpu.memory_space<vmem>>) target_semaphore(%run_scoped3A : memref<!tpu.dma_semaphore, #tpu.memory_space<semaphore_mem>>)
      %dma_wait3A_78 = tpu.memref_slice %arg5[%mul3A_0] : memref<320000xf32, #tpu.memory_space<hbm>> -> memref<20000xf32, #tpu.memory_space<hbm>>
      %dma_wait3A_79 = tpu.memref_slice %arg5[%mul3A_0] : memref<320000xf32, #tpu.memory_space<hbm>> -> memref<20000xf32, #tpu.memory_space<hbm>>
      tpu.wait_dma2 semaphore(%run_scoped3A : memref<!tpu.dma_semaphore, #tpu.memory_space<semaphore_mem>>) src(%dma_wait3A_79 : memref<20000xf32, #tpu.memory_space<hbm>>) dst(%arg9 : memref<20000xf32, #tpu.memory_space<vmem>>)
      tpu.yield
    }) : () -> ()
    %scan3A = arith.constant 0 : i32
    %scan3A_1 = arith.constant 0 : i32
    %scan3A_2 = arith.constant 125 : i32
    %scan3A_3 = arith.addi %scan3A_1, %scan3A_2 : i32
    %scan3A_4 = arith.constant 1 : i32
    scf.for %scan3A_76 = %scan3A_1 to %scan3A_3 step %scan3A_4  : i32 {
      %broadcast_in_dim3A = arith.constant 0.000000e+00 : f32
      %broadcast_in_dim3A_77 = vector.broadcast %broadcast_in_dim3A : f32 to vector<16xf32>
      %swap3A = arith.index_cast %scan3A_76 : i32 to index
      %swap3A_78 = arith.constant 0 : index
      %swap3A_79 = tpu.vector_load %arg12[%swap3A, %swap3A_78] {strides = array<i32>} : memref<125x64xf32, #tpu.memory_space<vmem>>, vector<1x16xf32>,
      %swap3A_80 = vector.shape_cast %swap3A_79 : vector<1x16xf32> to vector<16xf32>
      %swap3A_81 = vector.shape_cast %broadcast_in_dim3A_77 : vector<16xf32> to vector<1x16xf32>
      tpu.vector_store %arg12[%swap3A, %swap3A_78], %swap3A_81 {strides = array<i32>} : memref<125x64xf32, #tpu.memory_space<vmem>>, vector<1x16xf32>,
      %broadcast_in_dim3A_82 = arith.constant 0.000000e+00 : f32
      %broadcast_in_dim3A_83 = vector.broadcast %broadcast_in_dim3A_82 : f32 to vector<16xf32>
      %swap3A_84 = arith.index_cast %scan3A_76 : i32 to index
      %swap3A_85 = arith.constant 16 : index
      %swap3A_86 = tpu.vector_load %arg12[%swap3A_84, %swap3A_85] {strides = array<i32>} : memref<125x64xf32, #tpu.memory_space<vmem>>, vector<1x16xf32>,
      %swap3A_87 = vector.shape_cast %swap3A_86 : vector<1x16xf32> to vector<16xf32>
      %swap3A_88 = vector.shape_cast %broadcast_in_dim3A_83 : vector<16xf32> to vector<1x16xf32>
      tpu.vector_store %arg12[%swap3A_84, %swap3A_85], %swap3A_88 {strides = array<i32>} : memref<125x64xf32, #tpu.memory_space<vmem>>, vector<1x16xf32>,
      %broadcast_in_dim3A_89 = arith.constant 0.000000e+00 : f32
      %broadcast_in_dim3A_90 = vector.broadcast %broadcast_in_dim3A_89 : f32 to vector<16xf32>
      %swap3A_91 = arith.index_cast %scan3A_76 : i32 to index
      %swap3A_92 = arith.constant 32 : index
      %swap3A_93 = tpu.vector_load %arg12[%swap3A_91, %swap3A_92] {strides = array<i32>} : memref<125x64xf32, #tpu.memory_space<vmem>>, vector<1x16xf32>,
      %swap3A_94 = vector.shape_cast %swap3A_93 : vector<1x16xf32> to vector<16xf32>
      %swap3A_95 = vector.shape_cast %broadcast_in_dim3A_90 : vector<16xf32> to vector<1x16xf32>
      tpu.vector_store %arg12[%swap3A_91, %swap3A_92], %swap3A_95 {strides = array<i32>} : memref<125x64xf32, #tpu.memory_space<vmem>>, vector<1x16xf32>,
      %broadcast_in_dim3A_96 = arith.constant 0.000000e+00 : f32
      %broadcast_in_dim3A_97 = vector.broadcast %broadcast_in_dim3A_96 : f32 to vector<16xf32>
      %swap3A_98 = arith.index_cast %scan3A_76 : i32 to index
      %swap3A_99 = arith.constant 48 : index
      %swap3A_100 = tpu.vector_load %arg12[%swap3A_98, %swap3A_99] {strides = array<i32>} : memref<125x64xf32, #tpu.memory_space<vmem>>, vector<1x16xf32>,
      %swap3A_101 = vector.shape_cast %swap3A_100 : vector<1x16xf32> to vector<16xf32>
      %swap3A_102 = vector.shape_cast %broadcast_in_dim3A_97 : vector<16xf32> to vector<1x16xf32>
      tpu.vector_store %arg12[%swap3A_98, %swap3A_99], %swap3A_102 {strides = array<i32>} : memref<125x64xf32, #tpu.memory_space<vmem>>, vector<1x16xf32>,
    }
    %scan3A_5 = arith.constant 125 : i32
    %mul3A_6 = arith.constant 625 : i32
    %mul3A_7 = arith.muli %arg1, %mul3A_6 : i32
    %add3A = arith.constant 0 : i32
    %add3A_8 = arith.addi %mul3A_7, %add3A : i32
    "tpu.region"() ({
      %run_scoped3A = tpu.sem_alloc : memref<!tpu.dma_semaphore, #tpu.memory_space<semaphore_mem>>
      %dma_start3A_76 = arith.constant 0 : i32
      %dma_start3A_77 = tpu.memref_slice %arg13[%add3A_8, %dma_start3A_76] : memref<10000x64xf32, #tpu.memory_space<vmem_shared>> -> memref<125x64xf32, #tpu.memory_space<vmem_shared>>
      %dma_start3A_78 = arith.constant 0 : i32
      %dma_start3A_79 = tpu.memref_slice %arg13[%add3A_8, %dma_start3A_78] : memref<10000x64xf32, #tpu.memory_space<vmem_shared>> -> memref<125x64xf32, #tpu.memory_space<vmem_shared>>
      tpu.enqueue_dma source(%arg12 : memref<125x64xf32, #tpu.memory_space<vmem>>) target(%dma_start3A_79 : memref<125x64xf32, #tpu.memory_space<vmem_shared>>) target_semaphore(%run_scoped3A : memref<!tpu.dma_semaphore, #tpu.memory_space<semaphore_mem>>)
      %dma_wait3A_80 = arith.constant 0 : i32
      %dma_wait3A_81 = tpu.memref_slice %arg13[%add3A_8, %dma_wait3A_80] : memref<10000x64xf32, #tpu.memory_space<vmem_shared>> -> memref<125x64xf32, #tpu.memory_space<vmem_shared>>
      %dma_wait3A_82 = arith.constant 0 : i32
      %dma_wait3A_83 = tpu.memref_slice %arg13[%add3A_8, %dma_wait3A_82] : memref<10000x64xf32, #tpu.memory_space<vmem_shared>> -> memref<125x64xf32, #tpu.memory_space<vmem_shared>>
      tpu.wait_dma2 semaphore(%run_scoped3A : memref<!tpu.dma_semaphore, #tpu.memory_space<semaphore_mem>>) src(%arg12 : memref<125x64xf32, #tpu.memory_space<vmem>>) dst(%dma_wait3A_83 : memref<125x64xf32, #tpu.memory_space<vmem_shared>>)
      tpu.yield
    }) : () -> ()
    %add3A_9 = arith.constant 125 : i32
    %add3A_10 = arith.addi %mul3A_7, %add3A_9 : i32
    "tpu.region"() ({
      %run_scoped3A = tpu.sem_alloc : memref<!tpu.dma_semaphore, #tpu.memory_space<semaphore_mem>>
      %dma_start3A_76 = arith.constant 0 : i32
      %dma_start3A_77 = tpu.memref_slice %arg13[%add3A_10, %dma_start3A_76] : memref<10000x64xf32, #tpu.memory_space<vmem_shared>> -> memref<125x64xf32, #tpu.memory_space<vmem_shared>>
      %dma_start3A_78 = arith.constant 0 : i32
      %dma_start3A_79 = tpu.memref_slice %arg13[%add3A_10, %dma_start3A_78] : memref<10000x64xf32, #tpu.memory_space<vmem_shared>> -> memref<125x64xf32, #tpu.memory_space<vmem_shared>>
      tpu.enqueue_dma source(%arg12 : memref<125x64xf32, #tpu.memory_space<vmem>>) target(%dma_start3A_79 : memref<125x64xf32, #tpu.memory_space<vmem_shared>>) target_semaphore(%run_scoped3A : memref<!tpu.dma_semaphore, #tpu.memory_space<semaphore_mem>>)
      %dma_wait3A_80 = arith.constant 0 : i32
      %dma_wait3A_81 = tpu.memref_slice %arg13[%add3A_10, %dma_wait3A_80] : memref<10000x64xf32, #tpu.memory_space<vmem_shared>> -> memref<125x64xf32, #tpu.memory_space<vmem_shared>>
      %dma_wait3A_82 = arith.constant 0 : i32
      %dma_wait3A_83 = tpu.memref_slice %arg13[%add3A_10, %dma_wait3A_82] : memref<10000x64xf32, #tpu.memory_space<vmem_shared>> -> memref<125x64xf32, #tpu.memory_space<vmem_shared>>
      tpu.wait_dma2 semaphore(%run_scoped3A : memref<!tpu.dma_semaphore, #tpu.memory_space<semaphore_mem>>) src(%arg12 : memref<125x64xf32, #tpu.memory_space<vmem>>) dst(%dma_wait3A_83 : memref<125x64xf32, #tpu.memory_space<vmem_shared>>)
      tpu.yield
    }) : () -> ()
    %add3A_11 = arith.constant 250 : i32
    %add3A_12 = arith.addi %mul3A_7, %add3A_11 : i32
    "tpu.region"() ({
      %run_scoped3A = tpu.sem_alloc : memref<!tpu.dma_semaphore, #tpu.memory_space<semaphore_mem>>
      %dma_start3A_76 = arith.constant 0 : i32
      %dma_start3A_77 = tpu.memref_slice %arg13[%add3A_12, %dma_start3A_76] : memref<10000x64xf32, #tpu.memory_space<vmem_shared>> -> memref<125x64xf32, #tpu.memory_space<vmem_shared>>
      %dma_start3A_78 = arith.constant 0 : i32
      %dma_start3A_79 = tpu.memref_slice %arg13[%add3A_12, %dma_start3A_78] : memref<10000x64xf32, #tpu.memory_space<vmem_shared>> -> memref<125x64xf32, #tpu.memory_space<vmem_shared>>
      tpu.enqueue_dma source(%arg12 : memref<125x64xf32, #tpu.memory_space<vmem>>) target(%dma_start3A_79 : memref<125x64xf32, #tpu.memory_space<vmem_shared>>) target_semaphore(%run_scoped3A : memref<!tpu.dma_semaphore, #tpu.memory_space<semaphore_mem>>)
      %dma_wait3A_80 = arith.constant 0 : i32
      %dma_wait3A_81 = tpu.memref_slice %arg13[%add3A_12, %dma_wait3A_80] : memref<10000x64xf32, #tpu.memory_space<vmem_shared>> -> memref<125x64xf32, #tpu.memory_space<vmem_shared>>
      %dma_wait3A_82 = arith.constant 0 : i32
      %dma_wait3A_83 = tpu.memref_slice %arg13[%add3A_12, %dma_wait3A_82] : memref<10000x64xf32, #tpu.memory_space<vmem_shared>> -> memref<125x64xf32, #tpu.memory_space<vmem_shared>>
      tpu.wait_dma2 semaphore(%run_scoped3A : memref<!tpu.dma_semaphore, #tpu.memory_space<semaphore_mem>>) src(%arg12 : memref<125x64xf32, #tpu.memory_space<vmem>>) dst(%dma_wait3A_83 : memref<125x64xf32, #tpu.memory_space<vmem_shared>>)
      tpu.yield
    }) : () -> ()
    %add3A_13 = arith.constant 375 : i32
    %add3A_14 = arith.addi %mul3A_7, %add3A_13 : i32
    "tpu.region"() ({
      %run_scoped3A = tpu.sem_alloc : memref<!tpu.dma_semaphore, #tpu.memory_space<semaphore_mem>>
      %dma_start3A_76 = arith.constant 0 : i32
      %dma_start3A_77 = tpu.memref_slice %arg13[%add3A_14, %dma_start3A_76] : memref<10000x64xf32, #tpu.memory_space<vmem_shared>> -> memref<125x64xf32, #tpu.memory_space<vmem_shared>>
      %dma_start3A_78 = arith.constant 0 : i32
      %dma_start3A_79 = tpu.memref_slice %arg13[%add3A_14, %dma_start3A_78] : memref<10000x64xf32, #tpu.memory_space<vmem_shared>> -> memref<125x64xf32, #tpu.memory_space<vmem_shared>>
      tpu.enqueue_dma source(%arg12 : memref<125x64xf32, #tpu.memory_space<vmem>>) target(%dma_start3A_79 : memref<125x64xf32, #tpu.memory_space<vmem_shared>>) target_semaphore(%run_scoped3A : memref<!tpu.dma_semaphore, #tpu.memory_space<semaphore_mem>>)
      %dma_wait3A_80 = arith.constant 0 : i32
      %dma_wait3A_81 = tpu.memref_slice %arg13[%add3A_14, %dma_wait3A_80] : memref<10000x64xf32, #tpu.memory_space<vmem_shared>> -> memref<125x64xf32, #tpu.memory_space<vmem_shared>>
      %dma_wait3A_82 = arith.constant 0 : i32
      %dma_wait3A_83 = tpu.memref_slice %arg13[%add3A_14, %dma_wait3A_82] : memref<10000x64xf32, #tpu.memory_space<vmem_shared>> -> memref<125x64xf32, #tpu.memory_space<vmem_shared>>
      tpu.wait_dma2 semaphore(%run_scoped3A : memref<!tpu.dma_semaphore, #tpu.memory_space<semaphore_mem>>) src(%arg12 : memref<125x64xf32, #tpu.memory_space<vmem>>) dst(%dma_wait3A_83 : memref<125x64xf32, #tpu.memory_space<vmem_shared>>)
      tpu.yield
    }) : () -> ()
    %add3A_15 = arith.constant 500 : i32
    %add3A_16 = arith.addi %mul3A_7, %add3A_15 : i32
    "tpu.region"() ({
      %run_scoped3A = tpu.sem_alloc : memref<!tpu.dma_semaphore, #tpu.memory_space<semaphore_mem>>
      %dma_start3A_76 = arith.constant 0 : i32
      %dma_start3A_77 = tpu.memref_slice %arg13[%add3A_16, %dma_start3A_76] : memref<10000x64xf32, #tpu.memory_space<vmem_shared>> -> memref<125x64xf32, #tpu.memory_space<vmem_shared>>
      %dma_start3A_78 = arith.constant 0 : i32
      %dma_start3A_79 = tpu.memref_slice %arg13[%add3A_16, %dma_start3A_78] : memref<10000x64xf32, #tpu.memory_space<vmem_shared>> -> memref<125x64xf32, #tpu.memory_space<vmem_shared>>
      tpu.enqueue_dma source(%arg12 : memref<125x64xf32, #tpu.memory_space<vmem>>) target(%dma_start3A_79 : memref<125x64xf32, #tpu.memory_space<vmem_shared>>) target_semaphore(%run_scoped3A : memref<!tpu.dma_semaphore, #tpu.memory_space<semaphore_mem>>)
      %dma_wait3A_80 = arith.constant 0 : i32
      %dma_wait3A_81 = tpu.memref_slice %arg13[%add3A_16, %dma_wait3A_80] : memref<10000x64xf32, #tpu.memory_space<vmem_shared>> -> memref<125x64xf32, #tpu.memory_space<vmem_shared>>
      %dma_wait3A_82 = arith.constant 0 : i32
      %dma_wait3A_83 = tpu.memref_slice %arg13[%add3A_16, %dma_wait3A_82] : memref<10000x64xf32, #tpu.memory_space<vmem_shared>> -> memref<125x64xf32, #tpu.memory_space<vmem_shared>>
      tpu.wait_dma2 semaphore(%run_scoped3A : memref<!tpu.dma_semaphore, #tpu.memory_space<semaphore_mem>>) src(%arg12 : memref<125x64xf32, #tpu.memory_space<vmem>>) dst(%dma_wait3A_83 : memref<125x64xf32, #tpu.memory_space<vmem_shared>>)
      tpu.yield
    }) : () -> ()
    %barrier3A = arith.constant 0 : index
    tpu.barrier barrier_id(%barrier3A)
    %dma_start3A = arith.constant 0 : i32
    %dma_start3A_17 = arith.constant 0 : i32
    %dma_start3A_18 = arith.constant 0 : i32
    %dma_start3A_19 = tpu.memref_slice %arg10[%dma_start3A, %dma_start3A_17, %dma_start3A_18] : memref<2x80x64xf32, #tpu.memory_space<vmem>> -> memref<1x80x64xf32, #tpu.memory_space<vmem>>
    %dma_start3A_20 = tpu.memref_squeeze %dma_start3A_19 : memref<1x80x64xf32, #tpu.memory_space<vmem>> -> memref<80x64xf32, #tpu.memory_space<vmem>>
    %dma_start3A_21 = arith.constant 0 : i32
    %dma_start3A_22 = tpu.memref_slice %arg7[%dma_start3A_21] : memref<20000xi32, #tpu.memory_space<vmem>> -> memref<80xi32, #tpu.memory_space<vmem>>
    %dma_start3A_23 = arith.constant 0 : i32
    %dma_start3A_24 = arith.constant 0 : i32
    %dma_start3A_25 = tpu.memref_slice %arg2[%arg0, %dma_start3A_23, %dma_start3A_24] : memref<2x10000x64xf32, #tpu.memory_space<hbm>> -> memref<1x10000x64xf32, #tpu.memory_space<hbm>>
    %dma_start3A_26 = tpu.memref_squeeze %dma_start3A_25 : memref<1x10000x64xf32, #tpu.memory_space<hbm>> -> memref<10000x64xf32, #tpu.memory_space<hbm>>
    %dma_start3A_27 = arith.constant 0 : i32
    %dma_start3A_28 = arith.constant 0 : i32
    %dma_start3A_29 = tpu.memref_slice %dma_start3A_26[%dma_start3A_27, %dma_start3A_28] : memref<10000x64xf32, #tpu.memory_space<hbm>> -> memref<10000x64xf32, #tpu.memory_space<hbm>>
    tpu.enqueue_indirect_dma source(%dma_start3A_29 : memref<10000x64xf32, #tpu.memory_space<hbm>>) target(%dma_start3A_20 : memref<80x64xf32, #tpu.memory_space<vmem>>) offsets(%dma_start3A_22 : memref<80xi32, #tpu.memory_space<vmem>>) semaphore(%arg14 : memref<!tpu.dma_semaphore, #tpu.memory_space<semaphore_mem>>)
    %dma_start3A_30 = arith.constant 1 : i32
    %dma_start3A_31 = arith.constant 0 : i32
    %dma_start3A_32 = arith.constant 0 : i32
    %dma_start3A_33 = tpu.memref_slice %arg10[%dma_start3A_30, %dma_start3A_31, %dma_start3A_32] : memref<2x80x64xf32, #tpu.memory_space<vmem>> -> memref<1x80x64xf32, #tpu.memory_space<vmem>>
    %dma_start3A_34 = tpu.memref_squeeze %dma_start3A_33 : memref<1x80x64xf32, #tpu.memory_space<vmem>> -> memref<80x64xf32, #tpu.memory_space<vmem>>
    %dma_start3A_35 = arith.constant 80 : i32
    %dma_start3A_36 = tpu.memref_slice %arg7[%dma_start3A_35] : memref<20000xi32, #tpu.memory_space<vmem>> -> memref<80xi32, #tpu.memory_space<vmem>>
    %dma_start3A_37 = arith.constant 0 : i32
    %dma_start3A_38 = arith.constant 0 : i32
    %dma_start3A_39 = tpu.memref_slice %arg2[%arg0, %dma_start3A_37, %dma_start3A_38] : memref<2x10000x64xf32, #tpu.memory_space<hbm>> -> memref<1x10000x64xf32, #tpu.memory_space<hbm>>
    %dma_start3A_40 = tpu.memref_squeeze %dma_start3A_39 : memref<1x10000x64xf32, #tpu.memory_space<hbm>> -> memref<10000x64xf32, #tpu.memory_space<hbm>>
    %dma_start3A_41 = arith.constant 0 : i32
    %dma_start3A_42 = arith.constant 0 : i32
    %dma_start3A_43 = tpu.memref_slice %dma_start3A_40[%dma_start3A_41, %dma_start3A_42] : memref<10000x64xf32, #tpu.memory_space<hbm>> -> memref<10000x64xf32, #tpu.memory_space<hbm>>
    tpu.enqueue_indirect_dma source(%dma_start3A_43 : memref<10000x64xf32, #tpu.memory_space<hbm>>) target(%dma_start3A_34 : memref<80x64xf32, #tpu.memory_space<vmem>>) offsets(%dma_start3A_36 : memref<80xi32, #tpu.memory_space<vmem>>) semaphore(%arg15 : memref<!tpu.dma_semaphore, #tpu.memory_space<semaphore_mem>>)
    %scan3A_44 = arith.constant 0 : i32
    %scan3A_45 = arith.constant 0 : i32
    %scan3A_46 = arith.constant 125 : i32
    %scan3A_47 = arith.addi %scan3A_45, %scan3A_46 : i32
    %scan3A_48 = arith.constant 1 : i32
    scf.for %scan3A_76 = %scan3A_45 to %scan3A_47 step %scan3A_48  : i32 {
      %mul3A_77 = arith.constant 2 : i32
      %mul3A_78 = arith.muli %mul3A_77, %scan3A_76 : i32
      %add3A_79 = arith.constant 0 : i32
      %add3A_80 = arith.addi %mul3A_78, %add3A_79 : i32
      %mul3A_81 = arith.constant 80 : i32
      %mul3A_82 = arith.muli %add3A_80, %mul3A_81 : i32
      %dma_wait3A_83 = arith.constant 0 : i32
      %dma_wait3A_84 = arith.constant 0 : i32
      %dma_wait3A_85 = arith.constant 0 : i32
      %dma_wait3A_86 = tpu.memref_slice %arg10[%dma_wait3A_83, %dma_wait3A_84, %dma_wait3A_85] : memref<2x80x64xf32, #tpu.memory_space<vmem>> -> memref<1x80x64xf32, #tpu.memory_space<vmem>>
      %dma_wait3A_87 = tpu.memref_squeeze %dma_wait3A_86 : memref<1x80x64xf32, #tpu.memory_space<vmem>> -> memref<80x64xf32, #tpu.memory_space<vmem>>
      %dma_wait3A_88 = tpu.memref_slice %arg7[%mul3A_82] : memref<20000xi32, #tpu.memory_space<vmem>> -> memref<80xi32, #tpu.memory_space<vmem>>
      %dma_wait3A_89 = arith.constant 0 : i32
      %dma_wait3A_90 = arith.constant 0 : i32
      %dma_wait3A_91 = tpu.memref_slice %arg2[%arg0, %dma_wait3A_89, %dma_wait3A_90] : memref<2x10000x64xf32, #tpu.memory_space<hbm>> -> memref<1x10000x64xf32, #tpu.memory_space<hbm>>
      %dma_wait3A_92 = tpu.memref_squeeze %dma_wait3A_91 : memref<1x10000x64xf32, #tpu.memory_space<hbm>> -> memref<10000x64xf32, #tpu.memory_space<hbm>>
      %dma_wait3A_93 = arith.constant 0 : i32
      %dma_wait3A_94 = arith.constant 0 : i32
      %dma_wait3A_95 = tpu.memref_slice %dma_wait3A_92[%dma_wait3A_93, %dma_wait3A_94] : memref<10000x64xf32, #tpu.memory_space<hbm>> -> memref<10000x64xf32, #tpu.memory_space<hbm>>
      tpu.wait_indirect_dma semaphore(%arg14 : memref<!tpu.dma_semaphore, #tpu.memory_space<semaphore_mem>>) src(%dma_wait3A_95 : memref<10000x64xf32, #tpu.memory_space<hbm>>) dst(%dma_wait3A_87 : memref<80x64xf32, #tpu.memory_space<vmem>>)
      %gt3A = arith.constant 0 : i32
      %gt3A_96 = arith.cmpi sgt, %mul3A_78, %gt3A : i32
      %convert_element_type3A = arith.extui %gt3A_96 : i1 to i32
      %cond3A = arith.constant 0 : i32
      %cond3A_97 = arith.cmpi ne, %convert_element_type3A, %cond3A : i32
      scf.if %cond3A_97 {
        %sub3A = arith.constant 2 : i32
        %sub3A_156 = arith.subi %add3A_80, %sub3A : i32
        %dma_wait3A_157 = arith.constant 0 : i32
        %dma_wait3A_158 = arith.constant 0 : i32
        %dma_wait3A_159 = arith.constant 0 : i32
        %dma_wait3A_160 = tpu.memref_slice %arg11[%dma_wait3A_157, %dma_wait3A_158, %dma_wait3A_159] : memref<2x80x64xf32, #tpu.memory_space<vmem>> -> memref<1x80x64xf32, #tpu.memory_space<vmem>>
        %dma_wait3A_161 = tpu.memref_squeeze %dma_wait3A_160 : memref<1x80x64xf32, #tpu.memory_space<vmem>> -> memref<80x64xf32, #tpu.memory_space<vmem>>
        %dma_wait3A_162 = arith.constant 0 : i32
        %dma_wait3A_163 = tpu.memref_slice %arg8[%sub3A_156, %dma_wait3A_162] : memref<250x80xi32, #tpu.memory_space<vmem>> -> memref<1x80xi32, #tpu.memory_space<vmem>>
        %dma_wait3A_164 = tpu.memref_squeeze %dma_wait3A_163 : memref<1x80xi32, #tpu.memory_space<vmem>> -> memref<80xi32, #tpu.memory_space<vmem>>
        %dma_wait3A_165 = arith.constant 0 : i32
        %dma_wait3A_166 = arith.constant 0 : i32
        %dma_wait3A_167 = tpu.memref_slice %arg13[%dma_wait3A_165, %dma_wait3A_166] : memref<10000x64xf32, #tpu.memory_space<vmem_shared>> -> memref<10000x64xf32, #tpu.memory_space<vmem_shared>>
        tpu.wait_indirect_dma semaphore(%arg16 : memref<!tpu.dma_semaphore, #tpu.memory_space<semaphore_mem>>) src(%dma_wait3A_161 : memref<80x64xf32, #tpu.memory_space<vmem>>) dst(%dma_wait3A_167 : memref<10000x64xf32, #tpu.memory_space<vmem_shared>>)
      } else {
      }
      %parallel_loop3A = arith.constant 0 : i32
      %parallel_loop3A_98 = arith.constant 5 : i32
      %parallel_loop3A_99 = arith.constant 1 : i32
      scf.for %parallel_loop3A_156 = %parallel_loop3A to %parallel_loop3A_98 step %parallel_loop3A_99  : i32 {
        %parallel_loop3A_157 = arith.constant 80 : i32
        %parallel_loop3A_158 = arith.muli %add3A_80, %parallel_loop3A_157 : i32
        %parallel_loop3A_159 = arith.constant 16 : i32
        %parallel_loop3A_160 = arith.muli %parallel_loop3A_159, %parallel_loop3A_156 : i32
        %parallel_loop3A_161 = arith.addi %parallel_loop3A_158, %parallel_loop3A_160 : i32
        %parallel_loop3A_162 = arith.index_cast %parallel_loop3A_161 : i32 to index
        %parallel_loop3A_163 = tpu.vector_load %arg9[%parallel_loop3A_162] {strides = array<i32>} : memref<20000xf32, #tpu.memory_space<vmem>>, vector<16xf32>,
        %parallel_loop3A_164 = vector.shape_cast %parallel_loop3A_163 : vector<16xf32> to vector<16xf32>
        %parallel_loop3A_165 = vector.extract_strided_slice %parallel_loop3A_164 {offsets = [0], sizes = [1], strides = [1]} : vector<16xf32> to vector<1xf32>
        %parallel_loop3A_166 = vector.extract %parallel_loop3A_165[0] : f32 from vector<1xf32>
        %parallel_loop3A_167 = vector.broadcast %parallel_loop3A_166 : f32 to vector<16xf32>
        %parallel_loop3A_168 = arith.constant 16 : i32
        %parallel_loop3A_169 = arith.muli %parallel_loop3A_168, %parallel_loop3A_156 : i32
        %parallel_loop3A_170 = arith.constant 0 : i32
        %parallel_loop3A_171 = arith.addi %parallel_loop3A_169, %parallel_loop3A_170 : i32
        %parallel_loop3A_172 = arith.constant 0 : i32
        %parallel_loop3A_173 = arith.index_cast %parallel_loop3A_172 : i32 to index
        %parallel_loop3A_174 = arith.index_cast %parallel_loop3A_171 : i32 to index
        %parallel_loop3A_175 = arith.constant 0 : index
        %parallel_loop3A_176 = tpu.vector_load %arg10[%parallel_loop3A_173, %parallel_loop3A_174, %parallel_loop3A_175] {strides = array<i32>} : memref<2x80x64xf32, #tpu.memory_space<vmem>>, vector<1x1x16xf32>,
        %parallel_loop3A_177 = vector.shape_cast %parallel_loop3A_176 : vector<1x1x16xf32> to vector<16xf32>
        %parallel_loop3A_178 = arith.mulf %parallel_loop3A_177, %parallel_loop3A_167 : vector<16xf32>
        %parallel_loop3A_179 = arith.constant 0 : i32
        %parallel_loop3A_180 = arith.index_cast %parallel_loop3A_179 : i32 to index
        %parallel_loop3A_181 = arith.index_cast %parallel_loop3A_171 : i32 to index
        %parallel_loop3A_182 = arith.constant 0 : index
        %parallel_loop3A_183 = tpu.vector_load %arg11[%parallel_loop3A_180, %parallel_loop3A_181, %parallel_loop3A_182] {strides = array<i32>} : memref<2x80x64xf32, #tpu.memory_space<vmem>>, vector<1x1x16xf32>,
        %parallel_loop3A_184 = vector.shape_cast %parallel_loop3A_183 : vector<1x1x16xf32> to vector<16xf32>
        %parallel_loop3A_185 = vector.shape_cast %parallel_loop3A_178 : vector<16xf32> to vector<1x1x16xf32>
        tpu.vector_store %arg11[%parallel_loop3A_180, %parallel_loop3A_181, %parallel_loop3A_182], %parallel_loop3A_185 {strides = array<i32>} : memref<2x80x64xf32, #tpu.memory_space<vmem>>, vector<1x1x16xf32>,
        %parallel_loop3A_186 = arith.constant 0 : i32
        %parallel_loop3A_187 = arith.index_cast %parallel_loop3A_186 : i32 to index
        %parallel_loop3A_188 = arith.index_cast %parallel_loop3A_171 : i32 to index
        %parallel_loop3A_189 = arith.constant 16 : index
        %parallel_loop3A_190 = tpu.vector_load %arg10[%parallel_loop3A_187, %parallel_loop3A_188, %parallel_loop3A_189] {strides = array<i32>} : memref<2x80x64xf32, #tpu.memory_space<vmem>>, vector<1x1x16xf32>,
        %parallel_loop3A_191 = vector.shape_cast %parallel_loop3A_190 : vector<1x1x16xf32> to vector<16xf32>
        %parallel_loop3A_192 = arith.mulf %parallel_loop3A_191, %parallel_loop3A_167 : vector<16xf32>
        %parallel_loop3A_193 = arith.constant 0 : i32
        %parallel_loop3A_194 = arith.index_cast %parallel_loop3A_193 : i32 to index
        %parallel_loop3A_195 = arith.index_cast %parallel_loop3A_171 : i32 to index
        %parallel_loop3A_196 = arith.constant 16 : index
        %parallel_loop3A_197 = tpu.vector_load %arg11[%parallel_loop3A_194, %parallel_loop3A_195, %parallel_loop3A_196] {strides = array<i32>} : memref<2x80x64xf32, #tpu.memory_space<vmem>>, vector<1x1x16xf32>,
        %parallel_loop3A_198 = vector.shape_cast %parallel_loop3A_197 : vector<1x1x16xf32> to vector<16xf32>
        %parallel_loop3A_199 = vector.shape_cast %parallel_loop3A_192 : vector<16xf32> to vector<1x1x16xf32>
        tpu.vector_store %arg11[%parallel_loop3A_194, %parallel_loop3A_195, %parallel_loop3A_196], %parallel_loop3A_199 {strides = array<i32>} : memref<2x80x64xf32, #tpu.memory_space<vmem>>, vector<1x1x16xf32>,
        %parallel_loop3A_200 = arith.constant 0 : i32
        %parallel_loop3A_201 = arith.index_cast %parallel_loop3A_200 : i32 to index
        %parallel_loop3A_202 = arith.index_cast %parallel_loop3A_171 : i32 to index
        %parallel_loop3A_203 = arith.constant 32 : index
        %parallel_loop3A_204 = tpu.vector_load %arg10[%parallel_loop3A_201, %parallel_loop3A_202, %parallel_loop3A_203] {strides = array<i32>} : memref<2x80x64xf32, #tpu.memory_space<vmem>>, vector<1x1x16xf32>,
        %parallel_loop3A_205 = vector.shape_cast %parallel_loop3A_204 : vector<1x1x16xf32> to vector<16xf32>
        %parallel_loop3A_206 = arith.mulf %parallel_loop3A_205, %parallel_loop3A_167 : vector<16xf32>
        %parallel_loop3A_207 = arith.constant 0 : i32
        %parallel_loop3A_208 = arith.index_cast %parallel_loop3A_207 : i32 to index
        %parallel_loop3A_209 = arith.index_cast %parallel_loop3A_171 : i32 to index
        %parallel_loop3A_210 = arith.constant 32 : index
        %parallel_loop3A_211 = tpu.vector_load %arg11[%parallel_loop3A_208, %parallel_loop3A_209, %parallel_loop3A_210] {strides = array<i32>} : memref<2x80x64xf32, #tpu.memory_space<vmem>>, vector<1x1x16xf32>,
        %parallel_loop3A_212 = vector.shape_cast %parallel_loop3A_211 : vector<1x1x16xf32> to vector<16xf32>
        %parallel_loop3A_213 = vector.shape_cast %parallel_loop3A_206 : vector<16xf32> to vector<1x1x16xf32>
        tpu.vector_store %arg11[%parallel_loop3A_208, %parallel_loop3A_209, %parallel_loop3A_210], %parallel_loop3A_213 {strides = array<i32>} : memref<2x80x64xf32, #tpu.memory_space<vmem>>, vector<1x1x16xf32>,
        %parallel_loop3A_214 = arith.constant 0 : i32
        %parallel_loop3A_215 = arith.index_cast %parallel_loop3A_214 : i32 to index
        %parallel_loop3A_216 = arith.index_cast %parallel_loop3A_171 : i32 to index
        %parallel_loop3A_217 = arith.constant 48 : index
        %parallel_loop3A_218 = tpu.vector_load %arg10[%parallel_loop3A_215, %parallel_loop3A_216, %parallel_loop3A_217] {strides = array<i32>} : memref<2x80x64xf32, #tpu.memory_space<vmem>>, vector<1x1x16xf32>,
        %parallel_loop3A_219 = vector.shape_cast %parallel_loop3A_218 : vector<1x1x16xf32> to vector<16xf32>
        %parallel_loop3A_220 = arith.mulf %parallel_loop3A_219, %parallel_loop3A_167 : vector<16xf32>
        %parallel_loop3A_221 = arith.constant 0 : i32
        %parallel_loop3A_222 = arith.index_cast %parallel_loop3A_221 : i32 to index
        %parallel_loop3A_223 = arith.index_cast %parallel_loop3A_171 : i32 to index
        %parallel_loop3A_224 = arith.constant 48 : index
        %parallel_loop3A_225 = tpu.vector_load %arg11[%parallel_loop3A_222, %parallel_loop3A_223, %parallel_loop3A_224] {strides = array<i32>} : memref<2x80x64xf32, #tpu.memory_space<vmem>>, vector<1x1x16xf32>,
        %parallel_loop3A_226 = vector.shape_cast %parallel_loop3A_225 : vector<1x1x16xf32> to vector<16xf32>
        %parallel_loop3A_227 = vector.shape_cast %parallel_loop3A_220 : vector<16xf32> to vector<1x1x16xf32>
        tpu.vector_store %arg11[%parallel_loop3A_222, %parallel_loop3A_223, %parallel_loop3A_224], %parallel_loop3A_227 {strides = array<i32>} : memref<2x80x64xf32, #tpu.memory_space<vmem>>, vector<1x1x16xf32>,
        %parallel_loop3A_228 = vector.extract_strided_slice %parallel_loop3A_164 {offsets = [1], sizes = [1], strides = [1]} : vector<16xf32> to vector<1xf32>
        %parallel_loop3A_229 = vector.extract %parallel_loop3A_228[0] : f32 from vector<1xf32>
        %parallel_loop3A_230 = vector.broadcast %parallel_loop3A_229 : f32 to vector<16xf32>
        %parallel_loop3A_231 = arith.constant 16 : i32
        %parallel_loop3A_232 = arith.muli %parallel_loop3A_231, %parallel_loop3A_156 : i32
        %parallel_loop3A_233 = arith.constant 1 : i32
        %parallel_loop3A_234 = arith.addi %parallel_loop3A_232, %parallel_loop3A_233 : i32
        %parallel_loop3A_235 = arith.constant 0 : i32
        %parallel_loop3A_236 = arith.index_cast %parallel_loop3A_235 : i32 to index
        %parallel_loop3A_237 = arith.index_cast %parallel_loop3A_234 : i32 to index
        %parallel_loop3A_238 = arith.constant 0 : index
        %parallel_loop3A_239 = tpu.vector_load %arg10[%parallel_loop3A_236, %parallel_loop3A_237, %parallel_loop3A_238] {strides = array<i32>} : memref<2x80x64xf32, #tpu.memory_space<vmem>>, vector<1x1x16xf32>,
        %parallel_loop3A_240 = vector.shape_cast %parallel_loop3A_239 : vector<1x1x16xf32> to vector<16xf32>
        %parallel_loop3A_241 = arith.mulf %parallel_loop3A_240, %parallel_loop3A_230 : vector<16xf32>
        %parallel_loop3A_242 = arith.constant 0 : i32
        %parallel_loop3A_243 = arith.index_cast %parallel_loop3A_242 : i32 to index
        %parallel_loop3A_244 = arith.index_cast %parallel_loop3A_234 : i32 to index
        %parallel_loop3A_245 = arith.constant 0 : index
        %parallel_loop3A_246 = tpu.vector_load %arg11[%parallel_loop3A_243, %parallel_loop3A_244, %parallel_loop3A_245] {strides = array<i32>} : memref<2x80x64xf32, #tpu.memory_space<vmem>>, vector<1x1x16xf32>,
        %parallel_loop3A_247 = vector.shape_cast %parallel_loop3A_246 : vector<1x1x16xf32> to vector<16xf32>
        %parallel_loop3A_248 = vector.shape_cast %parallel_loop3A_241 : vector<16xf32> to vector<1x1x16xf32>
        tpu.vector_store %arg11[%parallel_loop3A_243, %parallel_loop3A_244, %parallel_loop3A_245], %parallel_loop3A_248 {strides = array<i32>} : memref<2x80x64xf32, #tpu.memory_space<vmem>>, vector<1x1x16xf32>,
        %parallel_loop3A_249 = arith.constant 0 : i32
        %parallel_loop3A_250 = arith.index_cast %parallel_loop3A_249 : i32 to index
        %parallel_loop3A_251 = arith.index_cast %parallel_loop3A_234 : i32 to index
        %parallel_loop3A_252 = arith.constant 16 : index
        %parallel_loop3A_253 = tpu.vector_load %arg10[%parallel_loop3A_250, %parallel_loop3A_251, %parallel_loop3A_252] {strides = array<i32>} : memref<2x80x64xf32, #tpu.memory_space<vmem>>, vector<1x1x16xf32>,
        %parallel_loop3A_254 = vector.shape_cast %parallel_loop3A_253 : vector<1x1x16xf32> to vector<16xf32>
        %parallel_loop3A_255 = arith.mulf %parallel_loop3A_254, %parallel_loop3A_230 : vector<16xf32>
        %parallel_loop3A_256 = arith.constant 0 : i32
        %parallel_loop3A_257 = arith.index_cast %parallel_loop3A_256 : i32 to index
        %parallel_loop3A_258 = arith.index_cast %parallel_loop3A_234 : i32 to index
        %parallel_loop3A_259 = arith.constant 16 : index
        %parallel_loop3A_260 = tpu.vector_load %arg11[%parallel_loop3A_257, %parallel_loop3A_258, %parallel_loop3A_259] {strides = array<i32>} : memref<2x80x64xf32, #tpu.memory_space<vmem>>, vector<1x1x16xf32>,
        %parallel_loop3A_261 = vector.shape_cast %parallel_loop3A_260 : vector<1x1x16xf32> to vector<16xf32>
        %parallel_loop3A_262 = vector.shape_cast %parallel_loop3A_255 : vector<16xf32> to vector<1x1x16xf32>
        tpu.vector_store %arg11[%parallel_loop3A_257, %parallel_loop3A_258, %parallel_loop3A_259], %parallel_loop3A_262 {strides = array<i32>} : memref<2x80x64xf32, #tpu.memory_space<vmem>>, vector<1x1x16xf32>,
        %parallel_loop3A_263 = arith.constant 0 : i32
        %parallel_loop3A_264 = arith.index_cast %parallel_loop3A_263 : i32 to index
        %parallel_loop3A_265 = arith.index_cast %parallel_loop3A_234 : i32 to index
        %parallel_loop3A_266 = arith.constant 32 : index
        %parallel_loop3A_267 = tpu.vector_load %arg10[%parallel_loop3A_264, %parallel_loop3A_265, %parallel_loop3A_266] {strides = array<i32>} : memref<2x80x64xf32, #tpu.memory_space<vmem>>, vector<1x1x16xf32>,
        %parallel_loop3A_268 = vector.shape_cast %parallel_loop3A_267 : vector<1x1x16xf32> to vector<16xf32>
        %parallel_loop3A_269 = arith.mulf %parallel_loop3A_268, %parallel_loop3A_230 : vector<16xf32>
        %parallel_loop3A_270 = arith.constant 0 : i32
        %parallel_loop3A_271 = arith.index_cast %parallel_loop3A_270 : i32 to index
        %parallel_loop3A_272 = arith.index_cast %parallel_loop3A_234 : i32 to index
        %parallel_loop3A_273 = arith.constant 32 : index
        %parallel_loop3A_274 = tpu.vector_load %arg11[%parallel_loop3A_271, %parallel_loop3A_272, %parallel_loop3A_273] {strides = array<i32>} : memref<2x80x64xf32, #tpu.memory_space<vmem>>, vector<1x1x16xf32>,
        %parallel_loop3A_275 = vector.shape_cast %parallel_loop3A_274 : vector<1x1x16xf32> to vector<16xf32>
        %parallel_loop3A_276 = vector.shape_cast %parallel_loop3A_269 : vector<16xf32> to vector<1x1x16xf32>
        tpu.vector_store %arg11[%parallel_loop3A_271, %parallel_loop3A_272, %parallel_loop3A_273], %parallel_loop3A_276 {strides = array<i32>} : memref<2x80x64xf32, #tpu.memory_space<vmem>>, vector<1x1x16xf32>,
        %parallel_loop3A_277 = arith.constant 0 : i32
        %parallel_loop3A_278 = arith.index_cast %parallel_loop3A_277 : i32 to index
        %parallel_loop3A_279 = arith.index_cast %parallel_loop3A_234 : i32 to index
        %parallel_loop3A_280 = arith.constant 48 : index
        %parallel_loop3A_281 = tpu.vector_load %arg10[%parallel_loop3A_278, %parallel_loop3A_279, %parallel_loop3A_280] {strides = array<i32>} : memref<2x80x64xf32, #tpu.memory_space<vmem>>, vector<1x1x16xf32>,
        %parallel_loop3A_282 = vector.shape_cast %parallel_loop3A_281 : vector<1x1x16xf32> to vector<16xf32>
        %parallel_loop3A_283 = arith.mulf %parallel_loop3A_282, %parallel_loop3A_230 : vector<16xf32>
        %parallel_loop3A_284 = arith.constant 0 : i32
        %parallel_loop3A_285 = arith.index_cast %parallel_loop3A_284 : i32 to index
        %parallel_loop3A_286 = arith.index_cast %parallel_loop3A_234 : i32 to index
        %parallel_loop3A_287 = arith.constant 48 : index
        %parallel_loop3A_288 = tpu.vector_load %arg11[%parallel_loop3A_285, %parallel_loop3A_286, %parallel_loop3A_287] {strides = array<i32>} : memref<2x80x64xf32, #tpu.memory_space<vmem>>, vector<1x1x16xf32>,
        %parallel_loop3A_289 = vector.shape_cast %parallel_loop3A_288 : vector<1x1x16xf32> to vector<16xf32>
        %parallel_loop3A_290 = vector.shape_cast %parallel_loop3A_283 : vector<16xf32> to vector<1x1x16xf32>
        tpu.vector_store %arg11[%parallel_loop3A_285, %parallel_loop3A_286, %parallel_loop3A_287], %parallel_loop3A_290 {strides = array<i32>} : memref<2x80x64xf32, #tpu.memory_space<vmem>>, vector<1x1x16xf32>,
        %parallel_loop3A_291 = vector.extract_strided_slice %parallel_loop3A_164 {offsets = [2], sizes = [1], strides = [1]} : vector<16xf32> to vector<1xf32>
        %parallel_loop3A_292 = vector.extract %parallel_loop3A_291[0] : f32 from vector<1xf32>
        %parallel_loop3A_293 = vector.broadcast %parallel_loop3A_292 : f32 to vector<16xf32>
        %parallel_loop3A_294 = arith.constant 16 : i32
        %parallel_loop3A_295 = arith.muli %parallel_loop3A_294, %parallel_loop3A_156 : i32
        %parallel_loop3A_296 = arith.constant 2 : i32
        %parallel_loop3A_297 = arith.addi %parallel_loop3A_295, %parallel_loop3A_296 : i32
        %parallel_loop3A_298 = arith.constant 0 : i32
        %parallel_loop3A_299 = arith.index_cast %parallel_loop3A_298 : i32 to index
        %parallel_loop3A_300 = arith.index_cast %parallel_loop3A_297 : i32 to index
        %parallel_loop3A_301 = arith.constant 0 : index
        %parallel_loop3A_302 = tpu.vector_load %arg10[%parallel_loop3A_299, %parallel_loop3A_300, %parallel_loop3A_301] {strides = array<i32>} : memref<2x80x64xf32, #tpu.memory_space<vmem>>, vector<1x1x16xf32>,
        %parallel_loop3A_303 = vector.shape_cast %parallel_loop3A_302 : vector<1x1x16xf32> to vector<16xf32>
        %parallel_loop3A_304 = arith.mulf %parallel_loop3A_303, %parallel_loop3A_293 : vector<16xf32>
        %parallel_loop3A_305 = arith.constant 0 : i32
        %parallel_loop3A_306 = arith.index_cast %parallel_loop3A_305 : i32 to index
        %parallel_loop3A_307 = arith.index_cast %parallel_loop3A_297 : i32 to index
        %parallel_loop3A_308 = arith.constant 0 : index
        %parallel_loop3A_309 = tpu.vector_load %arg11[%parallel_loop3A_306, %parallel_loop3A_307, %parallel_loop3A_308] {strides = array<i32>} : memref<2x80x64xf32, #tpu.memory_space<vmem>>, vector<1x1x16xf32>,
        %parallel_loop3A_310 = vector.shape_cast %parallel_loop3A_309 : vector<1x1x16xf32> to vector<16xf32>
        %parallel_loop3A_311 = vector.shape_cast %parallel_loop3A_304 : vector<16xf32> to vector<1x1x16xf32>
        tpu.vector_store %arg11[%parallel_loop3A_306, %parallel_loop3A_307, %parallel_loop3A_308], %parallel_loop3A_311 {strides = array<i32>} : memref<2x80x64xf32, #tpu.memory_space<vmem>>, vector<1x1x16xf32>,
        %parallel_loop3A_312 = arith.constant 0 : i32
        %parallel_loop3A_313 = arith.index_cast %parallel_loop3A_312 : i32 to index
        %parallel_loop3A_314 = arith.index_cast %parallel_loop3A_297 : i32 to index
        %parallel_loop3A_315 = arith.constant 16 : index
        %parallel_loop3A_316 = tpu.vector_load %arg10[%parallel_loop3A_313, %parallel_loop3A_314, %parallel_loop3A_315] {strides = array<i32>} : memref<2x80x64xf32, #tpu.memory_space<vmem>>, vector<1x1x16xf32>,
        %parallel_loop3A_317 = vector.shape_cast %parallel_loop3A_316 : vector<1x1x16xf32> to vector<16xf32>
        %parallel_loop3A_318 = arith.mulf %parallel_loop3A_317, %parallel_loop3A_293 : vector<16xf32>
        %parallel_loop3A_319 = arith.constant 0 : i32
        %parallel_loop3A_320 = arith.index_cast %parallel_loop3A_319 : i32 to index
        %parallel_loop3A_321 = arith.index_cast %parallel_loop3A_297 : i32 to index
        %parallel_loop3A_322 = arith.constant 16 : index
        %parallel_loop3A_323 = tpu.vector_load %arg11[%parallel_loop3A_320, %parallel_loop3A_321, %parallel_loop3A_322] {strides = array<i32>} : memref<2x80x64xf32, #tpu.memory_space<vmem>>, vector<1x1x16xf32>,
        %parallel_loop3A_324 = vector.shape_cast %parallel_loop3A_323 : vector<1x1x16xf32> to vector<16xf32>
        %parallel_loop3A_325 = vector.shape_cast %parallel_loop3A_318 : vector<16xf32> to vector<1x1x16xf32>
        tpu.vector_store %arg11[%parallel_loop3A_320, %parallel_loop3A_321, %parallel_loop3A_322], %parallel_loop3A_325 {strides = array<i32>} : memref<2x80x64xf32, #tpu.memory_space<vmem>>, vector<1x1x16xf32>,
        %parallel_loop3A_326 = arith.constant 0 : i32
        %parallel_loop3A_327 = arith.index_cast %parallel_loop3A_326 : i32 to index
        %parallel_loop3A_328 = arith.index_cast %parallel_loop3A_297 : i32 to index
        %parallel_loop3A_329 = arith.constant 32 : index
        %parallel_loop3A_330 = tpu.vector_load %arg10[%parallel_loop3A_327, %parallel_loop3A_328, %parallel_loop3A_329] {strides = array<i32>} : memref<2x80x64xf32, #tpu.memory_space<vmem>>, vector<1x1x16xf32>,
        %parallel_loop3A_331 = vector.shape_cast %parallel_loop3A_330 : vector<1x1x16xf32> to vector<16xf32>
        %parallel_loop3A_332 = arith.mulf %parallel_loop3A_331, %parallel_loop3A_293 : vector<16xf32>
        %parallel_loop3A_333 = arith.constant 0 : i32
        %parallel_loop3A_334 = arith.index_cast %parallel_loop3A_333 : i32 to index
        %parallel_loop3A_335 = arith.index_cast %parallel_loop3A_297 : i32 to index
        %parallel_loop3A_336 = arith.constant 32 : index
        %parallel_loop3A_337 = tpu.vector_load %arg11[%parallel_loop3A_334, %parallel_loop3A_335, %parallel_loop3A_336] {strides = array<i32>} : memref<2x80x64xf32, #tpu.memory_space<vmem>>, vector<1x1x16xf32>,
        %parallel_loop3A_338 = vector.shape_cast %parallel_loop3A_337 : vector<1x1x16xf32> to vector<16xf32>
        %parallel_loop3A_339 = vector.shape_cast %parallel_loop3A_332 : vector<16xf32> to vector<1x1x16xf32>
        tpu.vector_store %arg11[%parallel_loop3A_334, %parallel_loop3A_335, %parallel_loop3A_336], %parallel_loop3A_339 {strides = array<i32>} : memref<2x80x64xf32, #tpu.memory_space<vmem>>, vector<1x1x16xf32>,
        %parallel_loop3A_340 = arith.constant 0 : i32
        %parallel_loop3A_341 = arith.index_cast %parallel_loop3A_340 : i32 to index
        %parallel_loop3A_342 = arith.index_cast %parallel_loop3A_297 : i32 to index
        %parallel_loop3A_343 = arith.constant 48 : index
        %parallel_loop3A_344 = tpu.vector_load %arg10[%parallel_loop3A_341, %parallel_loop3A_342, %parallel_loop3A_343] {strides = array<i32>} : memref<2x80x64xf32, #tpu.memory_space<vmem>>, vector<1x1x16xf32>,
        %parallel_loop3A_345 = vector.shape_cast %parallel_loop3A_344 : vector<1x1x16xf32> to vector<16xf32>
        %parallel_loop3A_346 = arith.mulf %parallel_loop3A_345, %parallel_loop3A_293 : vector<16xf32>
        %parallel_loop3A_347 = arith.constant 0 : i32
        %parallel_loop3A_348 = arith.index_cast %parallel_loop3A_347 : i32 to index
        %parallel_loop3A_349 = arith.index_cast %parallel_loop3A_297 : i32 to index
        %parallel_loop3A_350 = arith.constant 48 : index
        %parallel_loop3A_351 = tpu.vector_load %arg11[%parallel_loop3A_348, %parallel_loop3A_349, %parallel_loop3A_350] {strides = array<i32>} : memref<2x80x64xf32, #tpu.memory_space<vmem>>, vector<1x1x16xf32>,
        %parallel_loop3A_352 = vector.shape_cast %parallel_loop3A_351 : vector<1x1x16xf32> to vector<16xf32>
        %parallel_loop3A_353 = vector.shape_cast %parallel_loop3A_346 : vector<16xf32> to vector<1x1x16xf32>
        tpu.vector_store %arg11[%parallel_loop3A_348, %parallel_loop3A_349, %parallel_loop3A_350], %parallel_loop3A_353 {strides = array<i32>} : memref<2x80x64xf32, #tpu.memory_space<vmem>>, vector<1x1x16xf32>,
        %parallel_loop3A_354 = vector.extract_strided_slice %parallel_loop3A_164 {offsets = [3], sizes = [1], strides = [1]} : vector<16xf32> to vector<1xf32>
        %parallel_loop3A_355 = vector.extract %parallel_loop3A_354[0] : f32 from vector<1xf32>
        %parallel_loop3A_356 = vector.broadcast %parallel_loop3A_355 : f32 to vector<16xf32>
        %parallel_loop3A_357 = arith.constant 16 : i32
        %parallel_loop3A_358 = arith.muli %parallel_loop3A_357, %parallel_loop3A_156 : i32
        %parallel_loop3A_359 = arith.constant 3 : i32
        %parallel_loop3A_360 = arith.addi %parallel_loop3A_358, %parallel_loop3A_359 : i32
        %parallel_loop3A_361 = arith.constant 0 : i32
        %parallel_loop3A_362 = arith.index_cast %parallel_loop3A_361 : i32 to index
        %parallel_loop3A_363 = arith.index_cast %parallel_loop3A_360 : i32 to index
        %parallel_loop3A_364 = arith.constant 0 : index
        %parallel_loop3A_365 = tpu.vector_load %arg10[%parallel_loop3A_362, %parallel_loop3A_363, %parallel_loop3A_364] {strides = array<i32>} : memref<2x80x64xf32, #tpu.memory_space<vmem>>, vector<1x1x16xf32>,
        %parallel_loop3A_366 = vector.shape_cast %parallel_loop3A_365 : vector<1x1x16xf32> to vector<16xf32>
        %parallel_loop3A_367 = arith.mulf %parallel_loop3A_366, %parallel_loop3A_356 : vector<16xf32>
        %parallel_loop3A_368 = arith.constant 0 : i32
        %parallel_loop3A_369 = arith.index_cast %parallel_loop3A_368 : i32 to index
        %parallel_loop3A_370 = arith.index_cast %parallel_loop3A_360 : i32 to index
        %parallel_loop3A_371 = arith.constant 0 : index
        %parallel_loop3A_372 = tpu.vector_load %arg11[%parallel_loop3A_369, %parallel_loop3A_370, %parallel_loop3A_371] {strides = array<i32>} : memref<2x80x64xf32, #tpu.memory_space<vmem>>, vector<1x1x16xf32>,
        %parallel_loop3A_373 = vector.shape_cast %parallel_loop3A_372 : vector<1x1x16xf32> to vector<16xf32>
        %parallel_loop3A_374 = vector.shape_cast %parallel_loop3A_367 : vector<16xf32> to vector<1x1x16xf32>
        tpu.vector_store %arg11[%parallel_loop3A_369, %parallel_loop3A_370, %parallel_loop3A_371], %parallel_loop3A_374 {strides = array<i32>} : memref<2x80x64xf32, #tpu.memory_space<vmem>>, vector<1x1x16xf32>,
        %parallel_loop3A_375 = arith.constant 0 : i32
        %parallel_loop3A_376 = arith.index_cast %parallel_loop3A_375 : i32 to index
        %parallel_loop3A_377 = arith.index_cast %parallel_loop3A_360 : i32 to index
        %parallel_loop3A_378 = arith.constant 16 : index
        %parallel_loop3A_379 = tpu.vector_load %arg10[%parallel_loop3A_376, %parallel_loop3A_377, %parallel_loop3A_378] {strides = array<i32>} : memref<2x80x64xf32, #tpu.memory_space<vmem>>, vector<1x1x16xf32>,
        %parallel_loop3A_380 = vector.shape_cast %parallel_loop3A_379 : vector<1x1x16xf32> to vector<16xf32>
        %parallel_loop3A_381 = arith.mulf %parallel_loop3A_380, %parallel_loop3A_356 : vector<16xf32>
        %parallel_loop3A_382 = arith.constant 0 : i32
        %parallel_loop3A_383 = arith.index_cast %parallel_loop3A_382 : i32 to index
        %parallel_loop3A_384 = arith.index_cast %parallel_loop3A_360 : i32 to index
        %parallel_loop3A_385 = arith.constant 16 : index
        %parallel_loop3A_386 = tpu.vector_load %arg11[%parallel_loop3A_383, %parallel_loop3A_384, %parallel_loop3A_385] {strides = array<i32>} : memref<2x80x64xf32, #tpu.memory_space<vmem>>, vector<1x1x16xf32>,
        %parallel_loop3A_387 = vector.shape_cast %parallel_loop3A_386 : vector<1x1x16xf32> to vector<16xf32>
        %parallel_loop3A_388 = vector.shape_cast %parallel_loop3A_381 : vector<16xf32> to vector<1x1x16xf32>
        tpu.vector_store %arg11[%parallel_loop3A_383, %parallel_loop3A_384, %parallel_loop3A_385], %parallel_loop3A_388 {strides = array<i32>} : memref<2x80x64xf32, #tpu.memory_space<vmem>>, vector<1x1x16xf32>,
        %parallel_loop3A_389 = arith.constant 0 : i32
        %parallel_loop3A_390 = arith.index_cast %parallel_loop3A_389 : i32 to index
        %parallel_loop3A_391 = arith.index_cast %parallel_loop3A_360 : i32 to index
        %parallel_loop3A_392 = arith.constant 32 : index
        %parallel_loop3A_393 = tpu.vector_load %arg10[%parallel_loop3A_390, %parallel_loop3A_391, %parallel_loop3A_392] {strides = array<i32>} : memref<2x80x64xf32, #tpu.memory_space<vmem>>, vector<1x1x16xf32>,
        %parallel_loop3A_394 = vector.shape_cast %parallel_loop3A_393 : vector<1x1x16xf32> to vector<16xf32>
        %parallel_loop3A_395 = arith.mulf %parallel_loop3A_394, %parallel_loop3A_356 : vector<16xf32>
        %parallel_loop3A_396 = arith.constant 0 : i32
        %parallel_loop3A_397 = arith.index_cast %parallel_loop3A_396 : i32 to index
        %parallel_loop3A_398 = arith.index_cast %parallel_loop3A_360 : i32 to index
        %parallel_loop3A_399 = arith.constant 32 : index
        %parallel_loop3A_400 = tpu.vector_load %arg11[%parallel_loop3A_397, %parallel_loop3A_398, %parallel_loop3A_399] {strides = array<i32>} : memref<2x80x64xf32, #tpu.memory_space<vmem>>, vector<1x1x16xf32>,
        %parallel_loop3A_401 = vector.shape_cast %parallel_loop3A_400 : vector<1x1x16xf32> to vector<16xf32>
        %parallel_loop3A_402 = vector.shape_cast %parallel_loop3A_395 : vector<16xf32> to vector<1x1x16xf32>
        tpu.vector_store %arg11[%parallel_loop3A_397, %parallel_loop3A_398, %parallel_loop3A_399], %parallel_loop3A_402 {strides = array<i32>} : memref<2x80x64xf32, #tpu.memory_space<vmem>>, vector<1x1x16xf32>,
        %parallel_loop3A_403 = arith.constant 0 : i32
        %parallel_loop3A_404 = arith.index_cast %parallel_loop3A_403 : i32 to index
        %parallel_loop3A_405 = arith.index_cast %parallel_loop3A_360 : i32 to index
        %parallel_loop3A_406 = arith.constant 48 : index
        %parallel_loop3A_407 = tpu.vector_load %arg10[%parallel_loop3A_404, %parallel_loop3A_405, %parallel_loop3A_406] {strides = array<i32>} : memref<2x80x64xf32, #tpu.memory_space<vmem>>, vector<1x1x16xf32>,
        %parallel_loop3A_408 = vector.shape_cast %parallel_loop3A_407 : vector<1x1x16xf32> to vector<16xf32>
        %parallel_loop3A_409 = arith.mulf %parallel_loop3A_408, %parallel_loop3A_356 : vector<16xf32>
        %parallel_loop3A_410 = arith.constant 0 : i32
        %parallel_loop3A_411 = arith.index_cast %parallel_loop3A_410 : i32 to index
        %parallel_loop3A_412 = arith.index_cast %parallel_loop3A_360 : i32 to index
        %parallel_loop3A_413 = arith.constant 48 : index
        %parallel_loop3A_414 = tpu.vector_load %arg11[%parallel_loop3A_411, %parallel_loop3A_412, %parallel_loop3A_413] {strides = array<i32>} : memref<2x80x64xf32, #tpu.memory_space<vmem>>, vector<1x1x16xf32>,
        %parallel_loop3A_415 = vector.shape_cast %parallel_loop3A_414 : vector<1x1x16xf32> to vector<16xf32>
        %parallel_loop3A_416 = vector.shape_cast %parallel_loop3A_409 : vector<16xf32> to vector<1x1x16xf32>
        tpu.vector_store %arg11[%parallel_loop3A_411, %parallel_loop3A_412, %parallel_loop3A_413], %parallel_loop3A_416 {strides = array<i32>} : memref<2x80x64xf32, #tpu.memory_space<vmem>>, vector<1x1x16xf32>,
        %parallel_loop3A_417 = vector.extract_strided_slice %parallel_loop3A_164 {offsets = [4], sizes = [1], strides = [1]} : vector<16xf32> to vector<1xf32>
        %parallel_loop3A_418 = vector.extract %parallel_loop3A_417[0] : f32 from vector<1xf32>
        %parallel_loop3A_419 = vector.broadcast %parallel_loop3A_418 : f32 to vector<16xf32>
        %parallel_loop3A_420 = arith.constant 16 : i32
        %parallel_loop3A_421 = arith.muli %parallel_loop3A_420, %parallel_loop3A_156 : i32
        %parallel_loop3A_422 = arith.constant 4 : i32
        %parallel_loop3A_423 = arith.addi %parallel_loop3A_421, %parallel_loop3A_422 : i32
        %parallel_loop3A_424 = arith.constant 0 : i32
        %parallel_loop3A_425 = arith.index_cast %parallel_loop3A_424 : i32 to index
        %parallel_loop3A_426 = arith.index_cast %parallel_loop3A_423 : i32 to index
        %parallel_loop3A_427 = arith.constant 0 : index
        %parallel_loop3A_428 = tpu.vector_load %arg10[%parallel_loop3A_425, %parallel_loop3A_426, %parallel_loop3A_427] {strides = array<i32>} : memref<2x80x64xf32, #tpu.memory_space<vmem>>, vector<1x1x16xf32>,
        %parallel_loop3A_429 = vector.shape_cast %parallel_loop3A_428 : vector<1x1x16xf32> to vector<16xf32>
        %parallel_loop3A_430 = arith.mulf %parallel_loop3A_429, %parallel_loop3A_419 : vector<16xf32>
        %parallel_loop3A_431 = arith.constant 0 : i32
        %parallel_loop3A_432 = arith.index_cast %parallel_loop3A_431 : i32 to index
        %parallel_loop3A_433 = arith.index_cast %parallel_loop3A_423 : i32 to index
        %parallel_loop3A_434 = arith.constant 0 : index
        %parallel_loop3A_435 = tpu.vector_load %arg11[%parallel_loop3A_432, %parallel_loop3A_433, %parallel_loop3A_434] {strides = array<i32>} : memref<2x80x64xf32, #tpu.memory_space<vmem>>, vector<1x1x16xf32>,
        %parallel_loop3A_436 = vector.shape_cast %parallel_loop3A_435 : vector<1x1x16xf32> to vector<16xf32>
        %parallel_loop3A_437 = vector.shape_cast %parallel_loop3A_430 : vector<16xf32> to vector<1x1x16xf32>
        tpu.vector_store %arg11[%parallel_loop3A_432, %parallel_loop3A_433, %parallel_loop3A_434], %parallel_loop3A_437 {strides = array<i32>} : memref<2x80x64xf32, #tpu.memory_space<vmem>>, vector<1x1x16xf32>,
        %parallel_loop3A_438 = arith.constant 0 : i32
        %parallel_loop3A_439 = arith.index_cast %parallel_loop3A_438 : i32 to index
        %parallel_loop3A_440 = arith.index_cast %parallel_loop3A_423 : i32 to index
        %parallel_loop3A_441 = arith.constant 16 : index
        %parallel_loop3A_442 = tpu.vector_load %arg10[%parallel_loop3A_439, %parallel_loop3A_440, %parallel_loop3A_441] {strides = array<i32>} : memref<2x80x64xf32, #tpu.memory_space<vmem>>, vector<1x1x16xf32>,
        %parallel_loop3A_443 = vector.shape_cast %parallel_loop3A_442 : vector<1x1x16xf32> to vector<16xf32>
        %parallel_loop3A_444 = arith.mulf %parallel_loop3A_443, %parallel_loop3A_419 : vector<16xf32>
        %parallel_loop3A_445 = arith.constant 0 : i32
        %parallel_loop3A_446 = arith.index_cast %parallel_loop3A_445 : i32 to index
        %parallel_loop3A_447 = arith.index_cast %parallel_loop3A_423 : i32 to index
        %parallel_loop3A_448 = arith.constant 16 : index
        %parallel_loop3A_449 = tpu.vector_load %arg11[%parallel_loop3A_446, %parallel_loop3A_447, %parallel_loop3A_448] {strides = array<i32>} : memref<2x80x64xf32, #tpu.memory_space<vmem>>, vector<1x1x16xf32>,
        %parallel_loop3A_450 = vector.shape_cast %parallel_loop3A_449 : vector<1x1x16xf32> to vector<16xf32>
        %parallel_loop3A_451 = vector.shape_cast %parallel_loop3A_444 : vector<16xf32> to vector<1x1x16xf32>
        tpu.vector_store %arg11[%parallel_loop3A_446, %parallel_loop3A_447, %parallel_loop3A_448], %parallel_loop3A_451 {strides = array<i32>} : memref<2x80x64xf32, #tpu.memory_space<vmem>>, vector<1x1x16xf32>,
        %parallel_loop3A_452 = arith.constant 0 : i32
        %parallel_loop3A_453 = arith.index_cast %parallel_loop3A_452 : i32 to index
        %parallel_loop3A_454 = arith.index_cast %parallel_loop3A_423 : i32 to index
        %parallel_loop3A_455 = arith.constant 32 : index
        %parallel_loop3A_456 = tpu.vector_load %arg10[%parallel_loop3A_453, %parallel_loop3A_454, %parallel_loop3A_455] {strides = array<i32>} : memref<2x80x64xf32, #tpu.memory_space<vmem>>, vector<1x1x16xf32>,
        %parallel_loop3A_457 = vector.shape_cast %parallel_loop3A_456 : vector<1x1x16xf32> to vector<16xf32>
        %parallel_loop3A_458 = arith.mulf %parallel_loop3A_457, %parallel_loop3A_419 : vector<16xf32>
        %parallel_loop3A_459 = arith.constant 0 : i32
        %parallel_loop3A_460 = arith.index_cast %parallel_loop3A_459 : i32 to index
        %parallel_loop3A_461 = arith.index_cast %parallel_loop3A_423 : i32 to index
        %parallel_loop3A_462 = arith.constant 32 : index
        %parallel_loop3A_463 = tpu.vector_load %arg11[%parallel_loop3A_460, %parallel_loop3A_461, %parallel_loop3A_462] {strides = array<i32>} : memref<2x80x64xf32, #tpu.memory_space<vmem>>, vector<1x1x16xf32>,
        %parallel_loop3A_464 = vector.shape_cast %parallel_loop3A_463 : vector<1x1x16xf32> to vector<16xf32>
        %parallel_loop3A_465 = vector.shape_cast %parallel_loop3A_458 : vector<16xf32> to vector<1x1x16xf32>
        tpu.vector_store %arg11[%parallel_loop3A_460, %parallel_loop3A_461, %parallel_loop3A_462], %parallel_loop3A_465 {strides = array<i32>} : memref<2x80x64xf32, #tpu.memory_space<vmem>>, vector<1x1x16xf32>,
        %parallel_loop3A_466 = arith.constant 0 : i32
        %parallel_loop3A_467 = arith.index_cast %parallel_loop3A_466 : i32 to index
        %parallel_loop3A_468 = arith.index_cast %parallel_loop3A_423 : i32 to index
        %parallel_loop3A_469 = arith.constant 48 : index
        %parallel_loop3A_470 = tpu.vector_load %arg10[%parallel_loop3A_467, %parallel_loop3A_468, %parallel_loop3A_469] {strides = array<i32>} : memref<2x80x64xf32, #tpu.memory_space<vmem>>, vector<1x1x16xf32>,
        %parallel_loop3A_471 = vector.shape_cast %parallel_loop3A_470 : vector<1x1x16xf32> to vector<16xf32>
        %parallel_loop3A_472 = arith.mulf %parallel_loop3A_471, %parallel_loop3A_419 : vector<16xf32>
        %parallel_loop3A_473 = arith.constant 0 : i32
        %parallel_loop3A_474 = arith.index_cast %parallel_loop3A_473 : i32 to index
        %parallel_loop3A_475 = arith.index_cast %parallel_loop3A_423 : i32 to index
        %parallel_loop3A_476 = arith.constant 48 : index
        %parallel_loop3A_477 = tpu.vector_load %arg11[%parallel_loop3A_474, %parallel_loop3A_475, %parallel_loop3A_476] {strides = array<i32>} : memref<2x80x64xf32, #tpu.memory_space<vmem>>, vector<1x1x16xf32>,
        %parallel_loop3A_478 = vector.shape_cast %parallel_loop3A_477 : vector<1x1x16xf32> to vector<16xf32>
        %parallel_loop3A_479 = vector.shape_cast %parallel_loop3A_472 : vector<16xf32> to vector<1x1x16xf32>
        tpu.vector_store %arg11[%parallel_loop3A_474, %parallel_loop3A_475, %parallel_loop3A_476], %parallel_loop3A_479 {strides = array<i32>} : memref<2x80x64xf32, #tpu.memory_space<vmem>>, vector<1x1x16xf32>,
        %parallel_loop3A_480 = vector.extract_strided_slice %parallel_loop3A_164 {offsets = [5], sizes = [1], strides = [1]} : vector<16xf32> to vector<1xf32>
        %parallel_loop3A_481 = vector.extract %parallel_loop3A_480[0] : f32 from vector<1xf32>
        %parallel_loop3A_482 = vector.broadcast %parallel_loop3A_481 : f32 to vector<16xf32>
        %parallel_loop3A_483 = arith.constant 16 : i32
        %parallel_loop3A_484 = arith.muli %parallel_loop3A_483, %parallel_loop3A_156 : i32
        %parallel_loop3A_485 = arith.constant 5 : i32
        %parallel_loop3A_486 = arith.addi %parallel_loop3A_484, %parallel_loop3A_485 : i32
        %parallel_loop3A_487 = arith.constant 0 : i32
        %parallel_loop3A_488 = arith.index_cast %parallel_loop3A_487 : i32 to index
        %parallel_loop3A_489 = arith.index_cast %parallel_loop3A_486 : i32 to index
        %parallel_loop3A_490 = arith.constant 0 : index
        %parallel_loop3A_491 = tpu.vector_load %arg10[%parallel_loop3A_488, %parallel_loop3A_489, %parallel_loop3A_490] {strides = array<i32>} : memref<2x80x64xf32, #tpu.memory_space<vmem>>, vector<1x1x16xf32>,
        %parallel_loop3A_492 = vector.shape_cast %parallel_loop3A_491 : vector<1x1x16xf32> to vector<16xf32>
        %parallel_loop3A_493 = arith.mulf %parallel_loop3A_492, %parallel_loop3A_482 : vector<16xf32>
        %parallel_loop3A_494 = arith.constant 0 : i32
        %parallel_loop3A_495 = arith.index_cast %parallel_loop3A_494 : i32 to index
        %parallel_loop3A_496 = arith.index_cast %parallel_loop3A_486 : i32 to index
        %parallel_loop3A_497 = arith.constant 0 : index
        %parallel_loop3A_498 = tpu.vector_load %arg11[%parallel_loop3A_495, %parallel_loop3A_496, %parallel_loop3A_497] {strides = array<i32>} : memref<2x80x64xf32, #tpu.memory_space<vmem>>, vector<1x1x16xf32>,
        %parallel_loop3A_499 = vector.shape_cast %parallel_loop3A_498 : vector<1x1x16xf32> to vector<16xf32>
        %parallel_loop3A_500 = vector.shape_cast %parallel_loop3A_493 : vector<16xf32> to vector<1x1x16xf32>
        tpu.vector_store %arg11[%parallel_loop3A_495, %parallel_loop3A_496, %parallel_loop3A_497], %parallel_loop3A_500 {strides = array<i32>} : memref<2x80x64xf32, #tpu.memory_space<vmem>>, vector<1x1x16xf32>,
        %parallel_loop3A_501 = arith.constant 0 : i32
        %parallel_loop3A_502 = arith.index_cast %parallel_loop3A_501 : i32 to index
        %parallel_loop3A_503 = arith.index_cast %parallel_loop3A_486 : i32 to index
        %parallel_loop3A_504 = arith.constant 16 : index
        %parallel_loop3A_505 = tpu.vector_load %arg10[%parallel_loop3A_502, %parallel_loop3A_503, %parallel_loop3A_504] {strides = array<i32>} : memref<2x80x64xf32, #tpu.memory_space<vmem>>, vector<1x1x16xf32>,
        %parallel_loop3A_506 = vector.shape_cast %parallel_loop3A_505 : vector<1x1x16xf32> to vector<16xf32>
        %parallel_loop3A_507 = arith.mulf %parallel_loop3A_506, %parallel_loop3A_482 : vector<16xf32>
        %parallel_loop3A_508 = arith.constant 0 : i32
        %parallel_loop3A_509 = arith.index_cast %parallel_loop3A_508 : i32 to index
        %parallel_loop3A_510 = arith.index_cast %parallel_loop3A_486 : i32 to index
        %parallel_loop3A_511 = arith.constant 16 : index
        %parallel_loop3A_512 = tpu.vector_load %arg11[%parallel_loop3A_509, %parallel_loop3A_510, %parallel_loop3A_511] {strides = array<i32>} : memref<2x80x64xf32, #tpu.memory_space<vmem>>, vector<1x1x16xf32>,
        %parallel_loop3A_513 = vector.shape_cast %parallel_loop3A_512 : vector<1x1x16xf32> to vector<16xf32>
        %parallel_loop3A_514 = vector.shape_cast %parallel_loop3A_507 : vector<16xf32> to vector<1x1x16xf32>
        tpu.vector_store %arg11[%parallel_loop3A_509, %parallel_loop3A_510, %parallel_loop3A_511], %parallel_loop3A_514 {strides = array<i32>} : memref<2x80x64xf32, #tpu.memory_space<vmem>>, vector<1x1x16xf32>,
        %parallel_loop3A_515 = arith.constant 0 : i32
        %parallel_loop3A_516 = arith.index_cast %parallel_loop3A_515 : i32 to index
        %parallel_loop3A_517 = arith.index_cast %parallel_loop3A_486 : i32 to index
        %parallel_loop3A_518 = arith.constant 32 : index
        %parallel_loop3A_519 = tpu.vector_load %arg10[%parallel_loop3A_516, %parallel_loop3A_517, %parallel_loop3A_518] {strides = array<i32>} : memref<2x80x64xf32, #tpu.memory_space<vmem>>, vector<1x1x16xf32>,
        %parallel_loop3A_520 = vector.shape_cast %parallel_loop3A_519 : vector<1x1x16xf32> to vector<16xf32>
        %parallel_loop3A_521 = arith.mulf %parallel_loop3A_520, %parallel_loop3A_482 : vector<16xf32>
        %parallel_loop3A_522 = arith.constant 0 : i32
        %parallel_loop3A_523 = arith.index_cast %parallel_loop3A_522 : i32 to index
        %parallel_loop3A_524 = arith.index_cast %parallel_loop3A_486 : i32 to index
        %parallel_loop3A_525 = arith.constant 32 : index
        %parallel_loop3A_526 = tpu.vector_load %arg11[%parallel_loop3A_523, %parallel_loop3A_524, %parallel_loop3A_525] {strides = array<i32>} : memref<2x80x64xf32, #tpu.memory_space<vmem>>, vector<1x1x16xf32>,
        %parallel_loop3A_527 = vector.shape_cast %parallel_loop3A_526 : vector<1x1x16xf32> to vector<16xf32>
        %parallel_loop3A_528 = vector.shape_cast %parallel_loop3A_521 : vector<16xf32> to vector<1x1x16xf32>
        tpu.vector_store %arg11[%parallel_loop3A_523, %parallel_loop3A_524, %parallel_loop3A_525], %parallel_loop3A_528 {strides = array<i32>} : memref<2x80x64xf32, #tpu.memory_space<vmem>>, vector<1x1x16xf32>,
        %parallel_loop3A_529 = arith.constant 0 : i32
        %parallel_loop3A_530 = arith.index_cast %parallel_loop3A_529 : i32 to index
        %parallel_loop3A_531 = arith.index_cast %parallel_loop3A_486 : i32 to index
        %parallel_loop3A_532 = arith.constant 48 : index
        %parallel_loop3A_533 = tpu.vector_load %arg10[%parallel_loop3A_530, %parallel_loop3A_531, %parallel_loop3A_532] {strides = array<i32>} : memref<2x80x64xf32, #tpu.memory_space<vmem>>, vector<1x1x16xf32>,
        %parallel_loop3A_534 = vector.shape_cast %parallel_loop3A_533 : vector<1x1x16xf32> to vector<16xf32>
        %parallel_loop3A_535 = arith.mulf %parallel_loop3A_534, %parallel_loop3A_482 : vector<16xf32>
        %parallel_loop3A_536 = arith.constant 0 : i32
        %parallel_loop3A_537 = arith.index_cast %parallel_loop3A_536 : i32 to index
        %parallel_loop3A_538 = arith.index_cast %parallel_loop3A_486 : i32 to index
        %parallel_loop3A_539 = arith.constant 48 : index
        %parallel_loop3A_540 = tpu.vector_load %arg11[%parallel_loop3A_537, %parallel_loop3A_538, %parallel_loop3A_539] {strides = array<i32>} : memref<2x80x64xf32, #tpu.memory_space<vmem>>, vector<1x1x16xf32>,
        %parallel_loop3A_541 = vector.shape_cast %parallel_loop3A_540 : vector<1x1x16xf32> to vector<16xf32>
        %parallel_loop3A_542 = vector.shape_cast %parallel_loop3A_535 : vector<16xf32> to vector<1x1x16xf32>
        tpu.vector_store %arg11[%parallel_loop3A_537, %parallel_loop3A_538, %parallel_loop3A_539], %parallel_loop3A_542 {strides = array<i32>} : memref<2x80x64xf32, #tpu.memory_space<vmem>>, vector<1x1x16xf32>,
        %parallel_loop3A_543 = vector.extract_strided_slice %parallel_loop3A_164 {offsets = [6], sizes = [1], strides = [1]} : vector<16xf32> to vector<1xf32>
        %parallel_loop3A_544 = vector.extract %parallel_loop3A_543[0] : f32 from vector<1xf32>
        %parallel_loop3A_545 = vector.broadcast %parallel_loop3A_544 : f32 to vector<16xf32>
        %parallel_loop3A_546 = arith.constant 16 : i32
        %parallel_loop3A_547 = arith.muli %parallel_loop3A_546, %parallel_loop3A_156 : i32
        %parallel_loop3A_548 = arith.constant 6 : i32
        %parallel_loop3A_549 = arith.addi %parallel_loop3A_547, %parallel_loop3A_548 : i32
        %parallel_loop3A_550 = arith.constant 0 : i32
        %parallel_loop3A_551 = arith.index_cast %parallel_loop3A_550 : i32 to index
        %parallel_loop3A_552 = arith.index_cast %parallel_loop3A_549 : i32 to index
        %parallel_loop3A_553 = arith.constant 0 : index
        %parallel_loop3A_554 = tpu.vector_load %arg10[%parallel_loop3A_551, %parallel_loop3A_552, %parallel_loop3A_553] {strides = array<i32>} : memref<2x80x64xf32, #tpu.memory_space<vmem>>, vector<1x1x16xf32>,
        %parallel_loop3A_555 = vector.shape_cast %parallel_loop3A_554 : vector<1x1x16xf32> to vector<16xf32>
        %parallel_loop3A_556 = arith.mulf %parallel_loop3A_555, %parallel_loop3A_545 : vector<16xf32>
        %parallel_loop3A_557 = arith.constant 0 : i32
        %parallel_loop3A_558 = arith.index_cast %parallel_loop3A_557 : i32 to index
        %parallel_loop3A_559 = arith.index_cast %parallel_loop3A_549 : i32 to index
        %parallel_loop3A_560 = arith.constant 0 : index
        %parallel_loop3A_561 = tpu.vector_load %arg11[%parallel_loop3A_558, %parallel_loop3A_559, %parallel_loop3A_560] {strides = array<i32>} : memref<2x80x64xf32, #tpu.memory_space<vmem>>, vector<1x1x16xf32>,
        %parallel_loop3A_562 = vector.shape_cast %parallel_loop3A_561 : vector<1x1x16xf32> to vector<16xf32>
        %parallel_loop3A_563 = vector.shape_cast %parallel_loop3A_556 : vector<16xf32> to vector<1x1x16xf32>
        tpu.vector_store %arg11[%parallel_loop3A_558, %parallel_loop3A_559, %parallel_loop3A_560], %parallel_loop3A_563 {strides = array<i32>} : memref<2x80x64xf32, #tpu.memory_space<vmem>>, vector<1x1x16xf32>,
        %parallel_loop3A_564 = arith.constant 0 : i32
        %parallel_loop3A_565 = arith.index_cast %parallel_loop3A_564 : i32 to index
        %parallel_loop3A_566 = arith.index_cast %parallel_loop3A_549 : i32 to index
        %parallel_loop3A_567 = arith.constant 16 : index
        %parallel_loop3A_568 = tpu.vector_load %arg10[%parallel_loop3A_565, %parallel_loop3A_566, %parallel_loop3A_567] {strides = array<i32>} : memref<2x80x64xf32, #tpu.memory_space<vmem>>, vector<1x1x16xf32>,
        %parallel_loop3A_569 = vector.shape_cast %parallel_loop3A_568 : vector<1x1x16xf32> to vector<16xf32>
        %parallel_loop3A_570 = arith.mulf %parallel_loop3A_569, %parallel_loop3A_545 : vector<16xf32>
        %parallel_loop3A_571 = arith.constant 0 : i32
        %parallel_loop3A_572 = arith.index_cast %parallel_loop3A_571 : i32 to index
        %parallel_loop3A_573 = arith.index_cast %parallel_loop3A_549 : i32 to index
        %parallel_loop3A_574 = arith.constant 16 : index
        %parallel_loop3A_575 = tpu.vector_load %arg11[%parallel_loop3A_572, %parallel_loop3A_573, %parallel_loop3A_574] {strides = array<i32>} : memref<2x80x64xf32, #tpu.memory_space<vmem>>, vector<1x1x16xf32>,
        %parallel_loop3A_576 = vector.shape_cast %parallel_loop3A_575 : vector<1x1x16xf32> to vector<16xf32>
        %parallel_loop3A_577 = vector.shape_cast %parallel_loop3A_570 : vector<16xf32> to vector<1x1x16xf32>
        tpu.vector_store %arg11[%parallel_loop3A_572, %parallel_loop3A_573, %parallel_loop3A_574], %parallel_loop3A_577 {strides = array<i32>} : memref<2x80x64xf32, #tpu.memory_space<vmem>>, vector<1x1x16xf32>,
        %parallel_loop3A_578 = arith.constant 0 : i32
        %parallel_loop3A_579 = arith.index_cast %parallel_loop3A_578 : i32 to index
        %parallel_loop3A_580 = arith.index_cast %parallel_loop3A_549 : i32 to index
        %parallel_loop3A_581 = arith.constant 32 : index
        %parallel_loop3A_582 = tpu.vector_load %arg10[%parallel_loop3A_579, %parallel_loop3A_580, %parallel_loop3A_581] {strides = array<i32>} : memref<2x80x64xf32, #tpu.memory_space<vmem>>, vector<1x1x16xf32>,
        %parallel_loop3A_583 = vector.shape_cast %parallel_loop3A_582 : vector<1x1x16xf32> to vector<16xf32>
        %parallel_loop3A_584 = arith.mulf %parallel_loop3A_583, %parallel_loop3A_545 : vector<16xf32>
        %parallel_loop3A_585 = arith.constant 0 : i32
        %parallel_loop3A_586 = arith.index_cast %parallel_loop3A_585 : i32 to index
        %parallel_loop3A_587 = arith.index_cast %parallel_loop3A_549 : i32 to index
        %parallel_loop3A_588 = arith.constant 32 : index
        %parallel_loop3A_589 = tpu.vector_load %arg11[%parallel_loop3A_586, %parallel_loop3A_587, %parallel_loop3A_588] {strides = array<i32>} : memref<2x80x64xf32, #tpu.memory_space<vmem>>, vector<1x1x16xf32>,
        %parallel_loop3A_590 = vector.shape_cast %parallel_loop3A_589 : vector<1x1x16xf32> to vector<16xf32>
        %parallel_loop3A_591 = vector.shape_cast %parallel_loop3A_584 : vector<16xf32> to vector<1x1x16xf32>
        tpu.vector_store %arg11[%parallel_loop3A_586, %parallel_loop3A_587, %parallel_loop3A_588], %parallel_loop3A_591 {strides = array<i32>} : memref<2x80x64xf32, #tpu.memory_space<vmem>>, vector<1x1x16xf32>,
        %parallel_loop3A_592 = arith.constant 0 : i32
        %parallel_loop3A_593 = arith.index_cast %parallel_loop3A_592 : i32 to index
        %parallel_loop3A_594 = arith.index_cast %parallel_loop3A_549 : i32 to index
        %parallel_loop3A_595 = arith.constant 48 : index
        %parallel_loop3A_596 = tpu.vector_load %arg10[%parallel_loop3A_593, %parallel_loop3A_594, %parallel_loop3A_595] {strides = array<i32>} : memref<2x80x64xf32, #tpu.memory_space<vmem>>, vector<1x1x16xf32>,
        %parallel_loop3A_597 = vector.shape_cast %parallel_loop3A_596 : vector<1x1x16xf32> to vector<16xf32>
        %parallel_loop3A_598 = arith.mulf %parallel_loop3A_597, %parallel_loop3A_545 : vector<16xf32>
        %parallel_loop3A_599 = arith.constant 0 : i32
        %parallel_loop3A_600 = arith.index_cast %parallel_loop3A_599 : i32 to index
        %parallel_loop3A_601 = arith.index_cast %parallel_loop3A_549 : i32 to index
        %parallel_loop3A_602 = arith.constant 48 : index
        %parallel_loop3A_603 = tpu.vector_load %arg11[%parallel_loop3A_600, %parallel_loop3A_601, %parallel_loop3A_602] {strides = array<i32>} : memref<2x80x64xf32, #tpu.memory_space<vmem>>, vector<1x1x16xf32>,
        %parallel_loop3A_604 = vector.shape_cast %parallel_loop3A_603 : vector<1x1x16xf32> to vector<16xf32>
        %parallel_loop3A_605 = vector.shape_cast %parallel_loop3A_598 : vector<16xf32> to vector<1x1x16xf32>
        tpu.vector_store %arg11[%parallel_loop3A_600, %parallel_loop3A_601, %parallel_loop3A_602], %parallel_loop3A_605 {strides = array<i32>} : memref<2x80x64xf32, #tpu.memory_space<vmem>>, vector<1x1x16xf32>,
        %parallel_loop3A_606 = vector.extract_strided_slice %parallel_loop3A_164 {offsets = [7], sizes = [1], strides = [1]} : vector<16xf32> to vector<1xf32>
        %parallel_loop3A_607 = vector.extract %parallel_loop3A_606[0] : f32 from vector<1xf32>
        %parallel_loop3A_608 = vector.broadcast %parallel_loop3A_607 : f32 to vector<16xf32>
        %parallel_loop3A_609 = arith.constant 16 : i32
        %parallel_loop3A_610 = arith.muli %parallel_loop3A_609, %parallel_loop3A_156 : i32
        %parallel_loop3A_611 = arith.constant 7 : i32
        %parallel_loop3A_612 = arith.addi %parallel_loop3A_610, %parallel_loop3A_611 : i32
        %parallel_loop3A_613 = arith.constant 0 : i32
        %parallel_loop3A_614 = arith.index_cast %parallel_loop3A_613 : i32 to index
        %parallel_loop3A_615 = arith.index_cast %parallel_loop3A_612 : i32 to index
        %parallel_loop3A_616 = arith.constant 0 : index
        %parallel_loop3A_617 = tpu.vector_load %arg10[%parallel_loop3A_614, %parallel_loop3A_615, %parallel_loop3A_616] {strides = array<i32>} : memref<2x80x64xf32, #tpu.memory_space<vmem>>, vector<1x1x16xf32>,
        %parallel_loop3A_618 = vector.shape_cast %parallel_loop3A_617 : vector<1x1x16xf32> to vector<16xf32>
        %parallel_loop3A_619 = arith.mulf %parallel_loop3A_618, %parallel_loop3A_608 : vector<16xf32>
        %parallel_loop3A_620 = arith.constant 0 : i32
        %parallel_loop3A_621 = arith.index_cast %parallel_loop3A_620 : i32 to index
        %parallel_loop3A_622 = arith.index_cast %parallel_loop3A_612 : i32 to index
        %parallel_loop3A_623 = arith.constant 0 : index
        %parallel_loop3A_624 = tpu.vector_load %arg11[%parallel_loop3A_621, %parallel_loop3A_622, %parallel_loop3A_623] {strides = array<i32>} : memref<2x80x64xf32, #tpu.memory_space<vmem>>, vector<1x1x16xf32>,
        %parallel_loop3A_625 = vector.shape_cast %parallel_loop3A_624 : vector<1x1x16xf32> to vector<16xf32>
        %parallel_loop3A_626 = vector.shape_cast %parallel_loop3A_619 : vector<16xf32> to vector<1x1x16xf32>
        tpu.vector_store %arg11[%parallel_loop3A_621, %parallel_loop3A_622, %parallel_loop3A_623], %parallel_loop3A_626 {strides = array<i32>} : memref<2x80x64xf32, #tpu.memory_space<vmem>>, vector<1x1x16xf32>,
        %parallel_loop3A_627 = arith.constant 0 : i32
        %parallel_loop3A_628 = arith.index_cast %parallel_loop3A_627 : i32 to index
        %parallel_loop3A_629 = arith.index_cast %parallel_loop3A_612 : i32 to index
        %parallel_loop3A_630 = arith.constant 16 : index
        %parallel_loop3A_631 = tpu.vector_load %arg10[%parallel_loop3A_628, %parallel_loop3A_629, %parallel_loop3A_630] {strides = array<i32>} : memref<2x80x64xf32, #tpu.memory_space<vmem>>, vector<1x1x16xf32>,
        %parallel_loop3A_632 = vector.shape_cast %parallel_loop3A_631 : vector<1x1x16xf32> to vector<16xf32>
        %parallel_loop3A_633 = arith.mulf %parallel_loop3A_632, %parallel_loop3A_608 : vector<16xf32>
        %parallel_loop3A_634 = arith.constant 0 : i32
        %parallel_loop3A_635 = arith.index_cast %parallel_loop3A_634 : i32 to index
        %parallel_loop3A_636 = arith.index_cast %parallel_loop3A_612 : i32 to index
        %parallel_loop3A_637 = arith.constant 16 : index
        %parallel_loop3A_638 = tpu.vector_load %arg11[%parallel_loop3A_635, %parallel_loop3A_636, %parallel_loop3A_637] {strides = array<i32>} : memref<2x80x64xf32, #tpu.memory_space<vmem>>, vector<1x1x16xf32>,
        %parallel_loop3A_639 = vector.shape_cast %parallel_loop3A_638 : vector<1x1x16xf32> to vector<16xf32>
        %parallel_loop3A_640 = vector.shape_cast %parallel_loop3A_633 : vector<16xf32> to vector<1x1x16xf32>
        tpu.vector_store %arg11[%parallel_loop3A_635, %parallel_loop3A_636, %parallel_loop3A_637], %parallel_loop3A_640 {strides = array<i32>} : memref<2x80x64xf32, #tpu.memory_space<vmem>>, vector<1x1x16xf32>,
        %parallel_loop3A_641 = arith.constant 0 : i32
        %parallel_loop3A_642 = arith.index_cast %parallel_loop3A_641 : i32 to index
        %parallel_loop3A_643 = arith.index_cast %parallel_loop3A_612 : i32 to index
        %parallel_loop3A_644 = arith.constant 32 : index
        %parallel_loop3A_645 = tpu.vector_load %arg10[%parallel_loop3A_642, %parallel_loop3A_643, %parallel_loop3A_644] {strides = array<i32>} : memref<2x80x64xf32, #tpu.memory_space<vmem>>, vector<1x1x16xf32>,
        %parallel_loop3A_646 = vector.shape_cast %parallel_loop3A_645 : vector<1x1x16xf32> to vector<16xf32>
        %parallel_loop3A_647 = arith.mulf %parallel_loop3A_646, %parallel_loop3A_608 : vector<16xf32>
        %parallel_loop3A_648 = arith.constant 0 : i32
        %parallel_loop3A_649 = arith.index_cast %parallel_loop3A_648 : i32 to index
        %parallel_loop3A_650 = arith.index_cast %parallel_loop3A_612 : i32 to index
        %parallel_loop3A_651 = arith.constant 32 : index
        %parallel_loop3A_652 = tpu.vector_load %arg11[%parallel_loop3A_649, %parallel_loop3A_650, %parallel_loop3A_651] {strides = array<i32>} : memref<2x80x64xf32, #tpu.memory_space<vmem>>, vector<1x1x16xf32>,
        %parallel_loop3A_653 = vector.shape_cast %parallel_loop3A_652 : vector<1x1x16xf32> to vector<16xf32>
        %parallel_loop3A_654 = vector.shape_cast %parallel_loop3A_647 : vector<16xf32> to vector<1x1x16xf32>
        tpu.vector_store %arg11[%parallel_loop3A_649, %parallel_loop3A_650, %parallel_loop3A_651], %parallel_loop3A_654 {strides = array<i32>} : memref<2x80x64xf32, #tpu.memory_space<vmem>>, vector<1x1x16xf32>,
        %parallel_loop3A_655 = arith.constant 0 : i32
        %parallel_loop3A_656 = arith.index_cast %parallel_loop3A_655 : i32 to index
        %parallel_loop3A_657 = arith.index_cast %parallel_loop3A_612 : i32 to index
        %parallel_loop3A_658 = arith.constant 48 : index
        %parallel_loop3A_659 = tpu.vector_load %arg10[%parallel_loop3A_656, %parallel_loop3A_657, %parallel_loop3A_658] {strides = array<i32>} : memref<2x80x64xf32, #tpu.memory_space<vmem>>, vector<1x1x16xf32>,
        %parallel_loop3A_660 = vector.shape_cast %parallel_loop3A_659 : vector<1x1x16xf32> to vector<16xf32>
        %parallel_loop3A_661 = arith.mulf %parallel_loop3A_660, %parallel_loop3A_608 : vector<16xf32>
        %parallel_loop3A_662 = arith.constant 0 : i32
        %parallel_loop3A_663 = arith.index_cast %parallel_loop3A_662 : i32 to index
        %parallel_loop3A_664 = arith.index_cast %parallel_loop3A_612 : i32 to index
        %parallel_loop3A_665 = arith.constant 48 : index
        %parallel_loop3A_666 = tpu.vector_load %arg11[%parallel_loop3A_663, %parallel_loop3A_664, %parallel_loop3A_665] {strides = array<i32>} : memref<2x80x64xf32, #tpu.memory_space<vmem>>, vector<1x1x16xf32>,
        %parallel_loop3A_667 = vector.shape_cast %parallel_loop3A_666 : vector<1x1x16xf32> to vector<16xf32>
        %parallel_loop3A_668 = vector.shape_cast %parallel_loop3A_661 : vector<16xf32> to vector<1x1x16xf32>
        tpu.vector_store %arg11[%parallel_loop3A_663, %parallel_loop3A_664, %parallel_loop3A_665], %parallel_loop3A_668 {strides = array<i32>} : memref<2x80x64xf32, #tpu.memory_space<vmem>>, vector<1x1x16xf32>,
        %parallel_loop3A_669 = vector.extract_strided_slice %parallel_loop3A_164 {offsets = [8], sizes = [1], strides = [1]} : vector<16xf32> to vector<1xf32>
        %parallel_loop3A_670 = vector.extract %parallel_loop3A_669[0] : f32 from vector<1xf32>
        %parallel_loop3A_671 = vector.broadcast %parallel_loop3A_670 : f32 to vector<16xf32>
        %parallel_loop3A_672 = arith.constant 16 : i32
        %parallel_loop3A_673 = arith.muli %parallel_loop3A_672, %parallel_loop3A_156 : i32
        %parallel_loop3A_674 = arith.constant 8 : i32
        %parallel_loop3A_675 = arith.addi %parallel_loop3A_673, %parallel_loop3A_674 : i32
        %parallel_loop3A_676 = arith.constant 0 : i32
        %parallel_loop3A_677 = arith.index_cast %parallel_loop3A_676 : i32 to index
        %parallel_loop3A_678 = arith.index_cast %parallel_loop3A_675 : i32 to index
        %parallel_loop3A_679 = arith.constant 0 : index
        %parallel_loop3A_680 = tpu.vector_load %arg10[%parallel_loop3A_677, %parallel_loop3A_678, %parallel_loop3A_679] {strides = array<i32>} : memref<2x80x64xf32, #tpu.memory_space<vmem>>, vector<1x1x16xf32>,
        %parallel_loop3A_681 = vector.shape_cast %parallel_loop3A_680 : vector<1x1x16xf32> to vector<16xf32>
        %parallel_loop3A_682 = arith.mulf %parallel_loop3A_681, %parallel_loop3A_671 : vector<16xf32>
        %parallel_loop3A_683 = arith.constant 0 : i32
        %parallel_loop3A_684 = arith.index_cast %parallel_loop3A_683 : i32 to index
        %parallel_loop3A_685 = arith.index_cast %parallel_loop3A_675 : i32 to index
        %parallel_loop3A_686 = arith.constant 0 : index
        %parallel_loop3A_687 = tpu.vector_load %arg11[%parallel_loop3A_684, %parallel_loop3A_685, %parallel_loop3A_686] {strides = array<i32>} : memref<2x80x64xf32, #tpu.memory_space<vmem>>, vector<1x1x16xf32>,
        %parallel_loop3A_688 = vector.shape_cast %parallel_loop3A_687 : vector<1x1x16xf32> to vector<16xf32>
        %parallel_loop3A_689 = vector.shape_cast %parallel_loop3A_682 : vector<16xf32> to vector<1x1x16xf32>
        tpu.vector_store %arg11[%parallel_loop3A_684, %parallel_loop3A_685, %parallel_loop3A_686], %parallel_loop3A_689 {strides = array<i32>} : memref<2x80x64xf32, #tpu.memory_space<vmem>>, vector<1x1x16xf32>,
        %parallel_loop3A_690 = arith.constant 0 : i32
        %parallel_loop3A_691 = arith.index_cast %parallel_loop3A_690 : i32 to index
        %parallel_loop3A_692 = arith.index_cast %parallel_loop3A_675 : i32 to index
        %parallel_loop3A_693 = arith.constant 16 : index
        %parallel_loop3A_694 = tpu.vector_load %arg10[%parallel_loop3A_691, %parallel_loop3A_692, %parallel_loop3A_693] {strides = array<i32>} : memref<2x80x64xf32, #tpu.memory_space<vmem>>, vector<1x1x16xf32>,
        %parallel_loop3A_695 = vector.shape_cast %parallel_loop3A_694 : vector<1x1x16xf32> to vector<16xf32>
        %parallel_loop3A_696 = arith.mulf %parallel_loop3A_695, %parallel_loop3A_671 : vector<16xf32>
        %parallel_loop3A_697 = arith.constant 0 : i32
        %parallel_loop3A_698 = arith.index_cast %parallel_loop3A_697 : i32 to index
        %parallel_loop3A_699 = arith.index_cast %parallel_loop3A_675 : i32 to index
        %parallel_loop3A_700 = arith.constant 16 : index
        %parallel_loop3A_701 = tpu.vector_load %arg11[%parallel_loop3A_698, %parallel_loop3A_699, %parallel_loop3A_700] {strides = array<i32>} : memref<2x80x64xf32, #tpu.memory_space<vmem>>, vector<1x1x16xf32>,
        %parallel_loop3A_702 = vector.shape_cast %parallel_loop3A_701 : vector<1x1x16xf32> to vector<16xf32>
        %parallel_loop3A_703 = vector.shape_cast %parallel_loop3A_696 : vector<16xf32> to vector<1x1x16xf32>
        tpu.vector_store %arg11[%parallel_loop3A_698, %parallel_loop3A_699, %parallel_loop3A_700], %parallel_loop3A_703 {strides = array<i32>} : memref<2x80x64xf32, #tpu.memory_space<vmem>>, vector<1x1x16xf32>,
        %parallel_loop3A_704 = arith.constant 0 : i32
        %parallel_loop3A_705 = arith.index_cast %parallel_loop3A_704 : i32 to index
        %parallel_loop3A_706 = arith.index_cast %parallel_loop3A_675 : i32 to index
        %parallel_loop3A_707 = arith.constant 32 : index
        %parallel_loop3A_708 = tpu.vector_load %arg10[%parallel_loop3A_705, %parallel_loop3A_706, %parallel_loop3A_707] {strides = array<i32>} : memref<2x80x64xf32, #tpu.memory_space<vmem>>, vector<1x1x16xf32>,
        %parallel_loop3A_709 = vector.shape_cast %parallel_loop3A_708 : vector<1x1x16xf32> to vector<16xf32>
        %parallel_loop3A_710 = arith.mulf %parallel_loop3A_709, %parallel_loop3A_671 : vector<16xf32>
        %parallel_loop3A_711 = arith.constant 0 : i32
        %parallel_loop3A_712 = arith.index_cast %parallel_loop3A_711 : i32 to index
        %parallel_loop3A_713 = arith.index_cast %parallel_loop3A_675 : i32 to index
        %parallel_loop3A_714 = arith.constant 32 : index
        %parallel_loop3A_715 = tpu.vector_load %arg11[%parallel_loop3A_712, %parallel_loop3A_713, %parallel_loop3A_714] {strides = array<i32>} : memref<2x80x64xf32, #tpu.memory_space<vmem>>, vector<1x1x16xf32>,
        %parallel_loop3A_716 = vector.shape_cast %parallel_loop3A_715 : vector<1x1x16xf32> to vector<16xf32>
        %parallel_loop3A_717 = vector.shape_cast %parallel_loop3A_710 : vector<16xf32> to vector<1x1x16xf32>
        tpu.vector_store %arg11[%parallel_loop3A_712, %parallel_loop3A_713, %parallel_loop3A_714], %parallel_loop3A_717 {strides = array<i32>} : memref<2x80x64xf32, #tpu.memory_space<vmem>>, vector<1x1x16xf32>,
        %parallel_loop3A_718 = arith.constant 0 : i32
        %parallel_loop3A_719 = arith.index_cast %parallel_loop3A_718 : i32 to index
        %parallel_loop3A_720 = arith.index_cast %parallel_loop3A_675 : i32 to index
        %parallel_loop3A_721 = arith.constant 48 : index
        %parallel_loop3A_722 = tpu.vector_load %arg10[%parallel_loop3A_719, %parallel_loop3A_720, %parallel_loop3A_721] {strides = array<i32>} : memref<2x80x64xf32, #tpu.memory_space<vmem>>, vector<1x1x16xf32>,
        %parallel_loop3A_723 = vector.shape_cast %parallel_loop3A_722 : vector<1x1x16xf32> to vector<16xf32>
        %parallel_loop3A_724 = arith.mulf %parallel_loop3A_723, %parallel_loop3A_671 : vector<16xf32>
        %parallel_loop3A_725 = arith.constant 0 : i32
        %parallel_loop3A_726 = arith.index_cast %parallel_loop3A_725 : i32 to index
        %parallel_loop3A_727 = arith.index_cast %parallel_loop3A_675 : i32 to index
        %parallel_loop3A_728 = arith.constant 48 : index
        %parallel_loop3A_729 = tpu.vector_load %arg11[%parallel_loop3A_726, %parallel_loop3A_727, %parallel_loop3A_728] {strides = array<i32>} : memref<2x80x64xf32, #tpu.memory_space<vmem>>, vector<1x1x16xf32>,
        %parallel_loop3A_730 = vector.shape_cast %parallel_loop3A_729 : vector<1x1x16xf32> to vector<16xf32>
        %parallel_loop3A_731 = vector.shape_cast %parallel_loop3A_724 : vector<16xf32> to vector<1x1x16xf32>
        tpu.vector_store %arg11[%parallel_loop3A_726, %parallel_loop3A_727, %parallel_loop3A_728], %parallel_loop3A_731 {strides = array<i32>} : memref<2x80x64xf32, #tpu.memory_space<vmem>>, vector<1x1x16xf32>,
        %parallel_loop3A_732 = vector.extract_strided_slice %parallel_loop3A_164 {offsets = [9], sizes = [1], strides = [1]} : vector<16xf32> to vector<1xf32>
        %parallel_loop3A_733 = vector.extract %parallel_loop3A_732[0] : f32 from vector<1xf32>
        %parallel_loop3A_734 = vector.broadcast %parallel_loop3A_733 : f32 to vector<16xf32>
        %parallel_loop3A_735 = arith.constant 16 : i32
        %parallel_loop3A_736 = arith.muli %parallel_loop3A_735, %parallel_loop3A_156 : i32
        %parallel_loop3A_737 = arith.constant 9 : i32
        %parallel_loop3A_738 = arith.addi %parallel_loop3A_736, %parallel_loop3A_737 : i32
        %parallel_loop3A_739 = arith.constant 0 : i32
        %parallel_loop3A_740 = arith.index_cast %parallel_loop3A_739 : i32 to index
        %parallel_loop3A_741 = arith.index_cast %parallel_loop3A_738 : i32 to index
        %parallel_loop3A_742 = arith.constant 0 : index
        %parallel_loop3A_743 = tpu.vector_load %arg10[%parallel_loop3A_740, %parallel_loop3A_741, %parallel_loop3A_742] {strides = array<i32>} : memref<2x80x64xf32, #tpu.memory_space<vmem>>, vector<1x1x16xf32>,
        %parallel_loop3A_744 = vector.shape_cast %parallel_loop3A_743 : vector<1x1x16xf32> to vector<16xf32>
        %parallel_loop3A_745 = arith.mulf %parallel_loop3A_744, %parallel_loop3A_734 : vector<16xf32>
        %parallel_loop3A_746 = arith.constant 0 : i32
        %parallel_loop3A_747 = arith.index_cast %parallel_loop3A_746 : i32 to index
        %parallel_loop3A_748 = arith.index_cast %parallel_loop3A_738 : i32 to index
        %parallel_loop3A_749 = arith.constant 0 : index
        %parallel_loop3A_750 = tpu.vector_load %arg11[%parallel_loop3A_747, %parallel_loop3A_748, %parallel_loop3A_749] {strides = array<i32>} : memref<2x80x64xf32, #tpu.memory_space<vmem>>, vector<1x1x16xf32>,
        %parallel_loop3A_751 = vector.shape_cast %parallel_loop3A_750 : vector<1x1x16xf32> to vector<16xf32>
        %parallel_loop3A_752 = vector.shape_cast %parallel_loop3A_745 : vector<16xf32> to vector<1x1x16xf32>
        tpu.vector_store %arg11[%parallel_loop3A_747, %parallel_loop3A_748, %parallel_loop3A_749], %parallel_loop3A_752 {strides = array<i32>} : memref<2x80x64xf32, #tpu.memory_space<vmem>>, vector<1x1x16xf32>,
        %parallel_loop3A_753 = arith.constant 0 : i32
        %parallel_loop3A_754 = arith.index_cast %parallel_loop3A_753 : i32 to index
        %parallel_loop3A_755 = arith.index_cast %parallel_loop3A_738 : i32 to index
        %parallel_loop3A_756 = arith.constant 16 : index
        %parallel_loop3A_757 = tpu.vector_load %arg10[%parallel_loop3A_754, %parallel_loop3A_755, %parallel_loop3A_756] {strides = array<i32>} : memref<2x80x64xf32, #tpu.memory_space<vmem>>, vector<1x1x16xf32>,
        %parallel_loop3A_758 = vector.shape_cast %parallel_loop3A_757 : vector<1x1x16xf32> to vector<16xf32>
        %parallel_loop3A_759 = arith.mulf %parallel_loop3A_758, %parallel_loop3A_734 : vector<16xf32>
        %parallel_loop3A_760 = arith.constant 0 : i32
        %parallel_loop3A_761 = arith.index_cast %parallel_loop3A_760 : i32 to index
        %parallel_loop3A_762 = arith.index_cast %parallel_loop3A_738 : i32 to index
        %parallel_loop3A_763 = arith.constant 16 : index
        %parallel_loop3A_764 = tpu.vector_load %arg11[%parallel_loop3A_761, %parallel_loop3A_762, %parallel_loop3A_763] {strides = array<i32>} : memref<2x80x64xf32, #tpu.memory_space<vmem>>, vector<1x1x16xf32>,
        %parallel_loop3A_765 = vector.shape_cast %parallel_loop3A_764 : vector<1x1x16xf32> to vector<16xf32>
        %parallel_loop3A_766 = vector.shape_cast %parallel_loop3A_759 : vector<16xf32> to vector<1x1x16xf32>
        tpu.vector_store %arg11[%parallel_loop3A_761, %parallel_loop3A_762, %parallel_loop3A_763], %parallel_loop3A_766 {strides = array<i32>} : memref<2x80x64xf32, #tpu.memory_space<vmem>>, vector<1x1x16xf32>,
        %parallel_loop3A_767 = arith.constant 0 : i32
        %parallel_loop3A_768 = arith.index_cast %parallel_loop3A_767 : i32 to index
        %parallel_loop3A_769 = arith.index_cast %parallel_loop3A_738 : i32 to index
        %parallel_loop3A_770 = arith.constant 32 : index
        %parallel_loop3A_771 = tpu.vector_load %arg10[%parallel_loop3A_768, %parallel_loop3A_769, %parallel_loop3A_770] {strides = array<i32>} : memref<2x80x64xf32, #tpu.memory_space<vmem>>, vector<1x1x16xf32>,
        %parallel_loop3A_772 = vector.shape_cast %parallel_loop3A_771 : vector<1x1x16xf32> to vector<16xf32>
        %parallel_loop3A_773 = arith.mulf %parallel_loop3A_772, %parallel_loop3A_734 : vector<16xf32>
        %parallel_loop3A_774 = arith.constant 0 : i32
        %parallel_loop3A_775 = arith.index_cast %parallel_loop3A_774 : i32 to index
        %parallel_loop3A_776 = arith.index_cast %parallel_loop3A_738 : i32 to index
        %parallel_loop3A_777 = arith.constant 32 : index
        %parallel_loop3A_778 = tpu.vector_load %arg11[%parallel_loop3A_775, %parallel_loop3A_776, %parallel_loop3A_777] {strides = array<i32>} : memref<2x80x64xf32, #tpu.memory_space<vmem>>, vector<1x1x16xf32>,
        %parallel_loop3A_779 = vector.shape_cast %parallel_loop3A_778 : vector<1x1x16xf32> to vector<16xf32>
        %parallel_loop3A_780 = vector.shape_cast %parallel_loop3A_773 : vector<16xf32> to vector<1x1x16xf32>
        tpu.vector_store %arg11[%parallel_loop3A_775, %parallel_loop3A_776, %parallel_loop3A_777], %parallel_loop3A_780 {strides = array<i32>} : memref<2x80x64xf32, #tpu.memory_space<vmem>>, vector<1x1x16xf32>,
        %parallel_loop3A_781 = arith.constant 0 : i32
        %parallel_loop3A_782 = arith.index_cast %parallel_loop3A_781 : i32 to index
        %parallel_loop3A_783 = arith.index_cast %parallel_loop3A_738 : i32 to index
        %parallel_loop3A_784 = arith.constant 48 : index
        %parallel_loop3A_785 = tpu.vector_load %arg10[%parallel_loop3A_782, %parallel_loop3A_783, %parallel_loop3A_784] {strides = array<i32>} : memref<2x80x64xf32, #tpu.memory_space<vmem>>, vector<1x1x16xf32>,
        %parallel_loop3A_786 = vector.shape_cast %parallel_loop3A_785 : vector<1x1x16xf32> to vector<16xf32>
        %parallel_loop3A_787 = arith.mulf %parallel_loop3A_786, %parallel_loop3A_734 : vector<16xf32>
        %parallel_loop3A_788 = arith.constant 0 : i32
        %parallel_loop3A_789 = arith.index_cast %parallel_loop3A_788 : i32 to index
        %parallel_loop3A_790 = arith.index_cast %parallel_loop3A_738 : i32 to index
        %parallel_loop3A_791 = arith.constant 48 : index
        %parallel_loop3A_792 = tpu.vector_load %arg11[%parallel_loop3A_789, %parallel_loop3A_790, %parallel_loop3A_791] {strides = array<i32>} : memref<2x80x64xf32, #tpu.memory_space<vmem>>, vector<1x1x16xf32>,
        %parallel_loop3A_793 = vector.shape_cast %parallel_loop3A_792 : vector<1x1x16xf32> to vector<16xf32>
        %parallel_loop3A_794 = vector.shape_cast %parallel_loop3A_787 : vector<16xf32> to vector<1x1x16xf32>
        tpu.vector_store %arg11[%parallel_loop3A_789, %parallel_loop3A_790, %parallel_loop3A_791], %parallel_loop3A_794 {strides = array<i32>} : memref<2x80x64xf32, #tpu.memory_space<vmem>>, vector<1x1x16xf32>,
        %parallel_loop3A_795 = vector.extract_strided_slice %parallel_loop3A_164 {offsets = [10], sizes = [1], strides = [1]} : vector<16xf32> to vector<1xf32>
        %parallel_loop3A_796 = vector.extract %parallel_loop3A_795[0] : f32 from vector<1xf32>
        %parallel_loop3A_797 = vector.broadcast %parallel_loop3A_796 : f32 to vector<16xf32>
        %parallel_loop3A_798 = arith.constant 16 : i32
        %parallel_loop3A_799 = arith.muli %parallel_loop3A_798, %parallel_loop3A_156 : i32
        %parallel_loop3A_800 = arith.constant 10 : i32
        %parallel_loop3A_801 = arith.addi %parallel_loop3A_799, %parallel_loop3A_800 : i32
        %parallel_loop3A_802 = arith.constant 0 : i32
        %parallel_loop3A_803 = arith.index_cast %parallel_loop3A_802 : i32 to index
        %parallel_loop3A_804 = arith.index_cast %parallel_loop3A_801 : i32 to index
        %parallel_loop3A_805 = arith.constant 0 : index
        %parallel_loop3A_806 = tpu.vector_load %arg10[%parallel_loop3A_803, %parallel_loop3A_804, %parallel_loop3A_805] {strides = array<i32>} : memref<2x80x64xf32, #tpu.memory_space<vmem>>, vector<1x1x16xf32>,
        %parallel_loop3A_807 = vector.shape_cast %parallel_loop3A_806 : vector<1x1x16xf32> to vector<16xf32>
        %parallel_loop3A_808 = arith.mulf %parallel_loop3A_807, %parallel_loop3A_797 : vector<16xf32>
        %parallel_loop3A_809 = arith.constant 0 : i32
        %parallel_loop3A_810 = arith.index_cast %parallel_loop3A_809 : i32 to index
        %parallel_loop3A_811 = arith.index_cast %parallel_loop3A_801 : i32 to index
        %parallel_loop3A_812 = arith.constant 0 : index
        %parallel_loop3A_813 = tpu.vector_load %arg11[%parallel_loop3A_810, %parallel_loop3A_811, %parallel_loop3A_812] {strides = array<i32>} : memref<2x80x64xf32, #tpu.memory_space<vmem>>, vector<1x1x16xf32>,
        %parallel_loop3A_814 = vector.shape_cast %parallel_loop3A_813 : vector<1x1x16xf32> to vector<16xf32>
        %parallel_loop3A_815 = vector.shape_cast %parallel_loop3A_808 : vector<16xf32> to vector<1x1x16xf32>
        tpu.vector_store %arg11[%parallel_loop3A_810, %parallel_loop3A_811, %parallel_loop3A_812], %parallel_loop3A_815 {strides = array<i32>} : memref<2x80x64xf32, #tpu.memory_space<vmem>>, vector<1x1x16xf32>,
        %parallel_loop3A_816 = arith.constant 0 : i32
        %parallel_loop3A_817 = arith.index_cast %parallel_loop3A_816 : i32 to index
        %parallel_loop3A_818 = arith.index_cast %parallel_loop3A_801 : i32 to index
        %parallel_loop3A_819 = arith.constant 16 : index
        %parallel_loop3A_820 = tpu.vector_load %arg10[%parallel_loop3A_817, %parallel_loop3A_818, %parallel_loop3A_819] {strides = array<i32>} : memref<2x80x64xf32, #tpu.memory_space<vmem>>, vector<1x1x16xf32>,
        %parallel_loop3A_821 = vector.shape_cast %parallel_loop3A_820 : vector<1x1x16xf32> to vector<16xf32>
        %parallel_loop3A_822 = arith.mulf %parallel_loop3A_821, %parallel_loop3A_797 : vector<16xf32>
        %parallel_loop3A_823 = arith.constant 0 : i32
        %parallel_loop3A_824 = arith.index_cast %parallel_loop3A_823 : i32 to index
        %parallel_loop3A_825 = arith.index_cast %parallel_loop3A_801 : i32 to index
        %parallel_loop3A_826 = arith.constant 16 : index
        %parallel_loop3A_827 = tpu.vector_load %arg11[%parallel_loop3A_824, %parallel_loop3A_825, %parallel_loop3A_826] {strides = array<i32>} : memref<2x80x64xf32, #tpu.memory_space<vmem>>, vector<1x1x16xf32>,
        %parallel_loop3A_828 = vector.shape_cast %parallel_loop3A_827 : vector<1x1x16xf32> to vector<16xf32>
        %parallel_loop3A_829 = vector.shape_cast %parallel_loop3A_822 : vector<16xf32> to vector<1x1x16xf32>
        tpu.vector_store %arg11[%parallel_loop3A_824, %parallel_loop3A_825, %parallel_loop3A_826], %parallel_loop3A_829 {strides = array<i32>} : memref<2x80x64xf32, #tpu.memory_space<vmem>>, vector<1x1x16xf32>,
        %parallel_loop3A_830 = arith.constant 0 : i32
        %parallel_loop3A_831 = arith.index_cast %parallel_loop3A_830 : i32 to index
        %parallel_loop3A_832 = arith.index_cast %parallel_loop3A_801 : i32 to index
        %parallel_loop3A_833 = arith.constant 32 : index
        %parallel_loop3A_834 = tpu.vector_load %arg10[%parallel_loop3A_831, %parallel_loop3A_832, %parallel_loop3A_833] {strides = array<i32>} : memref<2x80x64xf32, #tpu.memory_space<vmem>>, vector<1x1x16xf32>,
        %parallel_loop3A_835 = vector.shape_cast %parallel_loop3A_834 : vector<1x1x16xf32> to vector<16xf32>
        %parallel_loop3A_836 = arith.mulf %parallel_loop3A_835, %parallel_loop3A_797 : vector<16xf32>
        %parallel_loop3A_837 = arith.constant 0 : i32
        %parallel_loop3A_838 = arith.index_cast %parallel_loop3A_837 : i32 to index
        %parallel_loop3A_839 = arith.index_cast %parallel_loop3A_801 : i32 to index
        %parallel_loop3A_840 = arith.constant 32 : index
        %parallel_loop3A_841 = tpu.vector_load %arg11[%parallel_loop3A_838, %parallel_loop3A_839, %parallel_loop3A_840] {strides = array<i32>} : memref<2x80x64xf32, #tpu.memory_space<vmem>>, vector<1x1x16xf32>,
        %parallel_loop3A_842 = vector.shape_cast %parallel_loop3A_841 : vector<1x1x16xf32> to vector<16xf32>
        %parallel_loop3A_843 = vector.shape_cast %parallel_loop3A_836 : vector<16xf32> to vector<1x1x16xf32>
        tpu.vector_store %arg11[%parallel_loop3A_838, %parallel_loop3A_839, %parallel_loop3A_840], %parallel_loop3A_843 {strides = array<i32>} : memref<2x80x64xf32, #tpu.memory_space<vmem>>, vector<1x1x16xf32>,
        %parallel_loop3A_844 = arith.constant 0 : i32
        %parallel_loop3A_845 = arith.index_cast %parallel_loop3A_844 : i32 to index
        %parallel_loop3A_846 = arith.index_cast %parallel_loop3A_801 : i32 to index
        %parallel_loop3A_847 = arith.constant 48 : index
        %parallel_loop3A_848 = tpu.vector_load %arg10[%parallel_loop3A_845, %parallel_loop3A_846, %parallel_loop3A_847] {strides = array<i32>} : memref<2x80x64xf32, #tpu.memory_space<vmem>>, vector<1x1x16xf32>,
        %parallel_loop3A_849 = vector.shape_cast %parallel_loop3A_848 : vector<1x1x16xf32> to vector<16xf32>
        %parallel_loop3A_850 = arith.mulf %parallel_loop3A_849, %parallel_loop3A_797 : vector<16xf32>
        %parallel_loop3A_851 = arith.constant 0 : i32
        %parallel_loop3A_852 = arith.index_cast %parallel_loop3A_851 : i32 to index
        %parallel_loop3A_853 = arith.index_cast %parallel_loop3A_801 : i32 to index
        %parallel_loop3A_854 = arith.constant 48 : index
        %parallel_loop3A_855 = tpu.vector_load %arg11[%parallel_loop3A_852, %parallel_loop3A_853, %parallel_loop3A_854] {strides = array<i32>} : memref<2x80x64xf32, #tpu.memory_space<vmem>>, vector<1x1x16xf32>,
        %parallel_loop3A_856 = vector.shape_cast %parallel_loop3A_855 : vector<1x1x16xf32> to vector<16xf32>
        %parallel_loop3A_857 = vector.shape_cast %parallel_loop3A_850 : vector<16xf32> to vector<1x1x16xf32>
        tpu.vector_store %arg11[%parallel_loop3A_852, %parallel_loop3A_853, %parallel_loop3A_854], %parallel_loop3A_857 {strides = array<i32>} : memref<2x80x64xf32, #tpu.memory_space<vmem>>, vector<1x1x16xf32>,
        %parallel_loop3A_858 = vector.extract_strided_slice %parallel_loop3A_164 {offsets = [11], sizes = [1], strides = [1]} : vector<16xf32> to vector<1xf32>
        %parallel_loop3A_859 = vector.extract %parallel_loop3A_858[0] : f32 from vector<1xf32>
        %parallel_loop3A_860 = vector.broadcast %parallel_loop3A_859 : f32 to vector<16xf32>
        %parallel_loop3A_861 = arith.constant 16 : i32
        %parallel_loop3A_862 = arith.muli %parallel_loop3A_861, %parallel_loop3A_156 : i32
        %parallel_loop3A_863 = arith.constant 11 : i32
        %parallel_loop3A_864 = arith.addi %parallel_loop3A_862, %parallel_loop3A_863 : i32
        %parallel_loop3A_865 = arith.constant 0 : i32
        %parallel_loop3A_866 = arith.index_cast %parallel_loop3A_865 : i32 to index
        %parallel_loop3A_867 = arith.index_cast %parallel_loop3A_864 : i32 to index
        %parallel_loop3A_868 = arith.constant 0 : index
        %parallel_loop3A_869 = tpu.vector_load %arg10[%parallel_loop3A_866, %parallel_loop3A_867, %parallel_loop3A_868] {strides = array<i32>} : memref<2x80x64xf32, #tpu.memory_space<vmem>>, vector<1x1x16xf32>,
        %parallel_loop3A_870 = vector.shape_cast %parallel_loop3A_869 : vector<1x1x16xf32> to vector<16xf32>
        %parallel_loop3A_871 = arith.mulf %parallel_loop3A_870, %parallel_loop3A_860 : vector<16xf32>
        %parallel_loop3A_872 = arith.constant 0 : i32
        %parallel_loop3A_873 = arith.index_cast %parallel_loop3A_872 : i32 to index
        %parallel_loop3A_874 = arith.index_cast %parallel_loop3A_864 : i32 to index
        %parallel_loop3A_875 = arith.constant 0 : index
        %parallel_loop3A_876 = tpu.vector_load %arg11[%parallel_loop3A_873, %parallel_loop3A_874, %parallel_loop3A_875] {strides = array<i32>} : memref<2x80x64xf32, #tpu.memory_space<vmem>>, vector<1x1x16xf32>,
        %parallel_loop3A_877 = vector.shape_cast %parallel_loop3A_876 : vector<1x1x16xf32> to vector<16xf32>
        %parallel_loop3A_878 = vector.shape_cast %parallel_loop3A_871 : vector<16xf32> to vector<1x1x16xf32>
        tpu.vector_store %arg11[%parallel_loop3A_873, %parallel_loop3A_874, %parallel_loop3A_875], %parallel_loop3A_878 {strides = array<i32>} : memref<2x80x64xf32, #tpu.memory_space<vmem>>, vector<1x1x16xf32>,
        %parallel_loop3A_879 = arith.constant 0 : i32
        %parallel_loop3A_880 = arith.index_cast %parallel_loop3A_879 : i32 to index
        %parallel_loop3A_881 = arith.index_cast %parallel_loop3A_864 : i32 to index
        %parallel_loop3A_882 = arith.constant 16 : index
        %parallel_loop3A_883 = tpu.vector_load %arg10[%parallel_loop3A_880, %parallel_loop3A_881, %parallel_loop3A_882] {strides = array<i32>} : memref<2x80x64xf32, #tpu.memory_space<vmem>>, vector<1x1x16xf32>,
        %parallel_loop3A_884 = vector.shape_cast %parallel_loop3A_883 : vector<1x1x16xf32> to vector<16xf32>
        %parallel_loop3A_885 = arith.mulf %parallel_loop3A_884, %parallel_loop3A_860 : vector<16xf32>
        %parallel_loop3A_886 = arith.constant 0 : i32
        %parallel_loop3A_887 = arith.index_cast %parallel_loop3A_886 : i32 to index
        %parallel_loop3A_888 = arith.index_cast %parallel_loop3A_864 : i32 to index
        %parallel_loop3A_889 = arith.constant 16 : index
        %parallel_loop3A_890 = tpu.vector_load %arg11[%parallel_loop3A_887, %parallel_loop3A_888, %parallel_loop3A_889] {strides = array<i32>} : memref<2x80x64xf32, #tpu.memory_space<vmem>>, vector<1x1x16xf32>,
        %parallel_loop3A_891 = vector.shape_cast %parallel_loop3A_890 : vector<1x1x16xf32> to vector<16xf32>
        %parallel_loop3A_892 = vector.shape_cast %parallel_loop3A_885 : vector<16xf32> to vector<1x1x16xf32>
        tpu.vector_store %arg11[%parallel_loop3A_887, %parallel_loop3A_888, %parallel_loop3A_889], %parallel_loop3A_892 {strides = array<i32>} : memref<2x80x64xf32, #tpu.memory_space<vmem>>, vector<1x1x16xf32>,
        %parallel_loop3A_893 = arith.constant 0 : i32
        %parallel_loop3A_894 = arith.index_cast %parallel_loop3A_893 : i32 to index
        %parallel_loop3A_895 = arith.index_cast %parallel_loop3A_864 : i32 to index
        %parallel_loop3A_896 = arith.constant 32 : index
        %parallel_loop3A_897 = tpu.vector_load %arg10[%parallel_loop3A_894, %parallel_loop3A_895, %parallel_loop3A_896] {strides = array<i32>} : memref<2x80x64xf32, #tpu.memory_space<vmem>>, vector<1x1x16xf32>,
        %parallel_loop3A_898 = vector.shape_cast %parallel_loop3A_897 : vector<1x1x16xf32> to vector<16xf32>
        %parallel_loop3A_899 = arith.mulf %parallel_loop3A_898, %parallel_loop3A_860 : vector<16xf32>
        %parallel_loop3A_900 = arith.constant 0 : i32
        %parallel_loop3A_901 = arith.index_cast %parallel_loop3A_900 : i32 to index
        %parallel_loop3A_902 = arith.index_cast %parallel_loop3A_864 : i32 to index
        %parallel_loop3A_903 = arith.constant 32 : index
        %parallel_loop3A_904 = tpu.vector_load %arg11[%parallel_loop3A_901, %parallel_loop3A_902, %parallel_loop3A_903] {strides = array<i32>} : memref<2x80x64xf32, #tpu.memory_space<vmem>>, vector<1x1x16xf32>,
        %parallel_loop3A_905 = vector.shape_cast %parallel_loop3A_904 : vector<1x1x16xf32> to vector<16xf32>
        %parallel_loop3A_906 = vector.shape_cast %parallel_loop3A_899 : vector<16xf32> to vector<1x1x16xf32>
        tpu.vector_store %arg11[%parallel_loop3A_901, %parallel_loop3A_902, %parallel_loop3A_903], %parallel_loop3A_906 {strides = array<i32>} : memref<2x80x64xf32, #tpu.memory_space<vmem>>, vector<1x1x16xf32>,
        %parallel_loop3A_907 = arith.constant 0 : i32
        %parallel_loop3A_908 = arith.index_cast %parallel_loop3A_907 : i32 to index
        %parallel_loop3A_909 = arith.index_cast %parallel_loop3A_864 : i32 to index
        %parallel_loop3A_910 = arith.constant 48 : index
        %parallel_loop3A_911 = tpu.vector_load %arg10[%parallel_loop3A_908, %parallel_loop3A_909, %parallel_loop3A_910] {strides = array<i32>} : memref<2x80x64xf32, #tpu.memory_space<vmem>>, vector<1x1x16xf32>,
        %parallel_loop3A_912 = vector.shape_cast %parallel_loop3A_911 : vector<1x1x16xf32> to vector<16xf32>
        %parallel_loop3A_913 = arith.mulf %parallel_loop3A_912, %parallel_loop3A_860 : vector<16xf32>
        %parallel_loop3A_914 = arith.constant 0 : i32
        %parallel_loop3A_915 = arith.index_cast %parallel_loop3A_914 : i32 to index
        %parallel_loop3A_916 = arith.index_cast %parallel_loop3A_864 : i32 to index
        %parallel_loop3A_917 = arith.constant 48 : index
        %parallel_loop3A_918 = tpu.vector_load %arg11[%parallel_loop3A_915, %parallel_loop3A_916, %parallel_loop3A_917] {strides = array<i32>} : memref<2x80x64xf32, #tpu.memory_space<vmem>>, vector<1x1x16xf32>,
        %parallel_loop3A_919 = vector.shape_cast %parallel_loop3A_918 : vector<1x1x16xf32> to vector<16xf32>
        %parallel_loop3A_920 = vector.shape_cast %parallel_loop3A_913 : vector<16xf32> to vector<1x1x16xf32>
        tpu.vector_store %arg11[%parallel_loop3A_915, %parallel_loop3A_916, %parallel_loop3A_917], %parallel_loop3A_920 {strides = array<i32>} : memref<2x80x64xf32, #tpu.memory_space<vmem>>, vector<1x1x16xf32>,
        %parallel_loop3A_921 = vector.extract_strided_slice %parallel_loop3A_164 {offsets = [12], sizes = [1], strides = [1]} : vector<16xf32> to vector<1xf32>
        %parallel_loop3A_922 = vector.extract %parallel_loop3A_921[0] : f32 from vector<1xf32>
        %parallel_loop3A_923 = vector.broadcast %parallel_loop3A_922 : f32 to vector<16xf32>
        %parallel_loop3A_924 = arith.constant 16 : i32
        %parallel_loop3A_925 = arith.muli %parallel_loop3A_924, %parallel_loop3A_156 : i32
        %parallel_loop3A_926 = arith.constant 12 : i32
        %parallel_loop3A_927 = arith.addi %parallel_loop3A_925, %parallel_loop3A_926 : i32
        %parallel_loop3A_928 = arith.constant 0 : i32
        %parallel_loop3A_929 = arith.index_cast %parallel_loop3A_928 : i32 to index
        %parallel_loop3A_930 = arith.index_cast %parallel_loop3A_927 : i32 to index
        %parallel_loop3A_931 = arith.constant 0 : index
        %parallel_loop3A_932 = tpu.vector_load %arg10[%parallel_loop3A_929, %parallel_loop3A_930, %parallel_loop3A_931] {strides = array<i32>} : memref<2x80x64xf32, #tpu.memory_space<vmem>>, vector<1x1x16xf32>,
        %parallel_loop3A_933 = vector.shape_cast %parallel_loop3A_932 : vector<1x1x16xf32> to vector<16xf32>
        %parallel_loop3A_934 = arith.mulf %parallel_loop3A_933, %parallel_loop3A_923 : vector<16xf32>
        %parallel_loop3A_935 = arith.constant 0 : i32
        %parallel_loop3A_936 = arith.index_cast %parallel_loop3A_935 : i32 to index
        %parallel_loop3A_937 = arith.index_cast %parallel_loop3A_927 : i32 to index
        %parallel_loop3A_938 = arith.constant 0 : index
        %parallel_loop3A_939 = tpu.vector_load %arg11[%parallel_loop3A_936, %parallel_loop3A_937, %parallel_loop3A_938] {strides = array<i32>} : memref<2x80x64xf32, #tpu.memory_space<vmem>>, vector<1x1x16xf32>,
        %parallel_loop3A_940 = vector.shape_cast %parallel_loop3A_939 : vector<1x1x16xf32> to vector<16xf32>
        %parallel_loop3A_941 = vector.shape_cast %parallel_loop3A_934 : vector<16xf32> to vector<1x1x16xf32>
        tpu.vector_store %arg11[%parallel_loop3A_936, %parallel_loop3A_937, %parallel_loop3A_938], %parallel_loop3A_941 {strides = array<i32>} : memref<2x80x64xf32, #tpu.memory_space<vmem>>, vector<1x1x16xf32>,
        %parallel_loop3A_942 = arith.constant 0 : i32
        %parallel_loop3A_943 = arith.index_cast %parallel_loop3A_942 : i32 to index
        %parallel_loop3A_944 = arith.index_cast %parallel_loop3A_927 : i32 to index
        %parallel_loop3A_945 = arith.constant 16 : index
        %parallel_loop3A_946 = tpu.vector_load %arg10[%parallel_loop3A_943, %parallel_loop3A_944, %parallel_loop3A_945] {strides = array<i32>} : memref<2x80x64xf32, #tpu.memory_space<vmem>>, vector<1x1x16xf32>,
        %parallel_loop3A_947 = vector.shape_cast %parallel_loop3A_946 : vector<1x1x16xf32> to vector<16xf32>
        %parallel_loop3A_948 = arith.mulf %parallel_loop3A_947, %parallel_loop3A_923 : vector<16xf32>
        %parallel_loop3A_949 = arith.constant 0 : i32
        %parallel_loop3A_950 = arith.index_cast %parallel_loop3A_949 : i32 to index
        %parallel_loop3A_951 = arith.index_cast %parallel_loop3A_927 : i32 to index
        %parallel_loop3A_952 = arith.constant 16 : index
        %parallel_loop3A_953 = tpu.vector_load %arg11[%parallel_loop3A_950, %parallel_loop3A_951, %parallel_loop3A_952] {strides = array<i32>} : memref<2x80x64xf32, #tpu.memory_space<vmem>>, vector<1x1x16xf32>,
        %parallel_loop3A_954 = vector.shape_cast %parallel_loop3A_953 : vector<1x1x16xf32> to vector<16xf32>
        %parallel_loop3A_955 = vector.shape_cast %parallel_loop3A_948 : vector<16xf32> to vector<1x1x16xf32>
        tpu.vector_store %arg11[%parallel_loop3A_950, %parallel_loop3A_951, %parallel_loop3A_952], %parallel_loop3A_955 {strides = array<i32>} : memref<2x80x64xf32, #tpu.memory_space<vmem>>, vector<1x1x16xf32>,
        %parallel_loop3A_956 = arith.constant 0 : i32
        %parallel_loop3A_957 = arith.index_cast %parallel_loop3A_956 : i32 to index
        %parallel_loop3A_958 = arith.index_cast %parallel_loop3A_927 : i32 to index
        %parallel_loop3A_959 = arith.constant 32 : index
        %parallel_loop3A_960 = tpu.vector_load %arg10[%parallel_loop3A_957, %parallel_loop3A_958, %parallel_loop3A_959] {strides = array<i32>} : memref<2x80x64xf32, #tpu.memory_space<vmem>>, vector<1x1x16xf32>,
        %parallel_loop3A_961 = vector.shape_cast %parallel_loop3A_960 : vector<1x1x16xf32> to vector<16xf32>
        %parallel_loop3A_962 = arith.mulf %parallel_loop3A_961, %parallel_loop3A_923 : vector<16xf32>
        %parallel_loop3A_963 = arith.constant 0 : i32
        %parallel_loop3A_964 = arith.index_cast %parallel_loop3A_963 : i32 to index
        %parallel_loop3A_965 = arith.index_cast %parallel_loop3A_927 : i32 to index
        %parallel_loop3A_966 = arith.constant 32 : index
        %parallel_loop3A_967 = tpu.vector_load %arg11[%parallel_loop3A_964, %parallel_loop3A_965, %parallel_loop3A_966] {strides = array<i32>} : memref<2x80x64xf32, #tpu.memory_space<vmem>>, vector<1x1x16xf32>,
        %parallel_loop3A_968 = vector.shape_cast %parallel_loop3A_967 : vector<1x1x16xf32> to vector<16xf32>
        %parallel_loop3A_969 = vector.shape_cast %parallel_loop3A_962 : vector<16xf32> to vector<1x1x16xf32>
        tpu.vector_store %arg11[%parallel_loop3A_964, %parallel_loop3A_965, %parallel_loop3A_966], %parallel_loop3A_969 {strides = array<i32>} : memref<2x80x64xf32, #tpu.memory_space<vmem>>, vector<1x1x16xf32>,
        %parallel_loop3A_970 = arith.constant 0 : i32
        %parallel_loop3A_971 = arith.index_cast %parallel_loop3A_970 : i32 to index
        %parallel_loop3A_972 = arith.index_cast %parallel_loop3A_927 : i32 to index
        %parallel_loop3A_973 = arith.constant 48 : index
        %parallel_loop3A_974 = tpu.vector_load %arg10[%parallel_loop3A_971, %parallel_loop3A_972, %parallel_loop3A_973] {strides = array<i32>} : memref<2x80x64xf32, #tpu.memory_space<vmem>>, vector<1x1x16xf32>,
        %parallel_loop3A_975 = vector.shape_cast %parallel_loop3A_974 : vector<1x1x16xf32> to vector<16xf32>
        %parallel_loop3A_976 = arith.mulf %parallel_loop3A_975, %parallel_loop3A_923 : vector<16xf32>
        %parallel_loop3A_977 = arith.constant 0 : i32
        %parallel_loop3A_978 = arith.index_cast %parallel_loop3A_977 : i32 to index
        %parallel_loop3A_979 = arith.index_cast %parallel_loop3A_927 : i32 to index
        %parallel_loop3A_980 = arith.constant 48 : index
        %parallel_loop3A_981 = tpu.vector_load %arg11[%parallel_loop3A_978, %parallel_loop3A_979, %parallel_loop3A_980] {strides = array<i32>} : memref<2x80x64xf32, #tpu.memory_space<vmem>>, vector<1x1x16xf32>,
        %parallel_loop3A_982 = vector.shape_cast %parallel_loop3A_981 : vector<1x1x16xf32> to vector<16xf32>
        %parallel_loop3A_983 = vector.shape_cast %parallel_loop3A_976 : vector<16xf32> to vector<1x1x16xf32>
        tpu.vector_store %arg11[%parallel_loop3A_978, %parallel_loop3A_979, %parallel_loop3A_980], %parallel_loop3A_983 {strides = array<i32>} : memref<2x80x64xf32, #tpu.memory_space<vmem>>, vector<1x1x16xf32>,
        %parallel_loop3A_984 = vector.extract_strided_slice %parallel_loop3A_164 {offsets = [13], sizes = [1], strides = [1]} : vector<16xf32> to vector<1xf32>
        %parallel_loop3A_985 = vector.extract %parallel_loop3A_984[0] : f32 from vector<1xf32>
        %parallel_loop3A_986 = vector.broadcast %parallel_loop3A_985 : f32 to vector<16xf32>
        %parallel_loop3A_987 = arith.constant 16 : i32
        %parallel_loop3A_988 = arith.muli %parallel_loop3A_987, %parallel_loop3A_156 : i32
        %parallel_loop3A_989 = arith.constant 13 : i32
        %parallel_loop3A_990 = arith.addi %parallel_loop3A_988, %parallel_loop3A_989 : i32
        %parallel_loop3A_991 = arith.constant 0 : i32
        %parallel_loop3A_992 = arith.index_cast %parallel_loop3A_991 : i32 to index
        %parallel_loop3A_993 = arith.index_cast %parallel_loop3A_990 : i32 to index
        %parallel_loop3A_994 = arith.constant 0 : index
        %parallel_loop3A_995 = tpu.vector_load %arg10[%parallel_loop3A_992, %parallel_loop3A_993, %parallel_loop3A_994] {strides = array<i32>} : memref<2x80x64xf32, #tpu.memory_space<vmem>>, vector<1x1x16xf32>,
        %parallel_loop3A_996 = vector.shape_cast %parallel_loop3A_995 : vector<1x1x16xf32> to vector<16xf32>
        %parallel_loop3A_997 = arith.mulf %parallel_loop3A_996, %parallel_loop3A_986 : vector<16xf32>
        %parallel_loop3A_998 = arith.constant 0 : i32
        %parallel_loop3A_999 = arith.index_cast %parallel_loop3A_998 : i32 to index
        %parallel_loop3A_1000 = arith.index_cast %parallel_loop3A_990 : i32 to index
        %parallel_loop3A_1001 = arith.constant 0 : index
        %parallel_loop3A_1002 = tpu.vector_load %arg11[%parallel_loop3A_999, %parallel_loop3A_1000, %parallel_loop3A_1001] {strides = array<i32>} : memref<2x80x64xf32, #tpu.memory_space<vmem>>, vector<1x1x16xf32>,
        %parallel_loop3A_1003 = vector.shape_cast %parallel_loop3A_1002 : vector<1x1x16xf32> to vector<16xf32>
        %parallel_loop3A_1004 = vector.shape_cast %parallel_loop3A_997 : vector<16xf32> to vector<1x1x16xf32>
        tpu.vector_store %arg11[%parallel_loop3A_999, %parallel_loop3A_1000, %parallel_loop3A_1001], %parallel_loop3A_1004 {strides = array<i32>} : memref<2x80x64xf32, #tpu.memory_space<vmem>>, vector<1x1x16xf32>,
        %parallel_loop3A_1005 = arith.constant 0 : i32
        %parallel_loop3A_1006 = arith.index_cast %parallel_loop3A_1005 : i32 to index
        %parallel_loop3A_1007 = arith.index_cast %parallel_loop3A_990 : i32 to index
        %parallel_loop3A_1008 = arith.constant 16 : index
        %parallel_loop3A_1009 = tpu.vector_load %arg10[%parallel_loop3A_1006, %parallel_loop3A_1007, %parallel_loop3A_1008] {strides = array<i32>} : memref<2x80x64xf32, #tpu.memory_space<vmem>>, vector<1x1x16xf32>,
        %parallel_loop3A_1010 = vector.shape_cast %parallel_loop3A_1009 : vector<1x1x16xf32> to vector<16xf32>
        %parallel_loop3A_1011 = arith.mulf %parallel_loop3A_1010, %parallel_loop3A_986 : vector<16xf32>
        %parallel_loop3A_1012 = arith.constant 0 : i32
        %parallel_loop3A_1013 = arith.index_cast %parallel_loop3A_1012 : i32 to index
        %parallel_loop3A_1014 = arith.index_cast %parallel_loop3A_990 : i32 to index
        %parallel_loop3A_1015 = arith.constant 16 : index
        %parallel_loop3A_1016 = tpu.vector_load %arg11[%parallel_loop3A_1013, %parallel_loop3A_1014, %parallel_loop3A_1015] {strides = array<i32>} : memref<2x80x64xf32, #tpu.memory_space<vmem>>, vector<1x1x16xf32>,
        %parallel_loop3A_1017 = vector.shape_cast %parallel_loop3A_1016 : vector<1x1x16xf32> to vector<16xf32>
        %parallel_loop3A_1018 = vector.shape_cast %parallel_loop3A_1011 : vector<16xf32> to vector<1x1x16xf32>
        tpu.vector_store %arg11[%parallel_loop3A_1013, %parallel_loop3A_1014, %parallel_loop3A_1015], %parallel_loop3A_1018 {strides = array<i32>} : memref<2x80x64xf32, #tpu.memory_space<vmem>>, vector<1x1x16xf32>,
        %parallel_loop3A_1019 = arith.constant 0 : i32
        %parallel_loop3A_1020 = arith.index_cast %parallel_loop3A_1019 : i32 to index
        %parallel_loop3A_1021 = arith.index_cast %parallel_loop3A_990 : i32 to index
        %parallel_loop3A_1022 = arith.constant 32 : index
        %parallel_loop3A_1023 = tpu.vector_load %arg10[%parallel_loop3A_1020, %parallel_loop3A_1021, %parallel_loop3A_1022] {strides = array<i32>} : memref<2x80x64xf32, #tpu.memory_space<vmem>>, vector<1x1x16xf32>,
        %parallel_loop3A_1024 = vector.shape_cast %parallel_loop3A_1023 : vector<1x1x16xf32> to vector<16xf32>
        %parallel_loop3A_1025 = arith.mulf %parallel_loop3A_1024, %parallel_loop3A_986 : vector<16xf32>
        %parallel_loop3A_1026 = arith.constant 0 : i32
        %parallel_loop3A_1027 = arith.index_cast %parallel_loop3A_1026 : i32 to index
        %parallel_loop3A_1028 = arith.index_cast %parallel_loop3A_990 : i32 to index
        %parallel_loop3A_1029 = arith.constant 32 : index
        %parallel_loop3A_1030 = tpu.vector_load %arg11[%parallel_loop3A_1027, %parallel_loop3A_1028, %parallel_loop3A_1029] {strides = array<i32>} : memref<2x80x64xf32, #tpu.memory_space<vmem>>, vector<1x1x16xf32>,
        %parallel_loop3A_1031 = vector.shape_cast %parallel_loop3A_1030 : vector<1x1x16xf32> to vector<16xf32>
        %parallel_loop3A_1032 = vector.shape_cast %parallel_loop3A_1025 : vector<16xf32> to vector<1x1x16xf32>
        tpu.vector_store %arg11[%parallel_loop3A_1027, %parallel_loop3A_1028, %parallel_loop3A_1029], %parallel_loop3A_1032 {strides = array<i32>} : memref<2x80x64xf32, #tpu.memory_space<vmem>>, vector<1x1x16xf32>,
        %parallel_loop3A_1033 = arith.constant 0 : i32
        %parallel_loop3A_1034 = arith.index_cast %parallel_loop3A_1033 : i32 to index
        %parallel_loop3A_1035 = arith.index_cast %parallel_loop3A_990 : i32 to index
        %parallel_loop3A_1036 = arith.constant 48 : index
        %parallel_loop3A_1037 = tpu.vector_load %arg10[%parallel_loop3A_1034, %parallel_loop3A_1035, %parallel_loop3A_1036] {strides = array<i32>} : memref<2x80x64xf32, #tpu.memory_space<vmem>>, vector<1x1x16xf32>,
        %parallel_loop3A_1038 = vector.shape_cast %parallel_loop3A_1037 : vector<1x1x16xf32> to vector<16xf32>
        %parallel_loop3A_1039 = arith.mulf %parallel_loop3A_1038, %parallel_loop3A_986 : vector<16xf32>
        %parallel_loop3A_1040 = arith.constant 0 : i32
        %parallel_loop3A_1041 = arith.index_cast %parallel_loop3A_1040 : i32 to index
        %parallel_loop3A_1042 = arith.index_cast %parallel_loop3A_990 : i32 to index
        %parallel_loop3A_1043 = arith.constant 48 : index
        %parallel_loop3A_1044 = tpu.vector_load %arg11[%parallel_loop3A_1041, %parallel_loop3A_1042, %parallel_loop3A_1043] {strides = array<i32>} : memref<2x80x64xf32, #tpu.memory_space<vmem>>, vector<1x1x16xf32>,
        %parallel_loop3A_1045 = vector.shape_cast %parallel_loop3A_1044 : vector<1x1x16xf32> to vector<16xf32>
        %parallel_loop3A_1046 = vector.shape_cast %parallel_loop3A_1039 : vector<16xf32> to vector<1x1x16xf32>
        tpu.vector_store %arg11[%parallel_loop3A_1041, %parallel_loop3A_1042, %parallel_loop3A_1043], %parallel_loop3A_1046 {strides = array<i32>} : memref<2x80x64xf32, #tpu.memory_space<vmem>>, vector<1x1x16xf32>,
        %parallel_loop3A_1047 = vector.extract_strided_slice %parallel_loop3A_164 {offsets = [14], sizes = [1], strides = [1]} : vector<16xf32> to vector<1xf32>
        %parallel_loop3A_1048 = vector.extract %parallel_loop3A_1047[0] : f32 from vector<1xf32>
        %parallel_loop3A_1049 = vector.broadcast %parallel_loop3A_1048 : f32 to vector<16xf32>
        %parallel_loop3A_1050 = arith.constant 16 : i32
        %parallel_loop3A_1051 = arith.muli %parallel_loop3A_1050, %parallel_loop3A_156 : i32
        %parallel_loop3A_1052 = arith.constant 14 : i32
        %parallel_loop3A_1053 = arith.addi %parallel_loop3A_1051, %parallel_loop3A_1052 : i32
        %parallel_loop3A_1054 = arith.constant 0 : i32
        %parallel_loop3A_1055 = arith.index_cast %parallel_loop3A_1054 : i32 to index
        %parallel_loop3A_1056 = arith.index_cast %parallel_loop3A_1053 : i32 to index
        %parallel_loop3A_1057 = arith.constant 0 : index
        %parallel_loop3A_1058 = tpu.vector_load %arg10[%parallel_loop3A_1055, %parallel_loop3A_1056, %parallel_loop3A_1057] {strides = array<i32>} : memref<2x80x64xf32, #tpu.memory_space<vmem>>, vector<1x1x16xf32>,
        %parallel_loop3A_1059 = vector.shape_cast %parallel_loop3A_1058 : vector<1x1x16xf32> to vector<16xf32>
        %parallel_loop3A_1060 = arith.mulf %parallel_loop3A_1059, %parallel_loop3A_1049 : vector<16xf32>
        %parallel_loop3A_1061 = arith.constant 0 : i32
        %parallel_loop3A_1062 = arith.index_cast %parallel_loop3A_1061 : i32 to index
        %parallel_loop3A_1063 = arith.index_cast %parallel_loop3A_1053 : i32 to index
        %parallel_loop3A_1064 = arith.constant 0 : index
        %parallel_loop3A_1065 = tpu.vector_load %arg11[%parallel_loop3A_1062, %parallel_loop3A_1063, %parallel_loop3A_1064] {strides = array<i32>} : memref<2x80x64xf32, #tpu.memory_space<vmem>>, vector<1x1x16xf32>,
        %parallel_loop3A_1066 = vector.shape_cast %parallel_loop3A_1065 : vector<1x1x16xf32> to vector<16xf32>
        %parallel_loop3A_1067 = vector.shape_cast %parallel_loop3A_1060 : vector<16xf32> to vector<1x1x16xf32>
        tpu.vector_store %arg11[%parallel_loop3A_1062, %parallel_loop3A_1063, %parallel_loop3A_1064], %parallel_loop3A_1067 {strides = array<i32>} : memref<2x80x64xf32, #tpu.memory_space<vmem>>, vector<1x1x16xf32>,
        %parallel_loop3A_1068 = arith.constant 0 : i32
        %parallel_loop3A_1069 = arith.index_cast %parallel_loop3A_1068 : i32 to index
        %parallel_loop3A_1070 = arith.index_cast %parallel_loop3A_1053 : i32 to index
        %parallel_loop3A_1071 = arith.constant 16 : index
        %parallel_loop3A_1072 = tpu.vector_load %arg10[%parallel_loop3A_1069, %parallel_loop3A_1070, %parallel_loop3A_1071] {strides = array<i32>} : memref<2x80x64xf32, #tpu.memory_space<vmem>>, vector<1x1x16xf32>,
        %parallel_loop3A_1073 = vector.shape_cast %parallel_loop3A_1072 : vector<1x1x16xf32> to vector<16xf32>
        %parallel_loop3A_1074 = arith.mulf %parallel_loop3A_1073, %parallel_loop3A_1049 : vector<16xf32>
        %parallel_loop3A_1075 = arith.constant 0 : i32
        %parallel_loop3A_1076 = arith.index_cast %parallel_loop3A_1075 : i32 to index
        %parallel_loop3A_1077 = arith.index_cast %parallel_loop3A_1053 : i32 to index
        %parallel_loop3A_1078 = arith.constant 16 : index
        %parallel_loop3A_1079 = tpu.vector_load %arg11[%parallel_loop3A_1076, %parallel_loop3A_1077, %parallel_loop3A_1078] {strides = array<i32>} : memref<2x80x64xf32, #tpu.memory_space<vmem>>, vector<1x1x16xf32>,
        %parallel_loop3A_1080 = vector.shape_cast %parallel_loop3A_1079 : vector<1x1x16xf32> to vector<16xf32>
        %parallel_loop3A_1081 = vector.shape_cast %parallel_loop3A_1074 : vector<16xf32> to vector<1x1x16xf32>
        tpu.vector_store %arg11[%parallel_loop3A_1076, %parallel_loop3A_1077, %parallel_loop3A_1078], %parallel_loop3A_1081 {strides = array<i32>} : memref<2x80x64xf32, #tpu.memory_space<vmem>>, vector<1x1x16xf32>,
        %parallel_loop3A_1082 = arith.constant 0 : i32
        %parallel_loop3A_1083 = arith.index_cast %parallel_loop3A_1082 : i32 to index
        %parallel_loop3A_1084 = arith.index_cast %parallel_loop3A_1053 : i32 to index
        %parallel_loop3A_1085 = arith.constant 32 : index
        %parallel_loop3A_1086 = tpu.vector_load %arg10[%parallel_loop3A_1083, %parallel_loop3A_1084, %parallel_loop3A_1085] {strides = array<i32>} : memref<2x80x64xf32, #tpu.memory_space<vmem>>, vector<1x1x16xf32>,
        %parallel_loop3A_1087 = vector.shape_cast %parallel_loop3A_1086 : vector<1x1x16xf32> to vector<16xf32>
        %parallel_loop3A_1088 = arith.mulf %parallel_loop3A_1087, %parallel_loop3A_1049 : vector<16xf32>
        %parallel_loop3A_1089 = arith.constant 0 : i32
        %parallel_loop3A_1090 = arith.index_cast %parallel_loop3A_1089 : i32 to index
        %parallel_loop3A_1091 = arith.index_cast %parallel_loop3A_1053 : i32 to index
        %parallel_loop3A_1092 = arith.constant 32 : index
        %parallel_loop3A_1093 = tpu.vector_load %arg11[%parallel_loop3A_1090, %parallel_loop3A_1091, %parallel_loop3A_1092] {strides = array<i32>} : memref<2x80x64xf32, #tpu.memory_space<vmem>>, vector<1x1x16xf32>,
        %parallel_loop3A_1094 = vector.shape_cast %parallel_loop3A_1093 : vector<1x1x16xf32> to vector<16xf32>
        %parallel_loop3A_1095 = vector.shape_cast %parallel_loop3A_1088 : vector<16xf32> to vector<1x1x16xf32>
        tpu.vector_store %arg11[%parallel_loop3A_1090, %parallel_loop3A_1091, %parallel_loop3A_1092], %parallel_loop3A_1095 {strides = array<i32>} : memref<2x80x64xf32, #tpu.memory_space<vmem>>, vector<1x1x16xf32>,
        %parallel_loop3A_1096 = arith.constant 0 : i32
        %parallel_loop3A_1097 = arith.index_cast %parallel_loop3A_1096 : i32 to index
        %parallel_loop3A_1098 = arith.index_cast %parallel_loop3A_1053 : i32 to index
        %parallel_loop3A_1099 = arith.constant 48 : index
        %parallel_loop3A_1100 = tpu.vector_load %arg10[%parallel_loop3A_1097, %parallel_loop3A_1098, %parallel_loop3A_1099] {strides = array<i32>} : memref<2x80x64xf32, #tpu.memory_space<vmem>>, vector<1x1x16xf32>,
        %parallel_loop3A_1101 = vector.shape_cast %parallel_loop3A_1100 : vector<1x1x16xf32> to vector<16xf32>
        %parallel_loop3A_1102 = arith.mulf %parallel_loop3A_1101, %parallel_loop3A_1049 : vector<16xf32>
        %parallel_loop3A_1103 = arith.constant 0 : i32
        %parallel_loop3A_1104 = arith.index_cast %parallel_loop3A_1103 : i32 to index
        %parallel_loop3A_1105 = arith.index_cast %parallel_loop3A_1053 : i32 to index
        %parallel_loop3A_1106 = arith.constant 48 : index
        %parallel_loop3A_1107 = tpu.vector_load %arg11[%parallel_loop3A_1104, %parallel_loop3A_1105, %parallel_loop3A_1106] {strides = array<i32>} : memref<2x80x64xf32, #tpu.memory_space<vmem>>, vector<1x1x16xf32>,
        %parallel_loop3A_1108 = vector.shape_cast %parallel_loop3A_1107 : vector<1x1x16xf32> to vector<16xf32>
        %parallel_loop3A_1109 = vector.shape_cast %parallel_loop3A_1102 : vector<16xf32> to vector<1x1x16xf32>
        tpu.vector_store %arg11[%parallel_loop3A_1104, %parallel_loop3A_1105, %parallel_loop3A_1106], %parallel_loop3A_1109 {strides = array<i32>} : memref<2x80x64xf32, #tpu.memory_space<vmem>>, vector<1x1x16xf32>,
        %parallel_loop3A_1110 = vector.extract_strided_slice %parallel_loop3A_164 {offsets = [15], sizes = [1], strides = [1]} : vector<16xf32> to vector<1xf32>
        %parallel_loop3A_1111 = vector.extract %parallel_loop3A_1110[0] : f32 from vector<1xf32>
        %parallel_loop3A_1112 = vector.broadcast %parallel_loop3A_1111 : f32 to vector<16xf32>
        %parallel_loop3A_1113 = arith.constant 16 : i32
        %parallel_loop3A_1114 = arith.muli %parallel_loop3A_1113, %parallel_loop3A_156 : i32
        %parallel_loop3A_1115 = arith.constant 15 : i32
        %parallel_loop3A_1116 = arith.addi %parallel_loop3A_1114, %parallel_loop3A_1115 : i32
        %parallel_loop3A_1117 = arith.constant 0 : i32
        %parallel_loop3A_1118 = arith.index_cast %parallel_loop3A_1117 : i32 to index
        %parallel_loop3A_1119 = arith.index_cast %parallel_loop3A_1116 : i32 to index
        %parallel_loop3A_1120 = arith.constant 0 : index
        %parallel_loop3A_1121 = tpu.vector_load %arg10[%parallel_loop3A_1118, %parallel_loop3A_1119, %parallel_loop3A_1120] {strides = array<i32>} : memref<2x80x64xf32, #tpu.memory_space<vmem>>, vector<1x1x16xf32>,
        %parallel_loop3A_1122 = vector.shape_cast %parallel_loop3A_1121 : vector<1x1x16xf32> to vector<16xf32>
        %parallel_loop3A_1123 = arith.mulf %parallel_loop3A_1122, %parallel_loop3A_1112 : vector<16xf32>
        %parallel_loop3A_1124 = arith.constant 0 : i32
        %parallel_loop3A_1125 = arith.index_cast %parallel_loop3A_1124 : i32 to index
        %parallel_loop3A_1126 = arith.index_cast %parallel_loop3A_1116 : i32 to index
        %parallel_loop3A_1127 = arith.constant 0 : index
        %parallel_loop3A_1128 = tpu.vector_load %arg11[%parallel_loop3A_1125, %parallel_loop3A_1126, %parallel_loop3A_1127] {strides = array<i32>} : memref<2x80x64xf32, #tpu.memory_space<vmem>>, vector<1x1x16xf32>,
        %parallel_loop3A_1129 = vector.shape_cast %parallel_loop3A_1128 : vector<1x1x16xf32> to vector<16xf32>
        %parallel_loop3A_1130 = vector.shape_cast %parallel_loop3A_1123 : vector<16xf32> to vector<1x1x16xf32>
        tpu.vector_store %arg11[%parallel_loop3A_1125, %parallel_loop3A_1126, %parallel_loop3A_1127], %parallel_loop3A_1130 {strides = array<i32>} : memref<2x80x64xf32, #tpu.memory_space<vmem>>, vector<1x1x16xf32>,
        %parallel_loop3A_1131 = arith.constant 0 : i32
        %parallel_loop3A_1132 = arith.index_cast %parallel_loop3A_1131 : i32 to index
        %parallel_loop3A_1133 = arith.index_cast %parallel_loop3A_1116 : i32 to index
        %parallel_loop3A_1134 = arith.constant 16 : index
        %parallel_loop3A_1135 = tpu.vector_load %arg10[%parallel_loop3A_1132, %parallel_loop3A_1133, %parallel_loop3A_1134] {strides = array<i32>} : memref<2x80x64xf32, #tpu.memory_space<vmem>>, vector<1x1x16xf32>,
        %parallel_loop3A_1136 = vector.shape_cast %parallel_loop3A_1135 : vector<1x1x16xf32> to vector<16xf32>
        %parallel_loop3A_1137 = arith.mulf %parallel_loop3A_1136, %parallel_loop3A_1112 : vector<16xf32>
        %parallel_loop3A_1138 = arith.constant 0 : i32
        %parallel_loop3A_1139 = arith.index_cast %parallel_loop3A_1138 : i32 to index
        %parallel_loop3A_1140 = arith.index_cast %parallel_loop3A_1116 : i32 to index
        %parallel_loop3A_1141 = arith.constant 16 : index
        %parallel_loop3A_1142 = tpu.vector_load %arg11[%parallel_loop3A_1139, %parallel_loop3A_1140, %parallel_loop3A_1141] {strides = array<i32>} : memref<2x80x64xf32, #tpu.memory_space<vmem>>, vector<1x1x16xf32>,
        %parallel_loop3A_1143 = vector.shape_cast %parallel_loop3A_1142 : vector<1x1x16xf32> to vector<16xf32>
        %parallel_loop3A_1144 = vector.shape_cast %parallel_loop3A_1137 : vector<16xf32> to vector<1x1x16xf32>
        tpu.vector_store %arg11[%parallel_loop3A_1139, %parallel_loop3A_1140, %parallel_loop3A_1141], %parallel_loop3A_1144 {strides = array<i32>} : memref<2x80x64xf32, #tpu.memory_space<vmem>>, vector<1x1x16xf32>,
        %parallel_loop3A_1145 = arith.constant 0 : i32
        %parallel_loop3A_1146 = arith.index_cast %parallel_loop3A_1145 : i32 to index
        %parallel_loop3A_1147 = arith.index_cast %parallel_loop3A_1116 : i32 to index
        %parallel_loop3A_1148 = arith.constant 32 : index
        %parallel_loop3A_1149 = tpu.vector_load %arg10[%parallel_loop3A_1146, %parallel_loop3A_1147, %parallel_loop3A_1148] {strides = array<i32>} : memref<2x80x64xf32, #tpu.memory_space<vmem>>, vector<1x1x16xf32>,
        %parallel_loop3A_1150 = vector.shape_cast %parallel_loop3A_1149 : vector<1x1x16xf32> to vector<16xf32>
        %parallel_loop3A_1151 = arith.mulf %parallel_loop3A_1150, %parallel_loop3A_1112 : vector<16xf32>
        %parallel_loop3A_1152 = arith.constant 0 : i32
        %parallel_loop3A_1153 = arith.index_cast %parallel_loop3A_1152 : i32 to index
        %parallel_loop3A_1154 = arith.index_cast %parallel_loop3A_1116 : i32 to index
        %parallel_loop3A_1155 = arith.constant 32 : index
        %parallel_loop3A_1156 = tpu.vector_load %arg11[%parallel_loop3A_1153, %parallel_loop3A_1154, %parallel_loop3A_1155] {strides = array<i32>} : memref<2x80x64xf32, #tpu.memory_space<vmem>>, vector<1x1x16xf32>,
        %parallel_loop3A_1157 = vector.shape_cast %parallel_loop3A_1156 : vector<1x1x16xf32> to vector<16xf32>
        %parallel_loop3A_1158 = vector.shape_cast %parallel_loop3A_1151 : vector<16xf32> to vector<1x1x16xf32>
        tpu.vector_store %arg11[%parallel_loop3A_1153, %parallel_loop3A_1154, %parallel_loop3A_1155], %parallel_loop3A_1158 {strides = array<i32>} : memref<2x80x64xf32, #tpu.memory_space<vmem>>, vector<1x1x16xf32>,
        %parallel_loop3A_1159 = arith.constant 0 : i32
        %parallel_loop3A_1160 = arith.index_cast %parallel_loop3A_1159 : i32 to index
        %parallel_loop3A_1161 = arith.index_cast %parallel_loop3A_1116 : i32 to index
        %parallel_loop3A_1162 = arith.constant 48 : index
        %parallel_loop3A_1163 = tpu.vector_load %arg10[%parallel_loop3A_1160, %parallel_loop3A_1161, %parallel_loop3A_1162] {strides = array<i32>} : memref<2x80x64xf32, #tpu.memory_space<vmem>>, vector<1x1x16xf32>,
        %parallel_loop3A_1164 = vector.shape_cast %parallel_loop3A_1163 : vector<1x1x16xf32> to vector<16xf32>
        %parallel_loop3A_1165 = arith.mulf %parallel_loop3A_1164, %parallel_loop3A_1112 : vector<16xf32>
        %parallel_loop3A_1166 = arith.constant 0 : i32
        %parallel_loop3A_1167 = arith.index_cast %parallel_loop3A_1166 : i32 to index
        %parallel_loop3A_1168 = arith.index_cast %parallel_loop3A_1116 : i32 to index
        %parallel_loop3A_1169 = arith.constant 48 : index
        %parallel_loop3A_1170 = tpu.vector_load %arg11[%parallel_loop3A_1167, %parallel_loop3A_1168, %parallel_loop3A_1169] {strides = array<i32>} : memref<2x80x64xf32, #tpu.memory_space<vmem>>, vector<1x1x16xf32>,
        %parallel_loop3A_1171 = vector.shape_cast %parallel_loop3A_1170 : vector<1x1x16xf32> to vector<16xf32>
        %parallel_loop3A_1172 = vector.shape_cast %parallel_loop3A_1165 : vector<16xf32> to vector<1x1x16xf32>
        tpu.vector_store %arg11[%parallel_loop3A_1167, %parallel_loop3A_1168, %parallel_loop3A_1169], %parallel_loop3A_1172 {strides = array<i32>} : memref<2x80x64xf32, #tpu.memory_space<vmem>>, vector<1x1x16xf32>,
      } {sc.loop_unroll_factor = 2 : i64, sc.parallel_access}
      %lt3A = arith.constant 248 : i32
      %lt3A_100 = arith.cmpi slt, %mul3A_78, %lt3A : i32
      %convert_element_type3A_101 = arith.extui %lt3A_100 : i1 to i32
      %cond3A_102 = arith.constant 0 : i32
      %cond3A_103 = arith.cmpi ne, %convert_element_type3A_101, %cond3A_102 : i32
      scf.if %cond3A_103 {
        %add3A_156 = arith.constant 2 : i32
        %add3A_157 = arith.addi %add3A_80, %add3A_156 : i32
        %mul3A_158 = arith.constant 80 : i32
        %mul3A_159 = arith.muli %add3A_157, %mul3A_158 : i32
        %dma_start3A_160 = arith.constant 0 : i32
        %dma_start3A_161 = arith.constant 0 : i32
        %dma_start3A_162 = arith.constant 0 : i32
        %dma_start3A_163 = tpu.memref_slice %arg10[%dma_start3A_160, %dma_start3A_161, %dma_start3A_162] : memref<2x80x64xf32, #tpu.memory_space<vmem>> -> memref<1x80x64xf32, #tpu.memory_space<vmem>>
        %dma_start3A_164 = tpu.memref_squeeze %dma_start3A_163 : memref<1x80x64xf32, #tpu.memory_space<vmem>> -> memref<80x64xf32, #tpu.memory_space<vmem>>
        %dma_start3A_165 = tpu.memref_slice %arg7[%mul3A_159] : memref<20000xi32, #tpu.memory_space<vmem>> -> memref<80xi32, #tpu.memory_space<vmem>>
        %dma_start3A_166 = arith.constant 0 : i32
        %dma_start3A_167 = arith.constant 0 : i32
        %dma_start3A_168 = tpu.memref_slice %arg2[%arg0, %dma_start3A_166, %dma_start3A_167] : memref<2x10000x64xf32, #tpu.memory_space<hbm>> -> memref<1x10000x64xf32, #tpu.memory_space<hbm>>
        %dma_start3A_169 = tpu.memref_squeeze %dma_start3A_168 : memref<1x10000x64xf32, #tpu.memory_space<hbm>> -> memref<10000x64xf32, #tpu.memory_space<hbm>>
        %dma_start3A_170 = arith.constant 0 : i32
        %dma_start3A_171 = arith.constant 0 : i32
        %dma_start3A_172 = tpu.memref_slice %dma_start3A_169[%dma_start3A_170, %dma_start3A_171] : memref<10000x64xf32, #tpu.memory_space<hbm>> -> memref<10000x64xf32, #tpu.memory_space<hbm>>
        tpu.enqueue_indirect_dma source(%dma_start3A_172 : memref<10000x64xf32, #tpu.memory_space<hbm>>) target(%dma_start3A_164 : memref<80x64xf32, #tpu.memory_space<vmem>>) offsets(%dma_start3A_165 : memref<80xi32, #tpu.memory_space<vmem>>) semaphore(%arg14 : memref<!tpu.dma_semaphore, #tpu.memory_space<semaphore_mem>>)
      } else {
      }
      %dma_start3A_104 = arith.constant 0 : i32
      %dma_start3A_105 = arith.constant 0 : i32
      %dma_start3A_106 = arith.constant 0 : i32
      %dma_start3A_107 = tpu.memref_slice %arg11[%dma_start3A_104, %dma_start3A_105, %dma_start3A_106] : memref<2x80x64xf32, #tpu.memory_space<vmem>> -> memref<1x80x64xf32, #tpu.memory_space<vmem>>
      %dma_start3A_108 = tpu.memref_squeeze %dma_start3A_107 : memref<1x80x64xf32, #tpu.memory_space<vmem>> -> memref<80x64xf32, #tpu.memory_space<vmem>>
      %dma_start3A_109 = arith.constant 0 : i32
      %dma_start3A_110 = tpu.memref_slice %arg8[%add3A_80, %dma_start3A_109] : memref<250x80xi32, #tpu.memory_space<vmem>> -> memref<1x80xi32, #tpu.memory_space<vmem>>
      %dma_start3A_111 = tpu.memref_squeeze %dma_start3A_110 : memref<1x80xi32, #tpu.memory_space<vmem>> -> memref<80xi32, #tpu.memory_space<vmem>>
      %dma_start3A_112 = arith.constant 0 : i32
      %dma_start3A_113 = arith.constant 0 : i32
      %dma_start3A_114 = tpu.memref_slice %arg13[%dma_start3A_112, %dma_start3A_113] : memref<10000x64xf32, #tpu.memory_space<vmem_shared>> -> memref<10000x64xf32, #tpu.memory_space<vmem_shared>>
      tpu.enqueue_indirect_dma source(%dma_start3A_108 : memref<80x64xf32, #tpu.memory_space<vmem>>) target(%dma_start3A_114 : memref<10000x64xf32, #tpu.memory_space<vmem_shared>>) offsets(%dma_start3A_111 : memref<80xi32, #tpu.memory_space<vmem>>) semaphore(%arg16 : memref<!tpu.dma_semaphore, #tpu.memory_space<semaphore_mem>>) {add = true}
      %add3A_115 = arith.constant 1 : i32
      %add3A_116 = arith.addi %mul3A_78, %add3A_115 : i32
      %mul3A_117 = arith.constant 80 : i32
      %mul3A_118 = arith.muli %add3A_116, %mul3A_117 : i32
      %dma_wait3A_119 = arith.constant 1 : i32
      %dma_wait3A_120 = arith.constant 0 : i32
      %dma_wait3A_121 = arith.constant 0 : i32
      %dma_wait3A_122 = tpu.memref_slice %arg10[%dma_wait3A_119, %dma_wait3A_120, %dma_wait3A_121] : memref<2x80x64xf32, #tpu.memory_space<vmem>> -> memref<1x80x64xf32, #tpu.memory_space<vmem>>
      %dma_wait3A_123 = tpu.memref_squeeze %dma_wait3A_122 : memref<1x80x64xf32, #tpu.memory_space<vmem>> -> memref<80x64xf32, #tpu.memory_space<vmem>>
      %dma_wait3A_124 = tpu.memref_slice %arg7[%mul3A_118] : memref<20000xi32, #tpu.memory_space<vmem>> -> memref<80xi32, #tpu.memory_space<vmem>>
      %dma_wait3A_125 = arith.constant 0 : i32
      %dma_wait3A_126 = arith.constant 0 : i32
      %dma_wait3A_127 = tpu.memref_slice %arg2[%arg0, %dma_wait3A_125, %dma_wait3A_126] : memref<2x10000x64xf32, #tpu.memory_space<hbm>> -> memref<1x10000x64xf32, #tpu.memory_space<hbm>>
      %dma_wait3A_128 = tpu.memref_squeeze %dma_wait3A_127 : memref<1x10000x64xf32, #tpu.memory_space<hbm>> -> memref<10000x64xf32, #tpu.memory_space<hbm>>
      %dma_wait3A_129 = arith.constant 0 : i32
      %dma_wait3A_130 = arith.constant 0 : i32
      %dma_wait3A_131 = tpu.memref_slice %dma_wait3A_128[%dma_wait3A_129, %dma_wait3A_130] : memref<10000x64xf32, #tpu.memory_space<hbm>> -> memref<10000x64xf32, #tpu.memory_space<hbm>>
      tpu.wait_indirect_dma semaphore(%arg15 : memref<!tpu.dma_semaphore, #tpu.memory_space<semaphore_mem>>) src(%dma_wait3A_131 : memref<10000x64xf32, #tpu.memory_space<hbm>>) dst(%dma_wait3A_123 : memref<80x64xf32, #tpu.memory_space<vmem>>)
      %gt3A_132 = arith.constant 0 : i32
      %gt3A_133 = arith.cmpi sgt, %mul3A_78, %gt3A_132 : i32
      %convert_element_type3A_134 = arith.extui %gt3A_133 : i1 to i32
      %cond3A_135 = arith.constant 0 : i32
      %cond3A_136 = arith.cmpi ne, %convert_element_type3A_134, %cond3A_135 : i32
      scf.if %cond3A_136 {
        %sub3A = arith.constant 2 : i32
        %sub3A_156 = arith.subi %add3A_116, %sub3A : i32
        %dma_wait3A_157 = arith.constant 1 : i32
        %dma_wait3A_158 = arith.constant 0 : i32
        %dma_wait3A_159 = arith.constant 0 : i32
        %dma_wait3A_160 = tpu.memref_slice %arg11[%dma_wait3A_157, %dma_wait3A_158, %dma_wait3A_159] : memref<2x80x64xf32, #tpu.memory_space<vmem>> -> memref<1x80x64xf32, #tpu.memory_space<vmem>>
        %dma_wait3A_161 = tpu.memref_squeeze %dma_wait3A_160 : memref<1x80x64xf32, #tpu.memory_space<vmem>> -> memref<80x64xf32, #tpu.memory_space<vmem>>
        %dma_wait3A_162 = arith.constant 0 : i32
        %dma_wait3A_163 = tpu.memref_slice %arg8[%sub3A_156, %dma_wait3A_162] : memref<250x80xi32, #tpu.memory_space<vmem>> -> memref<1x80xi32, #tpu.memory_space<vmem>>
        %dma_wait3A_164 = tpu.memref_squeeze %dma_wait3A_163 : memref<1x80xi32, #tpu.memory_space<vmem>> -> memref<80xi32, #tpu.memory_space<vmem>>
        %dma_wait3A_165 = arith.constant 0 : i32
        %dma_wait3A_166 = arith.constant 0 : i32
        %dma_wait3A_167 = tpu.memref_slice %arg13[%dma_wait3A_165, %dma_wait3A_166] : memref<10000x64xf32, #tpu.memory_space<vmem_shared>> -> memref<10000x64xf32, #tpu.memory_space<vmem_shared>>
        tpu.wait_indirect_dma semaphore(%arg17 : memref<!tpu.dma_semaphore, #tpu.memory_space<semaphore_mem>>) src(%dma_wait3A_161 : memref<80x64xf32, #tpu.memory_space<vmem>>) dst(%dma_wait3A_167 : memref<10000x64xf32, #tpu.memory_space<vmem_shared>>)
      } else {
      }
      %parallel_loop3A_137 = arith.constant 0 : i32
      %parallel_loop3A_138 = arith.constant 5 : i32
      %parallel_loop3A_139 = arith.constant 1 : i32
      scf.for %parallel_loop3A_156 = %parallel_loop3A_137 to %parallel_loop3A_138 step %parallel_loop3A_139  : i32 {
        %parallel_loop3A_157 = arith.constant 80 : i32
        %parallel_loop3A_158 = arith.muli %add3A_116, %parallel_loop3A_157 : i32
        %parallel_loop3A_159 = arith.constant 16 : i32
        %parallel_loop3A_160 = arith.muli %parallel_loop3A_159, %parallel_loop3A_156 : i32
        %parallel_loop3A_161 = arith.addi %parallel_loop3A_158, %parallel_loop3A_160 : i32
        %parallel_loop3A_162 = arith.index_cast %parallel_loop3A_161 : i32 to index
        %parallel_loop3A_163 = tpu.vector_load %arg9[%parallel_loop3A_162] {strides = array<i32>} : memref<20000xf32, #tpu.memory_space<vmem>>, vector<16xf32>,
        %parallel_loop3A_164 = vector.shape_cast %parallel_loop3A_163 : vector<16xf32> to vector<16xf32>
        %parallel_loop3A_165 = vector.extract_strided_slice %parallel_loop3A_164 {offsets = [0], sizes = [1], strides = [1]} : vector<16xf32> to vector<1xf32>
        %parallel_loop3A_166 = vector.extract %parallel_loop3A_165[0] : f32 from vector<1xf32>
        %parallel_loop3A_167 = vector.broadcast %parallel_loop3A_166 : f32 to vector<16xf32>
        %parallel_loop3A_168 = arith.constant 16 : i32
        %parallel_loop3A_169 = arith.muli %parallel_loop3A_168, %parallel_loop3A_156 : i32
        %parallel_loop3A_170 = arith.constant 0 : i32
        %parallel_loop3A_171 = arith.addi %parallel_loop3A_169, %parallel_loop3A_170 : i32
        %parallel_loop3A_172 = arith.constant 1 : i32
        %parallel_loop3A_173 = arith.index_cast %parallel_loop3A_172 : i32 to index
        %parallel_loop3A_174 = arith.index_cast %parallel_loop3A_171 : i32 to index
        %parallel_loop3A_175 = arith.constant 0 : index
        %parallel_loop3A_176 = tpu.vector_load %arg10[%parallel_loop3A_173, %parallel_loop3A_174, %parallel_loop3A_175] {strides = array<i32>} : memref<2x80x64xf32, #tpu.memory_space<vmem>>, vector<1x1x16xf32>,
        %parallel_loop3A_177 = vector.shape_cast %parallel_loop3A_176 : vector<1x1x16xf32> to vector<16xf32>
        %parallel_loop3A_178 = arith.mulf %parallel_loop3A_177, %parallel_loop3A_167 : vector<16xf32>
        %parallel_loop3A_179 = arith.constant 1 : i32
        %parallel_loop3A_180 = arith.index_cast %parallel_loop3A_179 : i32 to index
        %parallel_loop3A_181 = arith.index_cast %parallel_loop3A_171 : i32 to index
        %parallel_loop3A_182 = arith.constant 0 : index
        %parallel_loop3A_183 = tpu.vector_load %arg11[%parallel_loop3A_180, %parallel_loop3A_181, %parallel_loop3A_182] {strides = array<i32>} : memref<2x80x64xf32, #tpu.memory_space<vmem>>, vector<1x1x16xf32>,
        %parallel_loop3A_184 = vector.shape_cast %parallel_loop3A_183 : vector<1x1x16xf32> to vector<16xf32>
        %parallel_loop3A_185 = vector.shape_cast %parallel_loop3A_178 : vector<16xf32> to vector<1x1x16xf32>
        tpu.vector_store %arg11[%parallel_loop3A_180, %parallel_loop3A_181, %parallel_loop3A_182], %parallel_loop3A_185 {strides = array<i32>} : memref<2x80x64xf32, #tpu.memory_space<vmem>>, vector<1x1x16xf32>,
        %parallel_loop3A_186 = arith.constant 1 : i32
        %parallel_loop3A_187 = arith.index_cast %parallel_loop3A_186 : i32 to index
        %parallel_loop3A_188 = arith.index_cast %parallel_loop3A_171 : i32 to index
        %parallel_loop3A_189 = arith.constant 16 : index
        %parallel_loop3A_190 = tpu.vector_load %arg10[%parallel_loop3A_187, %parallel_loop3A_188, %parallel_loop3A_189] {strides = array<i32>} : memref<2x80x64xf32, #tpu.memory_space<vmem>>, vector<1x1x16xf32>,
        %parallel_loop3A_191 = vector.shape_cast %parallel_loop3A_190 : vector<1x1x16xf32> to vector<16xf32>
        %parallel_loop3A_192 = arith.mulf %parallel_loop3A_191, %parallel_loop3A_167 : vector<16xf32>
        %parallel_loop3A_193 = arith.constant 1 : i32
        %parallel_loop3A_194 = arith.index_cast %parallel_loop3A_193 : i32 to index
        %parallel_loop3A_195 = arith.index_cast %parallel_loop3A_171 : i32 to index
        %parallel_loop3A_196 = arith.constant 16 : index
        %parallel_loop3A_197 = tpu.vector_load %arg11[%parallel_loop3A_194, %parallel_loop3A_195, %parallel_loop3A_196] {strides = array<i32>} : memref<2x80x64xf32, #tpu.memory_space<vmem>>, vector<1x1x16xf32>,
        %parallel_loop3A_198 = vector.shape_cast %parallel_loop3A_197 : vector<1x1x16xf32> to vector<16xf32>
        %parallel_loop3A_199 = vector.shape_cast %parallel_loop3A_192 : vector<16xf32> to vector<1x1x16xf32>
        tpu.vector_store %arg11[%parallel_loop3A_194, %parallel_loop3A_195, %parallel_loop3A_196], %parallel_loop3A_199 {strides = array<i32>} : memref<2x80x64xf32, #tpu.memory_space<vmem>>, vector<1x1x16xf32>,
        %parallel_loop3A_200 = arith.constant 1 : i32
        %parallel_loop3A_201 = arith.index_cast %parallel_loop3A_200 : i32 to index
        %parallel_loop3A_202 = arith.index_cast %parallel_loop3A_171 : i32 to index
        %parallel_loop3A_203 = arith.constant 32 : index
        %parallel_loop3A_204 = tpu.vector_load %arg10[%parallel_loop3A_201, %parallel_loop3A_202, %parallel_loop3A_203] {strides = array<i32>} : memref<2x80x64xf32, #tpu.memory_space<vmem>>, vector<1x1x16xf32>,
        %parallel_loop3A_205 = vector.shape_cast %parallel_loop3A_204 : vector<1x1x16xf32> to vector<16xf32>
        %parallel_loop3A_206 = arith.mulf %parallel_loop3A_205, %parallel_loop3A_167 : vector<16xf32>
        %parallel_loop3A_207 = arith.constant 1 : i32
        %parallel_loop3A_208 = arith.index_cast %parallel_loop3A_207 : i32 to index
        %parallel_loop3A_209 = arith.index_cast %parallel_loop3A_171 : i32 to index
        %parallel_loop3A_210 = arith.constant 32 : index
        %parallel_loop3A_211 = tpu.vector_load %arg11[%parallel_loop3A_208, %parallel_loop3A_209, %parallel_loop3A_210] {strides = array<i32>} : memref<2x80x64xf32, #tpu.memory_space<vmem>>, vector<1x1x16xf32>,
        %parallel_loop3A_212 = vector.shape_cast %parallel_loop3A_211 : vector<1x1x16xf32> to vector<16xf32>
        %parallel_loop3A_213 = vector.shape_cast %parallel_loop3A_206 : vector<16xf32> to vector<1x1x16xf32>
        tpu.vector_store %arg11[%parallel_loop3A_208, %parallel_loop3A_209, %parallel_loop3A_210], %parallel_loop3A_213 {strides = array<i32>} : memref<2x80x64xf32, #tpu.memory_space<vmem>>, vector<1x1x16xf32>,
        %parallel_loop3A_214 = arith.constant 1 : i32
        %parallel_loop3A_215 = arith.index_cast %parallel_loop3A_214 : i32 to index
        %parallel_loop3A_216 = arith.index_cast %parallel_loop3A_171 : i32 to index
        %parallel_loop3A_217 = arith.constant 48 : index
        %parallel_loop3A_218 = tpu.vector_load %arg10[%parallel_loop3A_215, %parallel_loop3A_216, %parallel_loop3A_217] {strides = array<i32>} : memref<2x80x64xf32, #tpu.memory_space<vmem>>, vector<1x1x16xf32>,
        %parallel_loop3A_219 = vector.shape_cast %parallel_loop3A_218 : vector<1x1x16xf32> to vector<16xf32>
        %parallel_loop3A_220 = arith.mulf %parallel_loop3A_219, %parallel_loop3A_167 : vector<16xf32>
        %parallel_loop3A_221 = arith.constant 1 : i32
        %parallel_loop3A_222 = arith.index_cast %parallel_loop3A_221 : i32 to index
        %parallel_loop3A_223 = arith.index_cast %parallel_loop3A_171 : i32 to index
        %parallel_loop3A_224 = arith.constant 48 : index
        %parallel_loop3A_225 = tpu.vector_load %arg11[%parallel_loop3A_222, %parallel_loop3A_223, %parallel_loop3A_224] {strides = array<i32>} : memref<2x80x64xf32, #tpu.memory_space<vmem>>, vector<1x1x16xf32>,
        %parallel_loop3A_226 = vector.shape_cast %parallel_loop3A_225 : vector<1x1x16xf32> to vector<16xf32>
        %parallel_loop3A_227 = vector.shape_cast %parallel_loop3A_220 : vector<16xf32> to vector<1x1x16xf32>
        tpu.vector_store %arg11[%parallel_loop3A_222, %parallel_loop3A_223, %parallel_loop3A_224], %parallel_loop3A_227 {strides = array<i32>} : memref<2x80x64xf32, #tpu.memory_space<vmem>>, vector<1x1x16xf32>,
        %parallel_loop3A_228 = vector.extract_strided_slice %parallel_loop3A_164 {offsets = [1], sizes = [1], strides = [1]} : vector<16xf32> to vector<1xf32>
        %parallel_loop3A_229 = vector.extract %parallel_loop3A_228[0] : f32 from vector<1xf32>
        %parallel_loop3A_230 = vector.broadcast %parallel_loop3A_229 : f32 to vector<16xf32>
        %parallel_loop3A_231 = arith.constant 16 : i32
        %parallel_loop3A_232 = arith.muli %parallel_loop3A_231, %parallel_loop3A_156 : i32
        %parallel_loop3A_233 = arith.constant 1 : i32
        %parallel_loop3A_234 = arith.addi %parallel_loop3A_232, %parallel_loop3A_233 : i32
        %parallel_loop3A_235 = arith.constant 1 : i32
        %parallel_loop3A_236 = arith.index_cast %parallel_loop3A_235 : i32 to index
        %parallel_loop3A_237 = arith.index_cast %parallel_loop3A_234 : i32 to index
        %parallel_loop3A_238 = arith.constant 0 : index
        %parallel_loop3A_239 = tpu.vector_load %arg10[%parallel_loop3A_236, %parallel_loop3A_237, %parallel_loop3A_238] {strides = array<i32>} : memref<2x80x64xf32, #tpu.memory_space<vmem>>, vector<1x1x16xf32>,
        %parallel_loop3A_240 = vector.shape_cast %parallel_loop3A_239 : vector<1x1x16xf32> to vector<16xf32>
        %parallel_loop3A_241 = arith.mulf %parallel_loop3A_240, %parallel_loop3A_230 : vector<16xf32>
        %parallel_loop3A_242 = arith.constant 1 : i32
        %parallel_loop3A_243 = arith.index_cast %parallel_loop3A_242 : i32 to index
        %parallel_loop3A_244 = arith.index_cast %parallel_loop3A_234 : i32 to index
        %parallel_loop3A_245 = arith.constant 0 : index
        %parallel_loop3A_246 = tpu.vector_load %arg11[%parallel_loop3A_243, %parallel_loop3A_244, %parallel_loop3A_245] {strides = array<i32>} : memref<2x80x64xf32, #tpu.memory_space<vmem>>, vector<1x1x16xf32>,
        %parallel_loop3A_247 = vector.shape_cast %parallel_loop3A_246 : vector<1x1x16xf32> to vector<16xf32>
        %parallel_loop3A_248 = vector.shape_cast %parallel_loop3A_241 : vector<16xf32> to vector<1x1x16xf32>
        tpu.vector_store %arg11[%parallel_loop3A_243, %parallel_loop3A_244, %parallel_loop3A_245], %parallel_loop3A_248 {strides = array<i32>} : memref<2x80x64xf32, #tpu.memory_space<vmem>>, vector<1x1x16xf32>,
        %parallel_loop3A_249 = arith.constant 1 : i32
        %parallel_loop3A_250 = arith.index_cast %parallel_loop3A_249 : i32 to index
        %parallel_loop3A_251 = arith.index_cast %parallel_loop3A_234 : i32 to index
        %parallel_loop3A_252 = arith.constant 16 : index
        %parallel_loop3A_253 = tpu.vector_load %arg10[%parallel_loop3A_250, %parallel_loop3A_251, %parallel_loop3A_252] {strides = array<i32>} : memref<2x80x64xf32, #tpu.memory_space<vmem>>, vector<1x1x16xf32>,
        %parallel_loop3A_254 = vector.shape_cast %parallel_loop3A_253 : vector<1x1x16xf32> to vector<16xf32>
        %parallel_loop3A_255 = arith.mulf %parallel_loop3A_254, %parallel_loop3A_230 : vector<16xf32>
        %parallel_loop3A_256 = arith.constant 1 : i32
        %parallel_loop3A_257 = arith.index_cast %parallel_loop3A_256 : i32 to index
        %parallel_loop3A_258 = arith.index_cast %parallel_loop3A_234 : i32 to index
        %parallel_loop3A_259 = arith.constant 16 : index
        %parallel_loop3A_260 = tpu.vector_load %arg11[%parallel_loop3A_257, %parallel_loop3A_258, %parallel_loop3A_259] {strides = array<i32>} : memref<2x80x64xf32, #tpu.memory_space<vmem>>, vector<1x1x16xf32>,
        %parallel_loop3A_261 = vector.shape_cast %parallel_loop3A_260 : vector<1x1x16xf32> to vector<16xf32>
        %parallel_loop3A_262 = vector.shape_cast %parallel_loop3A_255 : vector<16xf32> to vector<1x1x16xf32>
        tpu.vector_store %arg11[%parallel_loop3A_257, %parallel_loop3A_258, %parallel_loop3A_259], %parallel_loop3A_262 {strides = array<i32>} : memref<2x80x64xf32, #tpu.memory_space<vmem>>, vector<1x1x16xf32>,
        %parallel_loop3A_263 = arith.constant 1 : i32
        %parallel_loop3A_264 = arith.index_cast %parallel_loop3A_263 : i32 to index
        %parallel_loop3A_265 = arith.index_cast %parallel_loop3A_234 : i32 to index
        %parallel_loop3A_266 = arith.constant 32 : index
        %parallel_loop3A_267 = tpu.vector_load %arg10[%parallel_loop3A_264, %parallel_loop3A_265, %parallel_loop3A_266] {strides = array<i32>} : memref<2x80x64xf32, #tpu.memory_space<vmem>>, vector<1x1x16xf32>,
        %parallel_loop3A_268 = vector.shape_cast %parallel_loop3A_267 : vector<1x1x16xf32> to vector<16xf32>
        %parallel_loop3A_269 = arith.mulf %parallel_loop3A_268, %parallel_loop3A_230 : vector<16xf32>
        %parallel_loop3A_270 = arith.constant 1 : i32
        %parallel_loop3A_271 = arith.index_cast %parallel_loop3A_270 : i32 to index
        %parallel_loop3A_272 = arith.index_cast %parallel_loop3A_234 : i32 to index
        %parallel_loop3A_273 = arith.constant 32 : index
        %parallel_loop3A_274 = tpu.vector_load %arg11[%parallel_loop3A_271, %parallel_loop3A_272, %parallel_loop3A_273] {strides = array<i32>} : memref<2x80x64xf32, #tpu.memory_space<vmem>>, vector<1x1x16xf32>,
        %parallel_loop3A_275 = vector.shape_cast %parallel_loop3A_274 : vector<1x1x16xf32> to vector<16xf32>
        %parallel_loop3A_276 = vector.shape_cast %parallel_loop3A_269 : vector<16xf32> to vector<1x1x16xf32>
        tpu.vector_store %arg11[%parallel_loop3A_271, %parallel_loop3A_272, %parallel_loop3A_273], %parallel_loop3A_276 {strides = array<i32>} : memref<2x80x64xf32, #tpu.memory_space<vmem>>, vector<1x1x16xf32>,
        %parallel_loop3A_277 = arith.constant 1 : i32
        %parallel_loop3A_278 = arith.index_cast %parallel_loop3A_277 : i32 to index
        %parallel_loop3A_279 = arith.index_cast %parallel_loop3A_234 : i32 to index
        %parallel_loop3A_280 = arith.constant 48 : index
        %parallel_loop3A_281 = tpu.vector_load %arg10[%parallel_loop3A_278, %parallel_loop3A_279, %parallel_loop3A_280] {strides = array<i32>} : memref<2x80x64xf32, #tpu.memory_space<vmem>>, vector<1x1x16xf32>,
        %parallel_loop3A_282 = vector.shape_cast %parallel_loop3A_281 : vector<1x1x16xf32> to vector<16xf32>
        %parallel_loop3A_283 = arith.mulf %parallel_loop3A_282, %parallel_loop3A_230 : vector<16xf32>
        %parallel_loop3A_284 = arith.constant 1 : i32
        %parallel_loop3A_285 = arith.index_cast %parallel_loop3A_284 : i32 to index
        %parallel_loop3A_286 = arith.index_cast %parallel_loop3A_234 : i32 to index
        %parallel_loop3A_287 = arith.constant 48 : index
        %parallel_loop3A_288 = tpu.vector_load %arg11[%parallel_loop3A_285, %parallel_loop3A_286, %parallel_loop3A_287] {strides = array<i32>} : memref<2x80x64xf32, #tpu.memory_space<vmem>>, vector<1x1x16xf32>,
        %parallel_loop3A_289 = vector.shape_cast %parallel_loop3A_288 : vector<1x1x16xf32> to vector<16xf32>
        %parallel_loop3A_290 = vector.shape_cast %parallel_loop3A_283 : vector<16xf32> to vector<1x1x16xf32>
        tpu.vector_store %arg11[%parallel_loop3A_285, %parallel_loop3A_286, %parallel_loop3A_287], %parallel_loop3A_290 {strides = array<i32>} : memref<2x80x64xf32, #tpu.memory_space<vmem>>, vector<1x1x16xf32>,
        %parallel_loop3A_291 = vector.extract_strided_slice %parallel_loop3A_164 {offsets = [2], sizes = [1], strides = [1]} : vector<16xf32> to vector<1xf32>
        %parallel_loop3A_292 = vector.extract %parallel_loop3A_291[0] : f32 from vector<1xf32>
        %parallel_loop3A_293 = vector.broadcast %parallel_loop3A_292 : f32 to vector<16xf32>
        %parallel_loop3A_294 = arith.constant 16 : i32
        %parallel_loop3A_295 = arith.muli %parallel_loop3A_294, %parallel_loop3A_156 : i32
        %parallel_loop3A_296 = arith.constant 2 : i32
        %parallel_loop3A_297 = arith.addi %parallel_loop3A_295, %parallel_loop3A_296 : i32
        %parallel_loop3A_298 = arith.constant 1 : i32
        %parallel_loop3A_299 = arith.index_cast %parallel_loop3A_298 : i32 to index
        %parallel_loop3A_300 = arith.index_cast %parallel_loop3A_297 : i32 to index
        %parallel_loop3A_301 = arith.constant 0 : index
        %parallel_loop3A_302 = tpu.vector_load %arg10[%parallel_loop3A_299, %parallel_loop3A_300, %parallel_loop3A_301] {strides = array<i32>} : memref<2x80x64xf32, #tpu.memory_space<vmem>>, vector<1x1x16xf32>,
        %parallel_loop3A_303 = vector.shape_cast %parallel_loop3A_302 : vector<1x1x16xf32> to vector<16xf32>
        %parallel_loop3A_304 = arith.mulf %parallel_loop3A_303, %parallel_loop3A_293 : vector<16xf32>
        %parallel_loop3A_305 = arith.constant 1 : i32
        %parallel_loop3A_306 = arith.index_cast %parallel_loop3A_305 : i32 to index
        %parallel_loop3A_307 = arith.index_cast %parallel_loop3A_297 : i32 to index
        %parallel_loop3A_308 = arith.constant 0 : index
        %parallel_loop3A_309 = tpu.vector_load %arg11[%parallel_loop3A_306, %parallel_loop3A_307, %parallel_loop3A_308] {strides = array<i32>} : memref<2x80x64xf32, #tpu.memory_space<vmem>>, vector<1x1x16xf32>,
        %parallel_loop3A_310 = vector.shape_cast %parallel_loop3A_309 : vector<1x1x16xf32> to vector<16xf32>
        %parallel_loop3A_311 = vector.shape_cast %parallel_loop3A_304 : vector<16xf32> to vector<1x1x16xf32>
        tpu.vector_store %arg11[%parallel_loop3A_306, %parallel_loop3A_307, %parallel_loop3A_308], %parallel_loop3A_311 {strides = array<i32>} : memref<2x80x64xf32, #tpu.memory_space<vmem>>, vector<1x1x16xf32>,
        %parallel_loop3A_312 = arith.constant 1 : i32
        %parallel_loop3A_313 = arith.index_cast %parallel_loop3A_312 : i32 to index
        %parallel_loop3A_314 = arith.index_cast %parallel_loop3A_297 : i32 to index
        %parallel_loop3A_315 = arith.constant 16 : index
        %parallel_loop3A_316 = tpu.vector_load %arg10[%parallel_loop3A_313, %parallel_loop3A_314, %parallel_loop3A_315] {strides = array<i32>} : memref<2x80x64xf32, #tpu.memory_space<vmem>>, vector<1x1x16xf32>,
        %parallel_loop3A_317 = vector.shape_cast %parallel_loop3A_316 : vector<1x1x16xf32> to vector<16xf32>
        %parallel_loop3A_318 = arith.mulf %parallel_loop3A_317, %parallel_loop3A_293 : vector<16xf32>
        %parallel_loop3A_319 = arith.constant 1 : i32
        %parallel_loop3A_320 = arith.index_cast %parallel_loop3A_319 : i32 to index
        %parallel_loop3A_321 = arith.index_cast %parallel_loop3A_297 : i32 to index
        %parallel_loop3A_322 = arith.constant 16 : index
        %parallel_loop3A_323 = tpu.vector_load %arg11[%parallel_loop3A_320, %parallel_loop3A_321, %parallel_loop3A_322] {strides = array<i32>} : memref<2x80x64xf32, #tpu.memory_space<vmem>>, vector<1x1x16xf32>,
        %parallel_loop3A_324 = vector.shape_cast %parallel_loop3A_323 : vector<1x1x16xf32> to vector<16xf32>
        %parallel_loop3A_325 = vector.shape_cast %parallel_loop3A_318 : vector<16xf32> to vector<1x1x16xf32>
        tpu.vector_store %arg11[%parallel_loop3A_320, %parallel_loop3A_321, %parallel_loop3A_322], %parallel_loop3A_325 {strides = array<i32>} : memref<2x80x64xf32, #tpu.memory_space<vmem>>, vector<1x1x16xf32>,
        %parallel_loop3A_326 = arith.constant 1 : i32
        %parallel_loop3A_327 = arith.index_cast %parallel_loop3A_326 : i32 to index
        %parallel_loop3A_328 = arith.index_cast %parallel_loop3A_297 : i32 to index
        %parallel_loop3A_329 = arith.constant 32 : index
        %parallel_loop3A_330 = tpu.vector_load %arg10[%parallel_loop3A_327, %parallel_loop3A_328, %parallel_loop3A_329] {strides = array<i32>} : memref<2x80x64xf32, #tpu.memory_space<vmem>>, vector<1x1x16xf32>,
        %parallel_loop3A_331 = vector.shape_cast %parallel_loop3A_330 : vector<1x1x16xf32> to vector<16xf32>
        %parallel_loop3A_332 = arith.mulf %parallel_loop3A_331, %parallel_loop3A_293 : vector<16xf32>
        %parallel_loop3A_333 = arith.constant 1 : i32
        %parallel_loop3A_334 = arith.index_cast %parallel_loop3A_333 : i32 to index
        %parallel_loop3A_335 = arith.index_cast %parallel_loop3A_297 : i32 to index
        %parallel_loop3A_336 = arith.constant 32 : index
        %parallel_loop3A_337 = tpu.vector_load %arg11[%parallel_loop3A_334, %parallel_loop3A_335, %parallel_loop3A_336] {strides = array<i32>} : memref<2x80x64xf32, #tpu.memory_space<vmem>>, vector<1x1x16xf32>,
        %parallel_loop3A_338 = vector.shape_cast %parallel_loop3A_337 : vector<1x1x16xf32> to vector<16xf32>
        %parallel_loop3A_339 = vector.shape_cast %parallel_loop3A_332 : vector<16xf32> to vector<1x1x16xf32>
        tpu.vector_store %arg11[%parallel_loop3A_334, %parallel_loop3A_335, %parallel_loop3A_336], %parallel_loop3A_339 {strides = array<i32>} : memref<2x80x64xf32, #tpu.memory_space<vmem>>, vector<1x1x16xf32>,
        %parallel_loop3A_340 = arith.constant 1 : i32
        %parallel_loop3A_341 = arith.index_cast %parallel_loop3A_340 : i32 to index
        %parallel_loop3A_342 = arith.index_cast %parallel_loop3A_297 : i32 to index
        %parallel_loop3A_343 = arith.constant 48 : index
        %parallel_loop3A_344 = tpu.vector_load %arg10[%parallel_loop3A_341, %parallel_loop3A_342, %parallel_loop3A_343] {strides = array<i32>} : memref<2x80x64xf32, #tpu.memory_space<vmem>>, vector<1x1x16xf32>,
        %parallel_loop3A_345 = vector.shape_cast %parallel_loop3A_344 : vector<1x1x16xf32> to vector<16xf32>
        %parallel_loop3A_346 = arith.mulf %parallel_loop3A_345, %parallel_loop3A_293 : vector<16xf32>
        %parallel_loop3A_347 = arith.constant 1 : i32
        %parallel_loop3A_348 = arith.index_cast %parallel_loop3A_347 : i32 to index
        %parallel_loop3A_349 = arith.index_cast %parallel_loop3A_297 : i32 to index
        %parallel_loop3A_350 = arith.constant 48 : index
        %parallel_loop3A_351 = tpu.vector_load %arg11[%parallel_loop3A_348, %parallel_loop3A_349, %parallel_loop3A_350] {strides = array<i32>} : memref<2x80x64xf32, #tpu.memory_space<vmem>>, vector<1x1x16xf32>,
        %parallel_loop3A_352 = vector.shape_cast %parallel_loop3A_351 : vector<1x1x16xf32> to vector<16xf32>
        %parallel_loop3A_353 = vector.shape_cast %parallel_loop3A_346 : vector<16xf32> to vector<1x1x16xf32>
        tpu.vector_store %arg11[%parallel_loop3A_348, %parallel_loop3A_349, %parallel_loop3A_350], %parallel_loop3A_353 {strides = array<i32>} : memref<2x80x64xf32, #tpu.memory_space<vmem>>, vector<1x1x16xf32>,
        %parallel_loop3A_354 = vector.extract_strided_slice %parallel_loop3A_164 {offsets = [3], sizes = [1], strides = [1]} : vector<16xf32> to vector<1xf32>
        %parallel_loop3A_355 = vector.extract %parallel_loop3A_354[0] : f32 from vector<1xf32>
        %parallel_loop3A_356 = vector.broadcast %parallel_loop3A_355 : f32 to vector<16xf32>
        %parallel_loop3A_357 = arith.constant 16 : i32
        %parallel_loop3A_358 = arith.muli %parallel_loop3A_357, %parallel_loop3A_156 : i32
        %parallel_loop3A_359 = arith.constant 3 : i32
        %parallel_loop3A_360 = arith.addi %parallel_loop3A_358, %parallel_loop3A_359 : i32
        %parallel_loop3A_361 = arith.constant 1 : i32
        %parallel_loop3A_362 = arith.index_cast %parallel_loop3A_361 : i32 to index
        %parallel_loop3A_363 = arith.index_cast %parallel_loop3A_360 : i32 to index
        %parallel_loop3A_364 = arith.constant 0 : index
        %parallel_loop3A_365 = tpu.vector_load %arg10[%parallel_loop3A_362, %parallel_loop3A_363, %parallel_loop3A_364] {strides = array<i32>} : memref<2x80x64xf32, #tpu.memory_space<vmem>>, vector<1x1x16xf32>,
        %parallel_loop3A_366 = vector.shape_cast %parallel_loop3A_365 : vector<1x1x16xf32> to vector<16xf32>
        %parallel_loop3A_367 = arith.mulf %parallel_loop3A_366, %parallel_loop3A_356 : vector<16xf32>
        %parallel_loop3A_368 = arith.constant 1 : i32
        %parallel_loop3A_369 = arith.index_cast %parallel_loop3A_368 : i32 to index
        %parallel_loop3A_370 = arith.index_cast %parallel_loop3A_360 : i32 to index
        %parallel_loop3A_371 = arith.constant 0 : index
        %parallel_loop3A_372 = tpu.vector_load %arg11[%parallel_loop3A_369, %parallel_loop3A_370, %parallel_loop3A_371] {strides = array<i32>} : memref<2x80x64xf32, #tpu.memory_space<vmem>>, vector<1x1x16xf32>,
        %parallel_loop3A_373 = vector.shape_cast %parallel_loop3A_372 : vector<1x1x16xf32> to vector<16xf32>
        %parallel_loop3A_374 = vector.shape_cast %parallel_loop3A_367 : vector<16xf32> to vector<1x1x16xf32>
        tpu.vector_store %arg11[%parallel_loop3A_369, %parallel_loop3A_370, %parallel_loop3A_371], %parallel_loop3A_374 {strides = array<i32>} : memref<2x80x64xf32, #tpu.memory_space<vmem>>, vector<1x1x16xf32>,
        %parallel_loop3A_375 = arith.constant 1 : i32
        %parallel_loop3A_376 = arith.index_cast %parallel_loop3A_375 : i32 to index
        %parallel_loop3A_377 = arith.index_cast %parallel_loop3A_360 : i32 to index
        %parallel_loop3A_378 = arith.constant 16 : index
        %parallel_loop3A_379 = tpu.vector_load %arg10[%parallel_loop3A_376, %parallel_loop3A_377, %parallel_loop3A_378] {strides = array<i32>} : memref<2x80x64xf32, #tpu.memory_space<vmem>>, vector<1x1x16xf32>,
        %parallel_loop3A_380 = vector.shape_cast %parallel_loop3A_379 : vector<1x1x16xf32> to vector<16xf32>
        %parallel_loop3A_381 = arith.mulf %parallel_loop3A_380, %parallel_loop3A_356 : vector<16xf32>
        %parallel_loop3A_382 = arith.constant 1 : i32
        %parallel_loop3A_383 = arith.index_cast %parallel_loop3A_382 : i32 to index
        %parallel_loop3A_384 = arith.index_cast %parallel_loop3A_360 : i32 to index
        %parallel_loop3A_385 = arith.constant 16 : index
        %parallel_loop3A_386 = tpu.vector_load %arg11[%parallel_loop3A_383, %parallel_loop3A_384, %parallel_loop3A_385] {strides = array<i32>} : memref<2x80x64xf32, #tpu.memory_space<vmem>>, vector<1x1x16xf32>,
        %parallel_loop3A_387 = vector.shape_cast %parallel_loop3A_386 : vector<1x1x16xf32> to vector<16xf32>
        %parallel_loop3A_388 = vector.shape_cast %parallel_loop3A_381 : vector<16xf32> to vector<1x1x16xf32>
        tpu.vector_store %arg11[%parallel_loop3A_383, %parallel_loop3A_384, %parallel_loop3A_385], %parallel_loop3A_388 {strides = array<i32>} : memref<2x80x64xf32, #tpu.memory_space<vmem>>, vector<1x1x16xf32>,
        %parallel_loop3A_389 = arith.constant 1 : i32
        %parallel_loop3A_390 = arith.index_cast %parallel_loop3A_389 : i32 to index
        %parallel_loop3A_391 = arith.index_cast %parallel_loop3A_360 : i32 to index
        %parallel_loop3A_392 = arith.constant 32 : index
        %parallel_loop3A_393 = tpu.vector_load %arg10[%parallel_loop3A_390, %parallel_loop3A_391, %parallel_loop3A_392] {strides = array<i32>} : memref<2x80x64xf32, #tpu.memory_space<vmem>>, vector<1x1x16xf32>,
        %parallel_loop3A_394 = vector.shape_cast %parallel_loop3A_393 : vector<1x1x16xf32> to vector<16xf32>
        %parallel_loop3A_395 = arith.mulf %parallel_loop3A_394, %parallel_loop3A_356 : vector<16xf32>
        %parallel_loop3A_396 = arith.constant 1 : i32
        %parallel_loop3A_397 = arith.index_cast %parallel_loop3A_396 : i32 to index
        %parallel_loop3A_398 = arith.index_cast %parallel_loop3A_360 : i32 to index
        %parallel_loop3A_399 = arith.constant 32 : index
        %parallel_loop3A_400 = tpu.vector_load %arg11[%parallel_loop3A_397, %parallel_loop3A_398, %parallel_loop3A_399] {strides = array<i32>} : memref<2x80x64xf32, #tpu.memory_space<vmem>>, vector<1x1x16xf32>,
        %parallel_loop3A_401 = vector.shape_cast %parallel_loop3A_400 : vector<1x1x16xf32> to vector<16xf32>
        %parallel_loop3A_402 = vector.shape_cast %parallel_loop3A_395 : vector<16xf32> to vector<1x1x16xf32>
        tpu.vector_store %arg11[%parallel_loop3A_397, %parallel_loop3A_398, %parallel_loop3A_399], %parallel_loop3A_402 {strides = array<i32>} : memref<2x80x64xf32, #tpu.memory_space<vmem>>, vector<1x1x16xf32>,
        %parallel_loop3A_403 = arith.constant 1 : i32
        %parallel_loop3A_404 = arith.index_cast %parallel_loop3A_403 : i32 to index
        %parallel_loop3A_405 = arith.index_cast %parallel_loop3A_360 : i32 to index
        %parallel_loop3A_406 = arith.constant 48 : index
        %parallel_loop3A_407 = tpu.vector_load %arg10[%parallel_loop3A_404, %parallel_loop3A_405, %parallel_loop3A_406] {strides = array<i32>} : memref<2x80x64xf32, #tpu.memory_space<vmem>>, vector<1x1x16xf32>,
        %parallel_loop3A_408 = vector.shape_cast %parallel_loop3A_407 : vector<1x1x16xf32> to vector<16xf32>
        %parallel_loop3A_409 = arith.mulf %parallel_loop3A_408, %parallel_loop3A_356 : vector<16xf32>
        %parallel_loop3A_410 = arith.constant 1 : i32
        %parallel_loop3A_411 = arith.index_cast %parallel_loop3A_410 : i32 to index
        %parallel_loop3A_412 = arith.index_cast %parallel_loop3A_360 : i32 to index
        %parallel_loop3A_413 = arith.constant 48 : index
        %parallel_loop3A_414 = tpu.vector_load %arg11[%parallel_loop3A_411, %parallel_loop3A_412, %parallel_loop3A_413] {strides = array<i32>} : memref<2x80x64xf32, #tpu.memory_space<vmem>>, vector<1x1x16xf32>,
        %parallel_loop3A_415 = vector.shape_cast %parallel_loop3A_414 : vector<1x1x16xf32> to vector<16xf32>
        %parallel_loop3A_416 = vector.shape_cast %parallel_loop3A_409 : vector<16xf32> to vector<1x1x16xf32>
        tpu.vector_store %arg11[%parallel_loop3A_411, %parallel_loop3A_412, %parallel_loop3A_413], %parallel_loop3A_416 {strides = array<i32>} : memref<2x80x64xf32, #tpu.memory_space<vmem>>, vector<1x1x16xf32>,
        %parallel_loop3A_417 = vector.extract_strided_slice %parallel_loop3A_164 {offsets = [4], sizes = [1], strides = [1]} : vector<16xf32> to vector<1xf32>
        %parallel_loop3A_418 = vector.extract %parallel_loop3A_417[0] : f32 from vector<1xf32>
        %parallel_loop3A_419 = vector.broadcast %parallel_loop3A_418 : f32 to vector<16xf32>
        %parallel_loop3A_420 = arith.constant 16 : i32
        %parallel_loop3A_421 = arith.muli %parallel_loop3A_420, %parallel_loop3A_156 : i32
        %parallel_loop3A_422 = arith.constant 4 : i32
        %parallel_loop3A_423 = arith.addi %parallel_loop3A_421, %parallel_loop3A_422 : i32
        %parallel_loop3A_424 = arith.constant 1 : i32
        %parallel_loop3A_425 = arith.index_cast %parallel_loop3A_424 : i32 to index
        %parallel_loop3A_426 = arith.index_cast %parallel_loop3A_423 : i32 to index
        %parallel_loop3A_427 = arith.constant 0 : index
        %parallel_loop3A_428 = tpu.vector_load %arg10[%parallel_loop3A_425, %parallel_loop3A_426, %parallel_loop3A_427] {strides = array<i32>} : memref<2x80x64xf32, #tpu.memory_space<vmem>>, vector<1x1x16xf32>,
        %parallel_loop3A_429 = vector.shape_cast %parallel_loop3A_428 : vector<1x1x16xf32> to vector<16xf32>
        %parallel_loop3A_430 = arith.mulf %parallel_loop3A_429, %parallel_loop3A_419 : vector<16xf32>
        %parallel_loop3A_431 = arith.constant 1 : i32
        %parallel_loop3A_432 = arith.index_cast %parallel_loop3A_431 : i32 to index
        %parallel_loop3A_433 = arith.index_cast %parallel_loop3A_423 : i32 to index
        %parallel_loop3A_434 = arith.constant 0 : index
        %parallel_loop3A_435 = tpu.vector_load %arg11[%parallel_loop3A_432, %parallel_loop3A_433, %parallel_loop3A_434] {strides = array<i32>} : memref<2x80x64xf32, #tpu.memory_space<vmem>>, vector<1x1x16xf32>,
        %parallel_loop3A_436 = vector.shape_cast %parallel_loop3A_435 : vector<1x1x16xf32> to vector<16xf32>
        %parallel_loop3A_437 = vector.shape_cast %parallel_loop3A_430 : vector<16xf32> to vector<1x1x16xf32>
        tpu.vector_store %arg11[%parallel_loop3A_432, %parallel_loop3A_433, %parallel_loop3A_434], %parallel_loop3A_437 {strides = array<i32>} : memref<2x80x64xf32, #tpu.memory_space<vmem>>, vector<1x1x16xf32>,
        %parallel_loop3A_438 = arith.constant 1 : i32
        %parallel_loop3A_439 = arith.index_cast %parallel_loop3A_438 : i32 to index
        %parallel_loop3A_440 = arith.index_cast %parallel_loop3A_423 : i32 to index
        %parallel_loop3A_441 = arith.constant 16 : index
        %parallel_loop3A_442 = tpu.vector_load %arg10[%parallel_loop3A_439, %parallel_loop3A_440, %parallel_loop3A_441] {strides = array<i32>} : memref<2x80x64xf32, #tpu.memory_space<vmem>>, vector<1x1x16xf32>,
        %parallel_loop3A_443 = vector.shape_cast %parallel_loop3A_442 : vector<1x1x16xf32> to vector<16xf32>
        %parallel_loop3A_444 = arith.mulf %parallel_loop3A_443, %parallel_loop3A_419 : vector<16xf32>
        %parallel_loop3A_445 = arith.constant 1 : i32
        %parallel_loop3A_446 = arith.index_cast %parallel_loop3A_445 : i32 to index
        %parallel_loop3A_447 = arith.index_cast %parallel_loop3A_423 : i32 to index
        %parallel_loop3A_448 = arith.constant 16 : index
        %parallel_loop3A_449 = tpu.vector_load %arg11[%parallel_loop3A_446, %parallel_loop3A_447, %parallel_loop3A_448] {strides = array<i32>} : memref<2x80x64xf32, #tpu.memory_space<vmem>>, vector<1x1x16xf32>,
        %parallel_loop3A_450 = vector.shape_cast %parallel_loop3A_449 : vector<1x1x16xf32> to vector<16xf32>
        %parallel_loop3A_451 = vector.shape_cast %parallel_loop3A_444 : vector<16xf32> to vector<1x1x16xf32>
        tpu.vector_store %arg11[%parallel_loop3A_446, %parallel_loop3A_447, %parallel_loop3A_448], %parallel_loop3A_451 {strides = array<i32>} : memref<2x80x64xf32, #tpu.memory_space<vmem>>, vector<1x1x16xf32>,
        %parallel_loop3A_452 = arith.constant 1 : i32
        %parallel_loop3A_453 = arith.index_cast %parallel_loop3A_452 : i32 to index
        %parallel_loop3A_454 = arith.index_cast %parallel_loop3A_423 : i32 to index
        %parallel_loop3A_455 = arith.constant 32 : index
        %parallel_loop3A_456 = tpu.vector_load %arg10[%parallel_loop3A_453, %parallel_loop3A_454, %parallel_loop3A_455] {strides = array<i32>} : memref<2x80x64xf32, #tpu.memory_space<vmem>>, vector<1x1x16xf32>,
        %parallel_loop3A_457 = vector.shape_cast %parallel_loop3A_456 : vector<1x1x16xf32> to vector<16xf32>
        %parallel_loop3A_458 = arith.mulf %parallel_loop3A_457, %parallel_loop3A_419 : vector<16xf32>
        %parallel_loop3A_459 = arith.constant 1 : i32
        %parallel_loop3A_460 = arith.index_cast %parallel_loop3A_459 : i32 to index
        %parallel_loop3A_461 = arith.index_cast %parallel_loop3A_423 : i32 to index
        %parallel_loop3A_462 = arith.constant 32 : index
        %parallel_loop3A_463 = tpu.vector_load %arg11[%parallel_loop3A_460, %parallel_loop3A_461, %parallel_loop3A_462] {strides = array<i32>} : memref<2x80x64xf32, #tpu.memory_space<vmem>>, vector<1x1x16xf32>,
        %parallel_loop3A_464 = vector.shape_cast %parallel_loop3A_463 : vector<1x1x16xf32> to vector<16xf32>
        %parallel_loop3A_465 = vector.shape_cast %parallel_loop3A_458 : vector<16xf32> to vector<1x1x16xf32>
        tpu.vector_store %arg11[%parallel_loop3A_460, %parallel_loop3A_461, %parallel_loop3A_462], %parallel_loop3A_465 {strides = array<i32>} : memref<2x80x64xf32, #tpu.memory_space<vmem>>, vector<1x1x16xf32>,
        %parallel_loop3A_466 = arith.constant 1 : i32
        %parallel_loop3A_467 = arith.index_cast %parallel_loop3A_466 : i32 to index
        %parallel_loop3A_468 = arith.index_cast %parallel_loop3A_423 : i32 to index
        %parallel_loop3A_469 = arith.constant 48 : index
        %parallel_loop3A_470 = tpu.vector_load %arg10[%parallel_loop3A_467, %parallel_loop3A_468, %parallel_loop3A_469] {strides = array<i32>} : memref<2x80x64xf32, #tpu.memory_space<vmem>>, vector<1x1x16xf32>,
        %parallel_loop3A_471 = vector.shape_cast %parallel_loop3A_470 : vector<1x1x16xf32> to vector<16xf32>
        %parallel_loop3A_472 = arith.mulf %parallel_loop3A_471, %parallel_loop3A_419 : vector<16xf32>
        %parallel_loop3A_473 = arith.constant 1 : i32
        %parallel_loop3A_474 = arith.index_cast %parallel_loop3A_473 : i32 to index
        %parallel_loop3A_475 = arith.index_cast %parallel_loop3A_423 : i32 to index
        %parallel_loop3A_476 = arith.constant 48 : index
        %parallel_loop3A_477 = tpu.vector_load %arg11[%parallel_loop3A_474, %parallel_loop3A_475, %parallel_loop3A_476] {strides = array<i32>} : memref<2x80x64xf32, #tpu.memory_space<vmem>>, vector<1x1x16xf32>,
        %parallel_loop3A_478 = vector.shape_cast %parallel_loop3A_477 : vector<1x1x16xf32> to vector<16xf32>
        %parallel_loop3A_479 = vector.shape_cast %parallel_loop3A_472 : vector<16xf32> to vector<1x1x16xf32>
        tpu.vector_store %arg11[%parallel_loop3A_474, %parallel_loop3A_475, %parallel_loop3A_476], %parallel_loop3A_479 {strides = array<i32>} : memref<2x80x64xf32, #tpu.memory_space<vmem>>, vector<1x1x16xf32>,
        %parallel_loop3A_480 = vector.extract_strided_slice %parallel_loop3A_164 {offsets = [5], sizes = [1], strides = [1]} : vector<16xf32> to vector<1xf32>
        %parallel_loop3A_481 = vector.extract %parallel_loop3A_480[0] : f32 from vector<1xf32>
        %parallel_loop3A_482 = vector.broadcast %parallel_loop3A_481 : f32 to vector<16xf32>
        %parallel_loop3A_483 = arith.constant 16 : i32
        %parallel_loop3A_484 = arith.muli %parallel_loop3A_483, %parallel_loop3A_156 : i32
        %parallel_loop3A_485 = arith.constant 5 : i32
        %parallel_loop3A_486 = arith.addi %parallel_loop3A_484, %parallel_loop3A_485 : i32
        %parallel_loop3A_487 = arith.constant 1 : i32
        %parallel_loop3A_488 = arith.index_cast %parallel_loop3A_487 : i32 to index
        %parallel_loop3A_489 = arith.index_cast %parallel_loop3A_486 : i32 to index
        %parallel_loop3A_490 = arith.constant 0 : index
        %parallel_loop3A_491 = tpu.vector_load %arg10[%parallel_loop3A_488, %parallel_loop3A_489, %parallel_loop3A_490] {strides = array<i32>} : memref<2x80x64xf32, #tpu.memory_space<vmem>>, vector<1x1x16xf32>,
        %parallel_loop3A_492 = vector.shape_cast %parallel_loop3A_491 : vector<1x1x16xf32> to vector<16xf32>
        %parallel_loop3A_493 = arith.mulf %parallel_loop3A_492, %parallel_loop3A_482 : vector<16xf32>
        %parallel_loop3A_494 = arith.constant 1 : i32
        %parallel_loop3A_495 = arith.index_cast %parallel_loop3A_494 : i32 to index
        %parallel_loop3A_496 = arith.index_cast %parallel_loop3A_486 : i32 to index
        %parallel_loop3A_497 = arith.constant 0 : index
        %parallel_loop3A_498 = tpu.vector_load %arg11[%parallel_loop3A_495, %parallel_loop3A_496, %parallel_loop3A_497] {strides = array<i32>} : memref<2x80x64xf32, #tpu.memory_space<vmem>>, vector<1x1x16xf32>,
        %parallel_loop3A_499 = vector.shape_cast %parallel_loop3A_498 : vector<1x1x16xf32> to vector<16xf32>
        %parallel_loop3A_500 = vector.shape_cast %parallel_loop3A_493 : vector<16xf32> to vector<1x1x16xf32>
        tpu.vector_store %arg11[%parallel_loop3A_495, %parallel_loop3A_496, %parallel_loop3A_497], %parallel_loop3A_500 {strides = array<i32>} : memref<2x80x64xf32, #tpu.memory_space<vmem>>, vector<1x1x16xf32>,
        %parallel_loop3A_501 = arith.constant 1 : i32
        %parallel_loop3A_502 = arith.index_cast %parallel_loop3A_501 : i32 to index
        %parallel_loop3A_503 = arith.index_cast %parallel_loop3A_486 : i32 to index
        %parallel_loop3A_504 = arith.constant 16 : index
        %parallel_loop3A_505 = tpu.vector_load %arg10[%parallel_loop3A_502, %parallel_loop3A_503, %parallel_loop3A_504] {strides = array<i32>} : memref<2x80x64xf32, #tpu.memory_space<vmem>>, vector<1x1x16xf32>,
        %parallel_loop3A_506 = vector.shape_cast %parallel_loop3A_505 : vector<1x1x16xf32> to vector<16xf32>
        %parallel_loop3A_507 = arith.mulf %parallel_loop3A_506, %parallel_loop3A_482 : vector<16xf32>
        %parallel_loop3A_508 = arith.constant 1 : i32
        %parallel_loop3A_509 = arith.index_cast %parallel_loop3A_508 : i32 to index
        %parallel_loop3A_510 = arith.index_cast %parallel_loop3A_486 : i32 to index
        %parallel_loop3A_511 = arith.constant 16 : index
        %parallel_loop3A_512 = tpu.vector_load %arg11[%parallel_loop3A_509, %parallel_loop3A_510, %parallel_loop3A_511] {strides = array<i32>} : memref<2x80x64xf32, #tpu.memory_space<vmem>>, vector<1x1x16xf32>,
        %parallel_loop3A_513 = vector.shape_cast %parallel_loop3A_512 : vector<1x1x16xf32> to vector<16xf32>
        %parallel_loop3A_514 = vector.shape_cast %parallel_loop3A_507 : vector<16xf32> to vector<1x1x16xf32>
        tpu.vector_store %arg11[%parallel_loop3A_509, %parallel_loop3A_510, %parallel_loop3A_511], %parallel_loop3A_514 {strides = array<i32>} : memref<2x80x64xf32, #tpu.memory_space<vmem>>, vector<1x1x16xf32>,
        %parallel_loop3A_515 = arith.constant 1 : i32
        %parallel_loop3A_516 = arith.index_cast %parallel_loop3A_515 : i32 to index
        %parallel_loop3A_517 = arith.index_cast %parallel_loop3A_486 : i32 to index
        %parallel_loop3A_518 = arith.constant 32 : index
        %parallel_loop3A_519 = tpu.vector_load %arg10[%parallel_loop3A_516, %parallel_loop3A_517, %parallel_loop3A_518] {strides = array<i32>} : memref<2x80x64xf32, #tpu.memory_space<vmem>>, vector<1x1x16xf32>,
        %parallel_loop3A_520 = vector.shape_cast %parallel_loop3A_519 : vector<1x1x16xf32> to vector<16xf32>
        %parallel_loop3A_521 = arith.mulf %parallel_loop3A_520, %parallel_loop3A_482 : vector<16xf32>
        %parallel_loop3A_522 = arith.constant 1 : i32
        %parallel_loop3A_523 = arith.index_cast %parallel_loop3A_522 : i32 to index
        %parallel_loop3A_524 = arith.index_cast %parallel_loop3A_486 : i32 to index
        %parallel_loop3A_525 = arith.constant 32 : index
        %parallel_loop3A_526 = tpu.vector_load %arg11[%parallel_loop3A_523, %parallel_loop3A_524, %parallel_loop3A_525] {strides = array<i32>} : memref<2x80x64xf32, #tpu.memory_space<vmem>>, vector<1x1x16xf32>,
        %parallel_loop3A_527 = vector.shape_cast %parallel_loop3A_526 : vector<1x1x16xf32> to vector<16xf32>
        %parallel_loop3A_528 = vector.shape_cast %parallel_loop3A_521 : vector<16xf32> to vector<1x1x16xf32>
        tpu.vector_store %arg11[%parallel_loop3A_523, %parallel_loop3A_524, %parallel_loop3A_525], %parallel_loop3A_528 {strides = array<i32>} : memref<2x80x64xf32, #tpu.memory_space<vmem>>, vector<1x1x16xf32>,
        %parallel_loop3A_529 = arith.constant 1 : i32
        %parallel_loop3A_530 = arith.index_cast %parallel_loop3A_529 : i32 to index
        %parallel_loop3A_531 = arith.index_cast %parallel_loop3A_486 : i32 to index
        %parallel_loop3A_532 = arith.constant 48 : index
        %parallel_loop3A_533 = tpu.vector_load %arg10[%parallel_loop3A_530, %parallel_loop3A_531, %parallel_loop3A_532] {strides = array<i32>} : memref<2x80x64xf32, #tpu.memory_space<vmem>>, vector<1x1x16xf32>,
        %parallel_loop3A_534 = vector.shape_cast %parallel_loop3A_533 : vector<1x1x16xf32> to vector<16xf32>
        %parallel_loop3A_535 = arith.mulf %parallel_loop3A_534, %parallel_loop3A_482 : vector<16xf32>
        %parallel_loop3A_536 = arith.constant 1 : i32
        %parallel_loop3A_537 = arith.index_cast %parallel_loop3A_536 : i32 to index
        %parallel_loop3A_538 = arith.index_cast %parallel_loop3A_486 : i32 to index
        %parallel_loop3A_539 = arith.constant 48 : index
        %parallel_loop3A_540 = tpu.vector_load %arg11[%parallel_loop3A_537, %parallel_loop3A_538, %parallel_loop3A_539] {strides = array<i32>} : memref<2x80x64xf32, #tpu.memory_space<vmem>>, vector<1x1x16xf32>,
        %parallel_loop3A_541 = vector.shape_cast %parallel_loop3A_540 : vector<1x1x16xf32> to vector<16xf32>
        %parallel_loop3A_542 = vector.shape_cast %parallel_loop3A_535 : vector<16xf32> to vector<1x1x16xf32>
        tpu.vector_store %arg11[%parallel_loop3A_537, %parallel_loop3A_538, %parallel_loop3A_539], %parallel_loop3A_542 {strides = array<i32>} : memref<2x80x64xf32, #tpu.memory_space<vmem>>, vector<1x1x16xf32>,
        %parallel_loop3A_543 = vector.extract_strided_slice %parallel_loop3A_164 {offsets = [6], sizes = [1], strides = [1]} : vector<16xf32> to vector<1xf32>
        %parallel_loop3A_544 = vector.extract %parallel_loop3A_543[0] : f32 from vector<1xf32>
        %parallel_loop3A_545 = vector.broadcast %parallel_loop3A_544 : f32 to vector<16xf32>
        %parallel_loop3A_546 = arith.constant 16 : i32
        %parallel_loop3A_547 = arith.muli %parallel_loop3A_546, %parallel_loop3A_156 : i32
        %parallel_loop3A_548 = arith.constant 6 : i32
        %parallel_loop3A_549 = arith.addi %parallel_loop3A_547, %parallel_loop3A_548 : i32
        %parallel_loop3A_550 = arith.constant 1 : i32
        %parallel_loop3A_551 = arith.index_cast %parallel_loop3A_550 : i32 to index
        %parallel_loop3A_552 = arith.index_cast %parallel_loop3A_549 : i32 to index
        %parallel_loop3A_553 = arith.constant 0 : index
        %parallel_loop3A_554 = tpu.vector_load %arg10[%parallel_loop3A_551, %parallel_loop3A_552, %parallel_loop3A_553] {strides = array<i32>} : memref<2x80x64xf32, #tpu.memory_space<vmem>>, vector<1x1x16xf32>,
        %parallel_loop3A_555 = vector.shape_cast %parallel_loop3A_554 : vector<1x1x16xf32> to vector<16xf32>
        %parallel_loop3A_556 = arith.mulf %parallel_loop3A_555, %parallel_loop3A_545 : vector<16xf32>
        %parallel_loop3A_557 = arith.constant 1 : i32
        %parallel_loop3A_558 = arith.index_cast %parallel_loop3A_557 : i32 to index
        %parallel_loop3A_559 = arith.index_cast %parallel_loop3A_549 : i32 to index
        %parallel_loop3A_560 = arith.constant 0 : index
        %parallel_loop3A_561 = tpu.vector_load %arg11[%parallel_loop3A_558, %parallel_loop3A_559, %parallel_loop3A_560] {strides = array<i32>} : memref<2x80x64xf32, #tpu.memory_space<vmem>>, vector<1x1x16xf32>,
        %parallel_loop3A_562 = vector.shape_cast %parallel_loop3A_561 : vector<1x1x16xf32> to vector<16xf32>
        %parallel_loop3A_563 = vector.shape_cast %parallel_loop3A_556 : vector<16xf32> to vector<1x1x16xf32>
        tpu.vector_store %arg11[%parallel_loop3A_558, %parallel_loop3A_559, %parallel_loop3A_560], %parallel_loop3A_563 {strides = array<i32>} : memref<2x80x64xf32, #tpu.memory_space<vmem>>, vector<1x1x16xf32>,
        %parallel_loop3A_564 = arith.constant 1 : i32
        %parallel_loop3A_565 = arith.index_cast %parallel_loop3A_564 : i32 to index
        %parallel_loop3A_566 = arith.index_cast %parallel_loop3A_549 : i32 to index
        %parallel_loop3A_567 = arith.constant 16 : index
        %parallel_loop3A_568 = tpu.vector_load %arg10[%parallel_loop3A_565, %parallel_loop3A_566, %parallel_loop3A_567] {strides = array<i32>} : memref<2x80x64xf32, #tpu.memory_space<vmem>>, vector<1x1x16xf32>,
        %parallel_loop3A_569 = vector.shape_cast %parallel_loop3A_568 : vector<1x1x16xf32> to vector<16xf32>
        %parallel_loop3A_570 = arith.mulf %parallel_loop3A_569, %parallel_loop3A_545 : vector<16xf32>
        %parallel_loop3A_571 = arith.constant 1 : i32
        %parallel_loop3A_572 = arith.index_cast %parallel_loop3A_571 : i32 to index
        %parallel_loop3A_573 = arith.index_cast %parallel_loop3A_549 : i32 to index
        %parallel_loop3A_574 = arith.constant 16 : index
        %parallel_loop3A_575 = tpu.vector_load %arg11[%parallel_loop3A_572, %parallel_loop3A_573, %parallel_loop3A_574] {strides = array<i32>} : memref<2x80x64xf32, #tpu.memory_space<vmem>>, vector<1x1x16xf32>,
        %parallel_loop3A_576 = vector.shape_cast %parallel_loop3A_575 : vector<1x1x16xf32> to vector<16xf32>
        %parallel_loop3A_577 = vector.shape_cast %parallel_loop3A_570 : vector<16xf32> to vector<1x1x16xf32>
        tpu.vector_store %arg11[%parallel_loop3A_572, %parallel_loop3A_573, %parallel_loop3A_574], %parallel_loop3A_577 {strides = array<i32>} : memref<2x80x64xf32, #tpu.memory_space<vmem>>, vector<1x1x16xf32>,
        %parallel_loop3A_578 = arith.constant 1 : i32
        %parallel_loop3A_579 = arith.index_cast %parallel_loop3A_578 : i32 to index
        %parallel_loop3A_580 = arith.index_cast %parallel_loop3A_549 : i32 to index
        %parallel_loop3A_581 = arith.constant 32 : index
        %parallel_loop3A_582 = tpu.vector_load %arg10[%parallel_loop3A_579, %parallel_loop3A_580, %parallel_loop3A_581] {strides = array<i32>} : memref<2x80x64xf32, #tpu.memory_space<vmem>>, vector<1x1x16xf32>,
        %parallel_loop3A_583 = vector.shape_cast %parallel_loop3A_582 : vector<1x1x16xf32> to vector<16xf32>
        %parallel_loop3A_584 = arith.mulf %parallel_loop3A_583, %parallel_loop3A_545 : vector<16xf32>
        %parallel_loop3A_585 = arith.constant 1 : i32
        %parallel_loop3A_586 = arith.index_cast %parallel_loop3A_585 : i32 to index
        %parallel_loop3A_587 = arith.index_cast %parallel_loop3A_549 : i32 to index
        %parallel_loop3A_588 = arith.constant 32 : index
        %parallel_loop3A_589 = tpu.vector_load %arg11[%parallel_loop3A_586, %parallel_loop3A_587, %parallel_loop3A_588] {strides = array<i32>} : memref<2x80x64xf32, #tpu.memory_space<vmem>>, vector<1x1x16xf32>,
        %parallel_loop3A_590 = vector.shape_cast %parallel_loop3A_589 : vector<1x1x16xf32> to vector<16xf32>
        %parallel_loop3A_591 = vector.shape_cast %parallel_loop3A_584 : vector<16xf32> to vector<1x1x16xf32>
        tpu.vector_store %arg11[%parallel_loop3A_586, %parallel_loop3A_587, %parallel_loop3A_588], %parallel_loop3A_591 {strides = array<i32>} : memref<2x80x64xf32, #tpu.memory_space<vmem>>, vector<1x1x16xf32>,
        %parallel_loop3A_592 = arith.constant 1 : i32
        %parallel_loop3A_593 = arith.index_cast %parallel_loop3A_592 : i32 to index
        %parallel_loop3A_594 = arith.index_cast %parallel_loop3A_549 : i32 to index
        %parallel_loop3A_595 = arith.constant 48 : index
        %parallel_loop3A_596 = tpu.vector_load %arg10[%parallel_loop3A_593, %parallel_loop3A_594, %parallel_loop3A_595] {strides = array<i32>} : memref<2x80x64xf32, #tpu.memory_space<vmem>>, vector<1x1x16xf32>,
        %parallel_loop3A_597 = vector.shape_cast %parallel_loop3A_596 : vector<1x1x16xf32> to vector<16xf32>
        %parallel_loop3A_598 = arith.mulf %parallel_loop3A_597, %parallel_loop3A_545 : vector<16xf32>
        %parallel_loop3A_599 = arith.constant 1 : i32
        %parallel_loop3A_600 = arith.index_cast %parallel_loop3A_599 : i32 to index
        %parallel_loop3A_601 = arith.index_cast %parallel_loop3A_549 : i32 to index
        %parallel_loop3A_602 = arith.constant 48 : index
        %parallel_loop3A_603 = tpu.vector_load %arg11[%parallel_loop3A_600, %parallel_loop3A_601, %parallel_loop3A_602] {strides = array<i32>} : memref<2x80x64xf32, #tpu.memory_space<vmem>>, vector<1x1x16xf32>,
        %parallel_loop3A_604 = vector.shape_cast %parallel_loop3A_603 : vector<1x1x16xf32> to vector<16xf32>
        %parallel_loop3A_605 = vector.shape_cast %parallel_loop3A_598 : vector<16xf32> to vector<1x1x16xf32>
        tpu.vector_store %arg11[%parallel_loop3A_600, %parallel_loop3A_601, %parallel_loop3A_602], %parallel_loop3A_605 {strides = array<i32>} : memref<2x80x64xf32, #tpu.memory_space<vmem>>, vector<1x1x16xf32>,
        %parallel_loop3A_606 = vector.extract_strided_slice %parallel_loop3A_164 {offsets = [7], sizes = [1], strides = [1]} : vector<16xf32> to vector<1xf32>
        %parallel_loop3A_607 = vector.extract %parallel_loop3A_606[0] : f32 from vector<1xf32>
        %parallel_loop3A_608 = vector.broadcast %parallel_loop3A_607 : f32 to vector<16xf32>
        %parallel_loop3A_609 = arith.constant 16 : i32
        %parallel_loop3A_610 = arith.muli %parallel_loop3A_609, %parallel_loop3A_156 : i32
        %parallel_loop3A_611 = arith.constant 7 : i32
        %parallel_loop3A_612 = arith.addi %parallel_loop3A_610, %parallel_loop3A_611 : i32
        %parallel_loop3A_613 = arith.constant 1 : i32
        %parallel_loop3A_614 = arith.index_cast %parallel_loop3A_613 : i32 to index
        %parallel_loop3A_615 = arith.index_cast %parallel_loop3A_612 : i32 to index
        %parallel_loop3A_616 = arith.constant 0 : index
        %parallel_loop3A_617 = tpu.vector_load %arg10[%parallel_loop3A_614, %parallel_loop3A_615, %parallel_loop3A_616] {strides = array<i32>} : memref<2x80x64xf32, #tpu.memory_space<vmem>>, vector<1x1x16xf32>,
        %parallel_loop3A_618 = vector.shape_cast %parallel_loop3A_617 : vector<1x1x16xf32> to vector<16xf32>
        %parallel_loop3A_619 = arith.mulf %parallel_loop3A_618, %parallel_loop3A_608 : vector<16xf32>
        %parallel_loop3A_620 = arith.constant 1 : i32
        %parallel_loop3A_621 = arith.index_cast %parallel_loop3A_620 : i32 to index
        %parallel_loop3A_622 = arith.index_cast %parallel_loop3A_612 : i32 to index
        %parallel_loop3A_623 = arith.constant 0 : index
        %parallel_loop3A_624 = tpu.vector_load %arg11[%parallel_loop3A_621, %parallel_loop3A_622, %parallel_loop3A_623] {strides = array<i32>} : memref<2x80x64xf32, #tpu.memory_space<vmem>>, vector<1x1x16xf32>,
        %parallel_loop3A_625 = vector.shape_cast %parallel_loop3A_624 : vector<1x1x16xf32> to vector<16xf32>
        %parallel_loop3A_626 = vector.shape_cast %parallel_loop3A_619 : vector<16xf32> to vector<1x1x16xf32>
        tpu.vector_store %arg11[%parallel_loop3A_621, %parallel_loop3A_622, %parallel_loop3A_623], %parallel_loop3A_626 {strides = array<i32>} : memref<2x80x64xf32, #tpu.memory_space<vmem>>, vector<1x1x16xf32>,
        %parallel_loop3A_627 = arith.constant 1 : i32
        %parallel_loop3A_628 = arith.index_cast %parallel_loop3A_627 : i32 to index
        %parallel_loop3A_629 = arith.index_cast %parallel_loop3A_612 : i32 to index
        %parallel_loop3A_630 = arith.constant 16 : index
        %parallel_loop3A_631 = tpu.vector_load %arg10[%parallel_loop3A_628, %parallel_loop3A_629, %parallel_loop3A_630] {strides = array<i32>} : memref<2x80x64xf32, #tpu.memory_space<vmem>>, vector<1x1x16xf32>,
        %parallel_loop3A_632 = vector.shape_cast %parallel_loop3A_631 : vector<1x1x16xf32> to vector<16xf32>
        %parallel_loop3A_633 = arith.mulf %parallel_loop3A_632, %parallel_loop3A_608 : vector<16xf32>
        %parallel_loop3A_634 = arith.constant 1 : i32
        %parallel_loop3A_635 = arith.index_cast %parallel_loop3A_634 : i32 to index
        %parallel_loop3A_636 = arith.index_cast %parallel_loop3A_612 : i32 to index
        %parallel_loop3A_637 = arith.constant 16 : index
        %parallel_loop3A_638 = tpu.vector_load %arg11[%parallel_loop3A_635, %parallel_loop3A_636, %parallel_loop3A_637] {strides = array<i32>} : memref<2x80x64xf32, #tpu.memory_space<vmem>>, vector<1x1x16xf32>,
        %parallel_loop3A_639 = vector.shape_cast %parallel_loop3A_638 : vector<1x1x16xf32> to vector<16xf32>
        %parallel_loop3A_640 = vector.shape_cast %parallel_loop3A_633 : vector<16xf32> to vector<1x1x16xf32>
        tpu.vector_store %arg11[%parallel_loop3A_635, %parallel_loop3A_636, %parallel_loop3A_637], %parallel_loop3A_640 {strides = array<i32>} : memref<2x80x64xf32, #tpu.memory_space<vmem>>, vector<1x1x16xf32>,
        %parallel_loop3A_641 = arith.constant 1 : i32
        %parallel_loop3A_642 = arith.index_cast %parallel_loop3A_641 : i32 to index
        %parallel_loop3A_643 = arith.index_cast %parallel_loop3A_612 : i32 to index
        %parallel_loop3A_644 = arith.constant 32 : index
        %parallel_loop3A_645 = tpu.vector_load %arg10[%parallel_loop3A_642, %parallel_loop3A_643, %parallel_loop3A_644] {strides = array<i32>} : memref<2x80x64xf32, #tpu.memory_space<vmem>>, vector<1x1x16xf32>,
        %parallel_loop3A_646 = vector.shape_cast %parallel_loop3A_645 : vector<1x1x16xf32> to vector<16xf32>
        %parallel_loop3A_647 = arith.mulf %parallel_loop3A_646, %parallel_loop3A_608 : vector<16xf32>
        %parallel_loop3A_648 = arith.constant 1 : i32
        %parallel_loop3A_649 = arith.index_cast %parallel_loop3A_648 : i32 to index
        %parallel_loop3A_650 = arith.index_cast %parallel_loop3A_612 : i32 to index
        %parallel_loop3A_651 = arith.constant 32 : index
        %parallel_loop3A_652 = tpu.vector_load %arg11[%parallel_loop3A_649, %parallel_loop3A_650, %parallel_loop3A_651] {strides = array<i32>} : memref<2x80x64xf32, #tpu.memory_space<vmem>>, vector<1x1x16xf32>,
        %parallel_loop3A_653 = vector.shape_cast %parallel_loop3A_652 : vector<1x1x16xf32> to vector<16xf32>
        %parallel_loop3A_654 = vector.shape_cast %parallel_loop3A_647 : vector<16xf32> to vector<1x1x16xf32>
        tpu.vector_store %arg11[%parallel_loop3A_649, %parallel_loop3A_650, %parallel_loop3A_651], %parallel_loop3A_654 {strides = array<i32>} : memref<2x80x64xf32, #tpu.memory_space<vmem>>, vector<1x1x16xf32>,
        %parallel_loop3A_655 = arith.constant 1 : i32
        %parallel_loop3A_656 = arith.index_cast %parallel_loop3A_655 : i32 to index
        %parallel_loop3A_657 = arith.index_cast %parallel_loop3A_612 : i32 to index
        %parallel_loop3A_658 = arith.constant 48 : index
        %parallel_loop3A_659 = tpu.vector_load %arg10[%parallel_loop3A_656, %parallel_loop3A_657, %parallel_loop3A_658] {strides = array<i32>} : memref<2x80x64xf32, #tpu.memory_space<vmem>>, vector<1x1x16xf32>,
        %parallel_loop3A_660 = vector.shape_cast %parallel_loop3A_659 : vector<1x1x16xf32> to vector<16xf32>
        %parallel_loop3A_661 = arith.mulf %parallel_loop3A_660, %parallel_loop3A_608 : vector<16xf32>
        %parallel_loop3A_662 = arith.constant 1 : i32
        %parallel_loop3A_663 = arith.index_cast %parallel_loop3A_662 : i32 to index
        %parallel_loop3A_664 = arith.index_cast %parallel_loop3A_612 : i32 to index
        %parallel_loop3A_665 = arith.constant 48 : index
        %parallel_loop3A_666 = tpu.vector_load %arg11[%parallel_loop3A_663, %parallel_loop3A_664, %parallel_loop3A_665] {strides = array<i32>} : memref<2x80x64xf32, #tpu.memory_space<vmem>>, vector<1x1x16xf32>,
        %parallel_loop3A_667 = vector.shape_cast %parallel_loop3A_666 : vector<1x1x16xf32> to vector<16xf32>
        %parallel_loop3A_668 = vector.shape_cast %parallel_loop3A_661 : vector<16xf32> to vector<1x1x16xf32>
        tpu.vector_store %arg11[%parallel_loop3A_663, %parallel_loop3A_664, %parallel_loop3A_665], %parallel_loop3A_668 {strides = array<i32>} : memref<2x80x64xf32, #tpu.memory_space<vmem>>, vector<1x1x16xf32>,
        %parallel_loop3A_669 = vector.extract_strided_slice %parallel_loop3A_164 {offsets = [8], sizes = [1], strides = [1]} : vector<16xf32> to vector<1xf32>
        %parallel_loop3A_670 = vector.extract %parallel_loop3A_669[0] : f32 from vector<1xf32>
        %parallel_loop3A_671 = vector.broadcast %parallel_loop3A_670 : f32 to vector<16xf32>
        %parallel_loop3A_672 = arith.constant 16 : i32
        %parallel_loop3A_673 = arith.muli %parallel_loop3A_672, %parallel_loop3A_156 : i32
        %parallel_loop3A_674 = arith.constant 8 : i32
        %parallel_loop3A_675 = arith.addi %parallel_loop3A_673, %parallel_loop3A_674 : i32
        %parallel_loop3A_676 = arith.constant 1 : i32
        %parallel_loop3A_677 = arith.index_cast %parallel_loop3A_676 : i32 to index
        %parallel_loop3A_678 = arith.index_cast %parallel_loop3A_675 : i32 to index
        %parallel_loop3A_679 = arith.constant 0 : index
        %parallel_loop3A_680 = tpu.vector_load %arg10[%parallel_loop3A_677, %parallel_loop3A_678, %parallel_loop3A_679] {strides = array<i32>} : memref<2x80x64xf32, #tpu.memory_space<vmem>>, vector<1x1x16xf32>,
        %parallel_loop3A_681 = vector.shape_cast %parallel_loop3A_680 : vector<1x1x16xf32> to vector<16xf32>
        %parallel_loop3A_682 = arith.mulf %parallel_loop3A_681, %parallel_loop3A_671 : vector<16xf32>
        %parallel_loop3A_683 = arith.constant 1 : i32
        %parallel_loop3A_684 = arith.index_cast %parallel_loop3A_683 : i32 to index
        %parallel_loop3A_685 = arith.index_cast %parallel_loop3A_675 : i32 to index
        %parallel_loop3A_686 = arith.constant 0 : index
        %parallel_loop3A_687 = tpu.vector_load %arg11[%parallel_loop3A_684, %parallel_loop3A_685, %parallel_loop3A_686] {strides = array<i32>} : memref<2x80x64xf32, #tpu.memory_space<vmem>>, vector<1x1x16xf32>,
        %parallel_loop3A_688 = vector.shape_cast %parallel_loop3A_687 : vector<1x1x16xf32> to vector<16xf32>
        %parallel_loop3A_689 = vector.shape_cast %parallel_loop3A_682 : vector<16xf32> to vector<1x1x16xf32>
        tpu.vector_store %arg11[%parallel_loop3A_684, %parallel_loop3A_685, %parallel_loop3A_686], %parallel_loop3A_689 {strides = array<i32>} : memref<2x80x64xf32, #tpu.memory_space<vmem>>, vector<1x1x16xf32>,
        %parallel_loop3A_690 = arith.constant 1 : i32
        %parallel_loop3A_691 = arith.index_cast %parallel_loop3A_690 : i32 to index
        %parallel_loop3A_692 = arith.index_cast %parallel_loop3A_675 : i32 to index
        %parallel_loop3A_693 = arith.constant 16 : index
        %parallel_loop3A_694 = tpu.vector_load %arg10[%parallel_loop3A_691, %parallel_loop3A_692, %parallel_loop3A_693] {strides = array<i32>} : memref<2x80x64xf32, #tpu.memory_space<vmem>>, vector<1x1x16xf32>,
        %parallel_loop3A_695 = vector.shape_cast %parallel_loop3A_694 : vector<1x1x16xf32> to vector<16xf32>
        %parallel_loop3A_696 = arith.mulf %parallel_loop3A_695, %parallel_loop3A_671 : vector<16xf32>
        %parallel_loop3A_697 = arith.constant 1 : i32
        %parallel_loop3A_698 = arith.index_cast %parallel_loop3A_697 : i32 to index
        %parallel_loop3A_699 = arith.index_cast %parallel_loop3A_675 : i32 to index
        %parallel_loop3A_700 = arith.constant 16 : index
        %parallel_loop3A_701 = tpu.vector_load %arg11[%parallel_loop3A_698, %parallel_loop3A_699, %parallel_loop3A_700] {strides = array<i32>} : memref<2x80x64xf32, #tpu.memory_space<vmem>>, vector<1x1x16xf32>,
        %parallel_loop3A_702 = vector.shape_cast %parallel_loop3A_701 : vector<1x1x16xf32> to vector<16xf32>
        %parallel_loop3A_703 = vector.shape_cast %parallel_loop3A_696 : vector<16xf32> to vector<1x1x16xf32>
        tpu.vector_store %arg11[%parallel_loop3A_698, %parallel_loop3A_699, %parallel_loop3A_700], %parallel_loop3A_703 {strides = array<i32>} : memref<2x80x64xf32, #tpu.memory_space<vmem>>, vector<1x1x16xf32>,
        %parallel_loop3A_704 = arith.constant 1 : i32
        %parallel_loop3A_705 = arith.index_cast %parallel_loop3A_704 : i32 to index
        %parallel_loop3A_706 = arith.index_cast %parallel_loop3A_675 : i32 to index
        %parallel_loop3A_707 = arith.constant 32 : index
        %parallel_loop3A_708 = tpu.vector_load %arg10[%parallel_loop3A_705, %parallel_loop3A_706, %parallel_loop3A_707] {strides = array<i32>} : memref<2x80x64xf32, #tpu.memory_space<vmem>>, vector<1x1x16xf32>,
        %parallel_loop3A_709 = vector.shape_cast %parallel_loop3A_708 : vector<1x1x16xf32> to vector<16xf32>
        %parallel_loop3A_710 = arith.mulf %parallel_loop3A_709, %parallel_loop3A_671 : vector<16xf32>
        %parallel_loop3A_711 = arith.constant 1 : i32
        %parallel_loop3A_712 = arith.index_cast %parallel_loop3A_711 : i32 to index
        %parallel_loop3A_713 = arith.index_cast %parallel_loop3A_675 : i32 to index
        %parallel_loop3A_714 = arith.constant 32 : index
        %parallel_loop3A_715 = tpu.vector_load %arg11[%parallel_loop3A_712, %parallel_loop3A_713, %parallel_loop3A_714] {strides = array<i32>} : memref<2x80x64xf32, #tpu.memory_space<vmem>>, vector<1x1x16xf32>,
        %parallel_loop3A_716 = vector.shape_cast %parallel_loop3A_715 : vector<1x1x16xf32> to vector<16xf32>
        %parallel_loop3A_717 = vector.shape_cast %parallel_loop3A_710 : vector<16xf32> to vector<1x1x16xf32>
        tpu.vector_store %arg11[%parallel_loop3A_712, %parallel_loop3A_713, %parallel_loop3A_714], %parallel_loop3A_717 {strides = array<i32>} : memref<2x80x64xf32, #tpu.memory_space<vmem>>, vector<1x1x16xf32>,
        %parallel_loop3A_718 = arith.constant 1 : i32
        %parallel_loop3A_719 = arith.index_cast %parallel_loop3A_718 : i32 to index
        %parallel_loop3A_720 = arith.index_cast %parallel_loop3A_675 : i32 to index
        %parallel_loop3A_721 = arith.constant 48 : index
        %parallel_loop3A_722 = tpu.vector_load %arg10[%parallel_loop3A_719, %parallel_loop3A_720, %parallel_loop3A_721] {strides = array<i32>} : memref<2x80x64xf32, #tpu.memory_space<vmem>>, vector<1x1x16xf32>,
        %parallel_loop3A_723 = vector.shape_cast %parallel_loop3A_722 : vector<1x1x16xf32> to vector<16xf32>
        %parallel_loop3A_724 = arith.mulf %parallel_loop3A_723, %parallel_loop3A_671 : vector<16xf32>
        %parallel_loop3A_725 = arith.constant 1 : i32
        %parallel_loop3A_726 = arith.index_cast %parallel_loop3A_725 : i32 to index
        %parallel_loop3A_727 = arith.index_cast %parallel_loop3A_675 : i32 to index
        %parallel_loop3A_728 = arith.constant 48 : index
        %parallel_loop3A_729 = tpu.vector_load %arg11[%parallel_loop3A_726, %parallel_loop3A_727, %parallel_loop3A_728] {strides = array<i32>} : memref<2x80x64xf32, #tpu.memory_space<vmem>>, vector<1x1x16xf32>,
        %parallel_loop3A_730 = vector.shape_cast %parallel_loop3A_729 : vector<1x1x16xf32> to vector<16xf32>
        %parallel_loop3A_731 = vector.shape_cast %parallel_loop3A_724 : vector<16xf32> to vector<1x1x16xf32>
        tpu.vector_store %arg11[%parallel_loop3A_726, %parallel_loop3A_727, %parallel_loop3A_728], %parallel_loop3A_731 {strides = array<i32>} : memref<2x80x64xf32, #tpu.memory_space<vmem>>, vector<1x1x16xf32>,
        %parallel_loop3A_732 = vector.extract_strided_slice %parallel_loop3A_164 {offsets = [9], sizes = [1], strides = [1]} : vector<16xf32> to vector<1xf32>
        %parallel_loop3A_733 = vector.extract %parallel_loop3A_732[0] : f32 from vector<1xf32>
        %parallel_loop3A_734 = vector.broadcast %parallel_loop3A_733 : f32 to vector<16xf32>
        %parallel_loop3A_735 = arith.constant 16 : i32
        %parallel_loop3A_736 = arith.muli %parallel_loop3A_735, %parallel_loop3A_156 : i32
        %parallel_loop3A_737 = arith.constant 9 : i32
        %parallel_loop3A_738 = arith.addi %parallel_loop3A_736, %parallel_loop3A_737 : i32
        %parallel_loop3A_739 = arith.constant 1 : i32
        %parallel_loop3A_740 = arith.index_cast %parallel_loop3A_739 : i32 to index
        %parallel_loop3A_741 = arith.index_cast %parallel_loop3A_738 : i32 to index
        %parallel_loop3A_742 = arith.constant 0 : index
        %parallel_loop3A_743 = tpu.vector_load %arg10[%parallel_loop3A_740, %parallel_loop3A_741, %parallel_loop3A_742] {strides = array<i32>} : memref<2x80x64xf32, #tpu.memory_space<vmem>>, vector<1x1x16xf32>,
        %parallel_loop3A_744 = vector.shape_cast %parallel_loop3A_743 : vector<1x1x16xf32> to vector<16xf32>
        %parallel_loop3A_745 = arith.mulf %parallel_loop3A_744, %parallel_loop3A_734 : vector<16xf32>
        %parallel_loop3A_746 = arith.constant 1 : i32
        %parallel_loop3A_747 = arith.index_cast %parallel_loop3A_746 : i32 to index
        %parallel_loop3A_748 = arith.index_cast %parallel_loop3A_738 : i32 to index
        %parallel_loop3A_749 = arith.constant 0 : index
        %parallel_loop3A_750 = tpu.vector_load %arg11[%parallel_loop3A_747, %parallel_loop3A_748, %parallel_loop3A_749] {strides = array<i32>} : memref<2x80x64xf32, #tpu.memory_space<vmem>>, vector<1x1x16xf32>,
        %parallel_loop3A_751 = vector.shape_cast %parallel_loop3A_750 : vector<1x1x16xf32> to vector<16xf32>
        %parallel_loop3A_752 = vector.shape_cast %parallel_loop3A_745 : vector<16xf32> to vector<1x1x16xf32>
        tpu.vector_store %arg11[%parallel_loop3A_747, %parallel_loop3A_748, %parallel_loop3A_749], %parallel_loop3A_752 {strides = array<i32>} : memref<2x80x64xf32, #tpu.memory_space<vmem>>, vector<1x1x16xf32>,
        %parallel_loop3A_753 = arith.constant 1 : i32
        %parallel_loop3A_754 = arith.index_cast %parallel_loop3A_753 : i32 to index
        %parallel_loop3A_755 = arith.index_cast %parallel_loop3A_738 : i32 to index
        %parallel_loop3A_756 = arith.constant 16 : index
        %parallel_loop3A_757 = tpu.vector_load %arg10[%parallel_loop3A_754, %parallel_loop3A_755, %parallel_loop3A_756] {strides = array<i32>} : memref<2x80x64xf32, #tpu.memory_space<vmem>>, vector<1x1x16xf32>,
        %parallel_loop3A_758 = vector.shape_cast %parallel_loop3A_757 : vector<1x1x16xf32> to vector<16xf32>
        %parallel_loop3A_759 = arith.mulf %parallel_loop3A_758, %parallel_loop3A_734 : vector<16xf32>
        %parallel_loop3A_760 = arith.constant 1 : i32
        %parallel_loop3A_761 = arith.index_cast %parallel_loop3A_760 : i32 to index
        %parallel_loop3A_762 = arith.index_cast %parallel_loop3A_738 : i32 to index
        %parallel_loop3A_763 = arith.constant 16 : index
        %parallel_loop3A_764 = tpu.vector_load %arg11[%parallel_loop3A_761, %parallel_loop3A_762, %parallel_loop3A_763] {strides = array<i32>} : memref<2x80x64xf32, #tpu.memory_space<vmem>>, vector<1x1x16xf32>,
        %parallel_loop3A_765 = vector.shape_cast %parallel_loop3A_764 : vector<1x1x16xf32> to vector<16xf32>
        %parallel_loop3A_766 = vector.shape_cast %parallel_loop3A_759 : vector<16xf32> to vector<1x1x16xf32>
        tpu.vector_store %arg11[%parallel_loop3A_761, %parallel_loop3A_762, %parallel_loop3A_763], %parallel_loop3A_766 {strides = array<i32>} : memref<2x80x64xf32, #tpu.memory_space<vmem>>, vector<1x1x16xf32>,
        %parallel_loop3A_767 = arith.constant 1 : i32
        %parallel_loop3A_768 = arith.index_cast %parallel_loop3A_767 : i32 to index
        %parallel_loop3A_769 = arith.index_cast %parallel_loop3A_738 : i32 to index
        %parallel_loop3A_770 = arith.constant 32 : index
        %parallel_loop3A_771 = tpu.vector_load %arg10[%parallel_loop3A_768, %parallel_loop3A_769, %parallel_loop3A_770] {strides = array<i32>} : memref<2x80x64xf32, #tpu.memory_space<vmem>>, vector<1x1x16xf32>,
        %parallel_loop3A_772 = vector.shape_cast %parallel_loop3A_771 : vector<1x1x16xf32> to vector<16xf32>
        %parallel_loop3A_773 = arith.mulf %parallel_loop3A_772, %parallel_loop3A_734 : vector<16xf32>
        %parallel_loop3A_774 = arith.constant 1 : i32
        %parallel_loop3A_775 = arith.index_cast %parallel_loop3A_774 : i32 to index
        %parallel_loop3A_776 = arith.index_cast %parallel_loop3A_738 : i32 to index
        %parallel_loop3A_777 = arith.constant 32 : index
        %parallel_loop3A_778 = tpu.vector_load %arg11[%parallel_loop3A_775, %parallel_loop3A_776, %parallel_loop3A_777] {strides = array<i32>} : memref<2x80x64xf32, #tpu.memory_space<vmem>>, vector<1x1x16xf32>,
        %parallel_loop3A_779 = vector.shape_cast %parallel_loop3A_778 : vector<1x1x16xf32> to vector<16xf32>
        %parallel_loop3A_780 = vector.shape_cast %parallel_loop3A_773 : vector<16xf32> to vector<1x1x16xf32>
        tpu.vector_store %arg11[%parallel_loop3A_775, %parallel_loop3A_776, %parallel_loop3A_777], %parallel_loop3A_780 {strides = array<i32>} : memref<2x80x64xf32, #tpu.memory_space<vmem>>, vector<1x1x16xf32>,
        %parallel_loop3A_781 = arith.constant 1 : i32
        %parallel_loop3A_782 = arith.index_cast %parallel_loop3A_781 : i32 to index
        %parallel_loop3A_783 = arith.index_cast %parallel_loop3A_738 : i32 to index
        %parallel_loop3A_784 = arith.constant 48 : index
        %parallel_loop3A_785 = tpu.vector_load %arg10[%parallel_loop3A_782, %parallel_loop3A_783, %parallel_loop3A_784] {strides = array<i32>} : memref<2x80x64xf32, #tpu.memory_space<vmem>>, vector<1x1x16xf32>,
        %parallel_loop3A_786 = vector.shape_cast %parallel_loop3A_785 : vector<1x1x16xf32> to vector<16xf32>
        %parallel_loop3A_787 = arith.mulf %parallel_loop3A_786, %parallel_loop3A_734 : vector<16xf32>
        %parallel_loop3A_788 = arith.constant 1 : i32
        %parallel_loop3A_789 = arith.index_cast %parallel_loop3A_788 : i32 to index
        %parallel_loop3A_790 = arith.index_cast %parallel_loop3A_738 : i32 to index
        %parallel_loop3A_791 = arith.constant 48 : index
        %parallel_loop3A_792 = tpu.vector_load %arg11[%parallel_loop3A_789, %parallel_loop3A_790, %parallel_loop3A_791] {strides = array<i32>} : memref<2x80x64xf32, #tpu.memory_space<vmem>>, vector<1x1x16xf32>,
        %parallel_loop3A_793 = vector.shape_cast %parallel_loop3A_792 : vector<1x1x16xf32> to vector<16xf32>
        %parallel_loop3A_794 = vector.shape_cast %parallel_loop3A_787 : vector<16xf32> to vector<1x1x16xf32>
        tpu.vector_store %arg11[%parallel_loop3A_789, %parallel_loop3A_790, %parallel_loop3A_791], %parallel_loop3A_794 {strides = array<i32>} : memref<2x80x64xf32, #tpu.memory_space<vmem>>, vector<1x1x16xf32>,
        %parallel_loop3A_795 = vector.extract_strided_slice %parallel_loop3A_164 {offsets = [10], sizes = [1], strides = [1]} : vector<16xf32> to vector<1xf32>
        %parallel_loop3A_796 = vector.extract %parallel_loop3A_795[0] : f32 from vector<1xf32>
        %parallel_loop3A_797 = vector.broadcast %parallel_loop3A_796 : f32 to vector<16xf32>
        %parallel_loop3A_798 = arith.constant 16 : i32
        %parallel_loop3A_799 = arith.muli %parallel_loop3A_798, %parallel_loop3A_156 : i32
        %parallel_loop3A_800 = arith.constant 10 : i32
        %parallel_loop3A_801 = arith.addi %parallel_loop3A_799, %parallel_loop3A_800 : i32
        %parallel_loop3A_802 = arith.constant 1 : i32
        %parallel_loop3A_803 = arith.index_cast %parallel_loop3A_802 : i32 to index
        %parallel_loop3A_804 = arith.index_cast %parallel_loop3A_801 : i32 to index
        %parallel_loop3A_805 = arith.constant 0 : index
        %parallel_loop3A_806 = tpu.vector_load %arg10[%parallel_loop3A_803, %parallel_loop3A_804, %parallel_loop3A_805] {strides = array<i32>} : memref<2x80x64xf32, #tpu.memory_space<vmem>>, vector<1x1x16xf32>,
        %parallel_loop3A_807 = vector.shape_cast %parallel_loop3A_806 : vector<1x1x16xf32> to vector<16xf32>
        %parallel_loop3A_808 = arith.mulf %parallel_loop3A_807, %parallel_loop3A_797 : vector<16xf32>
        %parallel_loop3A_809 = arith.constant 1 : i32
        %parallel_loop3A_810 = arith.index_cast %parallel_loop3A_809 : i32 to index
        %parallel_loop3A_811 = arith.index_cast %parallel_loop3A_801 : i32 to index
        %parallel_loop3A_812 = arith.constant 0 : index
        %parallel_loop3A_813 = tpu.vector_load %arg11[%parallel_loop3A_810, %parallel_loop3A_811, %parallel_loop3A_812] {strides = array<i32>} : memref<2x80x64xf32, #tpu.memory_space<vmem>>, vector<1x1x16xf32>,
        %parallel_loop3A_814 = vector.shape_cast %parallel_loop3A_813 : vector<1x1x16xf32> to vector<16xf32>
        %parallel_loop3A_815 = vector.shape_cast %parallel_loop3A_808 : vector<16xf32> to vector<1x1x16xf32>
        tpu.vector_store %arg11[%parallel_loop3A_810, %parallel_loop3A_811, %parallel_loop3A_812], %parallel_loop3A_815 {strides = array<i32>} : memref<2x80x64xf32, #tpu.memory_space<vmem>>, vector<1x1x16xf32>,
        %parallel_loop3A_816 = arith.constant 1 : i32
        %parallel_loop3A_817 = arith.index_cast %parallel_loop3A_816 : i32 to index
        %parallel_loop3A_818 = arith.index_cast %parallel_loop3A_801 : i32 to index
        %parallel_loop3A_819 = arith.constant 16 : index
        %parallel_loop3A_820 = tpu.vector_load %arg10[%parallel_loop3A_817, %parallel_loop3A_818, %parallel_loop3A_819] {strides = array<i32>} : memref<2x80x64xf32, #tpu.memory_space<vmem>>, vector<1x1x16xf32>,
        %parallel_loop3A_821 = vector.shape_cast %parallel_loop3A_820 : vector<1x1x16xf32> to vector<16xf32>
        %parallel_loop3A_822 = arith.mulf %parallel_loop3A_821, %parallel_loop3A_797 : vector<16xf32>
        %parallel_loop3A_823 = arith.constant 1 : i32
        %parallel_loop3A_824 = arith.index_cast %parallel_loop3A_823 : i32 to index
        %parallel_loop3A_825 = arith.index_cast %parallel_loop3A_801 : i32 to index
        %parallel_loop3A_826 = arith.constant 16 : index
        %parallel_loop3A_827 = tpu.vector_load %arg11[%parallel_loop3A_824, %parallel_loop3A_825, %parallel_loop3A_826] {strides = array<i32>} : memref<2x80x64xf32, #tpu.memory_space<vmem>>, vector<1x1x16xf32>,
        %parallel_loop3A_828 = vector.shape_cast %parallel_loop3A_827 : vector<1x1x16xf32> to vector<16xf32>
        %parallel_loop3A_829 = vector.shape_cast %parallel_loop3A_822 : vector<16xf32> to vector<1x1x16xf32>
        tpu.vector_store %arg11[%parallel_loop3A_824, %parallel_loop3A_825, %parallel_loop3A_826], %parallel_loop3A_829 {strides = array<i32>} : memref<2x80x64xf32, #tpu.memory_space<vmem>>, vector<1x1x16xf32>,
        %parallel_loop3A_830 = arith.constant 1 : i32
        %parallel_loop3A_831 = arith.index_cast %parallel_loop3A_830 : i32 to index
        %parallel_loop3A_832 = arith.index_cast %parallel_loop3A_801 : i32 to index
        %parallel_loop3A_833 = arith.constant 32 : index
        %parallel_loop3A_834 = tpu.vector_load %arg10[%parallel_loop3A_831, %parallel_loop3A_832, %parallel_loop3A_833] {strides = array<i32>} : memref<2x80x64xf32, #tpu.memory_space<vmem>>, vector<1x1x16xf32>,
        %parallel_loop3A_835 = vector.shape_cast %parallel_loop3A_834 : vector<1x1x16xf32> to vector<16xf32>
        %parallel_loop3A_836 = arith.mulf %parallel_loop3A_835, %parallel_loop3A_797 : vector<16xf32>
        %parallel_loop3A_837 = arith.constant 1 : i32
        %parallel_loop3A_838 = arith.index_cast %parallel_loop3A_837 : i32 to index
        %parallel_loop3A_839 = arith.index_cast %parallel_loop3A_801 : i32 to index
        %parallel_loop3A_840 = arith.constant 32 : index
        %parallel_loop3A_841 = tpu.vector_load %arg11[%parallel_loop3A_838, %parallel_loop3A_839, %parallel_loop3A_840] {strides = array<i32>} : memref<2x80x64xf32, #tpu.memory_space<vmem>>, vector<1x1x16xf32>,
        %parallel_loop3A_842 = vector.shape_cast %parallel_loop3A_841 : vector<1x1x16xf32> to vector<16xf32>
        %parallel_loop3A_843 = vector.shape_cast %parallel_loop3A_836 : vector<16xf32> to vector<1x1x16xf32>
        tpu.vector_store %arg11[%parallel_loop3A_838, %parallel_loop3A_839, %parallel_loop3A_840], %parallel_loop3A_843 {strides = array<i32>} : memref<2x80x64xf32, #tpu.memory_space<vmem>>, vector<1x1x16xf32>,
        %parallel_loop3A_844 = arith.constant 1 : i32
        %parallel_loop3A_845 = arith.index_cast %parallel_loop3A_844 : i32 to index
        %parallel_loop3A_846 = arith.index_cast %parallel_loop3A_801 : i32 to index
        %parallel_loop3A_847 = arith.constant 48 : index
        %parallel_loop3A_848 = tpu.vector_load %arg10[%parallel_loop3A_845, %parallel_loop3A_846, %parallel_loop3A_847] {strides = array<i32>} : memref<2x80x64xf32, #tpu.memory_space<vmem>>, vector<1x1x16xf32>,
        %parallel_loop3A_849 = vector.shape_cast %parallel_loop3A_848 : vector<1x1x16xf32> to vector<16xf32>
        %parallel_loop3A_850 = arith.mulf %parallel_loop3A_849, %parallel_loop3A_797 : vector<16xf32>
        %parallel_loop3A_851 = arith.constant 1 : i32
        %parallel_loop3A_852 = arith.index_cast %parallel_loop3A_851 : i32 to index
        %parallel_loop3A_853 = arith.index_cast %parallel_loop3A_801 : i32 to index
        %parallel_loop3A_854 = arith.constant 48 : index
        %parallel_loop3A_855 = tpu.vector_load %arg11[%parallel_loop3A_852, %parallel_loop3A_853, %parallel_loop3A_854] {strides = array<i32>} : memref<2x80x64xf32, #tpu.memory_space<vmem>>, vector<1x1x16xf32>,
        %parallel_loop3A_856 = vector.shape_cast %parallel_loop3A_855 : vector<1x1x16xf32> to vector<16xf32>
        %parallel_loop3A_857 = vector.shape_cast %parallel_loop3A_850 : vector<16xf32> to vector<1x1x16xf32>
        tpu.vector_store %arg11[%parallel_loop3A_852, %parallel_loop3A_853, %parallel_loop3A_854], %parallel_loop3A_857 {strides = array<i32>} : memref<2x80x64xf32, #tpu.memory_space<vmem>>, vector<1x1x16xf32>,
        %parallel_loop3A_858 = vector.extract_strided_slice %parallel_loop3A_164 {offsets = [11], sizes = [1], strides = [1]} : vector<16xf32> to vector<1xf32>
        %parallel_loop3A_859 = vector.extract %parallel_loop3A_858[0] : f32 from vector<1xf32>
        %parallel_loop3A_860 = vector.broadcast %parallel_loop3A_859 : f32 to vector<16xf32>
        %parallel_loop3A_861 = arith.constant 16 : i32
        %parallel_loop3A_862 = arith.muli %parallel_loop3A_861, %parallel_loop3A_156 : i32
        %parallel_loop3A_863 = arith.constant 11 : i32
        %parallel_loop3A_864 = arith.addi %parallel_loop3A_862, %parallel_loop3A_863 : i32
        %parallel_loop3A_865 = arith.constant 1 : i32
        %parallel_loop3A_866 = arith.index_cast %parallel_loop3A_865 : i32 to index
        %parallel_loop3A_867 = arith.index_cast %parallel_loop3A_864 : i32 to index
        %parallel_loop3A_868 = arith.constant 0 : index
        %parallel_loop3A_869 = tpu.vector_load %arg10[%parallel_loop3A_866, %parallel_loop3A_867, %parallel_loop3A_868] {strides = array<i32>} : memref<2x80x64xf32, #tpu.memory_space<vmem>>, vector<1x1x16xf32>,
        %parallel_loop3A_870 = vector.shape_cast %parallel_loop3A_869 : vector<1x1x16xf32> to vector<16xf32>
        %parallel_loop3A_871 = arith.mulf %parallel_loop3A_870, %parallel_loop3A_860 : vector<16xf32>
        %parallel_loop3A_872 = arith.constant 1 : i32
        %parallel_loop3A_873 = arith.index_cast %parallel_loop3A_872 : i32 to index
        %parallel_loop3A_874 = arith.index_cast %parallel_loop3A_864 : i32 to index
        %parallel_loop3A_875 = arith.constant 0 : index
        %parallel_loop3A_876 = tpu.vector_load %arg11[%parallel_loop3A_873, %parallel_loop3A_874, %parallel_loop3A_875] {strides = array<i32>} : memref<2x80x64xf32, #tpu.memory_space<vmem>>, vector<1x1x16xf32>,
        %parallel_loop3A_877 = vector.shape_cast %parallel_loop3A_876 : vector<1x1x16xf32> to vector<16xf32>
        %parallel_loop3A_878 = vector.shape_cast %parallel_loop3A_871 : vector<16xf32> to vector<1x1x16xf32>
        tpu.vector_store %arg11[%parallel_loop3A_873, %parallel_loop3A_874, %parallel_loop3A_875], %parallel_loop3A_878 {strides = array<i32>} : memref<2x80x64xf32, #tpu.memory_space<vmem>>, vector<1x1x16xf32>,
        %parallel_loop3A_879 = arith.constant 1 : i32
        %parallel_loop3A_880 = arith.index_cast %parallel_loop3A_879 : i32 to index
        %parallel_loop3A_881 = arith.index_cast %parallel_loop3A_864 : i32 to index
        %parallel_loop3A_882 = arith.constant 16 : index
        %parallel_loop3A_883 = tpu.vector_load %arg10[%parallel_loop3A_880, %parallel_loop3A_881, %parallel_loop3A_882] {strides = array<i32>} : memref<2x80x64xf32, #tpu.memory_space<vmem>>, vector<1x1x16xf32>,
        %parallel_loop3A_884 = vector.shape_cast %parallel_loop3A_883 : vector<1x1x16xf32> to vector<16xf32>
        %parallel_loop3A_885 = arith.mulf %parallel_loop3A_884, %parallel_loop3A_860 : vector<16xf32>
        %parallel_loop3A_886 = arith.constant 1 : i32
        %parallel_loop3A_887 = arith.index_cast %parallel_loop3A_886 : i32 to index
        %parallel_loop3A_888 = arith.index_cast %parallel_loop3A_864 : i32 to index
        %parallel_loop3A_889 = arith.constant 16 : index
        %parallel_loop3A_890 = tpu.vector_load %arg11[%parallel_loop3A_887, %parallel_loop3A_888, %parallel_loop3A_889] {strides = array<i32>} : memref<2x80x64xf32, #tpu.memory_space<vmem>>, vector<1x1x16xf32>,
        %parallel_loop3A_891 = vector.shape_cast %parallel_loop3A_890 : vector<1x1x16xf32> to vector<16xf32>
        %parallel_loop3A_892 = vector.shape_cast %parallel_loop3A_885 : vector<16xf32> to vector<1x1x16xf32>
        tpu.vector_store %arg11[%parallel_loop3A_887, %parallel_loop3A_888, %parallel_loop3A_889], %parallel_loop3A_892 {strides = array<i32>} : memref<2x80x64xf32, #tpu.memory_space<vmem>>, vector<1x1x16xf32>,
        %parallel_loop3A_893 = arith.constant 1 : i32
        %parallel_loop3A_894 = arith.index_cast %parallel_loop3A_893 : i32 to index
        %parallel_loop3A_895 = arith.index_cast %parallel_loop3A_864 : i32 to index
        %parallel_loop3A_896 = arith.constant 32 : index
        %parallel_loop3A_897 = tpu.vector_load %arg10[%parallel_loop3A_894, %parallel_loop3A_895, %parallel_loop3A_896] {strides = array<i32>} : memref<2x80x64xf32, #tpu.memory_space<vmem>>, vector<1x1x16xf32>,
        %parallel_loop3A_898 = vector.shape_cast %parallel_loop3A_897 : vector<1x1x16xf32> to vector<16xf32>
        %parallel_loop3A_899 = arith.mulf %parallel_loop3A_898, %parallel_loop3A_860 : vector<16xf32>
        %parallel_loop3A_900 = arith.constant 1 : i32
        %parallel_loop3A_901 = arith.index_cast %parallel_loop3A_900 : i32 to index
        %parallel_loop3A_902 = arith.index_cast %parallel_loop3A_864 : i32 to index
        %parallel_loop3A_903 = arith.constant 32 : index
        %parallel_loop3A_904 = tpu.vector_load %arg11[%parallel_loop3A_901, %parallel_loop3A_902, %parallel_loop3A_903] {strides = array<i32>} : memref<2x80x64xf32, #tpu.memory_space<vmem>>, vector<1x1x16xf32>,
        %parallel_loop3A_905 = vector.shape_cast %parallel_loop3A_904 : vector<1x1x16xf32> to vector<16xf32>
        %parallel_loop3A_906 = vector.shape_cast %parallel_loop3A_899 : vector<16xf32> to vector<1x1x16xf32>
        tpu.vector_store %arg11[%parallel_loop3A_901, %parallel_loop3A_902, %parallel_loop3A_903], %parallel_loop3A_906 {strides = array<i32>} : memref<2x80x64xf32, #tpu.memory_space<vmem>>, vector<1x1x16xf32>,
        %parallel_loop3A_907 = arith.constant 1 : i32
        %parallel_loop3A_908 = arith.index_cast %parallel_loop3A_907 : i32 to index
        %parallel_loop3A_909 = arith.index_cast %parallel_loop3A_864 : i32 to index
        %parallel_loop3A_910 = arith.constant 48 : index
        %parallel_loop3A_911 = tpu.vector_load %arg10[%parallel_loop3A_908, %parallel_loop3A_909, %parallel_loop3A_910] {strides = array<i32>} : memref<2x80x64xf32, #tpu.memory_space<vmem>>, vector<1x1x16xf32>,
        %parallel_loop3A_912 = vector.shape_cast %parallel_loop3A_911 : vector<1x1x16xf32> to vector<16xf32>
        %parallel_loop3A_913 = arith.mulf %parallel_loop3A_912, %parallel_loop3A_860 : vector<16xf32>
        %parallel_loop3A_914 = arith.constant 1 : i32
        %parallel_loop3A_915 = arith.index_cast %parallel_loop3A_914 : i32 to index
        %parallel_loop3A_916 = arith.index_cast %parallel_loop3A_864 : i32 to index
        %parallel_loop3A_917 = arith.constant 48 : index
        %parallel_loop3A_918 = tpu.vector_load %arg11[%parallel_loop3A_915, %parallel_loop3A_916, %parallel_loop3A_917] {strides = array<i32>} : memref<2x80x64xf32, #tpu.memory_space<vmem>>, vector<1x1x16xf32>,
        %parallel_loop3A_919 = vector.shape_cast %parallel_loop3A_918 : vector<1x1x16xf32> to vector<16xf32>
        %parallel_loop3A_920 = vector.shape_cast %parallel_loop3A_913 : vector<16xf32> to vector<1x1x16xf32>
        tpu.vector_store %arg11[%parallel_loop3A_915, %parallel_loop3A_916, %parallel_loop3A_917], %parallel_loop3A_920 {strides = array<i32>} : memref<2x80x64xf32, #tpu.memory_space<vmem>>, vector<1x1x16xf32>,
        %parallel_loop3A_921 = vector.extract_strided_slice %parallel_loop3A_164 {offsets = [12], sizes = [1], strides = [1]} : vector<16xf32> to vector<1xf32>
        %parallel_loop3A_922 = vector.extract %parallel_loop3A_921[0] : f32 from vector<1xf32>
        %parallel_loop3A_923 = vector.broadcast %parallel_loop3A_922 : f32 to vector<16xf32>
        %parallel_loop3A_924 = arith.constant 16 : i32
        %parallel_loop3A_925 = arith.muli %parallel_loop3A_924, %parallel_loop3A_156 : i32
        %parallel_loop3A_926 = arith.constant 12 : i32
        %parallel_loop3A_927 = arith.addi %parallel_loop3A_925, %parallel_loop3A_926 : i32
        %parallel_loop3A_928 = arith.constant 1 : i32
        %parallel_loop3A_929 = arith.index_cast %parallel_loop3A_928 : i32 to index
        %parallel_loop3A_930 = arith.index_cast %parallel_loop3A_927 : i32 to index
        %parallel_loop3A_931 = arith.constant 0 : index
        %parallel_loop3A_932 = tpu.vector_load %arg10[%parallel_loop3A_929, %parallel_loop3A_930, %parallel_loop3A_931] {strides = array<i32>} : memref<2x80x64xf32, #tpu.memory_space<vmem>>, vector<1x1x16xf32>,
        %parallel_loop3A_933 = vector.shape_cast %parallel_loop3A_932 : vector<1x1x16xf32> to vector<16xf32>
        %parallel_loop3A_934 = arith.mulf %parallel_loop3A_933, %parallel_loop3A_923 : vector<16xf32>
        %parallel_loop3A_935 = arith.constant 1 : i32
        %parallel_loop3A_936 = arith.index_cast %parallel_loop3A_935 : i32 to index
        %parallel_loop3A_937 = arith.index_cast %parallel_loop3A_927 : i32 to index
        %parallel_loop3A_938 = arith.constant 0 : index
        %parallel_loop3A_939 = tpu.vector_load %arg11[%parallel_loop3A_936, %parallel_loop3A_937, %parallel_loop3A_938] {strides = array<i32>} : memref<2x80x64xf32, #tpu.memory_space<vmem>>, vector<1x1x16xf32>,
        %parallel_loop3A_940 = vector.shape_cast %parallel_loop3A_939 : vector<1x1x16xf32> to vector<16xf32>
        %parallel_loop3A_941 = vector.shape_cast %parallel_loop3A_934 : vector<16xf32> to vector<1x1x16xf32>
        tpu.vector_store %arg11[%parallel_loop3A_936, %parallel_loop3A_937, %parallel_loop3A_938], %parallel_loop3A_941 {strides = array<i32>} : memref<2x80x64xf32, #tpu.memory_space<vmem>>, vector<1x1x16xf32>,
        %parallel_loop3A_942 = arith.constant 1 : i32
        %parallel_loop3A_943 = arith.index_cast %parallel_loop3A_942 : i32 to index
        %parallel_loop3A_944 = arith.index_cast %parallel_loop3A_927 : i32 to index
        %parallel_loop3A_945 = arith.constant 16 : index
        %parallel_loop3A_946 = tpu.vector_load %arg10[%parallel_loop3A_943, %parallel_loop3A_944, %parallel_loop3A_945] {strides = array<i32>} : memref<2x80x64xf32, #tpu.memory_space<vmem>>, vector<1x1x16xf32>,
        %parallel_loop3A_947 = vector.shape_cast %parallel_loop3A_946 : vector<1x1x16xf32> to vector<16xf32>
        %parallel_loop3A_948 = arith.mulf %parallel_loop3A_947, %parallel_loop3A_923 : vector<16xf32>
        %parallel_loop3A_949 = arith.constant 1 : i32
        %parallel_loop3A_950 = arith.index_cast %parallel_loop3A_949 : i32 to index
        %parallel_loop3A_951 = arith.index_cast %parallel_loop3A_927 : i32 to index
        %parallel_loop3A_952 = arith.constant 16 : index
        %parallel_loop3A_953 = tpu.vector_load %arg11[%parallel_loop3A_950, %parallel_loop3A_951, %parallel_loop3A_952] {strides = array<i32>} : memref<2x80x64xf32, #tpu.memory_space<vmem>>, vector<1x1x16xf32>,
        %parallel_loop3A_954 = vector.shape_cast %parallel_loop3A_953 : vector<1x1x16xf32> to vector<16xf32>
        %parallel_loop3A_955 = vector.shape_cast %parallel_loop3A_948 : vector<16xf32> to vector<1x1x16xf32>
        tpu.vector_store %arg11[%parallel_loop3A_950, %parallel_loop3A_951, %parallel_loop3A_952], %parallel_loop3A_955 {strides = array<i32>} : memref<2x80x64xf32, #tpu.memory_space<vmem>>, vector<1x1x16xf32>,
        %parallel_loop3A_956 = arith.constant 1 : i32
        %parallel_loop3A_957 = arith.index_cast %parallel_loop3A_956 : i32 to index
        %parallel_loop3A_958 = arith.index_cast %parallel_loop3A_927 : i32 to index
        %parallel_loop3A_959 = arith.constant 32 : index
        %parallel_loop3A_960 = tpu.vector_load %arg10[%parallel_loop3A_957, %parallel_loop3A_958, %parallel_loop3A_959] {strides = array<i32>} : memref<2x80x64xf32, #tpu.memory_space<vmem>>, vector<1x1x16xf32>,
        %parallel_loop3A_961 = vector.shape_cast %parallel_loop3A_960 : vector<1x1x16xf32> to vector<16xf32>
        %parallel_loop3A_962 = arith.mulf %parallel_loop3A_961, %parallel_loop3A_923 : vector<16xf32>
        %parallel_loop3A_963 = arith.constant 1 : i32
        %parallel_loop3A_964 = arith.index_cast %parallel_loop3A_963 : i32 to index
        %parallel_loop3A_965 = arith.index_cast %parallel_loop3A_927 : i32 to index
        %parallel_loop3A_966 = arith.constant 32 : index
        %parallel_loop3A_967 = tpu.vector_load %arg11[%parallel_loop3A_964, %parallel_loop3A_965, %parallel_loop3A_966] {strides = array<i32>} : memref<2x80x64xf32, #tpu.memory_space<vmem>>, vector<1x1x16xf32>,
        %parallel_loop3A_968 = vector.shape_cast %parallel_loop3A_967 : vector<1x1x16xf32> to vector<16xf32>
        %parallel_loop3A_969 = vector.shape_cast %parallel_loop3A_962 : vector<16xf32> to vector<1x1x16xf32>
        tpu.vector_store %arg11[%parallel_loop3A_964, %parallel_loop3A_965, %parallel_loop3A_966], %parallel_loop3A_969 {strides = array<i32>} : memref<2x80x64xf32, #tpu.memory_space<vmem>>, vector<1x1x16xf32>,
        %parallel_loop3A_970 = arith.constant 1 : i32
        %parallel_loop3A_971 = arith.index_cast %parallel_loop3A_970 : i32 to index
        %parallel_loop3A_972 = arith.index_cast %parallel_loop3A_927 : i32 to index
        %parallel_loop3A_973 = arith.constant 48 : index
        %parallel_loop3A_974 = tpu.vector_load %arg10[%parallel_loop3A_971, %parallel_loop3A_972, %parallel_loop3A_973] {strides = array<i32>} : memref<2x80x64xf32, #tpu.memory_space<vmem>>, vector<1x1x16xf32>,
        %parallel_loop3A_975 = vector.shape_cast %parallel_loop3A_974 : vector<1x1x16xf32> to vector<16xf32>
        %parallel_loop3A_976 = arith.mulf %parallel_loop3A_975, %parallel_loop3A_923 : vector<16xf32>
        %parallel_loop3A_977 = arith.constant 1 : i32
        %parallel_loop3A_978 = arith.index_cast %parallel_loop3A_977 : i32 to index
        %parallel_loop3A_979 = arith.index_cast %parallel_loop3A_927 : i32 to index
        %parallel_loop3A_980 = arith.constant 48 : index
        %parallel_loop3A_981 = tpu.vector_load %arg11[%parallel_loop3A_978, %parallel_loop3A_979, %parallel_loop3A_980] {strides = array<i32>} : memref<2x80x64xf32, #tpu.memory_space<vmem>>, vector<1x1x16xf32>,
        %parallel_loop3A_982 = vector.shape_cast %parallel_loop3A_981 : vector<1x1x16xf32> to vector<16xf32>
        %parallel_loop3A_983 = vector.shape_cast %parallel_loop3A_976 : vector<16xf32> to vector<1x1x16xf32>
        tpu.vector_store %arg11[%parallel_loop3A_978, %parallel_loop3A_979, %parallel_loop3A_980], %parallel_loop3A_983 {strides = array<i32>} : memref<2x80x64xf32, #tpu.memory_space<vmem>>, vector<1x1x16xf32>,
        %parallel_loop3A_984 = vector.extract_strided_slice %parallel_loop3A_164 {offsets = [13], sizes = [1], strides = [1]} : vector<16xf32> to vector<1xf32>
        %parallel_loop3A_985 = vector.extract %parallel_loop3A_984[0] : f32 from vector<1xf32>
        %parallel_loop3A_986 = vector.broadcast %parallel_loop3A_985 : f32 to vector<16xf32>
        %parallel_loop3A_987 = arith.constant 16 : i32
        %parallel_loop3A_988 = arith.muli %parallel_loop3A_987, %parallel_loop3A_156 : i32
        %parallel_loop3A_989 = arith.constant 13 : i32
        %parallel_loop3A_990 = arith.addi %parallel_loop3A_988, %parallel_loop3A_989 : i32
        %parallel_loop3A_991 = arith.constant 1 : i32
        %parallel_loop3A_992 = arith.index_cast %parallel_loop3A_991 : i32 to index
        %parallel_loop3A_993 = arith.index_cast %parallel_loop3A_990 : i32 to index
        %parallel_loop3A_994 = arith.constant 0 : index
        %parallel_loop3A_995 = tpu.vector_load %arg10[%parallel_loop3A_992, %parallel_loop3A_993, %parallel_loop3A_994] {strides = array<i32>} : memref<2x80x64xf32, #tpu.memory_space<vmem>>, vector<1x1x16xf32>,
        %parallel_loop3A_996 = vector.shape_cast %parallel_loop3A_995 : vector<1x1x16xf32> to vector<16xf32>
        %parallel_loop3A_997 = arith.mulf %parallel_loop3A_996, %parallel_loop3A_986 : vector<16xf32>
        %parallel_loop3A_998 = arith.constant 1 : i32
        %parallel_loop3A_999 = arith.index_cast %parallel_loop3A_998 : i32 to index
        %parallel_loop3A_1000 = arith.index_cast %parallel_loop3A_990 : i32 to index
        %parallel_loop3A_1001 = arith.constant 0 : index
        %parallel_loop3A_1002 = tpu.vector_load %arg11[%parallel_loop3A_999, %parallel_loop3A_1000, %parallel_loop3A_1001] {strides = array<i32>} : memref<2x80x64xf32, #tpu.memory_space<vmem>>, vector<1x1x16xf32>,
        %parallel_loop3A_1003 = vector.shape_cast %parallel_loop3A_1002 : vector<1x1x16xf32> to vector<16xf32>
        %parallel_loop3A_1004 = vector.shape_cast %parallel_loop3A_997 : vector<16xf32> to vector<1x1x16xf32>
        tpu.vector_store %arg11[%parallel_loop3A_999, %parallel_loop3A_1000, %parallel_loop3A_1001], %parallel_loop3A_1004 {strides = array<i32>} : memref<2x80x64xf32, #tpu.memory_space<vmem>>, vector<1x1x16xf32>,
        %parallel_loop3A_1005 = arith.constant 1 : i32
        %parallel_loop3A_1006 = arith.index_cast %parallel_loop3A_1005 : i32 to index
        %parallel_loop3A_1007 = arith.index_cast %parallel_loop3A_990 : i32 to index
        %parallel_loop3A_1008 = arith.constant 16 : index
        %parallel_loop3A_1009 = tpu.vector_load %arg10[%parallel_loop3A_1006, %parallel_loop3A_1007, %parallel_loop3A_1008] {strides = array<i32>} : memref<2x80x64xf32, #tpu.memory_space<vmem>>, vector<1x1x16xf32>,
        %parallel_loop3A_1010 = vector.shape_cast %parallel_loop3A_1009 : vector<1x1x16xf32> to vector<16xf32>
        %parallel_loop3A_1011 = arith.mulf %parallel_loop3A_1010, %parallel_loop3A_986 : vector<16xf32>
        %parallel_loop3A_1012 = arith.constant 1 : i32
        %parallel_loop3A_1013 = arith.index_cast %parallel_loop3A_1012 : i32 to index
        %parallel_loop3A_1014 = arith.index_cast %parallel_loop3A_990 : i32 to index
        %parallel_loop3A_1015 = arith.constant 16 : index
        %parallel_loop3A_1016 = tpu.vector_load %arg11[%parallel_loop3A_1013, %parallel_loop3A_1014, %parallel_loop3A_1015] {strides = array<i32>} : memref<2x80x64xf32, #tpu.memory_space<vmem>>, vector<1x1x16xf32>,
        %parallel_loop3A_1017 = vector.shape_cast %parallel_loop3A_1016 : vector<1x1x16xf32> to vector<16xf32>
        %parallel_loop3A_1018 = vector.shape_cast %parallel_loop3A_1011 : vector<16xf32> to vector<1x1x16xf32>
        tpu.vector_store %arg11[%parallel_loop3A_1013, %parallel_loop3A_1014, %parallel_loop3A_1015], %parallel_loop3A_1018 {strides = array<i32>} : memref<2x80x64xf32, #tpu.memory_space<vmem>>, vector<1x1x16xf32>,
        %parallel_loop3A_1019 = arith.constant 1 : i32
        %parallel_loop3A_1020 = arith.index_cast %parallel_loop3A_1019 : i32 to index
        %parallel_loop3A_1021 = arith.index_cast %parallel_loop3A_990 : i32 to index
        %parallel_loop3A_1022 = arith.constant 32 : index
        %parallel_loop3A_1023 = tpu.vector_load %arg10[%parallel_loop3A_1020, %parallel_loop3A_1021, %parallel_loop3A_1022] {strides = array<i32>} : memref<2x80x64xf32, #tpu.memory_space<vmem>>, vector<1x1x16xf32>,
        %parallel_loop3A_1024 = vector.shape_cast %parallel_loop3A_1023 : vector<1x1x16xf32> to vector<16xf32>
        %parallel_loop3A_1025 = arith.mulf %parallel_loop3A_1024, %parallel_loop3A_986 : vector<16xf32>
        %parallel_loop3A_1026 = arith.constant 1 : i32
        %parallel_loop3A_1027 = arith.index_cast %parallel_loop3A_1026 : i32 to index
        %parallel_loop3A_1028 = arith.index_cast %parallel_loop3A_990 : i32 to index
        %parallel_loop3A_1029 = arith.constant 32 : index
        %parallel_loop3A_1030 = tpu.vector_load %arg11[%parallel_loop3A_1027, %parallel_loop3A_1028, %parallel_loop3A_1029] {strides = array<i32>} : memref<2x80x64xf32, #tpu.memory_space<vmem>>, vector<1x1x16xf32>,
        %parallel_loop3A_1031 = vector.shape_cast %parallel_loop3A_1030 : vector<1x1x16xf32> to vector<16xf32>
        %parallel_loop3A_1032 = vector.shape_cast %parallel_loop3A_1025 : vector<16xf32> to vector<1x1x16xf32>
        tpu.vector_store %arg11[%parallel_loop3A_1027, %parallel_loop3A_1028, %parallel_loop3A_1029], %parallel_loop3A_1032 {strides = array<i32>} : memref<2x80x64xf32, #tpu.memory_space<vmem>>, vector<1x1x16xf32>,
        %parallel_loop3A_1033 = arith.constant 1 : i32
        %parallel_loop3A_1034 = arith.index_cast %parallel_loop3A_1033 : i32 to index
        %parallel_loop3A_1035 = arith.index_cast %parallel_loop3A_990 : i32 to index
        %parallel_loop3A_1036 = arith.constant 48 : index
        %parallel_loop3A_1037 = tpu.vector_load %arg10[%parallel_loop3A_1034, %parallel_loop3A_1035, %parallel_loop3A_1036] {strides = array<i32>} : memref<2x80x64xf32, #tpu.memory_space<vmem>>, vector<1x1x16xf32>,
        %parallel_loop3A_1038 = vector.shape_cast %parallel_loop3A_1037 : vector<1x1x16xf32> to vector<16xf32>
        %parallel_loop3A_1039 = arith.mulf %parallel_loop3A_1038, %parallel_loop3A_986 : vector<16xf32>
        %parallel_loop3A_1040 = arith.constant 1 : i32
        %parallel_loop3A_1041 = arith.index_cast %parallel_loop3A_1040 : i32 to index
        %parallel_loop3A_1042 = arith.index_cast %parallel_loop3A_990 : i32 to index
        %parallel_loop3A_1043 = arith.constant 48 : index
        %parallel_loop3A_1044 = tpu.vector_load %arg11[%parallel_loop3A_1041, %parallel_loop3A_1042, %parallel_loop3A_1043] {strides = array<i32>} : memref<2x80x64xf32, #tpu.memory_space<vmem>>, vector<1x1x16xf32>,
        %parallel_loop3A_1045 = vector.shape_cast %parallel_loop3A_1044 : vector<1x1x16xf32> to vector<16xf32>
        %parallel_loop3A_1046 = vector.shape_cast %parallel_loop3A_1039 : vector<16xf32> to vector<1x1x16xf32>
        tpu.vector_store %arg11[%parallel_loop3A_1041, %parallel_loop3A_1042, %parallel_loop3A_1043], %parallel_loop3A_1046 {strides = array<i32>} : memref<2x80x64xf32, #tpu.memory_space<vmem>>, vector<1x1x16xf32>,
        %parallel_loop3A_1047 = vector.extract_strided_slice %parallel_loop3A_164 {offsets = [14], sizes = [1], strides = [1]} : vector<16xf32> to vector<1xf32>
        %parallel_loop3A_1048 = vector.extract %parallel_loop3A_1047[0] : f32 from vector<1xf32>
        %parallel_loop3A_1049 = vector.broadcast %parallel_loop3A_1048 : f32 to vector<16xf32>
        %parallel_loop3A_1050 = arith.constant 16 : i32
        %parallel_loop3A_1051 = arith.muli %parallel_loop3A_1050, %parallel_loop3A_156 : i32
        %parallel_loop3A_1052 = arith.constant 14 : i32
        %parallel_loop3A_1053 = arith.addi %parallel_loop3A_1051, %parallel_loop3A_1052 : i32
        %parallel_loop3A_1054 = arith.constant 1 : i32
        %parallel_loop3A_1055 = arith.index_cast %parallel_loop3A_1054 : i32 to index
        %parallel_loop3A_1056 = arith.index_cast %parallel_loop3A_1053 : i32 to index
        %parallel_loop3A_1057 = arith.constant 0 : index
        %parallel_loop3A_1058 = tpu.vector_load %arg10[%parallel_loop3A_1055, %parallel_loop3A_1056, %parallel_loop3A_1057] {strides = array<i32>} : memref<2x80x64xf32, #tpu.memory_space<vmem>>, vector<1x1x16xf32>,
        %parallel_loop3A_1059 = vector.shape_cast %parallel_loop3A_1058 : vector<1x1x16xf32> to vector<16xf32>
        %parallel_loop3A_1060 = arith.mulf %parallel_loop3A_1059, %parallel_loop3A_1049 : vector<16xf32>
        %parallel_loop3A_1061 = arith.constant 1 : i32
        %parallel_loop3A_1062 = arith.index_cast %parallel_loop3A_1061 : i32 to index
        %parallel_loop3A_1063 = arith.index_cast %parallel_loop3A_1053 : i32 to index
        %parallel_loop3A_1064 = arith.constant 0 : index
        %parallel_loop3A_1065 = tpu.vector_load %arg11[%parallel_loop3A_1062, %parallel_loop3A_1063, %parallel_loop3A_1064] {strides = array<i32>} : memref<2x80x64xf32, #tpu.memory_space<vmem>>, vector<1x1x16xf32>,
        %parallel_loop3A_1066 = vector.shape_cast %parallel_loop3A_1065 : vector<1x1x16xf32> to vector<16xf32>
        %parallel_loop3A_1067 = vector.shape_cast %parallel_loop3A_1060 : vector<16xf32> to vector<1x1x16xf32>
        tpu.vector_store %arg11[%parallel_loop3A_1062, %parallel_loop3A_1063, %parallel_loop3A_1064], %parallel_loop3A_1067 {strides = array<i32>} : memref<2x80x64xf32, #tpu.memory_space<vmem>>, vector<1x1x16xf32>,
        %parallel_loop3A_1068 = arith.constant 1 : i32
        %parallel_loop3A_1069 = arith.index_cast %parallel_loop3A_1068 : i32 to index
        %parallel_loop3A_1070 = arith.index_cast %parallel_loop3A_1053 : i32 to index
        %parallel_loop3A_1071 = arith.constant 16 : index
        %parallel_loop3A_1072 = tpu.vector_load %arg10[%parallel_loop3A_1069, %parallel_loop3A_1070, %parallel_loop3A_1071] {strides = array<i32>} : memref<2x80x64xf32, #tpu.memory_space<vmem>>, vector<1x1x16xf32>,
        %parallel_loop3A_1073 = vector.shape_cast %parallel_loop3A_1072 : vector<1x1x16xf32> to vector<16xf32>
        %parallel_loop3A_1074 = arith.mulf %parallel_loop3A_1073, %parallel_loop3A_1049 : vector<16xf32>
        %parallel_loop3A_1075 = arith.constant 1 : i32
        %parallel_loop3A_1076 = arith.index_cast %parallel_loop3A_1075 : i32 to index
        %parallel_loop3A_1077 = arith.index_cast %parallel_loop3A_1053 : i32 to index
        %parallel_loop3A_1078 = arith.constant 16 : index
        %parallel_loop3A_1079 = tpu.vector_load %arg11[%parallel_loop3A_1076, %parallel_loop3A_1077, %parallel_loop3A_1078] {strides = array<i32>} : memref<2x80x64xf32, #tpu.memory_space<vmem>>, vector<1x1x16xf32>,
        %parallel_loop3A_1080 = vector.shape_cast %parallel_loop3A_1079 : vector<1x1x16xf32> to vector<16xf32>
        %parallel_loop3A_1081 = vector.shape_cast %parallel_loop3A_1074 : vector<16xf32> to vector<1x1x16xf32>
        tpu.vector_store %arg11[%parallel_loop3A_1076, %parallel_loop3A_1077, %parallel_loop3A_1078], %parallel_loop3A_1081 {strides = array<i32>} : memref<2x80x64xf32, #tpu.memory_space<vmem>>, vector<1x1x16xf32>,
        %parallel_loop3A_1082 = arith.constant 1 : i32
        %parallel_loop3A_1083 = arith.index_cast %parallel_loop3A_1082 : i32 to index
        %parallel_loop3A_1084 = arith.index_cast %parallel_loop3A_1053 : i32 to index
        %parallel_loop3A_1085 = arith.constant 32 : index
        %parallel_loop3A_1086 = tpu.vector_load %arg10[%parallel_loop3A_1083, %parallel_loop3A_1084, %parallel_loop3A_1085] {strides = array<i32>} : memref<2x80x64xf32, #tpu.memory_space<vmem>>, vector<1x1x16xf32>,
        %parallel_loop3A_1087 = vector.shape_cast %parallel_loop3A_1086 : vector<1x1x16xf32> to vector<16xf32>
        %parallel_loop3A_1088 = arith.mulf %parallel_loop3A_1087, %parallel_loop3A_1049 : vector<16xf32>
        %parallel_loop3A_1089 = arith.constant 1 : i32
        %parallel_loop3A_1090 = arith.index_cast %parallel_loop3A_1089 : i32 to index
        %parallel_loop3A_1091 = arith.index_cast %parallel_loop3A_1053 : i32 to index
        %parallel_loop3A_1092 = arith.constant 32 : index
        %parallel_loop3A_1093 = tpu.vector_load %arg11[%parallel_loop3A_1090, %parallel_loop3A_1091, %parallel_loop3A_1092] {strides = array<i32>} : memref<2x80x64xf32, #tpu.memory_space<vmem>>, vector<1x1x16xf32>,
        %parallel_loop3A_1094 = vector.shape_cast %parallel_loop3A_1093 : vector<1x1x16xf32> to vector<16xf32>
        %parallel_loop3A_1095 = vector.shape_cast %parallel_loop3A_1088 : vector<16xf32> to vector<1x1x16xf32>
        tpu.vector_store %arg11[%parallel_loop3A_1090, %parallel_loop3A_1091, %parallel_loop3A_1092], %parallel_loop3A_1095 {strides = array<i32>} : memref<2x80x64xf32, #tpu.memory_space<vmem>>, vector<1x1x16xf32>,
        %parallel_loop3A_1096 = arith.constant 1 : i32
        %parallel_loop3A_1097 = arith.index_cast %parallel_loop3A_1096 : i32 to index
        %parallel_loop3A_1098 = arith.index_cast %parallel_loop3A_1053 : i32 to index
        %parallel_loop3A_1099 = arith.constant 48 : index
        %parallel_loop3A_1100 = tpu.vector_load %arg10[%parallel_loop3A_1097, %parallel_loop3A_1098, %parallel_loop3A_1099] {strides = array<i32>} : memref<2x80x64xf32, #tpu.memory_space<vmem>>, vector<1x1x16xf32>,
        %parallel_loop3A_1101 = vector.shape_cast %parallel_loop3A_1100 : vector<1x1x16xf32> to vector<16xf32>
        %parallel_loop3A_1102 = arith.mulf %parallel_loop3A_1101, %parallel_loop3A_1049 : vector<16xf32>
        %parallel_loop3A_1103 = arith.constant 1 : i32
        %parallel_loop3A_1104 = arith.index_cast %parallel_loop3A_1103 : i32 to index
        %parallel_loop3A_1105 = arith.index_cast %parallel_loop3A_1053 : i32 to index
        %parallel_loop3A_1106 = arith.constant 48 : index
        %parallel_loop3A_1107 = tpu.vector_load %arg11[%parallel_loop3A_1104, %parallel_loop3A_1105, %parallel_loop3A_1106] {strides = array<i32>} : memref<2x80x64xf32, #tpu.memory_space<vmem>>, vector<1x1x16xf32>,
        %parallel_loop3A_1108 = vector.shape_cast %parallel_loop3A_1107 : vector<1x1x16xf32> to vector<16xf32>
        %parallel_loop3A_1109 = vector.shape_cast %parallel_loop3A_1102 : vector<16xf32> to vector<1x1x16xf32>
        tpu.vector_store %arg11[%parallel_loop3A_1104, %parallel_loop3A_1105, %parallel_loop3A_1106], %parallel_loop3A_1109 {strides = array<i32>} : memref<2x80x64xf32, #tpu.memory_space<vmem>>, vector<1x1x16xf32>,
        %parallel_loop3A_1110 = vector.extract_strided_slice %parallel_loop3A_164 {offsets = [15], sizes = [1], strides = [1]} : vector<16xf32> to vector<1xf32>
        %parallel_loop3A_1111 = vector.extract %parallel_loop3A_1110[0] : f32 from vector<1xf32>
        %parallel_loop3A_1112 = vector.broadcast %parallel_loop3A_1111 : f32 to vector<16xf32>
        %parallel_loop3A_1113 = arith.constant 16 : i32
        %parallel_loop3A_1114 = arith.muli %parallel_loop3A_1113, %parallel_loop3A_156 : i32
        %parallel_loop3A_1115 = arith.constant 15 : i32
        %parallel_loop3A_1116 = arith.addi %parallel_loop3A_1114, %parallel_loop3A_1115 : i32
        %parallel_loop3A_1117 = arith.constant 1 : i32
        %parallel_loop3A_1118 = arith.index_cast %parallel_loop3A_1117 : i32 to index
        %parallel_loop3A_1119 = arith.index_cast %parallel_loop3A_1116 : i32 to index
        %parallel_loop3A_1120 = arith.constant 0 : index
        %parallel_loop3A_1121 = tpu.vector_load %arg10[%parallel_loop3A_1118, %parallel_loop3A_1119, %parallel_loop3A_1120] {strides = array<i32>} : memref<2x80x64xf32, #tpu.memory_space<vmem>>, vector<1x1x16xf32>,
        %parallel_loop3A_1122 = vector.shape_cast %parallel_loop3A_1121 : vector<1x1x16xf32> to vector<16xf32>
        %parallel_loop3A_1123 = arith.mulf %parallel_loop3A_1122, %parallel_loop3A_1112 : vector<16xf32>
        %parallel_loop3A_1124 = arith.constant 1 : i32
        %parallel_loop3A_1125 = arith.index_cast %parallel_loop3A_1124 : i32 to index
        %parallel_loop3A_1126 = arith.index_cast %parallel_loop3A_1116 : i32 to index
        %parallel_loop3A_1127 = arith.constant 0 : index
        %parallel_loop3A_1128 = tpu.vector_load %arg11[%parallel_loop3A_1125, %parallel_loop3A_1126, %parallel_loop3A_1127] {strides = array<i32>} : memref<2x80x64xf32, #tpu.memory_space<vmem>>, vector<1x1x16xf32>,
        %parallel_loop3A_1129 = vector.shape_cast %parallel_loop3A_1128 : vector<1x1x16xf32> to vector<16xf32>
        %parallel_loop3A_1130 = vector.shape_cast %parallel_loop3A_1123 : vector<16xf32> to vector<1x1x16xf32>
        tpu.vector_store %arg11[%parallel_loop3A_1125, %parallel_loop3A_1126, %parallel_loop3A_1127], %parallel_loop3A_1130 {strides = array<i32>} : memref<2x80x64xf32, #tpu.memory_space<vmem>>, vector<1x1x16xf32>,
        %parallel_loop3A_1131 = arith.constant 1 : i32
        %parallel_loop3A_1132 = arith.index_cast %parallel_loop3A_1131 : i32 to index
        %parallel_loop3A_1133 = arith.index_cast %parallel_loop3A_1116 : i32 to index
        %parallel_loop3A_1134 = arith.constant 16 : index
        %parallel_loop3A_1135 = tpu.vector_load %arg10[%parallel_loop3A_1132, %parallel_loop3A_1133, %parallel_loop3A_1134] {strides = array<i32>} : memref<2x80x64xf32, #tpu.memory_space<vmem>>, vector<1x1x16xf32>,
        %parallel_loop3A_1136 = vector.shape_cast %parallel_loop3A_1135 : vector<1x1x16xf32> to vector<16xf32>
        %parallel_loop3A_1137 = arith.mulf %parallel_loop3A_1136, %parallel_loop3A_1112 : vector<16xf32>
        %parallel_loop3A_1138 = arith.constant 1 : i32
        %parallel_loop3A_1139 = arith.index_cast %parallel_loop3A_1138 : i32 to index
        %parallel_loop3A_1140 = arith.index_cast %parallel_loop3A_1116 : i32 to index
        %parallel_loop3A_1141 = arith.constant 16 : index
        %parallel_loop3A_1142 = tpu.vector_load %arg11[%parallel_loop3A_1139, %parallel_loop3A_1140, %parallel_loop3A_1141] {strides = array<i32>} : memref<2x80x64xf32, #tpu.memory_space<vmem>>, vector<1x1x16xf32>,
        %parallel_loop3A_1143 = vector.shape_cast %parallel_loop3A_1142 : vector<1x1x16xf32> to vector<16xf32>
        %parallel_loop3A_1144 = vector.shape_cast %parallel_loop3A_1137 : vector<16xf32> to vector<1x1x16xf32>
        tpu.vector_store %arg11[%parallel_loop3A_1139, %parallel_loop3A_1140, %parallel_loop3A_1141], %parallel_loop3A_1144 {strides = array<i32>} : memref<2x80x64xf32, #tpu.memory_space<vmem>>, vector<1x1x16xf32>,
        %parallel_loop3A_1145 = arith.constant 1 : i32
        %parallel_loop3A_1146 = arith.index_cast %parallel_loop3A_1145 : i32 to index
        %parallel_loop3A_1147 = arith.index_cast %parallel_loop3A_1116 : i32 to index
        %parallel_loop3A_1148 = arith.constant 32 : index
        %parallel_loop3A_1149 = tpu.vector_load %arg10[%parallel_loop3A_1146, %parallel_loop3A_1147, %parallel_loop3A_1148] {strides = array<i32>} : memref<2x80x64xf32, #tpu.memory_space<vmem>>, vector<1x1x16xf32>,
        %parallel_loop3A_1150 = vector.shape_cast %parallel_loop3A_1149 : vector<1x1x16xf32> to vector<16xf32>
        %parallel_loop3A_1151 = arith.mulf %parallel_loop3A_1150, %parallel_loop3A_1112 : vector<16xf32>
        %parallel_loop3A_1152 = arith.constant 1 : i32
        %parallel_loop3A_1153 = arith.index_cast %parallel_loop3A_1152 : i32 to index
        %parallel_loop3A_1154 = arith.index_cast %parallel_loop3A_1116 : i32 to index
        %parallel_loop3A_1155 = arith.constant 32 : index
        %parallel_loop3A_1156 = tpu.vector_load %arg11[%parallel_loop3A_1153, %parallel_loop3A_1154, %parallel_loop3A_1155] {strides = array<i32>} : memref<2x80x64xf32, #tpu.memory_space<vmem>>, vector<1x1x16xf32>,
        %parallel_loop3A_1157 = vector.shape_cast %parallel_loop3A_1156 : vector<1x1x16xf32> to vector<16xf32>
        %parallel_loop3A_1158 = vector.shape_cast %parallel_loop3A_1151 : vector<16xf32> to vector<1x1x16xf32>
        tpu.vector_store %arg11[%parallel_loop3A_1153, %parallel_loop3A_1154, %parallel_loop3A_1155], %parallel_loop3A_1158 {strides = array<i32>} : memref<2x80x64xf32, #tpu.memory_space<vmem>>, vector<1x1x16xf32>,
        %parallel_loop3A_1159 = arith.constant 1 : i32
        %parallel_loop3A_1160 = arith.index_cast %parallel_loop3A_1159 : i32 to index
        %parallel_loop3A_1161 = arith.index_cast %parallel_loop3A_1116 : i32 to index
        %parallel_loop3A_1162 = arith.constant 48 : index
        %parallel_loop3A_1163 = tpu.vector_load %arg10[%parallel_loop3A_1160, %parallel_loop3A_1161, %parallel_loop3A_1162] {strides = array<i32>} : memref<2x80x64xf32, #tpu.memory_space<vmem>>, vector<1x1x16xf32>,
        %parallel_loop3A_1164 = vector.shape_cast %parallel_loop3A_1163 : vector<1x1x16xf32> to vector<16xf32>
        %parallel_loop3A_1165 = arith.mulf %parallel_loop3A_1164, %parallel_loop3A_1112 : vector<16xf32>
        %parallel_loop3A_1166 = arith.constant 1 : i32
        %parallel_loop3A_1167 = arith.index_cast %parallel_loop3A_1166 : i32 to index
        %parallel_loop3A_1168 = arith.index_cast %parallel_loop3A_1116 : i32 to index
        %parallel_loop3A_1169 = arith.constant 48 : index
        %parallel_loop3A_1170 = tpu.vector_load %arg11[%parallel_loop3A_1167, %parallel_loop3A_1168, %parallel_loop3A_1169] {strides = array<i32>} : memref<2x80x64xf32, #tpu.memory_space<vmem>>, vector<1x1x16xf32>,
        %parallel_loop3A_1171 = vector.shape_cast %parallel_loop3A_1170 : vector<1x1x16xf32> to vector<16xf32>
        %parallel_loop3A_1172 = vector.shape_cast %parallel_loop3A_1165 : vector<16xf32> to vector<1x1x16xf32>
        tpu.vector_store %arg11[%parallel_loop3A_1167, %parallel_loop3A_1168, %parallel_loop3A_1169], %parallel_loop3A_1172 {strides = array<i32>} : memref<2x80x64xf32, #tpu.memory_space<vmem>>, vector<1x1x16xf32>,
      } {sc.loop_unroll_factor = 2 : i64, sc.parallel_access}
      %lt3A_140 = arith.constant 248 : i32
      %lt3A_141 = arith.cmpi slt, %mul3A_78, %lt3A_140 : i32
      %convert_element_type3A_142 = arith.extui %lt3A_141 : i1 to i32
      %cond3A_143 = arith.constant 0 : i32
      %cond3A_144 = arith.cmpi ne, %convert_element_type3A_142, %cond3A_143 : i32
      scf.if %cond3A_144 {
        %add3A_156 = arith.constant 2 : i32
        %add3A_157 = arith.addi %add3A_116, %add3A_156 : i32
        %mul3A_158 = arith.constant 80 : i32
        %mul3A_159 = arith.muli %add3A_157, %mul3A_158 : i32
        %dma_start3A_160 = arith.constant 1 : i32
        %dma_start3A_161 = arith.constant 0 : i32
        %dma_start3A_162 = arith.constant 0 : i32
        %dma_start3A_163 = tpu.memref_slice %arg10[%dma_start3A_160, %dma_start3A_161, %dma_start3A_162] : memref<2x80x64xf32, #tpu.memory_space<vmem>> -> memref<1x80x64xf32, #tpu.memory_space<vmem>>
        %dma_start3A_164 = tpu.memref_squeeze %dma_start3A_163 : memref<1x80x64xf32, #tpu.memory_space<vmem>> -> memref<80x64xf32, #tpu.memory_space<vmem>>
        %dma_start3A_165 = tpu.memref_slice %arg7[%mul3A_159] : memref<20000xi32, #tpu.memory_space<vmem>> -> memref<80xi32, #tpu.memory_space<vmem>>
        %dma_start3A_166 = arith.constant 0 : i32
        %dma_start3A_167 = arith.constant 0 : i32
        %dma_start3A_168 = tpu.memref_slice %arg2[%arg0, %dma_start3A_166, %dma_start3A_167] : memref<2x10000x64xf32, #tpu.memory_space<hbm>> -> memref<1x10000x64xf32, #tpu.memory_space<hbm>>
        %dma_start3A_169 = tpu.memref_squeeze %dma_start3A_168 : memref<1x10000x64xf32, #tpu.memory_space<hbm>> -> memref<10000x64xf32, #tpu.memory_space<hbm>>
        %dma_start3A_170 = arith.constant 0 : i32
        %dma_start3A_171 = arith.constant 0 : i32
        %dma_start3A_172 = tpu.memref_slice %dma_start3A_169[%dma_start3A_170, %dma_start3A_171] : memref<10000x64xf32, #tpu.memory_space<hbm>> -> memref<10000x64xf32, #tpu.memory_space<hbm>>
        tpu.enqueue_indirect_dma source(%dma_start3A_172 : memref<10000x64xf32, #tpu.memory_space<hbm>>) target(%dma_start3A_164 : memref<80x64xf32, #tpu.memory_space<vmem>>) offsets(%dma_start3A_165 : memref<80xi32, #tpu.memory_space<vmem>>) semaphore(%arg15 : memref<!tpu.dma_semaphore, #tpu.memory_space<semaphore_mem>>)
      } else {
      }
      %dma_start3A_145 = arith.constant 1 : i32
      %dma_start3A_146 = arith.constant 0 : i32
      %dma_start3A_147 = arith.constant 0 : i32
      %dma_start3A_148 = tpu.memref_slice %arg11[%dma_start3A_145, %dma_start3A_146, %dma_start3A_147] : memref<2x80x64xf32, #tpu.memory_space<vmem>> -> memref<1x80x64xf32, #tpu.memory_space<vmem>>
      %dma_start3A_149 = tpu.memref_squeeze %dma_start3A_148 : memref<1x80x64xf32, #tpu.memory_space<vmem>> -> memref<80x64xf32, #tpu.memory_space<vmem>>
      %dma_start3A_150 = arith.constant 0 : i32
      %dma_start3A_151 = tpu.memref_slice %arg8[%add3A_116, %dma_start3A_150] : memref<250x80xi32, #tpu.memory_space<vmem>> -> memref<1x80xi32, #tpu.memory_space<vmem>>
      %dma_start3A_152 = tpu.memref_squeeze %dma_start3A_151 : memref<1x80xi32, #tpu.memory_space<vmem>> -> memref<80xi32, #tpu.memory_space<vmem>>
      %dma_start3A_153 = arith.constant 0 : i32
      %dma_start3A_154 = arith.constant 0 : i32
      %dma_start3A_155 = tpu.memref_slice %arg13[%dma_start3A_153, %dma_start3A_154] : memref<10000x64xf32, #tpu.memory_space<vmem_shared>> -> memref<10000x64xf32, #tpu.memory_space<vmem_shared>>
      tpu.enqueue_indirect_dma source(%dma_start3A_149 : memref<80x64xf32, #tpu.memory_space<vmem>>) target(%dma_start3A_155 : memref<10000x64xf32, #tpu.memory_space<vmem_shared>>) offsets(%dma_start3A_152 : memref<80xi32, #tpu.memory_space<vmem>>) semaphore(%arg17 : memref<!tpu.dma_semaphore, #tpu.memory_space<semaphore_mem>>) {add = true}
    }
    %scan3A_49 = arith.constant 125 : i32
    %dma_wait3A = arith.constant 0 : i32
    %dma_wait3A_50 = arith.constant 248 : i32
    %dma_wait3A_51 = arith.constant 0 : i32
    %dma_wait3A_52 = arith.constant 0 : i32
    %dma_wait3A_53 = tpu.memref_slice %arg11[%dma_wait3A, %dma_wait3A_51, %dma_wait3A_52] : memref<2x80x64xf32, #tpu.memory_space<vmem>> -> memref<1x80x64xf32, #tpu.memory_space<vmem>>
    %dma_wait3A_54 = tpu.memref_squeeze %dma_wait3A_53 : memref<1x80x64xf32, #tpu.memory_space<vmem>> -> memref<80x64xf32, #tpu.memory_space<vmem>>
    %dma_wait3A_55 = arith.constant 0 : i32
    %dma_wait3A_56 = tpu.memref_slice %arg8[%dma_wait3A_50, %dma_wait3A_55] : memref<250x80xi32, #tpu.memory_space<vmem>> -> memref<1x80xi32, #tpu.memory_space<vmem>>
    %dma_wait3A_57 = tpu.memref_squeeze %dma_wait3A_56 : memref<1x80xi32, #tpu.memory_space<vmem>> -> memref<80xi32, #tpu.memory_space<vmem>>
    %dma_wait3A_58 = arith.constant 0 : i32
    %dma_wait3A_59 = arith.constant 0 : i32
    %dma_wait3A_60 = tpu.memref_slice %arg13[%dma_wait3A_58, %dma_wait3A_59] : memref<10000x64xf32, #tpu.memory_space<vmem_shared>> -> memref<10000x64xf32, #tpu.memory_space<vmem_shared>>
    tpu.wait_indirect_dma semaphore(%arg16 : memref<!tpu.dma_semaphore, #tpu.memory_space<semaphore_mem>>) src(%dma_wait3A_54 : memref<80x64xf32, #tpu.memory_space<vmem>>) dst(%dma_wait3A_60 : memref<10000x64xf32, #tpu.memory_space<vmem_shared>>)
    %dma_wait3A_61 = arith.constant 1 : i32
    %dma_wait3A_62 = arith.constant 249 : i32
    %dma_wait3A_63 = arith.constant 0 : i32
    %dma_wait3A_64 = arith.constant 0 : i32
    %dma_wait3A_65 = tpu.memref_slice %arg11[%dma_wait3A_61, %dma_wait3A_63, %dma_wait3A_64] : memref<2x80x64xf32, #tpu.memory_space<vmem>> -> memref<1x80x64xf32, #tpu.memory_space<vmem>>
    %dma_wait3A_66 = tpu.memref_squeeze %dma_wait3A_65 : memref<1x80x64xf32, #tpu.memory_space<vmem>> -> memref<80x64xf32, #tpu.memory_space<vmem>>
    %dma_wait3A_67 = arith.constant 0 : i32
    %dma_wait3A_68 = tpu.memref_slice %arg8[%dma_wait3A_62, %dma_wait3A_67] : memref<250x80xi32, #tpu.memory_space<vmem>> -> memref<1x80xi32, #tpu.memory_space<vmem>>
    %dma_wait3A_69 = tpu.memref_squeeze %dma_wait3A_68 : memref<1x80xi32, #tpu.memory_space<vmem>> -> memref<80xi32, #tpu.memory_space<vmem>>
    %dma_wait3A_70 = arith.constant 0 : i32
    %dma_wait3A_71 = arith.constant 0 : i32
    %dma_wait3A_72 = tpu.memref_slice %arg13[%dma_wait3A_70, %dma_wait3A_71] : memref<10000x64xf32, #tpu.memory_space<vmem_shared>> -> memref<10000x64xf32, #tpu.memory_space<vmem_shared>>
    tpu.wait_indirect_dma semaphore(%arg17 : memref<!tpu.dma_semaphore, #tpu.memory_space<semaphore_mem>>) src(%dma_wait3A_66 : memref<80x64xf32, #tpu.memory_space<vmem>>) dst(%dma_wait3A_72 : memref<10000x64xf32, #tpu.memory_space<vmem_shared>>)
    %barrier3A_73 = arith.constant 0 : index
    tpu.barrier barrier_id(%barrier3A_73)
    %mul3A_74 = arith.constant 64 : i32
    %mul3A_75 = arith.muli %arg0, %mul3A_74 : i32
    "tpu.region"() ({
      %run_scoped3A = tpu.sem_alloc : memref<!tpu.dma_semaphore, #tpu.memory_space<semaphore_mem>>
      %dma_start3A_76 = tpu.memref_slice %arg6[%mul3A_7, %mul3A_75] : memref<10000x128xf32, #tpu.memory_space<hbm>> -> memref<625x64xf32, #tpu.memory_space<hbm>>
      %dma_start3A_77 = arith.constant 0 : i32
      %dma_start3A_78 = tpu.memref_slice %arg13[%mul3A_7, %dma_start3A_77] : memref<10000x64xf32, #tpu.memory_space<vmem_shared>> -> memref<625x64xf32, #tpu.memory_space<vmem_shared>>
      tpu.enqueue_dma source(%dma_start3A_78 : memref<625x64xf32, #tpu.memory_space<vmem_shared>>) target(%dma_start3A_76 : memref<625x64xf32, #tpu.memory_space<hbm>>) target_semaphore(%run_scoped3A : memref<!tpu.dma_semaphore, #tpu.memory_space<semaphore_mem>>)
      %dma_wait3A_79 = tpu.memref_slice %arg6[%mul3A_7, %mul3A_75] : memref<10000x128xf32, #tpu.memory_space<hbm>> -> memref<625x64xf32, #tpu.memory_space<hbm>>
      %dma_wait3A_80 = arith.constant 0 : i32
      %dma_wait3A_81 = tpu.memref_slice %arg13[%mul3A_7, %dma_wait3A_80] : memref<10000x64xf32, #tpu.memory_space<vmem_shared>> -> memref<625x64xf32, #tpu.memory_space<vmem_shared>>
      tpu.wait_dma2 semaphore(%run_scoped3A : memref<!tpu.dma_semaphore, #tpu.memory_space<semaphore_mem>>) src(%dma_wait3A_81 : memref<625x64xf32, #tpu.memory_space<vmem_shared>>) dst(%dma_wait3A_79 : memref<625x64xf32, #tpu.memory_space<hbm>>)
      tpu.yield
    }) : () -> ()
    return
  }
}

module attributes {stable_mosaic.version = 14 : i64} {
  func.func @body(%arg0: i32, %arg1: i32, %arg2: memref<400x128xf32, #tpu.memory_space<vmem>>, %arg3: memref<1x128x64xf32, #tpu.memory_space<vmem>>, %arg4: memref<1x1x64xf32, #tpu.memory_space<vmem>>, %arg5: memref<1x400x64xf32, #tpu.memory_space<vmem>>) attributes {dimension_semantics = [#tpu.dimension_semantics<arbitrary>, #tpu.dimension_semantics<arbitrary>], iteration_bounds = array<i64: 2, 25>, scalar_prefetch = 0 : i64, scratch_operands = 0 : i64, tpu.core_type = #tpu.core_type<tc>, window_params = [{transform_indices = @transform_0, window_bounds = array<i64: 400, 128>}, {transform_indices = @transform_1, window_bounds = array<i64: 1, 128, 64>}, {transform_indices = @transform_2, window_bounds = array<i64: 1, 1, 64>}, {transform_indices = @transform_3, window_bounds = array<i64: 1, 400, 64>}]} {
    %get3A = arith.constant 0 : index
    %get3A_0 = arith.constant 0 : index
    %get3A_1 = vector.load %arg2[%get3A, %get3A_0] : memref<400x128xf32, #tpu.memory_space<vmem>>, vector<400x128xf32>
    %get3A_2 = arith.constant 0 : index
    %get3A_3 = arith.constant 0 : index
    %get3A_4 = arith.constant 0 : index
    %get3A_5 = vector.load %arg3[%get3A_2, %get3A_3, %get3A_4] : memref<1x128x64xf32, #tpu.memory_space<vmem>>, vector<1x128x64xf32>
    %get3A_6 = vector.shape_cast %get3A_5 : vector<1x128x64xf32> to vector<128x64xf32>
    %dot_general3A = arith.constant dense<0.000000e+00> : vector<400x64xf32>
    %dot_general3A_7 = tpu.matmul %get3A_1, %get3A_6, %dot_general3A {dimension_numbers = #tpu.dot_dimension_numbers<[1], [0], [0], [1], [0, 0, 1, 1], [], []>, transpose_lhs_hint = false} : vector<400x128xf32>, vector<128x64xf32>, vector<400x64xf32> -> vector<400x64xf32>
    %get3A_8 = arith.constant 0 : index
    %get3A_9 = arith.constant 0 : index
    %get3A_10 = arith.constant 0 : index
    %get3A_11 = vector.load %arg4[%get3A_8, %get3A_9, %get3A_10] : memref<1x1x64xf32, #tpu.memory_space<vmem>>, vector<1x1x64xf32>
    %get3A_12 = vector.shape_cast %get3A_11 : vector<1x1x64xf32> to vector<1x64xf32>
    %add3A = vector.broadcast %get3A_12 : vector<1x64xf32> to vector<400x64xf32>
    %add3A_13 = arith.addf %dot_general3A_7, %add3A : vector<400x64xf32>
    %swap3A = arith.constant 0 : index
    %swap3A_14 = arith.constant 0 : index
    %swap3A_15 = arith.constant 0 : index
    %swap3A_16 = vector.load %arg5[%swap3A, %swap3A_14, %swap3A_15] : memref<1x400x64xf32, #tpu.memory_space<vmem>>, vector<1x400x64xf32>
    %swap3A_17 = vector.shape_cast %swap3A_16 : vector<1x400x64xf32> to vector<400x64xf32>
    %swap3A_18 = vector.shape_cast %add3A_13 : vector<400x64xf32> to vector<1x400x64xf32>
    tpu.vector_store %arg5[%swap3A, %swap3A_14, %swap3A_15], %swap3A_18 {strides = array<i32>} : memref<1x400x64xf32, #tpu.memory_space<vmem>>, vector<1x400x64xf32>,
    return
  }
  func.func @transform_0(%arg0: i32, %arg1: i32) -> (i32, i32) {
    %c0_i32 = arith.constant 0 : i32
    %c0_i32_0 = arith.constant 0 : i32
    return %arg1, %c0_i32 : i32, i32
  }
  func.func @transform_1(%arg0: i32, %arg1: i32) -> (i32, i32, i32) {
    %c0_i32 = arith.constant 0 : i32
    %c0_i32_0 = arith.constant 0 : i32
    %c0_i32_1 = arith.constant 0 : i32
    return %arg0, %c0_i32, %c0_i32_0 : i32, i32, i32
  }
  func.func @transform_2(%arg0: i32, %arg1: i32) -> (i32, i32, i32) {
    %c0_i32 = arith.constant 0 : i32
    %c0_i32_0 = arith.constant 0 : i32
    %c0_i32_1 = arith.constant 0 : i32
    return %arg0, %c0_i32, %c0_i32_0 : i32, i32, i32
  }
  func.func @transform_3(%arg0: i32, %arg1: i32) -> (i32, i32, i32) {
    %c0_i32 = arith.constant 0 : i32
    %c0_i32_0 = arith.constant 0 : i32
    return %arg0, %arg1, %c0_i32 : i32, i32, i32
  }
}

</mosaic_0001>

<sc_bundles>
// kernel: kernel.4.cloned.1.call-start
scs
__scs_entry_jumppad:
0x0: {  	(pc) =	sbr.rel $0x88, $3  }
0x1: {  	(tag) =	ssettag $0x0;
	lr =	simm.s32 $0x1  }
0x2: {  	[smem:$0x3F9C] =	sst lr;
	_ =	strace $0xD0000000  }
0x3: {  	_ = 	snop  }
0x4: {  	_ = 	snop  }
0x5: {  	_ = 	snop  }
0x6: {  	_ = 	snop  }
0x7: {  	_ = 	snop  }
__scs_overlays_trampoline_lowered:
0x8: {  	[smem:$0x3FAB] =	sst s0  }
0x9: {  	[smem:$0x3FAC] =	sst s1  }
0xa: {  	[smem:$0x3FAD] =	sst s2  }
0xb: {  	[smem:$0x3FAE] =	sst s3  }
0xc: {  	[smem:$0x3FAF] =	sst s4  }
0xd: {  	[smem:$0x3FB0] =	sst s5  }
0xe: {  	[smem:$0x3FB1] =	sst s6  }
0xf: {  	[smem:$0x3FB2] =	sst s7  }
0x10: {  	[smem:$0x3FB3] =	sst s8  }
0x11: {  	[smem:$0x3FB4] =	sst s9;
	s0 =	simm.s32 @!p0 $0x0  }
0x12: {  	s1 =	sld [smem:$0x3F9A];
	s0 =	simm.s32 @p0 $0x1  }
0x13: {  	[smem:$0x3FB5] =	sst s0;
	s0 =	simm.s32 @!p1 $0x0  }
0x14: {  	s2 =	sld [smem:$0x3F99];
	s0 =	simm.s32 @p1 $0x1  }
0x15: {  	[smem:$0x3FB6] =	sst s0;
	s0 =	simm.s32 @!p2 $0x0  }
0x16: {  	s3 =	sld [smem:$0x3FDB];
	s0 =	simm.s32 @p2 $0x1  }
0x17: {  	s4 =	simm.s32 $0x1BF5;
	[smem:$0x3FB8] =	sst s0  }
0x18: {  	s0 =	sld [smem:$0x3F9B];
	_ =	swait.ge [sflag:s4], $0x0  }
0x19: {  	s7 =	sld [smem:$0x3F9C]  }
0x1a: {  	s8 =	sadd.s32 $0xFFFFE003, lr  }
0x1b: {  	s9 =	sadd.s32 $0xFFFFFEF7, lr;
	s5 =	simm.s32 $0xFFFFFFFF;
	p2 =	slt.u32 s8, $0xFFFFF086  }
0x1c: {  	p1 =	slt.u32 s9, $0xF7A;
	s5 =	simm.s32 @!p2 $0x0  }
0x1d: {  	s5 =	simm.s32 @p1 $0x1;
	p0 =	seq.s32 s7, s2  }
0x1e: {  	s7 =	smul.u32 @!p0 $0xF7A, s2;
	p2 =	seq.s32 @!p0 s5, $0x0  }
0x1f: {  	s9 =	smul.u32 $0xF7A, s1;
	s8 =	simm.s32 @!p0 $0x1BF5;
	p2 =	por !p2, p0  }
0x20: {  	[sflag:s8] =	ssyncset.s32 @!p0 $0xFFFFF086;
	s6 =	sadd.s32 @!p0 s3, s7;
	s7 =	simm.s32 @!p0 $0x108  }
0x21: {  	s3 =	sadd.s32 s3, s9;
	s6 =	sadd.s32 @!p0 $0x88, s6;
	s7 =	simm.s32 @p2 $0x1082  }
0x22: {  	[simem:s7], [sflag:s8] =	dma.local @!p0 [hbm:s6], $0xF7A  }
0x23: {  	s9 =	sor.u32 $0xD0000000, s2;
	s6 =	simm.s32 $0x108;
	_ =	swait.ge @!p0 [sflag:s8], $0x0  }
0x24: {  	s3 =	sadd.s32 $0x88, s3;
	s6 =	simm.s32 @!p1 $0x1082;
	[sflag:s4] =	ssyncset.s32 $0xFFFFF086  }
0x25: {  	[simem:s6], [sflag:s4] =	dma.local [hbm:s3], $0xF7A  }
0x26: {  	[smem:$0x3F9C] =	sst s1;
	(tag) =	ssettag s2;
	_ =	strace s9  }
0x27: {  	s1 =	sld [smem:$0x3FAC]  }
0x28: {  	s2 =	sld [smem:$0x3FAD]  }
0x29: {  	s4 =	sld [smem:$0x3FAF]  }
0x2a: {  	p0 =	seq.s32 s5, $0x0;
	s5 =	sld [smem:$0x3FB0]  }
0x2b: {  	s6 =	sld [smem:$0x3FB1]  }
0x2c: {  	s7 =	sld [smem:$0x3FB2]  }
0x2d: {  	s3 =	simm.s32 $0x108;
	s8 =	sld [smem:$0x3FB3]  }
0x2e: {  	s3 =	simm.s32 @!p0 $0x1082;
	s9 =	sld [smem:$0x3FB4]  }
0x2f: {  	lr =	sadd.s32 s0, s3;
	s0 =	sld [smem:$0x3FAB]  }
0x30: {  	s3 =	sld [smem:$0x3FAE]  }
0x31: {  	[smem:$0x3FB7] =	sst s10  }
0x32: {  	s10 =	sld [smem:$0x3FB5];
	_ =	sdelay $0x3  }
0x33: {  	p0 =	seq.s32 s10, $0x1;
	s10 =	sld [smem:$0x3FB7];
	_ =	sdelay $0x3  }
0x34: {  	[smem:$0x3FB7] =	sst s10  }
0x35: {  	s10 =	sld [smem:$0x3FB6];
	_ =	sdelay $0x3  }
0x36: {  	p1 =	seq.s32 s10, $0x1;
	s10 =	sld [smem:$0x3FB7];
	_ =	sdelay $0x3  }
0x37: {  	[smem:$0x3FB7] =	sst s10  }
0x38: {  	s10 =	sld [smem:$0x3FB8]  }
0x39: {  	_ = 	snop;
	(pc) =	sbr.ind lr, $3  }
0x3a: {  	_ = 	snop  }
0x3b: {  	_ = 	snop  }
0x3c: {  	p2 =	seq.s32 s10, $0x1;
	s10 =	sld [smem:$0x3FB7]  }
0x3d: {  	_ =	shalt  }
0x3e: {  	_ =	shalt  }
0x3f: {  	_ =	shalt  }
0x40: {  	_ =	shalt  }
0x41: {  	_ =	shalt  }
0x42: {  	_ =	shalt  }
0x43: {  	_ =	shalt  }
0x44: {  	_ =	shalt  }
0x45: {  	_ =	shalt  }
0x46: {  	_ =	shalt  }
0x47: {  	_ =	shalt  }
0x48: {  	_ =	shalt  }
0x49: {  	_ =	shalt  }
0x4a: {  	_ =	shalt  }
0x4b: {  	_ =	shalt  }
0x4c: {  	_ =	shalt  }
0x4d: {  	_ =	shalt  }
0x4e: {  	_ =	shalt  }
0x4f: {  	_ =	shalt  }
0x50: {  	_ =	shalt  }
0x51: {  	_ =	shalt  }
0x52: {  	_ =	shalt  }
0x53: {  	_ =	shalt  }
0x54: {  	_ =	shalt  }
0x55: {  	_ =	shalt  }
0x56: {  	_ =	shalt  }
0x57: {  	_ =	shalt  }
0x58: {  	_ =	shalt  }
0x59: {  	_ =	shalt  }
0x5a: {  	_ =	shalt  }
0x5b: {  	_ =	shalt  }
0x5c: {  	_ =	shalt  }
0x5d: {  	_ =	shalt  }
0x5e: {  	_ =	shalt  }
0x5f: {  	_ =	shalt  }
0x60: {  	_ =	shalt  }
0x61: {  	_ =	shalt  }
0x62: {  	_ =	shalt  }
0x63: {  	_ =	shalt  }
0x64: {  	_ =	shalt  }
0x65: {  	_ =	shalt  }
0x66: {  	_ =	shalt  }
0x67: {  	_ =	shalt  }
0x68: {  	_ =	shalt  }
0x69: {  	_ =	shalt  }
0x6a: {  	_ =	shalt  }
0x6b: {  	_ =	shalt  }
0x6c: {  	_ =	shalt  }
0x6d: {  	_ =	shalt  }
0x6e: {  	_ =	shalt  }
0x6f: {  	_ =	shalt  }
0x70: {  	_ =	shalt  }
0x71: {  	_ =	shalt  }
0x72: {  	_ =	shalt  }
0x73: {  	_ =	shalt  }
0x74: {  	_ =	shalt  }
0x75: {  	_ =	shalt  }
0x76: {  	_ =	shalt  }
0x77: {  	_ =	shalt  }
0x78: {  	_ =	shalt  }
0x79: {  	_ =	shalt  }
0x7a: {  	_ =	shalt  }
0x7b: {  	_ =	shalt  }
0x7c: {  	_ =	shalt  }
0x7d: {  	_ =	shalt  }
0x7e: {  	_ =	shalt  }
0x7f: {  	_ =	shalt  }
0x80: {  	_ =	shalt  }
0x81: {  	_ =	shalt  }
0x82: {  	_ =	shalt  }
0x83: {  	_ =	shalt  }
0x84: {  	_ =	shalt  }
0x85: {  	_ =	shalt  }
0x86: {  	_ =	shalt  }
0x87: {  	_ =	shalt  }
.Lfunc_end0:
.L_simem_size_0:
called_computation_lowered:
.L_overlay_start_0:
0x88: {  	s2 =	sld [smem:$0x3FD9]  }
0x89: {  	s3 =	sld [smem:$0x3FFE];
	_ =	sdelay $0x1  }
0x8a: {  	s1 =	srdreg.scid  }
0x8b: {  	s0 =	sand.u32 $0x1, s1  }
0x8c: {  	s17 =	sshll.u32 s0, $0xA;
	s2 =	sadd.s32 s3, s2  }
0x8d: {  	s2 =	sadd.s32 s2, s17  }
0x8e: {  	[smem:$0x3FC3] =	sst s2  }
0x8f: {  	_ = 	snop  }
0x90: {  	s2 =	sld [smem:$0x3FC7]  }
0x91: {  	s18 =	sld [smem:$0x3FD0];
	(tm) =	ssettm $0x1  }
0x92: {  	s4 =	sld [smem:$0x3FFB];
	_ =	sdelay $0x3  }
0x93: {  	_ =	strace s4  }
0x94: {  	s4 =	sld [smem:$0x3FFC];
	_ =	sdelay $0x3  }
0x95: {  	_ =	strace s4  }
0x96: {  	s4 =	sld [smem:$0x3FFD];
	_ =	sdelay $0x3  }
0x97: {  	_ =	strace s4  }
0x98: {  	_ =	strace $0x8FFFFFFF  }
0x99: {  	s19 =	sld [smem:$0x3FDB];
	_ =	sdelay $0x1  }
0x9a: {  	s5 =	simm.s32 $_scs_section_size  }
0x9b: {  	s6 =	simm.s32 $_size__tile_overlayer_lowered;
	s7 =	simm.s32 $_tile_overlayer_lowered  }
0x9c: {  	s22 =	simm.s32 $0x1BFF;
	s21 =	sshll.u32 s7, $0x1;
	s4 =	sadd.s32 s5, s19  }
0x9d: {  	s8 =	simm.s32 $0x0;
	s20 =	sshll.u32 s6, $0x1;
	s6 =	sadd.s32 s21, s4  }
0x9e: {  	[timem:s8], [sflag:s22] =	dma.local [hbm:s6], s20  }
0x9f: {  	_ =	swait.ge [sflag:s22], s20  }
0xa0: {  	s5 =	ssub.s32 $0x0, s20;
	[sflag:s22] =	ssyncset.done $0x0  }
0xa1: {  	[sflag:s22] =	ssyncadd.s32 s5;
	_ =	sdelay $0x1  }
0xa2: {  	s23 =	simm.s32 $0x1B8B  }
0xa3: {  	_ =	swait.ge [sflag:s23], $0x1  }
0xa4: {  	[sflag:s23] =	ssyncset.done $0x0  }
0xa5: {  	s25 =	simm.s32 $0x1B8E;
	s24 =	sld [smem:$0x3FFE];
	[sflag:s23] =	ssyncadd.s32 $0xFFFFFFFF  }
0xa6: {  	s26 =	simm.s32 $execute0_lowered;
	[smem:$0x3FD2] =	sst s25  }
0xa7: {  	s6 =	sshll.u32 s26, $0x1;
	_ =	strace $0x80000046;
	[dreg:$0x1] =	wrdreg $0xFFFFFFFF  }
0xa8: {  	s28 =	simm.s32 $_size_execute0_lowered;
	s4 =	sadd.s32 s4, s6;
	[dreg:$0x0] =	wrdreg $0x0  }
0xa9: {  	s6 =	sshll.u32 s28, $0x1;
	[dreg:$0x2] =	wrdreg s4  }
0xaa: {  	[dreg:$0x3] =	wrdreg s6  }
0xab: {  	[dreg:$0x4] =	wrdreg $0xC0  }
0xac: {  	_ =	task [dreg:s8], $0x5FFFF  }
0xad: {  	[dreg:$0x1] =	wrdreg $0xFFFFFFFF  }
0xae: {  	[dreg:$0x0] =	wrdreg $0x60  }
0xaf: {  	[dreg:$0x2] =	wrdreg s24  }
0xb0: {  	[dreg:$0x3] =	wrdreg s2  }
0xb1: {  	[dreg:$0x4] =	wrdreg s18  }
0xb2: {  	[dreg:$0x5] =	wrdreg $0x159A00  }
0xb3: {  	[dreg:$0x6] =	wrdreg $0x9  }
0xb4: {  	_ =	task.clear_ibuf [dreg:s8], $0x7FFFF;
	_ =	strace $0x90000046  }
0xb5: {  	s29 =	simm.s32 $0x9;
	_ =	strace $0x80000048  }
0xb6: {  	_ =	swait.ge [sflag:s29], $0x1  }
0xb7: {  	[sflag:s29] =	ssyncadd.s32 $0xFFFFFFFF  }
0xb8: {  	_ =	strace $0x90000048  }
0xb9: {  	_ =	sfence  }
0xba: {  	s30 =	sld [smem:$0x0];
	_ =	sdelay $0x2  }
0xbb: {  	s31 =	sshll.u32 s1, $0xD;
	s1 =	sshrl.u32 s1, $0x2  }
0xbc: {  	s3 =	sand.u32 $0x4000, s31;
	s1 =	sadd.s32 s1, s30  }
0xbd: {  	s0 =	sor.u32 s3, s0;
	s1 =	sshll.u32 s1, $0x11  }
0xbe: {  	s0 =	sor.u32 s1, s0  }
0xbf: {  	s0 =	sadd.s32 $0x8F2B, s0  }
0xc0: {  	[sflag:s0] =	ssyncadd.remote.s32 $0x1  }
0xc1: {  	_ =	sfence.sel $0xFFFF  }
0xc2: {  	[dreg:$0x0] =	wrdreg $0xFFFFFFFF;
	(pc) =	sbr.abs _section_cstart, $3  }
0xc3: {  	[dreg:$0x1] =	wrdreg $0xFFFFFFFF  }
0xc4: {  	_ =	task.clear_ibuf [dreg:s8], $0x2FFFF;
	_ =	strace $0x9FFFFFFF  }
0xc5: {  	(tm) =	ssettm $0x7FFFFFFF  }
tec
execute0_lowered:
.L_overlay_start_1:
0x0: {  	(tag) =	ssettag $0x1  }
0x1: {  	s0 =	rddreg [dreg:$0x0]  }
0x2: {  	s6 =	rddreg [dreg:$0x1]  }
0x3: {  	s13 =	rddreg [dreg:$0x2]  }
0x4: {  	s2 =	rddreg [dreg:$0x3]  }
0x5: {  	s3 =	srdreg.scid;
	s1 =	stileid.u32  }
0x6: {  	s18 =	simm.s32 $0x13A60;
	s19 =	simm.s32 $0x50;
	s21 =	simm.s32 $0xFE60  }
0x7: {  	s22 =	simm.s32 $0x1;
	s23 =	simm.s32 $0x11260;
	s24 =	simm.s32 $0x2  }
0x8: {  	s25 =	simm.s32 $0x12660;
	s26 =	simm.s32 $0x3;
	s7 =	smul.u32 $0x9C4, s1  }
0x9: {  	s28 =	simm.s32 $0x4;
	s31 =	simm.s32 $0x0;
	s8 =	smul.u32 $0x27100, s1  }
0xa: {  	s9 =	sand.u32 $0x1, s3;
	s3 =	simm.s32 $0x0;
	s11 =	smul.u32 $0x13880, s1  }
0xb: {  	s4 =	ssub.s32 $0x2, s9;
	[smem:$0x7FF] =	sst s3;
	s12 =	smul.u32 $0x13880, s9  }
0xc: {  	s15 =	sshll.u32 s9, $0x6;
	s5 =	sshrl.u32 s4, $0x1;
	_ =	strace $0x80000047  }
0xd: {  	s10 =	sadd.s32 s7, s0;
	s8 =	sshrl.u32 s8, $0x2;
	s6 =	sadd.s32 s6, s7  }
.Ltmp0:
0xe: {  	s15 =	sor.u32 s15, s11;
	s14 =	ssub.s32 s4, s5;
	(pc) =	sbr.rel .LBB2_1-.Ltmp0, $4  }
0xf: {  	s4 =	sadd.s32 $0x31000, s10;
	s5 =	sadd.s32 $0x27200, s10;
	s7 =	sadd.s32 s8, s2  }
0x10: {  	s12 =	sadd.s32 s0, s12;
	s30 =	sshrl.u32 s15, $0x3;
	s15 =	simm.s32 $0x5  }
0x11: {  	s8 =	sadd.s32 $0x1F40, s7;
	s9 =	sadd.s32 $0x3E80, s7;
	s10 =	sadd.s32 $0x5DC0, s7  }
0x12: {  	v0 =	vimm.f32 $0.0e+00;
	s11 =	sadd.s32 $0x7D00, s7;
	s13 =	sadd.s32 s13, s30;
	s14 =	smax.u32 s14, $0x1  }
.LBB2_10:
0x13: {  	[spmem:s2] =	stream.indirect.scatter.add.f32 [tilespmem:s25], [sflag:$0x4], $0x40, s17, s19, $0xb8;
	[tilespmem:$0x1F5E0] =	vst v63  }
0x14: {  	_ =	swait.ge [sflag:s26], $0x1400  }
0x15: {  	[sflag:s26] =	ssyncset.done $0x0  }
0x16: {  	s0 =	stileid.u32;
	[sflag:s26] =	ssyncadd.s32 $0xFFFFEC00  }
0x17: {  	s1 =	sshrl.u32 s7, $0x3;
	s16 =	simm.s32 $0x10;
	_ =	swait.ge [sflag:s28], $0x1400  }
0x18: {  	s30 =	simm.s32 $0x8;
	s31 =	sadd.s32 $0x1, s31;
	[sflag:s28] =	ssyncset.done $0x0  }
0x19: {  	s0 =	sshll.u32 s0, $0x6;
	p0 =	sne.s32 s31, s14;
	[sflag:s28] =	ssyncadd.s32 $0xFFFFEC00  }
.Ltmp1:
0x1a: {  	s0 =	sor.u32 $0x1C05, s0;
	[bflag:$0x0] =	sbarrier.arrive $0xFFFF;
	(pc) =	sbr.rel @!p0 .LBB2_11-.Ltmp1, $4  }
0x1b: {  	[hbm:s13@s16], [sflag:s0] =	dma.strided [spmem:s1@s30], $0x1388, s22, $0x8   }
0x1c: {  	_ =	swait.ge [sflag:s15], $0x1388  }
0x1d: {  	[sflag:s15] =	ssyncset.done $0x0  }
0x1e: {  	[sflag:s15] =	ssyncadd.s32 $0xFFFFEC78  }
.LBB2_1:
0x1f: {  	[tilespmem:s3], [sflag:$0x5] =	stream.linear.gather [hbm4b:s4+s3], $0x4E20, $0x38;
	[tilespmem:$0x1F5E0] =	vst v63  }
0x20: {  	_ =	swait.ge [sflag:s15], $0x4E20  }
0x21: {  	[sflag:s15] =	ssyncset.done $0x0  }
0x22: {  	s0 =	simm.s32 $0x4E20;
	[sflag:s15] =	ssyncadd.s32 $0xFFFFB1E0  }
0x23: {  	[tilespmem:s0], [sflag:$0x5] =	stream.linear.gather [hbm4b:s5+s3], $0x4E20, $0x38;
	[tilespmem:$0x1F5E0] =	vst v63  }
0x24: {  	_ =	swait.ge [sflag:s15], $0x4E20  }
0x25: {  	[sflag:s15] =	ssyncset.done $0x0  }
0x26: {  	s30 =	simm.s32 $0x9C40;
	[sflag:s15] =	ssyncadd.s32 $0xFFFFB1E0  }
0x27: {  	[tilespmem:s30], [sflag:$0x5] =	stream.linear.gather [hbm4b:s6+s3], $0x4E20, $0x38;
	[tilespmem:$0x1F5E0] =	vst v63  }
0x28: {  	_ =	swait.ge [sflag:s15], $0x4E20  }
0x29: {  	[sflag:s15] =	ssyncset.done $0x0  }
0x2a: {  	s16 =	simm.s32 $0x100;
	s0 =	simm.s32 $0x0;
	[sflag:s15] =	ssyncadd.s32 $0xFFFFB1E0  }
.LBB2_2:
0x2b: {  	p0 =	sne.s32 s16, $0x7C00;
	[tilespmem:s0+$0x13A90] =	vst v0;
	s17 =	smov.u32 s16;
	s16 =	sadd.s32 $0x100, s16  }
.Ltmp2:
0x2c: {  	[tilespmem:s0+$0x13A80] =	vst v0;
	(pc) =	sbr.rel @p0 .LBB2_2-.Ltmp2, $3  }
0x2d: {  	[tilespmem:s0+$0x13A60] =	vst v0  }
0x2e: {  	[tilespmem:s0+$0x13A70] =	vst v0;
	_ =	sdelay $0x1  }
0x2f: {  	s0 =	sshra.s32 s17, $0x2  }
0x30: {  	[tilespmem:s0+$0x13A90] =	vst v0  }
0x31: {  	[tilespmem:s0+$0x13A80] =	vst v0  }
0x32: {  	[tilespmem:s0+$0x13A60] =	vst v0  }
0x33: {  	[tilespmem:s0+$0x13A70] =	vst v0  }
0x34: {  	[spmem:s7] =	stream.linear.scatter [tilespmem:s18], [sflag:$0x5], $0x1F40, $0x38;
	[tilespmem:$0x1F5E0] =	vst v63  }
0x35: {  	_ =	swait.ge [sflag:s15], $0x1F40  }
0x36: {  	[sflag:s15] =	ssyncset.done $0x0  }
0x37: {  	[sflag:s15] =	ssyncadd.s32 $0xFFFFE0C0  }
0x38: {  	[spmem:s8] =	stream.linear.scatter [tilespmem:s18], [sflag:$0x5], $0x1F40, $0x38;
	[tilespmem:$0x1F5E0] =	vst v63  }
0x39: {  	_ =	swait.ge [sflag:s15], $0x1F40  }
0x3a: {  	[sflag:s15] =	ssyncset.done $0x0  }
0x3b: {  	[sflag:s15] =	ssyncadd.s32 $0xFFFFE0C0  }
0x3c: {  	[spmem:s9] =	stream.linear.scatter [tilespmem:s18], [sflag:$0x5], $0x1F40, $0x38;
	[tilespmem:$0x1F5E0] =	vst v63  }
0x3d: {  	_ =	swait.ge [sflag:s15], $0x1F40  }
0x3e: {  	[sflag:s15] =	ssyncset.done $0x0  }
0x3f: {  	[sflag:s15] =	ssyncadd.s32 $0xFFFFE0C0  }
0x40: {  	[spmem:s10] =	stream.linear.scatter [tilespmem:s18], [sflag:$0x5], $0x1F40, $0x38;
	[tilespmem:$0x1F5E0] =	vst v63  }
0x41: {  	_ =	swait.ge [sflag:s15], $0x1F40  }
0x42: {  	[sflag:s15] =	ssyncset.done $0x0  }
0x43: {  	[sflag:s15] =	ssyncadd.s32 $0xFFFFE0C0  }
0x44: {  	[spmem:s11] =	stream.linear.scatter [tilespmem:s18], [sflag:$0x5], $0x1F40, $0x38;
	[tilespmem:$0x1F5E0] =	vst v63  }
0x45: {  	_ =	swait.ge [sflag:s15], $0x1F40  }
0x46: {  	[sflag:s15] =	ssyncset.done $0x0  }
0x47: {  	[sflag:s15] =	ssyncadd.s32 $0xFFFFE0C0  }
0x48: {  	s0 =	simm.s32 $0x0;
	s1 =	simm.s32 $0xEA60;
	[bflag:$0x0] =	sbarrier.arrive $0xFFFF  }
0x49: {  	[tilespmem:s1], [sflag:$0x1] =	stream.indirect.gather [hbm4b:s12+s19], $0x40, s0, s19, $0xb8;
	[tilespmem:$0x1F5E0] =	vst v63  }
0x4a: {  	_ = 	snop  }
0x4b: {  	[tilespmem:s21], [sflag:$0x2] =	stream.indirect.gather [hbm4b:s12+s19], $0x40, s19, s19, $0xb8;
	[tilespmem:$0x1F5E0] =	vst v63  }
.LBB2_4:
0x4c: {  	s20 =	smul.u32 $0x280, s0  }
0x4d: {  	_ =	swait.ge [sflag:s22], $0x1400  }
0x4e: {  	p0 =	seq.s32 s0, $0x0;
	[sflag:s22] =	ssyncset.done $0x0;
	s16 =	sshra.s32 s20, $0x2  }
0x4f: {  	s29 =	simm.s32 @!p0 $0x3;
	[sflag:s22] =	ssyncadd.s32 $0xFFFFEC00;
	s30 =	sadd.s32 $0x9C40, s16  }
0x50: {  	_ =	swait.ge @!p0 [sflag:s29], $0x1400;
	v1 =	vmov s30  }
0x51: {  	s17 =	sshll.u32 s0, $0x1;
	[sflag:s29] =	ssyncset.done @!p0 $0x0  }
0x52: {  	p1 =	por $0x1, $0x1;
	[sflag:s29] =	ssyncadd.s32 @!p0 $0xFFFFEC00;
	s29 =	simm.s32 $0x0  }
.LBB2_5:
0x53: {  	s30 =	sshll.u32 s29, $0x4  }
0x54: {  	s1 =	sand.u32 $0x3FFFFFF0, s30  }
0x55: {  	s29 =	sshll.u32 s29, $0xA;
	v3 =	vld.idx.msk [tilespmem:v1+s1+$0x0 ss:$0x1], $0xffff  }
0x56: {  	v2 =	vld [tilespmem:s29+$0xEA60]  }
0x57: {  	v4 =	vld [tilespmem:s29+$0xEA70]  }
0x58: {  	v5 =	vld [tilespmem:s29+$0xEA80]  }
0x59: {  	v6 =	vld [tilespmem:s29+$0xEA90]  }
0x5a: {  	v8 =	vld [tilespmem:s29+$0xEAA0];
	v7 =	vbroadcast v3, $0x0  }
0x5b: {  	v9 =	vld [tilespmem:s29+$0xEAB0]  }
0x5c: {  	v10 =	vld [tilespmem:s29+$0xEAC0];
	v2 =	vmul.f32 v7, v2  }
0x5d: {  	v11 =	vld [tilespmem:s29+$0xEAD0];
	v4 =	vmul.f32 v4, v7  }
0x5e: {  	v12 =	vld [tilespmem:s29+$0xEAE0];
	v56 =	vbroadcast v3, $0x1;
	[tilespmem:s29+$0x11260] =	vst v2;
	v2 =	vmul.f32 v5, v7  }
0x5f: {  	v58 =	vld [tilespmem:s29+$0xEAF0];
	v57 =	vmul.f32 v6, v7;
	[tilespmem:s29+$0x11270] =	vst v4  }
0x60: {  	v59 =	vld [tilespmem:s29+$0xEB00];
	[tilespmem:s29+$0x11280] =	vst v2;
	v2 =	vmul.f32 v8, v56  }
0x61: {  	v61 =	vld [tilespmem:s29+$0xEB10];
	v60 =	vmul.f32 v9, v56;
	[tilespmem:s29+$0x11290] =	vst v57  }
0x62: {  	v63 =	vld [tilespmem:s29+$0xEB20];
	v62 =	vbroadcast v3, $0x2;
	[tilespmem:s29+$0x112A0] =	vst v2;
	v2 =	vmul.f32 v10, v56  }
0x63: {  	v16 =	vld [tilespmem:s29+$0xEB30];
	v15 =	vmul.f32 v11, v56;
	[tilespmem:s29+$0x112B0] =	vst v60  }
0x64: {  	v17 =	vld [tilespmem:s29+$0xEB40];
	[tilespmem:s29+$0x112C0] =	vst v2;
	v2 =	vmul.f32 v12, v62  }
0x65: {  	v19 =	vld [tilespmem:s29+$0xEB50];
	v18 =	vmul.f32 v58, v62;
	[tilespmem:s29+$0x112D0] =	vst v15  }
0x66: {  	v21 =	vld [tilespmem:s29+$0xEB60];
	v20 =	vbroadcast v3, $0x3;
	[tilespmem:s29+$0x112E0] =	vst v2;
	v2 =	vmul.f32 v59, v62  }
0x67: {  	v23 =	vld [tilespmem:s29+$0xEB70];
	v22 =	vmul.f32 v61, v62;
	[tilespmem:s29+$0x112F0] =	vst v18  }
0x68: {  	v24 =	vld [tilespmem:s29+$0xEB80];
	[tilespmem:s29+$0x11300] =	vst v2;
	v2 =	vmul.f32 v63, v20  }
0x69: {  	v26 =	vld [tilespmem:s29+$0xEB90];
	v25 =	vmul.f32 v16, v20;
	[tilespmem:s29+$0x11310] =	vst v22  }
0x6a: {  	v28 =	vld [tilespmem:s29+$0xEBA0];
	v27 =	vbroadcast v3, $0x4;
	[tilespmem:s29+$0x11320] =	vst v2;
	v2 =	vmul.f32 v17, v20  }
0x6b: {  	v30 =	vld [tilespmem:s29+$0xEBB0];
	v29 =	vmul.f32 v19, v20;
	[tilespmem:s29+$0x11330] =	vst v25  }
0x6c: {  	v31 =	vld [tilespmem:s29+$0xEBC0];
	[tilespmem:s29+$0x11340] =	vst v2;
	v2 =	vmul.f32 v21, v27  }
0x6d: {  	v33 =	vld [tilespmem:s29+$0xEBD0];
	v32 =	vmul.f32 v23, v27;
	[tilespmem:s29+$0x11350] =	vst v29  }
0x6e: {  	v35 =	vld [tilespmem:s29+$0xEBE0];
	v34 =	vbroadcast v3, $0x5;
	[tilespmem:s29+$0x11360] =	vst v2;
	v2 =	vmul.f32 v24, v27  }
0x6f: {  	v37 =	vld [tilespmem:s29+$0xEBF0];
	v36 =	vmul.f32 v26, v27;
	[tilespmem:s29+$0x11370] =	vst v32  }
0x70: {  	v38 =	vld [tilespmem:s29+$0xEC00];
	[tilespmem:s29+$0x11380] =	vst v2;
	v2 =	vmul.f32 v28, v34  }
0x71: {  	v40 =	vld [tilespmem:s29+$0xEC10];
	v39 =	vmul.f32 v30, v34;
	[tilespmem:s29+$0x11390] =	vst v36  }
0x72: {  	v42 =	vld [tilespmem:s29+$0xEC20];
	v41 =	vbroadcast v3, $0x6;
	[tilespmem:s29+$0x113A0] =	vst v2;
	v2 =	vmul.f32 v31, v34  }
0x73: {  	v44 =	vld [tilespmem:s29+$0xEC30];
	v43 =	vmul.f32 v33, v34;
	[tilespmem:s29+$0x113B0] =	vst v39  }
0x74: {  	v45 =	vld [tilespmem:s29+$0xEC40];
	[tilespmem:s29+$0x113C0] =	vst v2;
	v2 =	vmul.f32 v35, v41  }
0x75: {  	v47 =	vld [tilespmem:s29+$0xEC50];
	v46 =	vmul.f32 v37, v41;
	[tilespmem:s29+$0x113D0] =	vst v43  }
0x76: {  	v49 =	vld [tilespmem:s29+$0xEC60];
	v48 =	vbroadcast v3, $0x7;
	[tilespmem:s29+$0x113E0] =	vst v2;
	v2 =	vmul.f32 v38, v41  }
0x77: {  	v51 =	vld [tilespmem:s29+$0xEC70];
	v50 =	vmul.f32 v40, v41;
	[tilespmem:s29+$0x113F0] =	vst v46  }
0x78: {  	v52 =	vld [tilespmem:s29+$0xEC80];
	[tilespmem:s29+$0x11400] =	vst v2;
	v2 =	vmul.f32 v42, v48  }
0x79: {  	v54 =	vld [tilespmem:s29+$0xEC90];
	v53 =	vmul.f32 v44, v48;
	[tilespmem:s29+$0x11410] =	vst v50  }
0x7a: {  	v55 =	vbroadcast v3, $0x8;
	v58 =	vld [tilespmem:s29+$0xECB0];
	[tilespmem:s29+$0x11420] =	vst v2;
	v2 =	vmul.f32 v45, v48  }
0x7b: {  	[tilespmem:s29+$0x11430] =	vst v53;
	v57 =	vmul.f32 v47, v48;
	v56 =	vld [tilespmem:s29+$0xECA0]  }
0x7c: {  	v61 =	vld [tilespmem:s29+$0xECD0];
	[tilespmem:s29+$0x11440] =	vst v2;
	v2 =	vmul.f32 v49, v55  }
0x7d: {  	v60 =	vmul.f32 v51, v55;
	[tilespmem:s29+$0x11450] =	vst v57;
	v59 =	vld [tilespmem:s29+$0xECC0]  }
0x7e: {  	v16 =	vld [tilespmem:s29+$0xECF0];
	v62 =	vbroadcast v3, $0x9;
	[tilespmem:s29+$0x11460] =	vst v2;
	v2 =	vmul.f32 v52, v55  }
0x7f: {  	v15 =	vmul.f32 v54, v55;
	[tilespmem:s29+$0x11470] =	vst v60;
	v63 =	vld [tilespmem:s29+$0xECE0]  }
0x80: {  	v19 =	vld [tilespmem:s29+$0xED10];
	[tilespmem:s29+$0x11480] =	vst v2;
	v2 =	vmul.f32 v56, v62  }
0x81: {  	[tilespmem:s29+$0x11490] =	vst v15;
	v18 =	vmul.f32 v58, v62;
	v17 =	vld [tilespmem:s29+$0xED00]  }
0x82: {  	v23 =	vld [tilespmem:s29+$0xED30];
	v20 =	vbroadcast v3, $0xA;
	[tilespmem:s29+$0x114A0] =	vst v2;
	v2 =	vmul.f32 v59, v62  }
0x83: {  	v22 =	vmul.f32 v61, v62;
	[tilespmem:s29+$0x114B0] =	vst v18;
	v21 =	vld [tilespmem:s29+$0xED20]  }
0x84: {  	v26 =	vld [tilespmem:s29+$0xED50];
	[tilespmem:s29+$0x114C0] =	vst v2;
	v2 =	vmul.f32 v63, v20  }
0x85: {  	[tilespmem:s29+$0x114D0] =	vst v22;
	v25 =	vmul.f32 v16, v20;
	v24 =	vld [tilespmem:s29+$0xED40]  }
0x86: {  	v30 =	vld [tilespmem:s29+$0xED70];
	v27 =	vbroadcast v3, $0xB;
	[tilespmem:s29+$0x114E0] =	vst v2;
	v2 =	vmul.f32 v17, v20  }
0x87: {  	v29 =	vmul.f32 v19, v20;
	[tilespmem:s29+$0x114F0] =	vst v25;
	v28 =	vld [tilespmem:s29+$0xED60]  }
0x88: {  	v33 =	vld [tilespmem:s29+$0xED90];
	[tilespmem:s29+$0x11500] =	vst v2;
	v2 =	vmul.f32 v21, v27  }
0x89: {  	[tilespmem:s29+$0x11510] =	vst v29;
	v32 =	vmul.f32 v23, v27;
	v31 =	vld [tilespmem:s29+$0xED80]  }
0x8a: {  	v37 =	vld [tilespmem:s29+$0xEDB0];
	v34 =	vbroadcast v3, $0xC;
	[tilespmem:s29+$0x11520] =	vst v2;
	v2 =	vmul.f32 v24, v27  }
0x8b: {  	v40 =	vld [tilespmem:s29+$0xEDD0];
	v36 =	vmul.f32 v26, v27;
	[tilespmem:s29+$0x11530] =	vst v32  }
0x8c: {  	v35 =	vld [tilespmem:s29+$0xEDA0];
	[tilespmem:s29+$0x11540] =	vst v2;
	v2 =	vmul.f32 v28, v34  }
0x8d: {  	s30 =	sor.u32 $0x10, s30;
	[tilespmem:s29+$0x11550] =	vst v36;
	v39 =	vmul.f32 v30, v34;
	v38 =	vld [tilespmem:s29+$0xEDC0]  }
0x8e: {  	v41 =	vbroadcast v3, $0xD;
	v10 =	vmul.f32 v31, v34;
	[tilespmem:s29+$0x11560] =	vst v2;
	v2 =	vld.idx.msk [tilespmem:v1+s30+$0x0 ss:$0x1], $0xffff  }
0x8f: {  	s1 =	sshll.u32 s30, $0x6;
	v43 =	vld [tilespmem:s29+$0xEDE0];
	[tilespmem:s29+$0x11570] =	vst v39;
	v42 =	vmul.f32 v33, v34  }
0x90: {  	v46 =	vmul.f32 v37, v41;
	[tilespmem:s29+$0x11580] =	vst v10;
	v45 =	vld [tilespmem:s1+$0xEA60]  }
0x91: {  	v47 =	vld [tilespmem:s1+$0xEA70];
	v51 =	vmul.f32 v40, v41;
	[tilespmem:s29+$0x11590] =	vst v42  }
0x92: {  	v50 =	vld [tilespmem:s1+$0xEA80];
	v44 =	vmul.f32 v35, v41;
	[tilespmem:s29+$0x115B0] =	vst v46;
	v49 =	vbroadcast v3, $0xE  }
0x93: {  	v53 =	vld [tilespmem:s1+$0xEA90];
	[tilespmem:s29+$0x115D0] =	vst v51;
	v48 =	vmul.f32 v38, v41;
	v52 =	vbroadcast v2, $0x0  }
0x94: {  	v54 =	vld [tilespmem:s29+$0xEDF0];
	[tilespmem:s29+$0x115A0] =	vst v44;
	v6 =	vmul.f32 v43, v49  }
0x95: {  	v58 =	vld [tilespmem:s29+$0xEE30];
	[tilespmem:s29+$0x115C0] =	vst v48;
	v10 =	vmul.f32 v52, v45  }
0x96: {  	v57 =	vld [tilespmem:s29+$0xEE20];
	[tilespmem:s29+$0x115E0] =	vst v6;
	v8 =	vmul.f32 v47, v52  }
0x97: {  	v55 =	vld [tilespmem:s29+$0xEE00];
	v11 =	vmul.f32 v50, v52;
	[tilespmem:s1+$0x11260] =	vst v10  }
0x98: {  	v3 =	vbroadcast v3, $0xF;
	v56 =	vld [tilespmem:s29+$0xEE10];
	v5 =	vmul.f32 v53, v52;
	[tilespmem:s1+$0x11270] =	vst v8  }
0x99: {  	v7 =	vmul.f32 v54, v49;
	v59 =	vld [tilespmem:s29+$0xEE40];
	[tilespmem:s1+$0x11280] =	vst v11  }
0x9a: {  	v60 =	vld [tilespmem:s29+$0xEE50];
	v12 =	vmul.f32 v58, v3;
	[tilespmem:s1+$0x11290] =	vst v5  }
0x9b: {  	[tilespmem:s29+$0x115F0] =	vst v7;
	v62 =	vmul.f32 v57, v3;
	v61 =	vld [tilespmem:s29+$0xEEA0]  }
0x9c: {  	[tilespmem:s29+$0x11630] =	vst v12;
	v4 =	vmul.f32 v55, v49;
	v63 =	vld [tilespmem:s29+$0xEEB0]  }
0x9d: {  	[tilespmem:s29+$0x11620] =	vst v62;
	v6 =	vmul.f32 v56, v49;
	v13 =	vld [tilespmem:s29+$0xEEC0]  }
0x9e: {  	[tilespmem:s29+$0x11600] =	vst v4;
	v14 =	vmul.f32 v59, v3;
	v15 =	vbroadcast v2, $0x1;
	v17 =	vld [tilespmem:s29+$0xEEE0]  }
0x9f: {  	[tilespmem:s29+$0x11610] =	vst v6;
	v3 =	vmul.f32 v60, v3;
	v16 =	vld [tilespmem:s29+$0xEED0]  }
0xa0: {  	[tilespmem:s29+$0x11640] =	vst v14;
	v20 =	vld [tilespmem:s29+$0xEF00];
	v18 =	vmul.f32 v61, v15  }
0xa1: {  	[tilespmem:s29+$0x11650] =	vst v3;
	v22 =	vbroadcast v2, $0x2;
	v19 =	vld [tilespmem:s29+$0xEEF0];
	v3 =	vmul.f32 v63, v15  }
0xa2: {  	v24 =	vld [tilespmem:s29+$0xEF20];
	v21 =	vmul.f32 v13, v15;
	[tilespmem:s29+$0x116A0] =	vst v18  }
0xa3: {  	v23 =	vld [tilespmem:s29+$0xEF10];
	v25 =	vmul.f32 v17, v22;
	[tilespmem:s29+$0x116B0] =	vst v3  }
0xa4: {  	v27 =	vld [tilespmem:s29+$0xEF40];
	v3 =	vmul.f32 v16, v15;
	[tilespmem:s29+$0x116C0] =	vst v21  }
0xa5: {  	v29 =	vbroadcast v2, $0x3;
	v26 =	vld [tilespmem:s29+$0xEF30];
	v28 =	vmul.f32 v20, v22;
	[tilespmem:s29+$0x116E0] =	vst v25  }
0xa6: {  	v31 =	vld [tilespmem:s29+$0xEF60];
	[tilespmem:s29+$0x116D0] =	vst v3;
	v3 =	vmul.f32 v19, v22  }
0xa7: {  	v30 =	vld [tilespmem:s29+$0xEF50];
	v32 =	vmul.f32 v24, v29;
	[tilespmem:s29+$0x11700] =	vst v28  }
0xa8: {  	v34 =	vld [tilespmem:s29+$0xEF80];
	[tilespmem:s29+$0x116F0] =	vst v3;
	v3 =	vmul.f32 v23, v22  }
0xa9: {  	v36 =	vbroadcast v2, $0x4;
	v33 =	vld [tilespmem:s29+$0xEF70];
	v35 =	vmul.f32 v27, v29;
	[tilespmem:s29+$0x11720] =	vst v32  }
0xaa: {  	v38 =	vld [tilespmem:s29+$0xEFA0];
	[tilespmem:s29+$0x11710] =	vst v3;
	v3 =	vmul.f32 v26, v29  }
0xab: {  	v37 =	vld [tilespmem:s29+$0xEF90];
	v39 =	vmul.f32 v31, v36;
	[tilespmem:s29+$0x11740] =	vst v35  }
0xac: {  	v41 =	vld [tilespmem:s29+$0xEFC0];
	[tilespmem:s29+$0x11730] =	vst v3;
	v3 =	vmul.f32 v30, v29  }
0xad: {  	v43 =	vbroadcast v2, $0x5;
	v40 =	vld [tilespmem:s29+$0xEFB0];
	v42 =	vmul.f32 v34, v36;
	[tilespmem:s29+$0x11760] =	vst v39  }
0xae: {  	v45 =	vld [tilespmem:s29+$0xEFE0];
	[tilespmem:s29+$0x11750] =	vst v3;
	v3 =	vmul.f32 v33, v36  }
0xaf: {  	v44 =	vld [tilespmem:s29+$0xEFD0];
	v46 =	vmul.f32 v38, v43;
	[tilespmem:s29+$0x11780] =	vst v42  }
0xb0: {  	v48 =	vld [tilespmem:s29+$0xF000];
	[tilespmem:s29+$0x11770] =	vst v3;
	v3 =	vmul.f32 v37, v36  }
0xb1: {  	v50 =	vbroadcast v2, $0x6;
	v47 =	vld [tilespmem:s29+$0xEFF0];
	v49 =	vmul.f32 v41, v43;
	[tilespmem:s29+$0x117A0] =	vst v46  }
0xb2: {  	v52 =	vld [tilespmem:s29+$0xF020];
	[tilespmem:s29+$0x11790] =	vst v3;
	v3 =	vmul.f32 v40, v43  }
0xb3: {  	v51 =	vld [tilespmem:s29+$0xF010];
	v53 =	vmul.f32 v45, v50;
	[tilespmem:s29+$0x117C0] =	vst v49  }
0xb4: {  	v55 =	vld [tilespmem:s29+$0xF040];
	[tilespmem:s29+$0x117B0] =	vst v3;
	v3 =	vmul.f32 v44, v43  }
0xb5: {  	v57 =	vbroadcast v2, $0x7;
	v54 =	vld [tilespmem:s29+$0xF030];
	v56 =	vmul.f32 v48, v50;
	[tilespmem:s29+$0x117E0] =	vst v53  }
0xb6: {  	v59 =	vld [tilespmem:s29+$0xF060];
	[tilespmem:s29+$0x117D0] =	vst v3;
	v3 =	vmul.f32 v47, v50  }
0xb7: {  	v58 =	vld [tilespmem:s29+$0xF050];
	v60 =	vmul.f32 v52, v57;
	[tilespmem:s29+$0x11800] =	vst v56  }
0xb8: {  	v62 =	vld [tilespmem:s29+$0xF080];
	[tilespmem:s29+$0x117F0] =	vst v3;
	v3 =	vmul.f32 v51, v50  }
0xb9: {  	v12 =	vbroadcast v2, $0x8;
	v61 =	vld [tilespmem:s29+$0xF070];
	v63 =	vmul.f32 v55, v57;
	[tilespmem:s29+$0x11820] =	vst v60  }
0xba: {  	v14 =	vld [tilespmem:s29+$0xF0A0];
	[tilespmem:s29+$0x11810] =	vst v3;
	v3 =	vmul.f32 v54, v57  }
0xbb: {  	v13 =	vld [tilespmem:s29+$0xF090];
	[tilespmem:s29+$0x11840] =	vst v63;
	v15 =	vmul.f32 v59, v12  }
0xbc: {  	v17 =	vld [tilespmem:s29+$0xF0C0];
	[tilespmem:s29+$0x11830] =	vst v3;
	v3 =	vmul.f32 v58, v57  }
0xbd: {  	v16 =	vld [tilespmem:s29+$0xF0B0];
	v18 =	vmul.f32 v62, v12;
	[tilespmem:s29+$0x11860] =	vst v15;
	v19 =	vbroadcast v2, $0x9  }
0xbe: {  	v21 =	vld [tilespmem:s29+$0xF0E0];
	[tilespmem:s29+$0x11850] =	vst v3;
	v3 =	vmul.f32 v61, v12  }
0xbf: {  	v20 =	vld [tilespmem:s29+$0xF0D0];
	[tilespmem:s29+$0x11880] =	vst v18;
	v22 =	vmul.f32 v14, v19  }
0xc0: {  	v24 =	vld [tilespmem:s29+$0xF100];
	[tilespmem:s29+$0x11870] =	vst v3;
	v3 =	vmul.f32 v13, v12  }
0xc1: {  	v23 =	vld [tilespmem:s29+$0xF0F0];
	v25 =	vmul.f32 v17, v19;
	[tilespmem:s29+$0x118A0] =	vst v22;
	v26 =	vbroadcast v2, $0xA  }
0xc2: {  	v28 =	vld [tilespmem:s29+$0xF120];
	[tilespmem:s29+$0x11890] =	vst v3;
	v3 =	vmul.f32 v16, v19  }
0xc3: {  	v27 =	vld [tilespmem:s29+$0xF110];
	[tilespmem:s29+$0x118C0] =	vst v25;
	v29 =	vmul.f32 v21, v26  }
0xc4: {  	v31 =	vld [tilespmem:s29+$0xF140];
	[tilespmem:s29+$0x118B0] =	vst v3;
	v3 =	vmul.f32 v20, v19  }
0xc5: {  	v30 =	vld [tilespmem:s29+$0xF130];
	v32 =	vmul.f32 v24, v26;
	[tilespmem:s29+$0x118E0] =	vst v29;
	v33 =	vbroadcast v2, $0xB  }
0xc6: {  	v35 =	vld [tilespmem:s29+$0xF160];
	[tilespmem:s29+$0x118D0] =	vst v3;
	v3 =	vmul.f32 v23, v26  }
0xc7: {  	v34 =	vld [tilespmem:s29+$0xF150];
	[tilespmem:s29+$0x11900] =	vst v32;
	v36 =	vmul.f32 v28, v33  }
0xc8: {  	v38 =	vld [tilespmem:s29+$0xF180];
	[tilespmem:s29+$0x118F0] =	vst v3;
	v3 =	vmul.f32 v27, v26  }
0xc9: {  	v37 =	vld [tilespmem:s29+$0xF170];
	v39 =	vmul.f32 v31, v33;
	[tilespmem:s29+$0x11920] =	vst v36;
	v40 =	vbroadcast v2, $0xC  }
0xca: {  	v42 =	vld [tilespmem:s29+$0xF1A0];
	[tilespmem:s29+$0x11910] =	vst v3;
	v3 =	vmul.f32 v30, v33  }
0xcb: {  	v41 =	vld [tilespmem:s29+$0xF190];
	[tilespmem:s29+$0x11940] =	vst v39;
	v43 =	vmul.f32 v35, v40  }
0xcc: {  	v45 =	vld [tilespmem:s29+$0xF1C0];
	[tilespmem:s29+$0x11930] =	vst v3;
	v3 =	vmul.f32 v34, v33  }
0xcd: {  	v44 =	vld [tilespmem:s29+$0xF1B0];
	v46 =	vmul.f32 v38, v40;
	[tilespmem:s29+$0x11960] =	vst v43;
	v47 =	vbroadcast v2, $0xD  }
0xce: {  	v49 =	vld [tilespmem:s29+$0xF1E0];
	[tilespmem:s29+$0x11950] =	vst v3;
	v3 =	vmul.f32 v37, v40  }
0xcf: {  	v48 =	vld [tilespmem:s29+$0xF1D0];
	[tilespmem:s29+$0x11980] =	vst v46;
	v50 =	vmul.f32 v42, v47  }
0xd0: {  	v52 =	vld [tilespmem:s29+$0xF200];
	[tilespmem:s29+$0x11970] =	vst v3;
	v3 =	vmul.f32 v41, v40  }
0xd1: {  	v51 =	vld [tilespmem:s29+$0xF1F0];
	v53 =	vmul.f32 v45, v47;
	[tilespmem:s29+$0x119A0] =	vst v50;
	v54 =	vbroadcast v2, $0xE  }
0xd2: {  	v56 =	vld [tilespmem:s29+$0xF220];
	[tilespmem:s29+$0x11990] =	vst v3;
	v3 =	vmul.f32 v44, v47  }
0xd3: {  	v55 =	vld [tilespmem:s29+$0xF210];
	[tilespmem:s29+$0x119C0] =	vst v53;
	v57 =	vmul.f32 v49, v54  }
0xd4: {  	v59 =	vld [tilespmem:s29+$0xF240];
	[tilespmem:s29+$0x119B0] =	vst v3;
	v3 =	vmul.f32 v48, v47  }
0xd5: {  	v2 =	vbroadcast v2, $0xF;
	v58 =	vld [tilespmem:s29+$0xF230];
	v60 =	vmul.f32 v52, v54;
	[tilespmem:s29+$0x119E0] =	vst v57  }
0xd6: {  	v61 =	vld [tilespmem:s29+$0xF250];
	[tilespmem:s29+$0x119D0] =	vst v3;
	v3 =	vmul.f32 v51, v54  }
0xd7: {  	v62 =	vmul.f32 v56, v2;
	[tilespmem:s29+$0x11A00] =	vst v60  }
0xd8: {  	p2 =	por p1, p1;
	[tilespmem:s29+$0x119F0] =	vst v3;
	v3 =	vmul.f32 v55, v54  }
.Ltmp3:
0xd9: {  	v63 =	vmul.f32 v59, v2;
	[tilespmem:s29+$0x11A20] =	vst v62;
	(pc) =	sbr.rel @p2 .LBB2_5-.Ltmp3, $4  }
0xda: {  	[tilespmem:s29+$0x11A10] =	vst v3;
	v3 =	vmul.f32 v58, v2  }
0xdb: {  	[tilespmem:s29+$0x11A40] =	vst v63;
	v2 =	vmul.f32 v61, v2  }
0xdc: {  	[tilespmem:s29+$0x11A30] =	vst v3  }
0xdd: {  	p1 =	por $0x0, $0x0;
	[tilespmem:s29+$0x11A50] =	vst v2;
	s29 =	simm.s32 $0x2  }
0xde: {  	v1 =	vld [tilespmem:s16+$0x9C80];
	_ =	sdelay $0x1  }
0xdf: {  	v2 =	vld [tilespmem:$0xFA60]  }
0xe0: {  	v3 =	vld [tilespmem:$0xFA70]  }
0xe1: {  	v4 =	vld [tilespmem:$0xFA80]  }
0xe2: {  	v6 =	vld [tilespmem:$0xFA90];
	v5 =	vbroadcast v1, $0x0  }
0xe3: {  	v7 =	vld [tilespmem:$0xFAA0]  }
0xe4: {  	v8 =	vld [tilespmem:$0xFAB0];
	v2 =	vmul.f32 v5, v2  }
0xe5: {  	v9 =	vld [tilespmem:$0xFAC0];
	v3 =	vmul.f32 v3, v5  }
0xe6: {  	v10 =	vld [tilespmem:$0xFAD0];
	v46 =	vbroadcast v1, $0x1;
	[tilespmem:$0x12260] =	vst v2;
	v2 =	vmul.f32 v4, v5  }
0xe7: {  	v47 =	vld [tilespmem:$0xFAE0];
	[tilespmem:$0x12270] =	vst v3;
	v3 =	vmul.f32 v6, v5  }
0xe8: {  	v48 =	vld [tilespmem:$0xFAF0];
	[tilespmem:$0x12280] =	vst v2;
	v2 =	vmul.f32 v7, v46  }
0xe9: {  	v49 =	vld [tilespmem:$0xFB00];
	[tilespmem:$0x12290] =	vst v3;
	v3 =	vmul.f32 v8, v46  }
0xea: {  	v51 =	vld [tilespmem:$0xFB10];
	v50 =	vbroadcast v1, $0x2;
	[tilespmem:$0x122A0] =	vst v2;
	v2 =	vmul.f32 v9, v46  }
0xeb: {  	v52 =	vld [tilespmem:$0xFB20];
	[tilespmem:$0x122B0] =	vst v3;
	v3 =	vmul.f32 v10, v46  }
0xec: {  	v53 =	vld [tilespmem:$0xFB30];
	[tilespmem:$0x122C0] =	vst v2;
	v2 =	vmul.f32 v47, v50  }
0xed: {  	v54 =	vld [tilespmem:$0xFB40];
	[tilespmem:$0x122D0] =	vst v3;
	v3 =	vmul.f32 v48, v50  }
0xee: {  	v56 =	vld [tilespmem:$0xFB50];
	v55 =	vbroadcast v1, $0x3;
	[tilespmem:$0x122E0] =	vst v2;
	v2 =	vmul.f32 v49, v50  }
0xef: {  	v57 =	vld [tilespmem:$0xFB60];
	[tilespmem:$0x122F0] =	vst v3;
	v3 =	vmul.f32 v51, v50  }
0xf0: {  	v58 =	vld [tilespmem:$0xFB70];
	[tilespmem:$0x12300] =	vst v2;
	v2 =	vmul.f32 v52, v55  }
0xf1: {  	v59 =	vld [tilespmem:$0xFB80];
	[tilespmem:$0x12310] =	vst v3;
	v3 =	vmul.f32 v53, v55  }
0xf2: {  	v61 =	vld [tilespmem:$0xFB90];
	v60 =	vbroadcast v1, $0x4;
	[tilespmem:$0x12320] =	vst v2;
	v2 =	vmul.f32 v54, v55  }
0xf3: {  	v62 =	vld [tilespmem:$0xFBA0];
	[tilespmem:$0x12330] =	vst v3;
	v3 =	vmul.f32 v56, v55  }
0xf4: {  	v63 =	vld [tilespmem:$0xFBB0];
	[tilespmem:$0x12340] =	vst v2;
	v2 =	vmul.f32 v57, v60  }
0xf5: {  	v12 =	vld [tilespmem:$0xFBC0];
	[tilespmem:$0x12350] =	vst v3;
	v3 =	vmul.f32 v58, v60  }
0xf6: {  	v14 =	vld [tilespmem:$0xFBD0];
	v13 =	vbroadcast v1, $0x5;
	[tilespmem:$0x12360] =	vst v2;
	v2 =	vmul.f32 v59, v60  }
0xf7: {  	v15 =	vld [tilespmem:$0xFBE0];
	[tilespmem:$0x12370] =	vst v3;
	v3 =	vmul.f32 v61, v60  }
0xf8: {  	v16 =	vld [tilespmem:$0xFBF0];
	[tilespmem:$0x12380] =	vst v2;
	v2 =	vmul.f32 v62, v13  }
0xf9: {  	v17 =	vld [tilespmem:$0xFC00];
	[tilespmem:$0x12390] =	vst v3;
	v3 =	vmul.f32 v63, v13  }
0xfa: {  	v19 =	vld [tilespmem:$0xFC10];
	v18 =	vbroadcast v1, $0x6;
	[tilespmem:$0x123A0] =	vst v2;
	v2 =	vmul.f32 v12, v13  }
0xfb: {  	v20 =	vld [tilespmem:$0xFC20];
	[tilespmem:$0x123B0] =	vst v3;
	v3 =	vmul.f32 v14, v13  }
0xfc: {  	v21 =	vld [tilespmem:$0xFC30];
	[tilespmem:$0x123C0] =	vst v2;
	v2 =	vmul.f32 v15, v18  }
0xfd: {  	v22 =	vld [tilespmem:$0xFC40];
	[tilespmem:$0x123D0] =	vst v3;
	v3 =	vmul.f32 v16, v18  }
0xfe: {  	v24 =	vld [tilespmem:$0xFC50];
	v23 =	vbroadcast v1, $0x7;
	[tilespmem:$0x123E0] =	vst v2;
	v2 =	vmul.f32 v17, v18  }
0xff: {  	v25 =	vld [tilespmem:$0xFC60];
	[tilespmem:$0x123F0] =	vst v3;
	v3 =	vmul.f32 v19, v18  }
0x100: {  	v26 =	vld [tilespmem:$0xFC70];
	[tilespmem:$0x12400] =	vst v2;
	v2 =	vmul.f32 v20, v23  }
0x101: {  	v27 =	vld [tilespmem:$0xFC80];
	[tilespmem:$0x12410] =	vst v3;
	v3 =	vmul.f32 v21, v23  }
0x102: {  	v29 =	vld [tilespmem:$0xFC90];
	v28 =	vbroadcast v1, $0x8;
	[tilespmem:$0x12420] =	vst v2;
	v2 =	vmul.f32 v22, v23  }
0x103: {  	v30 =	vld [tilespmem:$0xFCA0];
	[tilespmem:$0x12430] =	vst v3;
	v3 =	vmul.f32 v24, v23  }
0x104: {  	v31 =	vld [tilespmem:$0xFCB0];
	[tilespmem:$0x12440] =	vst v2;
	v2 =	vmul.f32 v25, v28  }
0x105: {  	v32 =	vld [tilespmem:$0xFCC0];
	[tilespmem:$0x12450] =	vst v3;
	v3 =	vmul.f32 v26, v28  }
0x106: {  	v34 =	vld [tilespmem:$0xFCD0];
	v33 =	vbroadcast v1, $0x9;
	[tilespmem:$0x12460] =	vst v2;
	v2 =	vmul.f32 v27, v28  }
0x107: {  	v35 =	vld [tilespmem:$0xFCE0];
	[tilespmem:$0x12470] =	vst v3;
	v3 =	vmul.f32 v29, v28  }
0x108: {  	v36 =	vld [tilespmem:$0xFCF0];
	[tilespmem:$0x12480] =	vst v2;
	v2 =	vmul.f32 v30, v33  }
0x109: {  	v37 =	vld [tilespmem:$0xFD00];
	[tilespmem:$0x12490] =	vst v3;
	v3 =	vmul.f32 v31, v33  }
0x10a: {  	v39 =	vld [tilespmem:$0xFD10];
	v38 =	vbroadcast v1, $0xA;
	[tilespmem:$0x124A0] =	vst v2;
	v2 =	vmul.f32 v32, v33  }
0x10b: {  	v40 =	vld [tilespmem:$0xFD20];
	[tilespmem:$0x124B0] =	vst v3;
	v3 =	vmul.f32 v34, v33  }
0x10c: {  	v41 =	vld [tilespmem:$0xFD30];
	[tilespmem:$0x124C0] =	vst v2;
	v2 =	vmul.f32 v35, v38  }
0x10d: {  	v42 =	vld [tilespmem:$0xFD40];
	[tilespmem:$0x124D0] =	vst v3;
	v3 =	vmul.f32 v36, v38  }
0x10e: {  	v44 =	vld [tilespmem:$0xFD50];
	v43 =	vbroadcast v1, $0xB;
	[tilespmem:$0x124E0] =	vst v2;
	v2 =	vmul.f32 v37, v38  }
0x10f: {  	v45 =	vld [tilespmem:$0xFD60];
	[tilespmem:$0x124F0] =	vst v3;
	v3 =	vmul.f32 v39, v38  }
0x110: {  	v46 =	vld [tilespmem:$0xFD70];
	[tilespmem:$0x12500] =	vst v2;
	v2 =	vmul.f32 v40, v43  }
0x111: {  	v47 =	vld [tilespmem:$0xFD80];
	[tilespmem:$0x12510] =	vst v3;
	v3 =	vmul.f32 v41, v43  }
0x112: {  	v48 =	vbroadcast v1, $0xC;
	v49 =	vld [tilespmem:$0xFD90];
	[tilespmem:$0x12520] =	vst v2;
	v2 =	vmul.f32 v42, v43  }
0x113: {  	v50 =	vld [tilespmem:$0xFDA0];
	[tilespmem:$0x12530] =	vst v3;
	v3 =	vmul.f32 v44, v43  }
0x114: {  	v51 =	vld [tilespmem:$0xFDB0];
	[tilespmem:$0x12540] =	vst v2;
	v2 =	vmul.f32 v45, v48  }
0x115: {  	v52 =	vld [tilespmem:$0xFDC0];
	[tilespmem:$0x12550] =	vst v3;
	v3 =	vmul.f32 v46, v48  }
0x116: {  	v53 =	vbroadcast v1, $0xD;
	v54 =	vld [tilespmem:$0xFDD0];
	[tilespmem:$0x12560] =	vst v2;
	v2 =	vmul.f32 v47, v48  }
0x117: {  	v55 =	vld [tilespmem:$0xFDE0];
	[tilespmem:$0x12570] =	vst v3;
	v3 =	vmul.f32 v49, v48  }
0x118: {  	v56 =	vld [tilespmem:$0xFDF0];
	[tilespmem:$0x12580] =	vst v2;
	v2 =	vmul.f32 v50, v53  }
0x119: {  	v57 =	vld [tilespmem:$0xFE00];
	[tilespmem:$0x12590] =	vst v3;
	v3 =	vmul.f32 v51, v53  }
0x11a: {  	v58 =	vbroadcast v1, $0xE;
	v59 =	vld [tilespmem:$0xFE10];
	[tilespmem:$0x125A0] =	vst v2;
	v2 =	vmul.f32 v52, v53  }
0x11b: {  	v60 =	vld [tilespmem:$0xFE20];
	[tilespmem:$0x125B0] =	vst v3;
	v3 =	vmul.f32 v54, v53  }
0x11c: {  	v61 =	vld [tilespmem:$0xFE30];
	[tilespmem:$0x125C0] =	vst v2;
	v2 =	vmul.f32 v55, v58  }
0x11d: {  	v62 =	vld [tilespmem:$0xFE40];
	[tilespmem:$0x125D0] =	vst v3;
	v3 =	vmul.f32 v56, v58  }
0x11e: {  	v1 =	vbroadcast v1, $0xF;
	v63 =	vld [tilespmem:$0xFE50];
	[tilespmem:$0x125E0] =	vst v2;
	v2 =	vmul.f32 v57, v58  }
0x11f: {  	[tilespmem:$0x125F0] =	vst v3;
	v3 =	vmul.f32 v59, v58  }
0x120: {  	[tilespmem:$0x12600] =	vst v2;
	v2 =	vmul.f32 v60, v1  }
0x121: {  	[tilespmem:$0x12610] =	vst v3;
	v3 =	vmul.f32 v61, v1  }
0x122: {  	[tilespmem:$0x12620] =	vst v2;
	v2 =	vmul.f32 v62, v1  }
0x123: {  	p1 =	seq.s32 s0, $0x7C;
	[tilespmem:$0x12630] =	vst v3;
	v1 =	vmul.f32 v63, v1  }
0x124: {  	s17 =	sor.u32 $0x1, s17;
	s1 =	sshra.s32 @!p1 s20, $0x2;
	[tilespmem:$0x12640] =	vst v2  }
0x125: {  	s20 =	simm.s32 @!p1 $0x50;
	s29 =	simm.s32 @!p1 $0xEA60;
	s1 =	sadd.s32 @!p1 $0xA0, s1;
	[tilespmem:$0x12650] =	vst v1  }
0x126: {  	[tilespmem:s29], [sflag:$0x1] =	stream.indirect.gather @!p1 [hbm4b:s12+s20], $0x40, s1, s20, $0xb8;
	[tilespmem:$0x1F5E0] =	vst v63  }
0x127: {  	s30 =	smul.u32 $0x140, s17;
	s29 =	sadd.s32 $0x4E20, s16  }
0x128: {  	[spmem:s2] =	stream.indirect.scatter.add.f32 [tilespmem:s23], [sflag:$0x3], $0x40, s29, s19, $0xb8;
	[tilespmem:$0x1F5E0] =	vst v63  }
0x129: {  	_ =	swait.ge [sflag:s24], $0x1400  }
0x12a: {  	s1 =	sshra.s32 s30, $0x2;
	[sflag:s24] =	ssyncset.done $0x0  }
0x12b: {  	s20 =	simm.s32 @!p0 $0x4;
	s1 =	sadd.s32 $0x9C40, s1;
	[sflag:s24] =	ssyncadd.s32 $0xFFFFEC00  }
0x12c: {  	v1 =	vmov s1;
	_ =	swait.ge @!p0 [sflag:s20], $0x1400  }
0x12d: {  	[sflag:s20] =	ssyncset.done @!p0 $0x0  }
0x12e: {  	[sflag:s20] =	ssyncadd.s32 @!p0 $0xFFFFEC00;
	s20 =	simm.s32 $0x0;
	p0 =	por $0x1, $0x1  }
.LBB2_7:
0x12f: {  	s29 =	sshll.u32 s20, $0x4  }
0x130: {  	s1 =	sand.u32 $0x3FFFFFF0, s29  }
0x131: {  	s20 =	sshll.u32 s20, $0xA;
	v3 =	vld.idx.msk [tilespmem:v1+s1+$0x0 ss:$0x1], $0xffff  }
0x132: {  	v2 =	vld [tilespmem:s20+$0xFE60]  }
0x133: {  	v4 =	vld [tilespmem:s20+$0xFE70]  }
0x134: {  	v5 =	vld [tilespmem:s20+$0xFE80]  }
0x135: {  	v6 =	vld [tilespmem:s20+$0xFE90]  }
0x136: {  	v8 =	vld [tilespmem:s20+$0xFEA0];
	v7 =	vbroadcast v3, $0x0  }
0x137: {  	v9 =	vld [tilespmem:s20+$0xFEB0]  }
0x138: {  	v10 =	vld [tilespmem:s20+$0xFEC0];
	v2 =	vmul.f32 v7, v2  }
0x139: {  	v11 =	vld [tilespmem:s20+$0xFED0];
	v4 =	vmul.f32 v4, v7  }
0x13a: {  	v12 =	vld [tilespmem:s20+$0xFEE0];
	v56 =	vbroadcast v3, $0x1;
	[tilespmem:s20+$0x12660] =	vst v2;
	v2 =	vmul.f32 v5, v7  }
0x13b: {  	v58 =	vld [tilespmem:s20+$0xFEF0];
	v57 =	vmul.f32 v6, v7;
	[tilespmem:s20+$0x12670] =	vst v4  }
0x13c: {  	v59 =	vld [tilespmem:s20+$0xFF00];
	[tilespmem:s20+$0x12680] =	vst v2;
	v2 =	vmul.f32 v8, v56  }
0x13d: {  	v61 =	vld [tilespmem:s20+$0xFF10];
	v60 =	vmul.f32 v9, v56;
	[tilespmem:s20+$0x12690] =	vst v57  }
0x13e: {  	v63 =	vld [tilespmem:s20+$0xFF20];
	v62 =	vbroadcast v3, $0x2;
	[tilespmem:s20+$0x126A0] =	vst v2;
	v2 =	vmul.f32 v10, v56  }
0x13f: {  	v16 =	vld [tilespmem:s20+$0xFF30];
	v15 =	vmul.f32 v11, v56;
	[tilespmem:s20+$0x126B0] =	vst v60  }
0x140: {  	v17 =	vld [tilespmem:s20+$0xFF40];
	[tilespmem:s20+$0x126C0] =	vst v2;
	v2 =	vmul.f32 v12, v62  }
0x141: {  	v19 =	vld [tilespmem:s20+$0xFF50];
	v18 =	vmul.f32 v58, v62;
	[tilespmem:s20+$0x126D0] =	vst v15  }
0x142: {  	v21 =	vld [tilespmem:s20+$0xFF60];
	v20 =	vbroadcast v3, $0x3;
	[tilespmem:s20+$0x126E0] =	vst v2;
	v2 =	vmul.f32 v59, v62  }
0x143: {  	v23 =	vld [tilespmem:s20+$0xFF70];
	v22 =	vmul.f32 v61, v62;
	[tilespmem:s20+$0x126F0] =	vst v18  }
0x144: {  	v24 =	vld [tilespmem:s20+$0xFF80];
	[tilespmem:s20+$0x12700] =	vst v2;
	v2 =	vmul.f32 v63, v20  }
0x145: {  	v26 =	vld [tilespmem:s20+$0xFF90];
	v25 =	vmul.f32 v16, v20;
	[tilespmem:s20+$0x12710] =	vst v22  }
0x146: {  	v28 =	vld [tilespmem:s20+$0xFFA0];
	v27 =	vbroadcast v3, $0x4;
	[tilespmem:s20+$0x12720] =	vst v2;
	v2 =	vmul.f32 v17, v20  }
0x147: {  	v30 =	vld [tilespmem:s20+$0xFFB0];
	v29 =	vmul.f32 v19, v20;
	[tilespmem:s20+$0x12730] =	vst v25  }
0x148: {  	v31 =	vld [tilespmem:s20+$0xFFC0];
	[tilespmem:s20+$0x12740] =	vst v2;
	v2 =	vmul.f32 v21, v27  }
0x149: {  	v33 =	vld [tilespmem:s20+$0xFFD0];
	v32 =	vmul.f32 v23, v27;
	[tilespmem:s20+$0x12750] =	vst v29  }
0x14a: {  	v35 =	vld [tilespmem:s20+$0xFFE0];
	v34 =	vbroadcast v3, $0x5;
	[tilespmem:s20+$0x12760] =	vst v2;
	v2 =	vmul.f32 v24, v27  }
0x14b: {  	v37 =	vld [tilespmem:s20+$0xFFF0];
	v36 =	vmul.f32 v26, v27;
	[tilespmem:s20+$0x12770] =	vst v32  }
0x14c: {  	v38 =	vld [tilespmem:s20+$0x10000];
	[tilespmem:s20+$0x12780] =	vst v2;
	v2 =	vmul.f32 v28, v34  }
0x14d: {  	v40 =	vld [tilespmem:s20+$0x10010];
	v39 =	vmul.f32 v30, v34;
	[tilespmem:s20+$0x12790] =	vst v36  }
0x14e: {  	v42 =	vld [tilespmem:s20+$0x10020];
	v41 =	vbroadcast v3, $0x6;
	[tilespmem:s20+$0x127A0] =	vst v2;
	v2 =	vmul.f32 v31, v34  }
0x14f: {  	v44 =	vld [tilespmem:s20+$0x10030];
	v43 =	vmul.f32 v33, v34;
	[tilespmem:s20+$0x127B0] =	vst v39  }
0x150: {  	v45 =	vld [tilespmem:s20+$0x10040];
	[tilespmem:s20+$0x127C0] =	vst v2;
	v2 =	vmul.f32 v35, v41  }
0x151: {  	v47 =	vld [tilespmem:s20+$0x10050];
	v46 =	vmul.f32 v37, v41;
	[tilespmem:s20+$0x127D0] =	vst v43  }
0x152: {  	v49 =	vld [tilespmem:s20+$0x10060];
	v48 =	vbroadcast v3, $0x7;
	[tilespmem:s20+$0x127E0] =	vst v2;
	v2 =	vmul.f32 v38, v41  }
0x153: {  	v51 =	vld [tilespmem:s20+$0x10070];
	v50 =	vmul.f32 v40, v41;
	[tilespmem:s20+$0x127F0] =	vst v46  }
0x154: {  	v52 =	vld [tilespmem:s20+$0x10080];
	[tilespmem:s20+$0x12800] =	vst v2;
	v2 =	vmul.f32 v42, v48  }
0x155: {  	v54 =	vld [tilespmem:s20+$0x10090];
	v53 =	vmul.f32 v44, v48;
	[tilespmem:s20+$0x12810] =	vst v50  }
0x156: {  	v55 =	vbroadcast v3, $0x8;
	v58 =	vld [tilespmem:s20+$0x100B0];
	[tilespmem:s20+$0x12820] =	vst v2;
	v2 =	vmul.f32 v45, v48  }
0x157: {  	[tilespmem:s20+$0x12830] =	vst v53;
	v57 =	vmul.f32 v47, v48;
	v56 =	vld [tilespmem:s20+$0x100A0]  }
0x158: {  	v61 =	vld [tilespmem:s20+$0x100D0];
	[tilespmem:s20+$0x12840] =	vst v2;
	v2 =	vmul.f32 v49, v55  }
0x159: {  	v60 =	vmul.f32 v51, v55;
	[tilespmem:s20+$0x12850] =	vst v57;
	v59 =	vld [tilespmem:s20+$0x100C0]  }
0x15a: {  	v16 =	vld [tilespmem:s20+$0x100F0];
	v62 =	vbroadcast v3, $0x9;
	[tilespmem:s20+$0x12860] =	vst v2;
	v2 =	vmul.f32 v52, v55  }
0x15b: {  	v15 =	vmul.f32 v54, v55;
	[tilespmem:s20+$0x12870] =	vst v60;
	v63 =	vld [tilespmem:s20+$0x100E0]  }
0x15c: {  	v19 =	vld [tilespmem:s20+$0x10110];
	[tilespmem:s20+$0x12880] =	vst v2;
	v2 =	vmul.f32 v56, v62  }
0x15d: {  	[tilespmem:s20+$0x12890] =	vst v15;
	v18 =	vmul.f32 v58, v62;
	v17 =	vld [tilespmem:s20+$0x10100]  }
0x15e: {  	v23 =	vld [tilespmem:s20+$0x10130];
	v20 =	vbroadcast v3, $0xA;
	[tilespmem:s20+$0x128A0] =	vst v2;
	v2 =	vmul.f32 v59, v62  }
0x15f: {  	v22 =	vmul.f32 v61, v62;
	[tilespmem:s20+$0x128B0] =	vst v18;
	v21 =	vld [tilespmem:s20+$0x10120]  }
0x160: {  	v26 =	vld [tilespmem:s20+$0x10150];
	[tilespmem:s20+$0x128C0] =	vst v2;
	v2 =	vmul.f32 v63, v20  }
0x161: {  	[tilespmem:s20+$0x128D0] =	vst v22;
	v25 =	vmul.f32 v16, v20;
	v24 =	vld [tilespmem:s20+$0x10140]  }
0x162: {  	v30 =	vld [tilespmem:s20+$0x10170];
	v27 =	vbroadcast v3, $0xB;
	[tilespmem:s20+$0x128E0] =	vst v2;
	v2 =	vmul.f32 v17, v20  }
0x163: {  	v29 =	vmul.f32 v19, v20;
	[tilespmem:s20+$0x128F0] =	vst v25;
	v28 =	vld [tilespmem:s20+$0x10160]  }
0x164: {  	v33 =	vld [tilespmem:s20+$0x10190];
	[tilespmem:s20+$0x12900] =	vst v2;
	v2 =	vmul.f32 v21, v27  }
0x165: {  	[tilespmem:s20+$0x12910] =	vst v29;
	v32 =	vmul.f32 v23, v27;
	v31 =	vld [tilespmem:s20+$0x10180]  }
0x166: {  	v37 =	vld [tilespmem:s20+$0x101B0];
	v34 =	vbroadcast v3, $0xC;
	[tilespmem:s20+$0x12920] =	vst v2;
	v2 =	vmul.f32 v24, v27  }
0x167: {  	v40 =	vld [tilespmem:s20+$0x101D0];
	v36 =	vmul.f32 v26, v27;
	[tilespmem:s20+$0x12930] =	vst v32  }
0x168: {  	v35 =	vld [tilespmem:s20+$0x101A0];
	[tilespmem:s20+$0x12940] =	vst v2;
	v2 =	vmul.f32 v28, v34  }
0x169: {  	s30 =	sor.u32 $0x10, s29;
	[tilespmem:s20+$0x12950] =	vst v36;
	v39 =	vmul.f32 v30, v34;
	v38 =	vld [tilespmem:s20+$0x101C0]  }
0x16a: {  	v41 =	vbroadcast v3, $0xD;
	v10 =	vmul.f32 v31, v34;
	[tilespmem:s20+$0x12960] =	vst v2;
	v2 =	vld.idx.msk [tilespmem:v1+s30+$0x0 ss:$0x1], $0xffff  }
0x16b: {  	s1 =	sshll.u32 s30, $0x6;
	v43 =	vld [tilespmem:s20+$0x101E0];
	[tilespmem:s20+$0x12970] =	vst v39;
	v42 =	vmul.f32 v33, v34  }
0x16c: {  	v46 =	vmul.f32 v37, v41;
	[tilespmem:s20+$0x12980] =	vst v10;
	v45 =	vld [tilespmem:s1+$0xFE60]  }
0x16d: {  	v47 =	vld [tilespmem:s1+$0xFE70];
	v51 =	vmul.f32 v40, v41;
	[tilespmem:s20+$0x12990] =	vst v42  }
0x16e: {  	v50 =	vld [tilespmem:s1+$0xFE80];
	v44 =	vmul.f32 v35, v41;
	[tilespmem:s20+$0x129B0] =	vst v46;
	v49 =	vbroadcast v3, $0xE  }
0x16f: {  	v53 =	vld [tilespmem:s1+$0xFE90];
	[tilespmem:s20+$0x129D0] =	vst v51;
	v48 =	vmul.f32 v38, v41;
	v52 =	vbroadcast v2, $0x0  }
0x170: {  	v54 =	vld [tilespmem:s20+$0x101F0];
	[tilespmem:s20+$0x129A0] =	vst v44;
	v6 =	vmul.f32 v43, v49  }
0x171: {  	v58 =	vld [tilespmem:s20+$0x10230];
	[tilespmem:s20+$0x129C0] =	vst v48;
	v10 =	vmul.f32 v52, v45  }
0x172: {  	v57 =	vld [tilespmem:s20+$0x10220];
	[tilespmem:s20+$0x129E0] =	vst v6;
	v8 =	vmul.f32 v47, v52  }
0x173: {  	v55 =	vld [tilespmem:s20+$0x10200];
	v11 =	vmul.f32 v50, v52;
	[tilespmem:s1+$0x12660] =	vst v10  }
0x174: {  	v3 =	vbroadcast v3, $0xF;
	v56 =	vld [tilespmem:s20+$0x10210];
	v5 =	vmul.f32 v53, v52;
	[tilespmem:s1+$0x12670] =	vst v8  }
0x175: {  	v7 =	vmul.f32 v54, v49;
	v59 =	vld [tilespmem:s20+$0x10240];
	[tilespmem:s1+$0x12680] =	vst v11  }
0x176: {  	v60 =	vld [tilespmem:s20+$0x10250];
	v12 =	vmul.f32 v58, v3;
	[tilespmem:s1+$0x12690] =	vst v5  }
0x177: {  	[tilespmem:s20+$0x129F0] =	vst v7;
	v62 =	vmul.f32 v57, v3;
	v61 =	vld [tilespmem:s20+$0x102A0]  }
0x178: {  	[tilespmem:s20+$0x12A30] =	vst v12;
	v4 =	vmul.f32 v55, v49;
	v63 =	vld [tilespmem:s20+$0x102B0]  }
0x179: {  	[tilespmem:s20+$0x12A20] =	vst v62;
	v6 =	vmul.f32 v56, v49;
	v13 =	vld [tilespmem:s20+$0x102C0]  }
0x17a: {  	[tilespmem:s20+$0x12A00] =	vst v4;
	v14 =	vmul.f32 v59, v3;
	v15 =	vbroadcast v2, $0x1;
	v17 =	vld [tilespmem:s20+$0x102E0]  }
0x17b: {  	[tilespmem:s20+$0x12A10] =	vst v6;
	v3 =	vmul.f32 v60, v3;
	v16 =	vld [tilespmem:s20+$0x102D0]  }
0x17c: {  	[tilespmem:s20+$0x12A40] =	vst v14;
	v20 =	vld [tilespmem:s20+$0x10300];
	v18 =	vmul.f32 v61, v15  }
0x17d: {  	[tilespmem:s20+$0x12A50] =	vst v3;
	v22 =	vbroadcast v2, $0x2;
	v19 =	vld [tilespmem:s20+$0x102F0];
	v3 =	vmul.f32 v63, v15  }
0x17e: {  	v24 =	vld [tilespmem:s20+$0x10320];
	v21 =	vmul.f32 v13, v15;
	[tilespmem:s20+$0x12AA0] =	vst v18  }
0x17f: {  	v23 =	vld [tilespmem:s20+$0x10310];
	v25 =	vmul.f32 v17, v22;
	[tilespmem:s20+$0x12AB0] =	vst v3  }
0x180: {  	v27 =	vld [tilespmem:s20+$0x10340];
	v3 =	vmul.f32 v16, v15;
	[tilespmem:s20+$0x12AC0] =	vst v21  }
0x181: {  	v29 =	vbroadcast v2, $0x3;
	v26 =	vld [tilespmem:s20+$0x10330];
	v28 =	vmul.f32 v20, v22;
	[tilespmem:s20+$0x12AE0] =	vst v25  }
0x182: {  	v31 =	vld [tilespmem:s20+$0x10360];
	[tilespmem:s20+$0x12AD0] =	vst v3;
	v3 =	vmul.f32 v19, v22  }
0x183: {  	v30 =	vld [tilespmem:s20+$0x10350];
	v32 =	vmul.f32 v24, v29;
	[tilespmem:s20+$0x12B00] =	vst v28  }
0x184: {  	v34 =	vld [tilespmem:s20+$0x10380];
	[tilespmem:s20+$0x12AF0] =	vst v3;
	v3 =	vmul.f32 v23, v22  }
0x185: {  	v36 =	vbroadcast v2, $0x4;
	v33 =	vld [tilespmem:s20+$0x10370];
	v35 =	vmul.f32 v27, v29;
	[tilespmem:s20+$0x12B20] =	vst v32  }
0x186: {  	v38 =	vld [tilespmem:s20+$0x103A0];
	[tilespmem:s20+$0x12B10] =	vst v3;
	v3 =	vmul.f32 v26, v29  }
0x187: {  	v37 =	vld [tilespmem:s20+$0x10390];
	v39 =	vmul.f32 v31, v36;
	[tilespmem:s20+$0x12B40] =	vst v35  }
0x188: {  	v41 =	vld [tilespmem:s20+$0x103C0];
	[tilespmem:s20+$0x12B30] =	vst v3;
	v3 =	vmul.f32 v30, v29  }
0x189: {  	v43 =	vbroadcast v2, $0x5;
	v40 =	vld [tilespmem:s20+$0x103B0];
	v42 =	vmul.f32 v34, v36;
	[tilespmem:s20+$0x12B60] =	vst v39  }
0x18a: {  	v45 =	vld [tilespmem:s20+$0x103E0];
	[tilespmem:s20+$0x12B50] =	vst v3;
	v3 =	vmul.f32 v33, v36  }
0x18b: {  	v44 =	vld [tilespmem:s20+$0x103D0];
	v46 =	vmul.f32 v38, v43;
	[tilespmem:s20+$0x12B80] =	vst v42  }
0x18c: {  	v48 =	vld [tilespmem:s20+$0x10400];
	[tilespmem:s20+$0x12B70] =	vst v3;
	v3 =	vmul.f32 v37, v36  }
0x18d: {  	v50 =	vbroadcast v2, $0x6;
	v47 =	vld [tilespmem:s20+$0x103F0];
	v49 =	vmul.f32 v41, v43;
	[tilespmem:s20+$0x12BA0] =	vst v46  }
0x18e: {  	v52 =	vld [tilespmem:s20+$0x10420];
	[tilespmem:s20+$0x12B90] =	vst v3;
	v3 =	vmul.f32 v40, v43  }
0x18f: {  	v51 =	vld [tilespmem:s20+$0x10410];
	v53 =	vmul.f32 v45, v50;
	[tilespmem:s20+$0x12BC0] =	vst v49  }
0x190: {  	v55 =	vld [tilespmem:s20+$0x10440];
	[tilespmem:s20+$0x12BB0] =	vst v3;
	v3 =	vmul.f32 v44, v43  }
0x191: {  	v57 =	vbroadcast v2, $0x7;
	v54 =	vld [tilespmem:s20+$0x10430];
	v56 =	vmul.f32 v48, v50;
	[tilespmem:s20+$0x12BE0] =	vst v53  }
0x192: {  	v59 =	vld [tilespmem:s20+$0x10460];
	[tilespmem:s20+$0x12BD0] =	vst v3;
	v3 =	vmul.f32 v47, v50  }
0x193: {  	v58 =	vld [tilespmem:s20+$0x10450];
	v60 =	vmul.f32 v52, v57;
	[tilespmem:s20+$0x12C00] =	vst v56  }
0x194: {  	v62 =	vld [tilespmem:s20+$0x10480];
	[tilespmem:s20+$0x12BF0] =	vst v3;
	v3 =	vmul.f32 v51, v50  }
0x195: {  	v12 =	vbroadcast v2, $0x8;
	v61 =	vld [tilespmem:s20+$0x10470];
	v63 =	vmul.f32 v55, v57;
	[tilespmem:s20+$0x12C20] =	vst v60  }
0x196: {  	v14 =	vld [tilespmem:s20+$0x104A0];
	[tilespmem:s20+$0x12C10] =	vst v3;
	v3 =	vmul.f32 v54, v57  }
0x197: {  	v13 =	vld [tilespmem:s20+$0x10490];
	[tilespmem:s20+$0x12C40] =	vst v63;
	v15 =	vmul.f32 v59, v12  }
0x198: {  	v17 =	vld [tilespmem:s20+$0x104C0];
	[tilespmem:s20+$0x12C30] =	vst v3;
	v3 =	vmul.f32 v58, v57  }
0x199: {  	v16 =	vld [tilespmem:s20+$0x104B0];
	v18 =	vmul.f32 v62, v12;
	[tilespmem:s20+$0x12C60] =	vst v15;
	v19 =	vbroadcast v2, $0x9  }
0x19a: {  	v21 =	vld [tilespmem:s20+$0x104E0];
	[tilespmem:s20+$0x12C50] =	vst v3;
	v3 =	vmul.f32 v61, v12  }
0x19b: {  	v20 =	vld [tilespmem:s20+$0x104D0];
	[tilespmem:s20+$0x12C80] =	vst v18;
	v22 =	vmul.f32 v14, v19  }
0x19c: {  	v24 =	vld [tilespmem:s20+$0x10500];
	[tilespmem:s20+$0x12C70] =	vst v3;
	v3 =	vmul.f32 v13, v12  }
0x19d: {  	v23 =	vld [tilespmem:s20+$0x104F0];
	v25 =	vmul.f32 v17, v19;
	[tilespmem:s20+$0x12CA0] =	vst v22;
	v26 =	vbroadcast v2, $0xA  }
0x19e: {  	v28 =	vld [tilespmem:s20+$0x10520];
	[tilespmem:s20+$0x12C90] =	vst v3;
	v3 =	vmul.f32 v16, v19  }
0x19f: {  	v27 =	vld [tilespmem:s20+$0x10510];
	[tilespmem:s20+$0x12CC0] =	vst v25;
	v29 =	vmul.f32 v21, v26  }
0x1a0: {  	v31 =	vld [tilespmem:s20+$0x10540];
	[tilespmem:s20+$0x12CB0] =	vst v3;
	v3 =	vmul.f32 v20, v19  }
0x1a1: {  	v30 =	vld [tilespmem:s20+$0x10530];
	v32 =	vmul.f32 v24, v26;
	[tilespmem:s20+$0x12CE0] =	vst v29;
	v33 =	vbroadcast v2, $0xB  }
0x1a2: {  	v35 =	vld [tilespmem:s20+$0x10560];
	[tilespmem:s20+$0x12CD0] =	vst v3;
	v3 =	vmul.f32 v23, v26  }
0x1a3: {  	v34 =	vld [tilespmem:s20+$0x10550];
	[tilespmem:s20+$0x12D00] =	vst v32;
	v36 =	vmul.f32 v28, v33  }
0x1a4: {  	v38 =	vld [tilespmem:s20+$0x10580];
	[tilespmem:s20+$0x12CF0] =	vst v3;
	v3 =	vmul.f32 v27, v26  }
0x1a5: {  	v37 =	vld [tilespmem:s20+$0x10570];
	v39 =	vmul.f32 v31, v33;
	[tilespmem:s20+$0x12D20] =	vst v36;
	v40 =	vbroadcast v2, $0xC  }
0x1a6: {  	v42 =	vld [tilespmem:s20+$0x105A0];
	[tilespmem:s20+$0x12D10] =	vst v3;
	v3 =	vmul.f32 v30, v33  }
0x1a7: {  	v41 =	vld [tilespmem:s20+$0x10590];
	[tilespmem:s20+$0x12D40] =	vst v39;
	v43 =	vmul.f32 v35, v40  }
0x1a8: {  	v45 =	vld [tilespmem:s20+$0x105C0];
	[tilespmem:s20+$0x12D30] =	vst v3;
	v3 =	vmul.f32 v34, v33  }
0x1a9: {  	v44 =	vld [tilespmem:s20+$0x105B0];
	v46 =	vmul.f32 v38, v40;
	[tilespmem:s20+$0x12D60] =	vst v43;
	v47 =	vbroadcast v2, $0xD  }
0x1aa: {  	v49 =	vld [tilespmem:s20+$0x105E0];
	[tilespmem:s20+$0x12D50] =	vst v3;
	v3 =	vmul.f32 v37, v40  }
0x1ab: {  	v48 =	vld [tilespmem:s20+$0x105D0];
	[tilespmem:s20+$0x12D80] =	vst v46;
	v50 =	vmul.f32 v42, v47  }
0x1ac: {  	v52 =	vld [tilespmem:s20+$0x10600];
	[tilespmem:s20+$0x12D70] =	vst v3;
	v3 =	vmul.f32 v41, v40  }
0x1ad: {  	v51 =	vld [tilespmem:s20+$0x105F0];
	v53 =	vmul.f32 v45, v47;
	[tilespmem:s20+$0x12DA0] =	vst v50;
	v54 =	vbroadcast v2, $0xE  }
0x1ae: {  	v56 =	vld [tilespmem:s20+$0x10620];
	[tilespmem:s20+$0x12D90] =	vst v3;
	v3 =	vmul.f32 v44, v47  }
0x1af: {  	v55 =	vld [tilespmem:s20+$0x10610];
	[tilespmem:s20+$0x12DC0] =	vst v53;
	v57 =	vmul.f32 v49, v54  }
0x1b0: {  	v59 =	vld [tilespmem:s20+$0x10640];
	[tilespmem:s20+$0x12DB0] =	vst v3;
	v3 =	vmul.f32 v48, v47  }
0x1b1: {  	v2 =	vbroadcast v2, $0xF;
	v58 =	vld [tilespmem:s20+$0x10630];
	v60 =	vmul.f32 v52, v54;
	[tilespmem:s20+$0x12DE0] =	vst v57  }
0x1b2: {  	v61 =	vld [tilespmem:s20+$0x10650];
	[tilespmem:s20+$0x12DD0] =	vst v3;
	v3 =	vmul.f32 v51, v54  }
0x1b3: {  	v62 =	vmul.f32 v56, v2;
	[tilespmem:s20+$0x12E00] =	vst v60  }
0x1b4: {  	p2 =	por p0, p0;
	[tilespmem:s20+$0x12DF0] =	vst v3;
	v3 =	vmul.f32 v55, v54  }
.Ltmp4:
0x1b5: {  	v63 =	vmul.f32 v59, v2;
	[tilespmem:s20+$0x12E20] =	vst v62;
	(pc) =	sbr.rel @p2 .LBB2_7-.Ltmp4, $4  }
0x1b6: {  	[tilespmem:s20+$0x12E10] =	vst v3;
	v3 =	vmul.f32 v58, v2  }
0x1b7: {  	[tilespmem:s20+$0x12E40] =	vst v63;
	v2 =	vmul.f32 v61, v2  }
0x1b8: {  	[tilespmem:s20+$0x12E30] =	vst v3  }
0x1b9: {  	p0 =	por $0x0, $0x0;
	[tilespmem:s20+$0x12E50] =	vst v2;
	s20 =	simm.s32 $0x2  }
0x1ba: {  	s17 =	smul.u32 $0x50, s17;
	_ =	sdelay $0x1  }
0x1bb: {  	v1 =	vld [tilespmem:s17+$0x9C80];
	_ =	sdelay $0x1  }
0x1bc: {  	v2 =	vld [tilespmem:$0x10E60]  }
0x1bd: {  	v3 =	vld [tilespmem:$0x10E70]  }
0x1be: {  	v4 =	vld [tilespmem:$0x10E80]  }
0x1bf: {  	v6 =	vld [tilespmem:$0x10E90];
	v5 =	vbroadcast v1, $0x0  }
0x1c0: {  	v7 =	vld [tilespmem:$0x10EA0]  }
0x1c1: {  	v8 =	vld [tilespmem:$0x10EB0];
	v2 =	vmul.f32 v5, v2  }
0x1c2: {  	v9 =	vld [tilespmem:$0x10EC0];
	v3 =	vmul.f32 v3, v5  }
0x1c3: {  	v10 =	vld [tilespmem:$0x10ED0];
	v46 =	vbroadcast v1, $0x1;
	[tilespmem:$0x13660] =	vst v2;
	v2 =	vmul.f32 v4, v5  }
0x1c4: {  	v47 =	vld [tilespmem:$0x10EE0];
	[tilespmem:$0x13670] =	vst v3;
	v3 =	vmul.f32 v6, v5  }
0x1c5: {  	v48 =	vld [tilespmem:$0x10EF0];
	[tilespmem:$0x13680] =	vst v2;
	v2 =	vmul.f32 v7, v46  }
0x1c6: {  	v49 =	vld [tilespmem:$0x10F00];
	[tilespmem:$0x13690] =	vst v3;
	v3 =	vmul.f32 v8, v46  }
0x1c7: {  	v51 =	vld [tilespmem:$0x10F10];
	v50 =	vbroadcast v1, $0x2;
	[tilespmem:$0x136A0] =	vst v2;
	v2 =	vmul.f32 v9, v46  }
0x1c8: {  	v52 =	vld [tilespmem:$0x10F20];
	[tilespmem:$0x136B0] =	vst v3;
	v3 =	vmul.f32 v10, v46  }
0x1c9: {  	v53 =	vld [tilespmem:$0x10F30];
	[tilespmem:$0x136C0] =	vst v2;
	v2 =	vmul.f32 v47, v50  }
0x1ca: {  	v54 =	vld [tilespmem:$0x10F40];
	[tilespmem:$0x136D0] =	vst v3;
	v3 =	vmul.f32 v48, v50  }
0x1cb: {  	v56 =	vld [tilespmem:$0x10F50];
	v55 =	vbroadcast v1, $0x3;
	[tilespmem:$0x136E0] =	vst v2;
	v2 =	vmul.f32 v49, v50  }
0x1cc: {  	v57 =	vld [tilespmem:$0x10F60];
	[tilespmem:$0x136F0] =	vst v3;
	v3 =	vmul.f32 v51, v50  }
0x1cd: {  	v58 =	vld [tilespmem:$0x10F70];
	[tilespmem:$0x13700] =	vst v2;
	v2 =	vmul.f32 v52, v55  }
0x1ce: {  	v59 =	vld [tilespmem:$0x10F80];
	[tilespmem:$0x13710] =	vst v3;
	v3 =	vmul.f32 v53, v55  }
0x1cf: {  	v61 =	vld [tilespmem:$0x10F90];
	v60 =	vbroadcast v1, $0x4;
	[tilespmem:$0x13720] =	vst v2;
	v2 =	vmul.f32 v54, v55  }
0x1d0: {  	v62 =	vld [tilespmem:$0x10FA0];
	[tilespmem:$0x13730] =	vst v3;
	v3 =	vmul.f32 v56, v55  }
0x1d1: {  	v63 =	vld [tilespmem:$0x10FB0];
	[tilespmem:$0x13740] =	vst v2;
	v2 =	vmul.f32 v57, v60  }
0x1d2: {  	v12 =	vld [tilespmem:$0x10FC0];
	[tilespmem:$0x13750] =	vst v3;
	v3 =	vmul.f32 v58, v60  }
0x1d3: {  	v14 =	vld [tilespmem:$0x10FD0];
	v13 =	vbroadcast v1, $0x5;
	[tilespmem:$0x13760] =	vst v2;
	v2 =	vmul.f32 v59, v60  }
0x1d4: {  	v15 =	vld [tilespmem:$0x10FE0];
	[tilespmem:$0x13770] =	vst v3;
	v3 =	vmul.f32 v61, v60  }
0x1d5: {  	v16 =	vld [tilespmem:$0x10FF0];
	[tilespmem:$0x13780] =	vst v2;
	v2 =	vmul.f32 v62, v13  }
0x1d6: {  	v17 =	vld [tilespmem:$0x11000];
	[tilespmem:$0x13790] =	vst v3;
	v3 =	vmul.f32 v63, v13  }
0x1d7: {  	v19 =	vld [tilespmem:$0x11010];
	v18 =	vbroadcast v1, $0x6;
	[tilespmem:$0x137A0] =	vst v2;
	v2 =	vmul.f32 v12, v13  }
0x1d8: {  	v20 =	vld [tilespmem:$0x11020];
	[tilespmem:$0x137B0] =	vst v3;
	v3 =	vmul.f32 v14, v13  }
0x1d9: {  	v21 =	vld [tilespmem:$0x11030];
	[tilespmem:$0x137C0] =	vst v2;
	v2 =	vmul.f32 v15, v18  }
0x1da: {  	v22 =	vld [tilespmem:$0x11040];
	[tilespmem:$0x137D0] =	vst v3;
	v3 =	vmul.f32 v16, v18  }
0x1db: {  	v24 =	vld [tilespmem:$0x11050];
	v23 =	vbroadcast v1, $0x7;
	[tilespmem:$0x137E0] =	vst v2;
	v2 =	vmul.f32 v17, v18  }
0x1dc: {  	v25 =	vld [tilespmem:$0x11060];
	[tilespmem:$0x137F0] =	vst v3;
	v3 =	vmul.f32 v19, v18  }
0x1dd: {  	v26 =	vld [tilespmem:$0x11070];
	[tilespmem:$0x13800] =	vst v2;
	v2 =	vmul.f32 v20, v23  }
0x1de: {  	v27 =	vld [tilespmem:$0x11080];
	[tilespmem:$0x13810] =	vst v3;
	v3 =	vmul.f32 v21, v23  }
0x1df: {  	v29 =	vld [tilespmem:$0x11090];
	v28 =	vbroadcast v1, $0x8;
	[tilespmem:$0x13820] =	vst v2;
	v2 =	vmul.f32 v22, v23  }
0x1e0: {  	v30 =	vld [tilespmem:$0x110A0];
	[tilespmem:$0x13830] =	vst v3;
	v3 =	vmul.f32 v24, v23  }
0x1e1: {  	v31 =	vld [tilespmem:$0x110B0];
	[tilespmem:$0x13840] =	vst v2;
	v2 =	vmul.f32 v25, v28  }
0x1e2: {  	v32 =	vld [tilespmem:$0x110C0];
	[tilespmem:$0x13850] =	vst v3;
	v3 =	vmul.f32 v26, v28  }
0x1e3: {  	v34 =	vld [tilespmem:$0x110D0];
	v33 =	vbroadcast v1, $0x9;
	[tilespmem:$0x13860] =	vst v2;
	v2 =	vmul.f32 v27, v28  }
0x1e4: {  	v35 =	vld [tilespmem:$0x110E0];
	[tilespmem:$0x13870] =	vst v3;
	v3 =	vmul.f32 v29, v28  }
0x1e5: {  	v36 =	vld [tilespmem:$0x110F0];
	[tilespmem:$0x13880] =	vst v2;
	v2 =	vmul.f32 v30, v33  }
0x1e6: {  	v37 =	vld [tilespmem:$0x11100];
	[tilespmem:$0x13890] =	vst v3;
	v3 =	vmul.f32 v31, v33  }
0x1e7: {  	v39 =	vld [tilespmem:$0x11110];
	v38 =	vbroadcast v1, $0xA;
	[tilespmem:$0x138A0] =	vst v2;
	v2 =	vmul.f32 v32, v33  }
0x1e8: {  	v40 =	vld [tilespmem:$0x11120];
	[tilespmem:$0x138B0] =	vst v3;
	v3 =	vmul.f32 v34, v33  }
0x1e9: {  	v41 =	vld [tilespmem:$0x11130];
	[tilespmem:$0x138C0] =	vst v2;
	v2 =	vmul.f32 v35, v38  }
0x1ea: {  	v42 =	vld [tilespmem:$0x11140];
	[tilespmem:$0x138D0] =	vst v3;
	v3 =	vmul.f32 v36, v38  }
0x1eb: {  	v44 =	vld [tilespmem:$0x11150];
	v43 =	vbroadcast v1, $0xB;
	[tilespmem:$0x138E0] =	vst v2;
	v2 =	vmul.f32 v37, v38  }
0x1ec: {  	v45 =	vld [tilespmem:$0x11160];
	[tilespmem:$0x138F0] =	vst v3;
	v3 =	vmul.f32 v39, v38  }
0x1ed: {  	v46 =	vld [tilespmem:$0x11170];
	[tilespmem:$0x13900] =	vst v2;
	v2 =	vmul.f32 v40, v43  }
0x1ee: {  	v47 =	vld [tilespmem:$0x11180];
	[tilespmem:$0x13910] =	vst v3;
	v3 =	vmul.f32 v41, v43  }
0x1ef: {  	v48 =	vbroadcast v1, $0xC;
	v49 =	vld [tilespmem:$0x11190];
	[tilespmem:$0x13920] =	vst v2;
	v2 =	vmul.f32 v42, v43  }
0x1f0: {  	v50 =	vld [tilespmem:$0x111A0];
	[tilespmem:$0x13930] =	vst v3;
	v3 =	vmul.f32 v44, v43  }
0x1f1: {  	v51 =	vld [tilespmem:$0x111B0];
	[tilespmem:$0x13940] =	vst v2;
	v2 =	vmul.f32 v45, v48  }
0x1f2: {  	v52 =	vld [tilespmem:$0x111C0];
	[tilespmem:$0x13950] =	vst v3;
	v3 =	vmul.f32 v46, v48  }
0x1f3: {  	v53 =	vbroadcast v1, $0xD;
	v54 =	vld [tilespmem:$0x111D0];
	[tilespmem:$0x13960] =	vst v2;
	v2 =	vmul.f32 v47, v48  }
0x1f4: {  	v55 =	vld [tilespmem:$0x111E0];
	[tilespmem:$0x13970] =	vst v3;
	v3 =	vmul.f32 v49, v48  }
0x1f5: {  	v56 =	vld [tilespmem:$0x111F0];
	[tilespmem:$0x13980] =	vst v2;
	v2 =	vmul.f32 v50, v53  }
0x1f6: {  	v57 =	vld [tilespmem:$0x11200];
	[tilespmem:$0x13990] =	vst v3;
	v3 =	vmul.f32 v51, v53  }
0x1f7: {  	v58 =	vbroadcast v1, $0xE;
	v59 =	vld [tilespmem:$0x11210];
	[tilespmem:$0x139A0] =	vst v2;
	v2 =	vmul.f32 v52, v53  }
0x1f8: {  	v60 =	vld [tilespmem:$0x11220];
	[tilespmem:$0x139B0] =	vst v3;
	v3 =	vmul.f32 v54, v53  }
0x1f9: {  	v61 =	vld [tilespmem:$0x11230];
	[tilespmem:$0x139C0] =	vst v2;
	v2 =	vmul.f32 v55, v58  }
0x1fa: {  	v62 =	vld [tilespmem:$0x11240];
	[tilespmem:$0x139D0] =	vst v3;
	v3 =	vmul.f32 v56, v58  }
0x1fb: {  	v1 =	vbroadcast v1, $0xF;
	v63 =	vld [tilespmem:$0x11250];
	[tilespmem:$0x139E0] =	vst v2;
	v2 =	vmul.f32 v57, v58  }
0x1fc: {  	[tilespmem:$0x139F0] =	vst v3;
	v3 =	vmul.f32 v59, v58  }
0x1fd: {  	[tilespmem:$0x13A00] =	vst v2;
	v2 =	vmul.f32 v60, v1  }
.Ltmp5:
0x1fe: {  	[tilespmem:$0x13A10] =	vst v3;
	v3 =	vmul.f32 v61, v1;
	(pc) =	sbr.rel @p1 .LBB2_10-.Ltmp5, $4  }
0x1ff: {  	[tilespmem:$0x13A20] =	vst v2;
	v2 =	vmul.f32 v62, v1  }
0x200: {  	[tilespmem:$0x13A30] =	vst v3;
	v1 =	vmul.f32 v63, v1  }
0x201: {  	[tilespmem:$0x13A40] =	vst v2  }
0x202: {  	s17 =	sadd.s32 $0x4E20, s17;
	[tilespmem:$0x13A50] =	vst v1  }
.Ltmp6:
0x203: {  	(pc) =	sbr.rel .LBB2_4-.Ltmp6, $4  }
0x204: {  	s1 =	sadd.s32 $0xF0, s16  }
0x205: {  	[tilespmem:s21], [sflag:$0x2] =	stream.indirect.gather [hbm4b:s12+s19], $0x40, s1, s19, $0xb8;
	[tilespmem:$0x1F5E0] =	vst v63  }
0x206: {  	s0 =	sadd.s32 $0x1, s0  }
0x207: {  	[spmem:s2] =	stream.indirect.scatter.add.f32 [tilespmem:s25], [sflag:$0x4], $0x40, s17, s19, $0xb8;
	[tilespmem:$0x1F5E0] =	vst v63  }
.LBB2_11:
0x208: {  	_ =	sfence.sel $0x180000  }
0x209: {  	[bflag:$0x0] =	sbarrier.arrive $0xFFFF  }
0x20a: {  	_ =	strace $0x90000047  }
0x20b: {  	s0 =	stileid.u32;
	[bflag:$0x2] =	sbarrier.arrive $0xFFFF  }
0x20c: {  	p0 =	sne.s32 s0, $0x0;
	s0 =	rddreg [dreg:$0x4]  }
0x20d: {  	s0 =	sadd.s32 @!p0 $0x100000, s0  }
0x20e: {  	[sflag:s0] =	ssyncadd.tile.s32 @!p0 $0x1;
	_ =	shalt  }
.Lfunc_end2:
_tile_overlayer_lowered:
.L_overlay_start_2:
0x20f: {  	(tag) =	ssettag $0x2  }
0x210: {  	s0 =	rddreg [dreg:$0x0];
	s2 =	stileid.u32  }
0x211: {  	s1 =	rddreg [dreg:$0x1];
	p0 =	sne.s32 s2, $0x0  }
0x212: {  	s3 =	rddreg [dreg:$0x2];
	[bflag:$0x3] =	sbarrier.arrive $0xFFFF;
	s2 =	simm.s32 @!p0 $0x1C05  }
0x213: {  	[timem:s3], [sflag:s2] =	dma.local @!p0 [hbm:s0], s1  }
0x214: {  	s0 =	simm.s32 @!p0 $0x5  }
0x215: {  	_ =	swait.ge @!p0 [sflag:s0], s1  }
0x216: {  	s1 =	ssub.s32 @!p0 $0x0, s1;
	[sflag:s0] =	ssyncset.done @!p0 $0x0  }
0x217: {  	[sflag:s0] =	ssyncadd.s32 @!p0 s1  }
0x218: {  	[bflag:$0x3] =	sbarrier.arrive $0xFFFF  }
0x219: {  	_ =	shalt  }

</sc_bundles>
